<compile_context>
chip_gen: v7x
topology: tpu7x:2x2x1
jax: 0.10.2.dev20260603
libtpu: 0.0.44.dev20260713+nightly
codegen_flags: <defaults>
</compile_context>

<pallas_src>
import functools

import jax
import jax.numpy as jnp
from jax import lax
from jax.experimental import pallas as pl
from jax.experimental.pallas import tpu as pltpu
from jax.experimental.pallas import tpu_sc as plsc

N = 10000
E = 320000
D = 128
NP = 10240
ND = 10240
NC = 2
NS = 16
NT = NC * NS
ET = E // NT
CH = 80
NCH = ET // CH
CS = 48
NF = ET // CS
TAIL = ET - NF * CS
NB = 4
RPT = NP // NS
BLK = 2560


def _sc_degree_body(dst_hbm, out_hbm, didx, ones, zb, dga, dsem):
    cid = lax.axis_index("c")
    sid = lax.axis_index("s")
    wid = cid * NS + sid
    rbase = sid * (ND // NS)
    one = jnp.ones((16,), jnp.float32)
    zero = jnp.zeros((16,), jnp.float32)

    def fill_ones(i, c):
        ones[pl.ds(i * 16, 16)] = one
        return c

    lax.fori_loop(0, CH // 16, fill_ones, 0)

    def fill_zero(i, c):
        zb[pl.ds(i * 16, 16)] = zero
        return c

    lax.fori_loop(0, (ND // NS) // 16, fill_zero, 0)
    pltpu.sync_copy(dst_hbm.at[wid], didx)
    pltpu.sync_copy(zb, dga.at[pl.ds(rbase, ND // NS)])
    plsc.subcore_barrier()

    W = 8

    def step(j, c):
        pltpu.async_copy(ones, dga.at[didx.at[j]], dsem, add=True)

        @pl.when(j >= W)
        def _():
            pltpu.make_async_copy(ones, dga.at[didx.at[j - W]], dsem).wait()

        return c

    lax.fori_loop(0, NCH, step, 0)
    for j in range(NCH - W, NCH):
        pltpu.make_async_copy(ones, dga.at[didx.at[j]], dsem).wait()
    plsc.subcore_barrier()
    pltpu.sync_copy(
        dga.at[pl.ds(rbase, ND // NS)], out_hbm.at[cid, pl.ds(rbase, ND // NS)]
    )


def _sc_scatter_body(y_hbm, src_hbm, dst_hbm, out_hbm, sidx, didx, rows, acc, sem):
    cid = lax.axis_index("c")
    sid = lax.axis_index("s")
    wid = cid * NS + sid
    rbase = sid * RPT
    zero = jnp.zeros((16,), jnp.float32)

    def fill_zero(i, c):
        rows[NB - 1, i // (D // 16), pl.ds((i % (D // 16)) * 16, 16)] = zero
        return c

    lax.fori_loop(0, CS * (D // 16), fill_zero, 0)
    pltpu.sync_copy(src_hbm.at[pl.ds(wid * ET, ET)], sidx)
    pltpu.sync_copy(dst_hbm.at[pl.ds(wid * ET, ET)], didx)
    for k in range(RPT // CS):
        pltpu.sync_copy(rows.at[NB - 1], acc.at[pl.ds(rbase + k * CS, CS)])
    if RPT % CS:
        pltpu.sync_copy(
            rows.at[NB - 1, pl.ds(0, RPT % CS)],
            acc.at[pl.ds(rbase + (RPT // CS) * CS, RPT % CS)],
        )
    plsc.subcore_barrier()

    gsems, ssem = sem

    def start_g(j, b, n):
        idx = sidx.at[pl.ds(j * CS, n)]
        pltpu.async_copy(y_hbm.at[idx], rows.at[b, pl.ds(0, n)], gsems[b])

    def wait_g(b, n):
        pltpu.make_async_copy(
            y_hbm.at[pl.ds(0, n)], rows.at[b, pl.ds(0, n)], gsems[b]
        ).wait()

    def drain_s(n):
        pltpu.make_async_copy(
            y_hbm.at[pl.ds(0, n)], rows.at[0, pl.ds(0, n)], ssem
        ).wait()

    def scat(j, b, n):
        for k in range(n // 16):
            v = didx[pl.ds(j * CS + k * 16, 16)]
            pltpu.async_copy(
                rows.at[b, pl.ds(k * 16, 16)], acc.at[v], ssem, add=True
            )

    for p in range(NB - 1):
        start_g(p, p, CS)

    def group(g, c):
        j0 = g * NB
        for t in range(NB):
            j = j0 + t
            wait_g(t, CS)
            if t == 0:
                pl.when(j >= 1)(lambda: drain_s(CS))
            else:
                drain_s(CS)
            start_g(j + NB - 1, (t + NB - 1) % NB, CS)
            scat(j, t, CS)
        return c

    NGL = NF // NB - 2
    lax.fori_loop(0, NGL, group, 0)
    for j in range(NB * NGL, NF):
        b = j % NB
        wait_g(b, CS)
        drain_s(CS)
        nxt = j + NB - 1
        if nxt < NF:
            start_g(nxt, nxt % NB, CS)
        elif nxt == NF and TAIL:
            start_g(NF, NF % NB, TAIL)
        scat(j, b, CS)
    if TAIL:
        b = NF % NB
        wait_g(b, TAIL)
        drain_s(CS)
        scat(NF, b, TAIL)
        drain_s(TAIL)
    else:
        drain_s(CS)
    plsc.subcore_barrier()
    pltpu.sync_copy(acc.at[pl.ds(rbase, RPT)], out_hbm.at[cid, pl.ds(rbase, RPT)])


@functools.cache
def _sc_kernels():
    mesh = plsc.VectorSubcoreMesh(
        core_axis_name="c", subcore_axis_name="s", num_cores=NC, num_subcores=NS
    )
    degree = pl.kernel(
        _sc_degree_body,
        out_type=jax.ShapeDtypeStruct((NC, ND), jnp.float32),
        mesh=mesh,
        scratch_types=[
            pltpu.VMEM((NCH, CH), jnp.int32),
            pltpu.VMEM((CH,), jnp.float32),
            pltpu.VMEM((640,), jnp.float32),
            pltpu.VMEM_SHARED((ND,), jnp.float32),
            pltpu.SemaphoreType.DMA,
        ],
    )
    scatter = pl.kernel(
        _sc_scatter_body,
        out_type=jax.ShapeDtypeStruct((NC, NP, D), jnp.float32),
        mesh=mesh,
        scratch_types=[
            pltpu.VMEM((ET,), jnp.int32),
            pltpu.VMEM((ET,), jnp.int32),
            pltpu.VMEM((NB, CS, D), jnp.float32),
            pltpu.VMEM_SHARED((NP, D), jnp.float32),
            (
                (pltpu.SemaphoreType.DMA,) * NB,
                pltpu.SemaphoreType.DMA,
            ),
        ],
    )
    return degree, scatter



def _dinv_col(dg_ref):
    return lax.rsqrt(dg_ref[0] + dg_ref[1] + 1.0)[:, None]


def _y_body(x_ref, dg_ref, w_ref, o_ref):
    dinv = _dinv_col(dg_ref)
    xw = jnp.dot(x_ref[...], w_ref[...], preferred_element_type=jnp.float32)
    o_ref[...] = xw * dinv


def _mid_body(acc_ref, y_ref, dg_ref, b_ref, w_ref, o_ref):
    dinv = _dinv_col(dg_ref)
    s = (acc_ref[0] + acc_ref[1] + y_ref[...]) * dinv + b_ref[...]
    h = jnp.maximum(s, 0.0)
    hw = jnp.dot(h, w_ref[...], preferred_element_type=jnp.float32)
    o_ref[...] = hw * dinv


def _fin_body(acc_ref, y_ref, dg_ref, b_ref, o_ref):
    dinv = _dinv_col(dg_ref)
    o_ref[...] = (acc_ref[0] + acc_ref[1] + y_ref[...]) * dinv + b_ref[...]


_dg_spec = pl.BlockSpec((NC, BLK), lambda i: (0, i))
_row_spec = pl.BlockSpec((BLK, D), lambda i: (i, 0))
_acc_spec = pl.BlockSpec((NC, BLK, D), lambda i: (0, i, 0))
_w_spec = pl.BlockSpec((D, D), lambda i: (0, 0))
_b_spec = pl.BlockSpec((1, D), lambda i: (0, 0))
_grid = (NP // BLK,)
_row_out = jax.ShapeDtypeStruct((N, D), jnp.float32)

_tc_y = pl.pallas_call(
    _y_body,
    grid=_grid,
    in_specs=[_row_spec, _dg_spec, _w_spec],
    out_specs=_row_spec,
    out_shape=_row_out,
)

_tc_mid = pl.pallas_call(
    _mid_body,
    grid=_grid,
    in_specs=[_acc_spec, _row_spec, _dg_spec, _b_spec, _w_spec],
    out_specs=_row_spec,
    out_shape=_row_out,
)

_tc_fin = pl.pallas_call(
    _fin_body,
    grid=_grid,
    in_specs=[_acc_spec, _row_spec, _dg_spec, _b_spec],
    out_specs=_row_spec,
    out_shape=jax.ShapeDtypeStruct((N, D), jnp.float32),
)


def kernel(x, edge_index, W1, b1, W2, b2):
    sc_degree, sc_scatter = _sc_kernels()
    src = edge_index[0]
    dst = edge_index[1]
    degp = sc_degree(dst.reshape(NT, NCH, CH))
    b1r = b1.reshape(1, D)
    b2r = b2.reshape(1, D)
    y1 = _tc_y(x, degp, W1)
    acc1 = sc_scatter(y1, src, dst)
    y2 = _tc_mid(acc1, y1, degp, b1r, W2)
    acc2 = sc_scatter(y2, src, dst)
    return _tc_fin(acc2, y2, degp, b2r)

# --- scband reference (transcript-rebuilt; emitter-appended) ---
"""Pipeline reference for scband-conv-gnn-48722109005962 (READ-ONLY COPY).

The authoritative reference and input builder live on the scoring server;
editing this copy changes nothing except your own understanding.
"""

import jax, jax.numpy as jnp
import numpy as np

N = 10000
E = 320000
D_IN = 128
D_H = 128
D_OUT = 128


def setup_inputs(seed: int = 0) -> dict:
    key = jax.random.key(seed)
    k1, k2, k3, k4 = jax.random.split(key, 4)
    x = jax.random.normal(k1, (N, D_IN), dtype=jnp.float32)
    edge_index = jax.random.randint(k2, (2, E), 0, N, dtype=jnp.int32)
    # GCNConv linear weights (glorot-ish init) and biases
    W1 = jax.random.normal(k3, (D_IN, D_H), dtype=jnp.float32) * (1.0 / np.sqrt(D_IN))
    b1 = jnp.zeros((D_H,), dtype=jnp.float32)
    W2 = jax.random.normal(k4, (D_H, D_OUT), dtype=jnp.float32) * (1.0 / np.sqrt(D_H))
    b2 = jnp.zeros((D_OUT,), dtype=jnp.float32)
    return {"x": x, "edge_index": edge_index, "W1": W1, "b1": b1, "W2": W2, "b2": b2}


def _gcn_conv(x, edge_index, W, b):
    # PyG GCNConv: add self-loops, symmetric normalization D^-1/2 A D^-1/2,
    # then propagate x @ W and add bias.
    n = x.shape[0]
    src = edge_index[0]
    dst = edge_index[1]
    loop = jnp.arange(n, dtype=edge_index.dtype)
    src = jnp.concatenate([src, loop])
    dst = jnp.concatenate([dst, loop])
    deg = jnp.zeros((n,), dtype=x.dtype).at[dst].add(1.0)
    deg_inv_sqrt = jnp.where(deg > 0, jax.lax.rsqrt(jnp.maximum(deg, 1e-12)), 0.0)
    norm = deg_inv_sqrt[src] * deg_inv_sqrt[dst]
    xw = x @ W
    msg = xw[src] * norm[:, None]
    out = jnp.zeros((n, W.shape[1]), dtype=x.dtype).at[dst].add(msg)
    return out + b


def reference(x, edge_index, W1, b1, W2, b2):
    h = _gcn_conv(x, edge_index, W1, b1)
    h = jax.nn.relu(h)
    out = _gcn_conv(h, edge_index, W2, b2)
    return out

if __name__ == "__main__":
    import jax
    _d = setup_inputs()
    print(jax.jit(kernel)(*tuple(_d.values())))

</pallas_src>

<mosaic_0001>
#map = affine_map<(d0, d1) -> (0, 0)>
#map1 = affine_map<(d0, d1) -> (0)>
#map2 = affine_map<(d0, d1) -> (0, 0, 0)>
module attributes {stable_mosaic.version = 14 : i64} {
  func.func @_sc_scatter_body(%arg0: i32, %arg1: i32, %arg2: memref<10000x128xf32, #tpu.memory_space<hbm>>, %arg3: memref<320000xi32, #tpu.memory_space<hbm>>, %arg4: memref<320000xi32, #tpu.memory_space<hbm>>, %arg5: memref<2x10240x128xf32, #tpu.memory_space<hbm>>, %arg6: memref<10000xi32, #tpu.memory_space<vmem>>, %arg7: memref<10000xi32, #tpu.memory_space<vmem>>, %arg8: memref<4x48x128xf32, #tpu.memory_space<vmem>>, %arg9: memref<10240x128xf32, #tpu.memory_space<vmem_shared>>, %arg10: memref<!tpu.dma_semaphore, #tpu.memory_space<semaphore_mem>>, %arg11: memref<!tpu.dma_semaphore, #tpu.memory_space<semaphore_mem>>, %arg12: memref<!tpu.dma_semaphore, #tpu.memory_space<semaphore_mem>>, %arg13: memref<!tpu.dma_semaphore, #tpu.memory_space<semaphore_mem>>, %arg14: memref<!tpu.dma_semaphore, #tpu.memory_space<semaphore_mem>>) attributes {dimension_semantics = [#tpu.dimension_semantics<core_parallel>, #tpu.dimension_semantics<subcore_parallel>], iteration_bounds = array<i64: 2, 16>, scalar_prefetch = 0 : i64, scratch_operands = 9 : i64, tpu.core_type = #tpu.core_type<sc_vector_subcore>, window_params = [{transform_indices = #map}, {transform_indices = #map1}, {transform_indices = #map1}, {transform_indices = #map2}]} {
    %mul3A = arith.constant 16 : i32
    %mul3A_0 = arith.muli %arg0, %mul3A : i32
    %add3A = arith.addi %mul3A_0, %arg1 : i32
    %mul3A_1 = arith.constant 640 : i32
    %mul3A_2 = arith.muli %arg1, %mul3A_1 : i32
    %broadcast_in_dim3A = arith.constant 0.000000e+00 : f32
    %broadcast_in_dim3A_3 = vector.broadcast %broadcast_in_dim3A : f32 to vector<16xf32>
    %scan3A = arith.constant 0 : i32
    %scan3A_4 = arith.constant 0 : i32
    %scan3A_5 = arith.constant 384 : i32
    %scan3A_6 = arith.addi %scan3A_4, %scan3A_5 : i32
    %scan3A_7 = arith.constant 1 : i32
    scf.for %scan3A_708 = %scan3A_4 to %scan3A_6 step %scan3A_7  : i32 {
      %jit3A = arith.constant 8 : i32
      %div3A = arith.divsi %scan3A_708, %jit3A : i32
      %sign3A = arith.constant 0 : i32
      %sign3A_709 = arith.cmpi sgt, %scan3A_708, %sign3A : i32
      %sign3A_710 = arith.extui %sign3A_709 : i1 to i32
      %sign3A_711 = arith.constant 0 : i32
      %sign3A_712 = arith.cmpi slt, %scan3A_708, %sign3A_711 : i32
      %sign3A_713 = arith.extui %sign3A_712 : i1 to i32
      %sign3A_714 = arith.subi %sign3A_710, %sign3A_713 : i32
      %sign3A_715 = arith.constant 0 : i32
      %sign3A_716 = arith.cmpi sgt, %jit3A, %sign3A_715 : i32
      %sign3A_717 = arith.extui %sign3A_716 : i1 to i32
      %sign3A_718 = arith.constant 0 : i32
      %sign3A_719 = arith.cmpi slt, %jit3A, %sign3A_718 : i32
      %sign3A_720 = arith.extui %sign3A_719 : i1 to i32
      %sign3A_721 = arith.subi %sign3A_717, %sign3A_720 : i32
      %ne3A = arith.cmpi ne, %sign3A_714, %sign3A_721 : i32
      %rem3A = arith.remsi %scan3A_708, %jit3A : i32
      %ne3A_722 = arith.constant 0 : i32
      %ne3A_723 = arith.cmpi ne, %rem3A, %ne3A_722 : i32
      %and3A = arith.andi %ne3A, %ne3A_723 : i1
      %sub3A = arith.constant 1 : i32
      %sub3A_724 = arith.subi %div3A, %sub3A : i32
      %select_n3A = arith.select %and3A, %sub3A_724, %div3A : i32
      %jit3A_725 = arith.constant 8 : i32
      %eq3A = arith.constant 0 : i32
      %eq3A_726 = arith.cmpi eq, %jit3A_725, %eq3A : i32
      %jit3A_727 = arith.constant 1 : i32
      %select_n3A_728 = arith.select %eq3A_726, %jit3A_727, %jit3A_725 : i32
      %rem3A_729 = arith.remsi %scan3A_708, %select_n3A_728 : i32
      %ne3A_730 = arith.constant 0 : i32
      %ne3A_731 = arith.cmpi ne, %rem3A_729, %ne3A_730 : i32
      %lt3A = arith.constant 0 : i32
      %lt3A_732 = arith.cmpi slt, %rem3A_729, %lt3A : i32
      %lt3A_733 = arith.constant 0 : i32
      %lt3A_734 = arith.cmpi slt, %select_n3A_728, %lt3A_733 : i32
      %ne3A_735 = arith.xori %lt3A_732, %lt3A_734 : i1
      %and3A_736 = arith.andi %ne3A_735, %ne3A_731 : i1
      %add3A_737 = arith.addi %rem3A_729, %select_n3A_728 : i32
      %select_n3A_738 = arith.select %and3A_736, %add3A_737, %rem3A_729 : i32
      %mul3A_739 = arith.constant 16 : i32
      %mul3A_740 = arith.muli %select_n3A_738, %mul3A_739 : i32
      %swap3A = arith.constant 3 : i32
      %swap3A_741 = arith.index_cast %swap3A : i32 to index
      %swap3A_742 = arith.index_cast %select_n3A : i32 to index
      %swap3A_743 = arith.index_cast %mul3A_740 : i32 to index
      %swap3A_744 = tpu.vector_load %arg8[%swap3A_741, %swap3A_742, %swap3A_743] {strides = array<i32>} : memref<4x48x128xf32, #tpu.memory_space<vmem>>, vector<1x1x16xf32>,
      %swap3A_745 = vector.shape_cast %swap3A_744 : vector<1x1x16xf32> to vector<16xf32>
      %swap3A_746 = vector.shape_cast %broadcast_in_dim3A_3 : vector<16xf32> to vector<1x1x16xf32>
      tpu.vector_store %arg8[%swap3A_741, %swap3A_742, %swap3A_743], %swap3A_746 {strides = array<i32>} : memref<4x48x128xf32, #tpu.memory_space<vmem>>, vector<1x1x16xf32>,
    }
    %scan3A_8 = arith.constant 384 : i32
    %mul3A_9 = arith.constant 10000 : i32
    %mul3A_10 = arith.muli %add3A, %mul3A_9 : i32
    "tpu.region"() ({
      %run_scoped3A_708 = tpu.sem_alloc : memref<!tpu.dma_semaphore, #tpu.memory_space<semaphore_mem>>
      %dma_start3A_709 = tpu.memref_slice %arg3[%mul3A_10] : memref<320000xi32, #tpu.memory_space<hbm>> -> memref<10000xi32, #tpu.memory_space<hbm>>
      %dma_start3A_710 = tpu.memref_slice %arg3[%mul3A_10] : memref<320000xi32, #tpu.memory_space<hbm>> -> memref<10000xi32, #tpu.memory_space<hbm>>
      tpu.enqueue_dma source(%dma_start3A_710 : memref<10000xi32, #tpu.memory_space<hbm>>) target(%arg6 : memref<10000xi32, #tpu.memory_space<vmem>>) target_semaphore(%run_scoped3A_708 : memref<!tpu.dma_semaphore, #tpu.memory_space<semaphore_mem>>)
      %dma_wait3A_711 = tpu.memref_slice %arg3[%mul3A_10] : memref<320000xi32, #tpu.memory_space<hbm>> -> memref<10000xi32, #tpu.memory_space<hbm>>
      %dma_wait3A_712 = tpu.memref_slice %arg3[%mul3A_10] : memref<320000xi32, #tpu.memory_space<hbm>> -> memref<10000xi32, #tpu.memory_space<hbm>>
      tpu.wait_dma2 semaphore(%run_scoped3A_708 : memref<!tpu.dma_semaphore, #tpu.memory_space<semaphore_mem>>) src(%dma_wait3A_712 : memref<10000xi32, #tpu.memory_space<hbm>>) dst(%arg6 : memref<10000xi32, #tpu.memory_space<vmem>>)
      tpu.yield
    }) : () -> ()
    %mul3A_11 = arith.constant 10000 : i32
    %mul3A_12 = arith.muli %add3A, %mul3A_11 : i32
    "tpu.region"() ({
      %run_scoped3A_708 = tpu.sem_alloc : memref<!tpu.dma_semaphore, #tpu.memory_space<semaphore_mem>>
      %dma_start3A_709 = tpu.memref_slice %arg4[%mul3A_12] : memref<320000xi32, #tpu.memory_space<hbm>> -> memref<10000xi32, #tpu.memory_space<hbm>>
      %dma_start3A_710 = tpu.memref_slice %arg4[%mul3A_12] : memref<320000xi32, #tpu.memory_space<hbm>> -> memref<10000xi32, #tpu.memory_space<hbm>>
      tpu.enqueue_dma source(%dma_start3A_710 : memref<10000xi32, #tpu.memory_space<hbm>>) target(%arg7 : memref<10000xi32, #tpu.memory_space<vmem>>) target_semaphore(%run_scoped3A_708 : memref<!tpu.dma_semaphore, #tpu.memory_space<semaphore_mem>>)
      %dma_wait3A_711 = tpu.memref_slice %arg4[%mul3A_12] : memref<320000xi32, #tpu.memory_space<hbm>> -> memref<10000xi32, #tpu.memory_space<hbm>>
      %dma_wait3A_712 = tpu.memref_slice %arg4[%mul3A_12] : memref<320000xi32, #tpu.memory_space<hbm>> -> memref<10000xi32, #tpu.memory_space<hbm>>
      tpu.wait_dma2 semaphore(%run_scoped3A_708 : memref<!tpu.dma_semaphore, #tpu.memory_space<semaphore_mem>>) src(%dma_wait3A_712 : memref<10000xi32, #tpu.memory_space<hbm>>) dst(%arg7 : memref<10000xi32, #tpu.memory_space<vmem>>)
      tpu.yield
    }) : () -> ()
    %add3A_13 = arith.constant 0 : i32
    %add3A_14 = arith.addi %mul3A_2, %add3A_13 : i32
    %run_scoped3A = arith.constant 3 : i32
    "tpu.region"() ({
      %run_scoped3A_708 = tpu.sem_alloc : memref<!tpu.dma_semaphore, #tpu.memory_space<semaphore_mem>>
      %dma_start3A_709 = arith.constant 0 : i32
      %dma_start3A_710 = arith.constant 0 : i32
      %dma_start3A_711 = tpu.memref_slice %arg8[%run_scoped3A, %dma_start3A_709, %dma_start3A_710] : memref<4x48x128xf32, #tpu.memory_space<vmem>> -> memref<1x48x128xf32, #tpu.memory_space<vmem>>
      %dma_start3A_712 = tpu.memref_squeeze %dma_start3A_711 : memref<1x48x128xf32, #tpu.memory_space<vmem>> -> memref<48x128xf32, #tpu.memory_space<vmem>>
      %dma_start3A_713 = arith.constant 0 : i32
      %dma_start3A_714 = tpu.memref_slice %arg9[%add3A_14, %dma_start3A_713] : memref<10240x128xf32, #tpu.memory_space<vmem_shared>> -> memref<48x128xf32, #tpu.memory_space<vmem_shared>>
      %dma_start3A_715 = arith.constant 0 : i32
      %dma_start3A_716 = tpu.memref_slice %arg9[%add3A_14, %dma_start3A_715] : memref<10240x128xf32, #tpu.memory_space<vmem_shared>> -> memref<48x128xf32, #tpu.memory_space<vmem_shared>>
      %dma_start3A_717 = arith.constant 0 : i32
      %dma_start3A_718 = arith.constant 0 : i32
      %dma_start3A_719 = tpu.memref_slice %arg8[%run_scoped3A, %dma_start3A_717, %dma_start3A_718] : memref<4x48x128xf32, #tpu.memory_space<vmem>> -> memref<1x48x128xf32, #tpu.memory_space<vmem>>
      %dma_start3A_720 = tpu.memref_squeeze %dma_start3A_719 : memref<1x48x128xf32, #tpu.memory_space<vmem>> -> memref<48x128xf32, #tpu.memory_space<vmem>>
      tpu.enqueue_dma source(%dma_start3A_720 : memref<48x128xf32, #tpu.memory_space<vmem>>) target(%dma_start3A_716 : memref<48x128xf32, #tpu.memory_space<vmem_shared>>) target_semaphore(%run_scoped3A_708 : memref<!tpu.dma_semaphore, #tpu.memory_space<semaphore_mem>>)
      %dma_wait3A_721 = arith.constant 0 : i32
      %dma_wait3A_722 = arith.constant 0 : i32
      %dma_wait3A_723 = tpu.memref_slice %arg8[%run_scoped3A, %dma_wait3A_721, %dma_wait3A_722] : memref<4x48x128xf32, #tpu.memory_space<vmem>> -> memref<1x48x128xf32, #tpu.memory_space<vmem>>
      %dma_wait3A_724 = tpu.memref_squeeze %dma_wait3A_723 : memref<1x48x128xf32, #tpu.memory_space<vmem>> -> memref<48x128xf32, #tpu.memory_space<vmem>>
      %dma_wait3A_725 = arith.constant 0 : i32
      %dma_wait3A_726 = tpu.memref_slice %arg9[%add3A_14, %dma_wait3A_725] : memref<10240x128xf32, #tpu.memory_space<vmem_shared>> -> memref<48x128xf32, #tpu.memory_space<vmem_shared>>
      %dma_wait3A_727 = arith.constant 0 : i32
      %dma_wait3A_728 = tpu.memref_slice %arg9[%add3A_14, %dma_wait3A_727] : memref<10240x128xf32, #tpu.memory_space<vmem_shared>> -> memref<48x128xf32, #tpu.memory_space<vmem_shared>>
      %dma_wait3A_729 = arith.constant 0 : i32
      %dma_wait3A_730 = arith.constant 0 : i32
      %dma_wait3A_731 = tpu.memref_slice %arg8[%run_scoped3A, %dma_wait3A_729, %dma_wait3A_730] : memref<4x48x128xf32, #tpu.memory_space<vmem>> -> memref<1x48x128xf32, #tpu.memory_space<vmem>>
      %dma_wait3A_732 = tpu.memref_squeeze %dma_wait3A_731 : memref<1x48x128xf32, #tpu.memory_space<vmem>> -> memref<48x128xf32, #tpu.memory_space<vmem>>
      tpu.wait_dma2 semaphore(%run_scoped3A_708 : memref<!tpu.dma_semaphore, #tpu.memory_space<semaphore_mem>>) src(%dma_wait3A_732 : memref<48x128xf32, #tpu.memory_space<vmem>>) dst(%dma_wait3A_728 : memref<48x128xf32, #tpu.memory_space<vmem_shared>>)
      tpu.yield
    }) : () -> ()
    %add3A_15 = arith.constant 48 : i32
    %add3A_16 = arith.addi %mul3A_2, %add3A_15 : i32
    %run_scoped3A_17 = arith.constant 3 : i32
    "tpu.region"() ({
      %run_scoped3A_708 = tpu.sem_alloc : memref<!tpu.dma_semaphore, #tpu.memory_space<semaphore_mem>>
      %dma_start3A_709 = arith.constant 0 : i32
      %dma_start3A_710 = arith.constant 0 : i32
      %dma_start3A_711 = tpu.memref_slice %arg8[%run_scoped3A_17, %dma_start3A_709, %dma_start3A_710] : memref<4x48x128xf32, #tpu.memory_space<vmem>> -> memref<1x48x128xf32, #tpu.memory_space<vmem>>
      %dma_start3A_712 = tpu.memref_squeeze %dma_start3A_711 : memref<1x48x128xf32, #tpu.memory_space<vmem>> -> memref<48x128xf32, #tpu.memory_space<vmem>>
      %dma_start3A_713 = arith.constant 0 : i32
      %dma_start3A_714 = tpu.memref_slice %arg9[%add3A_16, %dma_start3A_713] : memref<10240x128xf32, #tpu.memory_space<vmem_shared>> -> memref<48x128xf32, #tpu.memory_space<vmem_shared>>
      %dma_start3A_715 = arith.constant 0 : i32
      %dma_start3A_716 = tpu.memref_slice %arg9[%add3A_16, %dma_start3A_715] : memref<10240x128xf32, #tpu.memory_space<vmem_shared>> -> memref<48x128xf32, #tpu.memory_space<vmem_shared>>
      %dma_start3A_717 = arith.constant 0 : i32
      %dma_start3A_718 = arith.constant 0 : i32
      %dma_start3A_719 = tpu.memref_slice %arg8[%run_scoped3A_17, %dma_start3A_717, %dma_start3A_718] : memref<4x48x128xf32, #tpu.memory_space<vmem>> -> memref<1x48x128xf32, #tpu.memory_space<vmem>>
      %dma_start3A_720 = tpu.memref_squeeze %dma_start3A_719 : memref<1x48x128xf32, #tpu.memory_space<vmem>> -> memref<48x128xf32, #tpu.memory_space<vmem>>
      tpu.enqueue_dma source(%dma_start3A_720 : memref<48x128xf32, #tpu.memory_space<vmem>>) target(%dma_start3A_716 : memref<48x128xf32, #tpu.memory_space<vmem_shared>>) target_semaphore(%run_scoped3A_708 : memref<!tpu.dma_semaphore, #tpu.memory_space<semaphore_mem>>)
      %dma_wait3A_721 = arith.constant 0 : i32
      %dma_wait3A_722 = arith.constant 0 : i32
      %dma_wait3A_723 = tpu.memref_slice %arg8[%run_scoped3A_17, %dma_wait3A_721, %dma_wait3A_722] : memref<4x48x128xf32, #tpu.memory_space<vmem>> -> memref<1x48x128xf32, #tpu.memory_space<vmem>>
      %dma_wait3A_724 = tpu.memref_squeeze %dma_wait3A_723 : memref<1x48x128xf32, #tpu.memory_space<vmem>> -> memref<48x128xf32, #tpu.memory_space<vmem>>
      %dma_wait3A_725 = arith.constant 0 : i32
      %dma_wait3A_726 = tpu.memref_slice %arg9[%add3A_16, %dma_wait3A_725] : memref<10240x128xf32, #tpu.memory_space<vmem_shared>> -> memref<48x128xf32, #tpu.memory_space<vmem_shared>>
      %dma_wait3A_727 = arith.constant 0 : i32
      %dma_wait3A_728 = tpu.memref_slice %arg9[%add3A_16, %dma_wait3A_727] : memref<10240x128xf32, #tpu.memory_space<vmem_shared>> -> memref<48x128xf32, #tpu.memory_space<vmem_shared>>
      %dma_wait3A_729 = arith.constant 0 : i32
      %dma_wait3A_730 = arith.constant 0 : i32
      %dma_wait3A_731 = tpu.memref_slice %arg8[%run_scoped3A_17, %dma_wait3A_729, %dma_wait3A_730] : memref<4x48x128xf32, #tpu.memory_space<vmem>> -> memref<1x48x128xf32, #tpu.memory_space<vmem>>
      %dma_wait3A_732 = tpu.memref_squeeze %dma_wait3A_731 : memref<1x48x128xf32, #tpu.memory_space<vmem>> -> memref<48x128xf32, #tpu.memory_space<vmem>>
      tpu.wait_dma2 semaphore(%run_scoped3A_708 : memref<!tpu.dma_semaphore, #tpu.memory_space<semaphore_mem>>) src(%dma_wait3A_732 : memref<48x128xf32, #tpu.memory_space<vmem>>) dst(%dma_wait3A_728 : memref<48x128xf32, #tpu.memory_space<vmem_shared>>)
      tpu.yield
    }) : () -> ()
    %add3A_18 = arith.constant 96 : i32
    %add3A_19 = arith.addi %mul3A_2, %add3A_18 : i32
    %run_scoped3A_20 = arith.constant 3 : i32
    "tpu.region"() ({
      %run_scoped3A_708 = tpu.sem_alloc : memref<!tpu.dma_semaphore, #tpu.memory_space<semaphore_mem>>
      %dma_start3A_709 = arith.constant 0 : i32
      %dma_start3A_710 = arith.constant 0 : i32
      %dma_start3A_711 = tpu.memref_slice %arg8[%run_scoped3A_20, %dma_start3A_709, %dma_start3A_710] : memref<4x48x128xf32, #tpu.memory_space<vmem>> -> memref<1x48x128xf32, #tpu.memory_space<vmem>>
      %dma_start3A_712 = tpu.memref_squeeze %dma_start3A_711 : memref<1x48x128xf32, #tpu.memory_space<vmem>> -> memref<48x128xf32, #tpu.memory_space<vmem>>
      %dma_start3A_713 = arith.constant 0 : i32
      %dma_start3A_714 = tpu.memref_slice %arg9[%add3A_19, %dma_start3A_713] : memref<10240x128xf32, #tpu.memory_space<vmem_shared>> -> memref<48x128xf32, #tpu.memory_space<vmem_shared>>
      %dma_start3A_715 = arith.constant 0 : i32
      %dma_start3A_716 = tpu.memref_slice %arg9[%add3A_19, %dma_start3A_715] : memref<10240x128xf32, #tpu.memory_space<vmem_shared>> -> memref<48x128xf32, #tpu.memory_space<vmem_shared>>
      %dma_start3A_717 = arith.constant 0 : i32
      %dma_start3A_718 = arith.constant 0 : i32
      %dma_start3A_719 = tpu.memref_slice %arg8[%run_scoped3A_20, %dma_start3A_717, %dma_start3A_718] : memref<4x48x128xf32, #tpu.memory_space<vmem>> -> memref<1x48x128xf32, #tpu.memory_space<vmem>>
      %dma_start3A_720 = tpu.memref_squeeze %dma_start3A_719 : memref<1x48x128xf32, #tpu.memory_space<vmem>> -> memref<48x128xf32, #tpu.memory_space<vmem>>
      tpu.enqueue_dma source(%dma_start3A_720 : memref<48x128xf32, #tpu.memory_space<vmem>>) target(%dma_start3A_716 : memref<48x128xf32, #tpu.memory_space<vmem_shared>>) target_semaphore(%run_scoped3A_708 : memref<!tpu.dma_semaphore, #tpu.memory_space<semaphore_mem>>)
      %dma_wait3A_721 = arith.constant 0 : i32
      %dma_wait3A_722 = arith.constant 0 : i32
      %dma_wait3A_723 = tpu.memref_slice %arg8[%run_scoped3A_20, %dma_wait3A_721, %dma_wait3A_722] : memref<4x48x128xf32, #tpu.memory_space<vmem>> -> memref<1x48x128xf32, #tpu.memory_space<vmem>>
      %dma_wait3A_724 = tpu.memref_squeeze %dma_wait3A_723 : memref<1x48x128xf32, #tpu.memory_space<vmem>> -> memref<48x128xf32, #tpu.memory_space<vmem>>
      %dma_wait3A_725 = arith.constant 0 : i32
      %dma_wait3A_726 = tpu.memref_slice %arg9[%add3A_19, %dma_wait3A_725] : memref<10240x128xf32, #tpu.memory_space<vmem_shared>> -> memref<48x128xf32, #tpu.memory_space<vmem_shared>>
      %dma_wait3A_727 = arith.constant 0 : i32
      %dma_wait3A_728 = tpu.memref_slice %arg9[%add3A_19, %dma_wait3A_727] : memref<10240x128xf32, #tpu.memory_space<vmem_shared>> -> memref<48x128xf32, #tpu.memory_space<vmem_shared>>
      %dma_wait3A_729 = arith.constant 0 : i32
      %dma_wait3A_730 = arith.constant 0 : i32
      %dma_wait3A_731 = tpu.memref_slice %arg8[%run_scoped3A_20, %dma_wait3A_729, %dma_wait3A_730] : memref<4x48x128xf32, #tpu.memory_space<vmem>> -> memref<1x48x128xf32, #tpu.memory_space<vmem>>
      %dma_wait3A_732 = tpu.memref_squeeze %dma_wait3A_731 : memref<1x48x128xf32, #tpu.memory_space<vmem>> -> memref<48x128xf32, #tpu.memory_space<vmem>>
      tpu.wait_dma2 semaphore(%run_scoped3A_708 : memref<!tpu.dma_semaphore, #tpu.memory_space<semaphore_mem>>) src(%dma_wait3A_732 : memref<48x128xf32, #tpu.memory_space<vmem>>) dst(%dma_wait3A_728 : memref<48x128xf32, #tpu.memory_space<vmem_shared>>)
      tpu.yield
    }) : () -> ()
    %add3A_21 = arith.constant 144 : i32
    %add3A_22 = arith.addi %mul3A_2, %add3A_21 : i32
    %run_scoped3A_23 = arith.constant 3 : i32
    "tpu.region"() ({
      %run_scoped3A_708 = tpu.sem_alloc : memref<!tpu.dma_semaphore, #tpu.memory_space<semaphore_mem>>
      %dma_start3A_709 = arith.constant 0 : i32
      %dma_start3A_710 = arith.constant 0 : i32
      %dma_start3A_711 = tpu.memref_slice %arg8[%run_scoped3A_23, %dma_start3A_709, %dma_start3A_710] : memref<4x48x128xf32, #tpu.memory_space<vmem>> -> memref<1x48x128xf32, #tpu.memory_space<vmem>>
      %dma_start3A_712 = tpu.memref_squeeze %dma_start3A_711 : memref<1x48x128xf32, #tpu.memory_space<vmem>> -> memref<48x128xf32, #tpu.memory_space<vmem>>
      %dma_start3A_713 = arith.constant 0 : i32
      %dma_start3A_714 = tpu.memref_slice %arg9[%add3A_22, %dma_start3A_713] : memref<10240x128xf32, #tpu.memory_space<vmem_shared>> -> memref<48x128xf32, #tpu.memory_space<vmem_shared>>
      %dma_start3A_715 = arith.constant 0 : i32
      %dma_start3A_716 = tpu.memref_slice %arg9[%add3A_22, %dma_start3A_715] : memref<10240x128xf32, #tpu.memory_space<vmem_shared>> -> memref<48x128xf32, #tpu.memory_space<vmem_shared>>
      %dma_start3A_717 = arith.constant 0 : i32
      %dma_start3A_718 = arith.constant 0 : i32
      %dma_start3A_719 = tpu.memref_slice %arg8[%run_scoped3A_23, %dma_start3A_717, %dma_start3A_718] : memref<4x48x128xf32, #tpu.memory_space<vmem>> -> memref<1x48x128xf32, #tpu.memory_space<vmem>>
      %dma_start3A_720 = tpu.memref_squeeze %dma_start3A_719 : memref<1x48x128xf32, #tpu.memory_space<vmem>> -> memref<48x128xf32, #tpu.memory_space<vmem>>
      tpu.enqueue_dma source(%dma_start3A_720 : memref<48x128xf32, #tpu.memory_space<vmem>>) target(%dma_start3A_716 : memref<48x128xf32, #tpu.memory_space<vmem_shared>>) target_semaphore(%run_scoped3A_708 : memref<!tpu.dma_semaphore, #tpu.memory_space<semaphore_mem>>)
      %dma_wait3A_721 = arith.constant 0 : i32
      %dma_wait3A_722 = arith.constant 0 : i32
      %dma_wait3A_723 = tpu.memref_slice %arg8[%run_scoped3A_23, %dma_wait3A_721, %dma_wait3A_722] : memref<4x48x128xf32, #tpu.memory_space<vmem>> -> memref<1x48x128xf32, #tpu.memory_space<vmem>>
      %dma_wait3A_724 = tpu.memref_squeeze %dma_wait3A_723 : memref<1x48x128xf32, #tpu.memory_space<vmem>> -> memref<48x128xf32, #tpu.memory_space<vmem>>
      %dma_wait3A_725 = arith.constant 0 : i32
      %dma_wait3A_726 = tpu.memref_slice %arg9[%add3A_22, %dma_wait3A_725] : memref<10240x128xf32, #tpu.memory_space<vmem_shared>> -> memref<48x128xf32, #tpu.memory_space<vmem_shared>>
      %dma_wait3A_727 = arith.constant 0 : i32
      %dma_wait3A_728 = tpu.memref_slice %arg9[%add3A_22, %dma_wait3A_727] : memref<10240x128xf32, #tpu.memory_space<vmem_shared>> -> memref<48x128xf32, #tpu.memory_space<vmem_shared>>
      %dma_wait3A_729 = arith.constant 0 : i32
      %dma_wait3A_730 = arith.constant 0 : i32
      %dma_wait3A_731 = tpu.memref_slice %arg8[%run_scoped3A_23, %dma_wait3A_729, %dma_wait3A_730] : memref<4x48x128xf32, #tpu.memory_space<vmem>> -> memref<1x48x128xf32, #tpu.memory_space<vmem>>
      %dma_wait3A_732 = tpu.memref_squeeze %dma_wait3A_731 : memref<1x48x128xf32, #tpu.memory_space<vmem>> -> memref<48x128xf32, #tpu.memory_space<vmem>>
      tpu.wait_dma2 semaphore(%run_scoped3A_708 : memref<!tpu.dma_semaphore, #tpu.memory_space<semaphore_mem>>) src(%dma_wait3A_732 : memref<48x128xf32, #tpu.memory_space<vmem>>) dst(%dma_wait3A_728 : memref<48x128xf32, #tpu.memory_space<vmem_shared>>)
      tpu.yield
    }) : () -> ()
    %add3A_24 = arith.constant 192 : i32
    %add3A_25 = arith.addi %mul3A_2, %add3A_24 : i32
    %run_scoped3A_26 = arith.constant 3 : i32
    "tpu.region"() ({
      %run_scoped3A_708 = tpu.sem_alloc : memref<!tpu.dma_semaphore, #tpu.memory_space<semaphore_mem>>
      %dma_start3A_709 = arith.constant 0 : i32
      %dma_start3A_710 = arith.constant 0 : i32
      %dma_start3A_711 = tpu.memref_slice %arg8[%run_scoped3A_26, %dma_start3A_709, %dma_start3A_710] : memref<4x48x128xf32, #tpu.memory_space<vmem>> -> memref<1x48x128xf32, #tpu.memory_space<vmem>>
      %dma_start3A_712 = tpu.memref_squeeze %dma_start3A_711 : memref<1x48x128xf32, #tpu.memory_space<vmem>> -> memref<48x128xf32, #tpu.memory_space<vmem>>
      %dma_start3A_713 = arith.constant 0 : i32
      %dma_start3A_714 = tpu.memref_slice %arg9[%add3A_25, %dma_start3A_713] : memref<10240x128xf32, #tpu.memory_space<vmem_shared>> -> memref<48x128xf32, #tpu.memory_space<vmem_shared>>
      %dma_start3A_715 = arith.constant 0 : i32
      %dma_start3A_716 = tpu.memref_slice %arg9[%add3A_25, %dma_start3A_715] : memref<10240x128xf32, #tpu.memory_space<vmem_shared>> -> memref<48x128xf32, #tpu.memory_space<vmem_shared>>
      %dma_start3A_717 = arith.constant 0 : i32
      %dma_start3A_718 = arith.constant 0 : i32
      %dma_start3A_719 = tpu.memref_slice %arg8[%run_scoped3A_26, %dma_start3A_717, %dma_start3A_718] : memref<4x48x128xf32, #tpu.memory_space<vmem>> -> memref<1x48x128xf32, #tpu.memory_space<vmem>>
      %dma_start3A_720 = tpu.memref_squeeze %dma_start3A_719 : memref<1x48x128xf32, #tpu.memory_space<vmem>> -> memref<48x128xf32, #tpu.memory_space<vmem>>
      tpu.enqueue_dma source(%dma_start3A_720 : memref<48x128xf32, #tpu.memory_space<vmem>>) target(%dma_start3A_716 : memref<48x128xf32, #tpu.memory_space<vmem_shared>>) target_semaphore(%run_scoped3A_708 : memref<!tpu.dma_semaphore, #tpu.memory_space<semaphore_mem>>)
      %dma_wait3A_721 = arith.constant 0 : i32
      %dma_wait3A_722 = arith.constant 0 : i32
      %dma_wait3A_723 = tpu.memref_slice %arg8[%run_scoped3A_26, %dma_wait3A_721, %dma_wait3A_722] : memref<4x48x128xf32, #tpu.memory_space<vmem>> -> memref<1x48x128xf32, #tpu.memory_space<vmem>>
      %dma_wait3A_724 = tpu.memref_squeeze %dma_wait3A_723 : memref<1x48x128xf32, #tpu.memory_space<vmem>> -> memref<48x128xf32, #tpu.memory_space<vmem>>
      %dma_wait3A_725 = arith.constant 0 : i32
      %dma_wait3A_726 = tpu.memref_slice %arg9[%add3A_25, %dma_wait3A_725] : memref<10240x128xf32, #tpu.memory_space<vmem_shared>> -> memref<48x128xf32, #tpu.memory_space<vmem_shared>>
      %dma_wait3A_727 = arith.constant 0 : i32
      %dma_wait3A_728 = tpu.memref_slice %arg9[%add3A_25, %dma_wait3A_727] : memref<10240x128xf32, #tpu.memory_space<vmem_shared>> -> memref<48x128xf32, #tpu.memory_space<vmem_shared>>
      %dma_wait3A_729 = arith.constant 0 : i32
      %dma_wait3A_730 = arith.constant 0 : i32
      %dma_wait3A_731 = tpu.memref_slice %arg8[%run_scoped3A_26, %dma_wait3A_729, %dma_wait3A_730] : memref<4x48x128xf32, #tpu.memory_space<vmem>> -> memref<1x48x128xf32, #tpu.memory_space<vmem>>
      %dma_wait3A_732 = tpu.memref_squeeze %dma_wait3A_731 : memref<1x48x128xf32, #tpu.memory_space<vmem>> -> memref<48x128xf32, #tpu.memory_space<vmem>>
      tpu.wait_dma2 semaphore(%run_scoped3A_708 : memref<!tpu.dma_semaphore, #tpu.memory_space<semaphore_mem>>) src(%dma_wait3A_732 : memref<48x128xf32, #tpu.memory_space<vmem>>) dst(%dma_wait3A_728 : memref<48x128xf32, #tpu.memory_space<vmem_shared>>)
      tpu.yield
    }) : () -> ()
    %add3A_27 = arith.constant 240 : i32
    %add3A_28 = arith.addi %mul3A_2, %add3A_27 : i32
    %run_scoped3A_29 = arith.constant 3 : i32
    "tpu.region"() ({
      %run_scoped3A_708 = tpu.sem_alloc : memref<!tpu.dma_semaphore, #tpu.memory_space<semaphore_mem>>
      %dma_start3A_709 = arith.constant 0 : i32
      %dma_start3A_710 = arith.constant 0 : i32
      %dma_start3A_711 = tpu.memref_slice %arg8[%run_scoped3A_29, %dma_start3A_709, %dma_start3A_710] : memref<4x48x128xf32, #tpu.memory_space<vmem>> -> memref<1x48x128xf32, #tpu.memory_space<vmem>>
      %dma_start3A_712 = tpu.memref_squeeze %dma_start3A_711 : memref<1x48x128xf32, #tpu.memory_space<vmem>> -> memref<48x128xf32, #tpu.memory_space<vmem>>
      %dma_start3A_713 = arith.constant 0 : i32
      %dma_start3A_714 = tpu.memref_slice %arg9[%add3A_28, %dma_start3A_713] : memref<10240x128xf32, #tpu.memory_space<vmem_shared>> -> memref<48x128xf32, #tpu.memory_space<vmem_shared>>
      %dma_start3A_715 = arith.constant 0 : i32
      %dma_start3A_716 = tpu.memref_slice %arg9[%add3A_28, %dma_start3A_715] : memref<10240x128xf32, #tpu.memory_space<vmem_shared>> -> memref<48x128xf32, #tpu.memory_space<vmem_shared>>
      %dma_start3A_717 = arith.constant 0 : i32
      %dma_start3A_718 = arith.constant 0 : i32
      %dma_start3A_719 = tpu.memref_slice %arg8[%run_scoped3A_29, %dma_start3A_717, %dma_start3A_718] : memref<4x48x128xf32, #tpu.memory_space<vmem>> -> memref<1x48x128xf32, #tpu.memory_space<vmem>>
      %dma_start3A_720 = tpu.memref_squeeze %dma_start3A_719 : memref<1x48x128xf32, #tpu.memory_space<vmem>> -> memref<48x128xf32, #tpu.memory_space<vmem>>
      tpu.enqueue_dma source(%dma_start3A_720 : memref<48x128xf32, #tpu.memory_space<vmem>>) target(%dma_start3A_716 : memref<48x128xf32, #tpu.memory_space<vmem_shared>>) target_semaphore(%run_scoped3A_708 : memref<!tpu.dma_semaphore, #tpu.memory_space<semaphore_mem>>)
      %dma_wait3A_721 = arith.constant 0 : i32
      %dma_wait3A_722 = arith.constant 0 : i32
      %dma_wait3A_723 = tpu.memref_slice %arg8[%run_scoped3A_29, %dma_wait3A_721, %dma_wait3A_722] : memref<4x48x128xf32, #tpu.memory_space<vmem>> -> memref<1x48x128xf32, #tpu.memory_space<vmem>>
      %dma_wait3A_724 = tpu.memref_squeeze %dma_wait3A_723 : memref<1x48x128xf32, #tpu.memory_space<vmem>> -> memref<48x128xf32, #tpu.memory_space<vmem>>
      %dma_wait3A_725 = arith.constant 0 : i32
      %dma_wait3A_726 = tpu.memref_slice %arg9[%add3A_28, %dma_wait3A_725] : memref<10240x128xf32, #tpu.memory_space<vmem_shared>> -> memref<48x128xf32, #tpu.memory_space<vmem_shared>>
      %dma_wait3A_727 = arith.constant 0 : i32
      %dma_wait3A_728 = tpu.memref_slice %arg9[%add3A_28, %dma_wait3A_727] : memref<10240x128xf32, #tpu.memory_space<vmem_shared>> -> memref<48x128xf32, #tpu.memory_space<vmem_shared>>
      %dma_wait3A_729 = arith.constant 0 : i32
      %dma_wait3A_730 = arith.constant 0 : i32
      %dma_wait3A_731 = tpu.memref_slice %arg8[%run_scoped3A_29, %dma_wait3A_729, %dma_wait3A_730] : memref<4x48x128xf32, #tpu.memory_space<vmem>> -> memref<1x48x128xf32, #tpu.memory_space<vmem>>
      %dma_wait3A_732 = tpu.memref_squeeze %dma_wait3A_731 : memref<1x48x128xf32, #tpu.memory_space<vmem>> -> memref<48x128xf32, #tpu.memory_space<vmem>>
      tpu.wait_dma2 semaphore(%run_scoped3A_708 : memref<!tpu.dma_semaphore, #tpu.memory_space<semaphore_mem>>) src(%dma_wait3A_732 : memref<48x128xf32, #tpu.memory_space<vmem>>) dst(%dma_wait3A_728 : memref<48x128xf32, #tpu.memory_space<vmem_shared>>)
      tpu.yield
    }) : () -> ()
    %add3A_30 = arith.constant 288 : i32
    %add3A_31 = arith.addi %mul3A_2, %add3A_30 : i32
    %run_scoped3A_32 = arith.constant 3 : i32
    "tpu.region"() ({
      %run_scoped3A_708 = tpu.sem_alloc : memref<!tpu.dma_semaphore, #tpu.memory_space<semaphore_mem>>
      %dma_start3A_709 = arith.constant 0 : i32
      %dma_start3A_710 = arith.constant 0 : i32
      %dma_start3A_711 = tpu.memref_slice %arg8[%run_scoped3A_32, %dma_start3A_709, %dma_start3A_710] : memref<4x48x128xf32, #tpu.memory_space<vmem>> -> memref<1x48x128xf32, #tpu.memory_space<vmem>>
      %dma_start3A_712 = tpu.memref_squeeze %dma_start3A_711 : memref<1x48x128xf32, #tpu.memory_space<vmem>> -> memref<48x128xf32, #tpu.memory_space<vmem>>
      %dma_start3A_713 = arith.constant 0 : i32
      %dma_start3A_714 = tpu.memref_slice %arg9[%add3A_31, %dma_start3A_713] : memref<10240x128xf32, #tpu.memory_space<vmem_shared>> -> memref<48x128xf32, #tpu.memory_space<vmem_shared>>
      %dma_start3A_715 = arith.constant 0 : i32
      %dma_start3A_716 = tpu.memref_slice %arg9[%add3A_31, %dma_start3A_715] : memref<10240x128xf32, #tpu.memory_space<vmem_shared>> -> memref<48x128xf32, #tpu.memory_space<vmem_shared>>
      %dma_start3A_717 = arith.constant 0 : i32
      %dma_start3A_718 = arith.constant 0 : i32
      %dma_start3A_719 = tpu.memref_slice %arg8[%run_scoped3A_32, %dma_start3A_717, %dma_start3A_718] : memref<4x48x128xf32, #tpu.memory_space<vmem>> -> memref<1x48x128xf32, #tpu.memory_space<vmem>>
      %dma_start3A_720 = tpu.memref_squeeze %dma_start3A_719 : memref<1x48x128xf32, #tpu.memory_space<vmem>> -> memref<48x128xf32, #tpu.memory_space<vmem>>
      tpu.enqueue_dma source(%dma_start3A_720 : memref<48x128xf32, #tpu.memory_space<vmem>>) target(%dma_start3A_716 : memref<48x128xf32, #tpu.memory_space<vmem_shared>>) target_semaphore(%run_scoped3A_708 : memref<!tpu.dma_semaphore, #tpu.memory_space<semaphore_mem>>)
      %dma_wait3A_721 = arith.constant 0 : i32
      %dma_wait3A_722 = arith.constant 0 : i32
      %dma_wait3A_723 = tpu.memref_slice %arg8[%run_scoped3A_32, %dma_wait3A_721, %dma_wait3A_722] : memref<4x48x128xf32, #tpu.memory_space<vmem>> -> memref<1x48x128xf32, #tpu.memory_space<vmem>>
      %dma_wait3A_724 = tpu.memref_squeeze %dma_wait3A_723 : memref<1x48x128xf32, #tpu.memory_space<vmem>> -> memref<48x128xf32, #tpu.memory_space<vmem>>
      %dma_wait3A_725 = arith.constant 0 : i32
      %dma_wait3A_726 = tpu.memref_slice %arg9[%add3A_31, %dma_wait3A_725] : memref<10240x128xf32, #tpu.memory_space<vmem_shared>> -> memref<48x128xf32, #tpu.memory_space<vmem_shared>>
      %dma_wait3A_727 = arith.constant 0 : i32
      %dma_wait3A_728 = tpu.memref_slice %arg9[%add3A_31, %dma_wait3A_727] : memref<10240x128xf32, #tpu.memory_space<vmem_shared>> -> memref<48x128xf32, #tpu.memory_space<vmem_shared>>
      %dma_wait3A_729 = arith.constant 0 : i32
      %dma_wait3A_730 = arith.constant 0 : i32
      %dma_wait3A_731 = tpu.memref_slice %arg8[%run_scoped3A_32, %dma_wait3A_729, %dma_wait3A_730] : memref<4x48x128xf32, #tpu.memory_space<vmem>> -> memref<1x48x128xf32, #tpu.memory_space<vmem>>
      %dma_wait3A_732 = tpu.memref_squeeze %dma_wait3A_731 : memref<1x48x128xf32, #tpu.memory_space<vmem>> -> memref<48x128xf32, #tpu.memory_space<vmem>>
      tpu.wait_dma2 semaphore(%run_scoped3A_708 : memref<!tpu.dma_semaphore, #tpu.memory_space<semaphore_mem>>) src(%dma_wait3A_732 : memref<48x128xf32, #tpu.memory_space<vmem>>) dst(%dma_wait3A_728 : memref<48x128xf32, #tpu.memory_space<vmem_shared>>)
      tpu.yield
    }) : () -> ()
    %add3A_33 = arith.constant 336 : i32
    %add3A_34 = arith.addi %mul3A_2, %add3A_33 : i32
    %run_scoped3A_35 = arith.constant 3 : i32
    "tpu.region"() ({
      %run_scoped3A_708 = tpu.sem_alloc : memref<!tpu.dma_semaphore, #tpu.memory_space<semaphore_mem>>
      %dma_start3A_709 = arith.constant 0 : i32
      %dma_start3A_710 = arith.constant 0 : i32
      %dma_start3A_711 = tpu.memref_slice %arg8[%run_scoped3A_35, %dma_start3A_709, %dma_start3A_710] : memref<4x48x128xf32, #tpu.memory_space<vmem>> -> memref<1x48x128xf32, #tpu.memory_space<vmem>>
      %dma_start3A_712 = tpu.memref_squeeze %dma_start3A_711 : memref<1x48x128xf32, #tpu.memory_space<vmem>> -> memref<48x128xf32, #tpu.memory_space<vmem>>
      %dma_start3A_713 = arith.constant 0 : i32
      %dma_start3A_714 = tpu.memref_slice %arg9[%add3A_34, %dma_start3A_713] : memref<10240x128xf32, #tpu.memory_space<vmem_shared>> -> memref<48x128xf32, #tpu.memory_space<vmem_shared>>
      %dma_start3A_715 = arith.constant 0 : i32
      %dma_start3A_716 = tpu.memref_slice %arg9[%add3A_34, %dma_start3A_715] : memref<10240x128xf32, #tpu.memory_space<vmem_shared>> -> memref<48x128xf32, #tpu.memory_space<vmem_shared>>
      %dma_start3A_717 = arith.constant 0 : i32
      %dma_start3A_718 = arith.constant 0 : i32
      %dma_start3A_719 = tpu.memref_slice %arg8[%run_scoped3A_35, %dma_start3A_717, %dma_start3A_718] : memref<4x48x128xf32, #tpu.memory_space<vmem>> -> memref<1x48x128xf32, #tpu.memory_space<vmem>>
      %dma_start3A_720 = tpu.memref_squeeze %dma_start3A_719 : memref<1x48x128xf32, #tpu.memory_space<vmem>> -> memref<48x128xf32, #tpu.memory_space<vmem>>
      tpu.enqueue_dma source(%dma_start3A_720 : memref<48x128xf32, #tpu.memory_space<vmem>>) target(%dma_start3A_716 : memref<48x128xf32, #tpu.memory_space<vmem_shared>>) target_semaphore(%run_scoped3A_708 : memref<!tpu.dma_semaphore, #tpu.memory_space<semaphore_mem>>)
      %dma_wait3A_721 = arith.constant 0 : i32
      %dma_wait3A_722 = arith.constant 0 : i32
      %dma_wait3A_723 = tpu.memref_slice %arg8[%run_scoped3A_35, %dma_wait3A_721, %dma_wait3A_722] : memref<4x48x128xf32, #tpu.memory_space<vmem>> -> memref<1x48x128xf32, #tpu.memory_space<vmem>>
      %dma_wait3A_724 = tpu.memref_squeeze %dma_wait3A_723 : memref<1x48x128xf32, #tpu.memory_space<vmem>> -> memref<48x128xf32, #tpu.memory_space<vmem>>
      %dma_wait3A_725 = arith.constant 0 : i32
      %dma_wait3A_726 = tpu.memref_slice %arg9[%add3A_34, %dma_wait3A_725] : memref<10240x128xf32, #tpu.memory_space<vmem_shared>> -> memref<48x128xf32, #tpu.memory_space<vmem_shared>>
      %dma_wait3A_727 = arith.constant 0 : i32
      %dma_wait3A_728 = tpu.memref_slice %arg9[%add3A_34, %dma_wait3A_727] : memref<10240x128xf32, #tpu.memory_space<vmem_shared>> -> memref<48x128xf32, #tpu.memory_space<vmem_shared>>
      %dma_wait3A_729 = arith.constant 0 : i32
      %dma_wait3A_730 = arith.constant 0 : i32
      %dma_wait3A_731 = tpu.memref_slice %arg8[%run_scoped3A_35, %dma_wait3A_729, %dma_wait3A_730] : memref<4x48x128xf32, #tpu.memory_space<vmem>> -> memref<1x48x128xf32, #tpu.memory_space<vmem>>
      %dma_wait3A_732 = tpu.memref_squeeze %dma_wait3A_731 : memref<1x48x128xf32, #tpu.memory_space<vmem>> -> memref<48x128xf32, #tpu.memory_space<vmem>>
      tpu.wait_dma2 semaphore(%run_scoped3A_708 : memref<!tpu.dma_semaphore, #tpu.memory_space<semaphore_mem>>) src(%dma_wait3A_732 : memref<48x128xf32, #tpu.memory_space<vmem>>) dst(%dma_wait3A_728 : memref<48x128xf32, #tpu.memory_space<vmem_shared>>)
      tpu.yield
    }) : () -> ()
    %add3A_36 = arith.constant 384 : i32
    %add3A_37 = arith.addi %mul3A_2, %add3A_36 : i32
    %run_scoped3A_38 = arith.constant 3 : i32
    "tpu.region"() ({
      %run_scoped3A_708 = tpu.sem_alloc : memref<!tpu.dma_semaphore, #tpu.memory_space<semaphore_mem>>
      %dma_start3A_709 = arith.constant 0 : i32
      %dma_start3A_710 = arith.constant 0 : i32
      %dma_start3A_711 = tpu.memref_slice %arg8[%run_scoped3A_38, %dma_start3A_709, %dma_start3A_710] : memref<4x48x128xf32, #tpu.memory_space<vmem>> -> memref<1x48x128xf32, #tpu.memory_space<vmem>>
      %dma_start3A_712 = tpu.memref_squeeze %dma_start3A_711 : memref<1x48x128xf32, #tpu.memory_space<vmem>> -> memref<48x128xf32, #tpu.memory_space<vmem>>
      %dma_start3A_713 = arith.constant 0 : i32
      %dma_start3A_714 = tpu.memref_slice %arg9[%add3A_37, %dma_start3A_713] : memref<10240x128xf32, #tpu.memory_space<vmem_shared>> -> memref<48x128xf32, #tpu.memory_space<vmem_shared>>
      %dma_start3A_715 = arith.constant 0 : i32
      %dma_start3A_716 = tpu.memref_slice %arg9[%add3A_37, %dma_start3A_715] : memref<10240x128xf32, #tpu.memory_space<vmem_shared>> -> memref<48x128xf32, #tpu.memory_space<vmem_shared>>
      %dma_start3A_717 = arith.constant 0 : i32
      %dma_start3A_718 = arith.constant 0 : i32
      %dma_start3A_719 = tpu.memref_slice %arg8[%run_scoped3A_38, %dma_start3A_717, %dma_start3A_718] : memref<4x48x128xf32, #tpu.memory_space<vmem>> -> memref<1x48x128xf32, #tpu.memory_space<vmem>>
      %dma_start3A_720 = tpu.memref_squeeze %dma_start3A_719 : memref<1x48x128xf32, #tpu.memory_space<vmem>> -> memref<48x128xf32, #tpu.memory_space<vmem>>
      tpu.enqueue_dma source(%dma_start3A_720 : memref<48x128xf32, #tpu.memory_space<vmem>>) target(%dma_start3A_716 : memref<48x128xf32, #tpu.memory_space<vmem_shared>>) target_semaphore(%run_scoped3A_708 : memref<!tpu.dma_semaphore, #tpu.memory_space<semaphore_mem>>)
      %dma_wait3A_721 = arith.constant 0 : i32
      %dma_wait3A_722 = arith.constant 0 : i32
      %dma_wait3A_723 = tpu.memref_slice %arg8[%run_scoped3A_38, %dma_wait3A_721, %dma_wait3A_722] : memref<4x48x128xf32, #tpu.memory_space<vmem>> -> memref<1x48x128xf32, #tpu.memory_space<vmem>>
      %dma_wait3A_724 = tpu.memref_squeeze %dma_wait3A_723 : memref<1x48x128xf32, #tpu.memory_space<vmem>> -> memref<48x128xf32, #tpu.memory_space<vmem>>
      %dma_wait3A_725 = arith.constant 0 : i32
      %dma_wait3A_726 = tpu.memref_slice %arg9[%add3A_37, %dma_wait3A_725] : memref<10240x128xf32, #tpu.memory_space<vmem_shared>> -> memref<48x128xf32, #tpu.memory_space<vmem_shared>>
      %dma_wait3A_727 = arith.constant 0 : i32
      %dma_wait3A_728 = tpu.memref_slice %arg9[%add3A_37, %dma_wait3A_727] : memref<10240x128xf32, #tpu.memory_space<vmem_shared>> -> memref<48x128xf32, #tpu.memory_space<vmem_shared>>
      %dma_wait3A_729 = arith.constant 0 : i32
      %dma_wait3A_730 = arith.constant 0 : i32
      %dma_wait3A_731 = tpu.memref_slice %arg8[%run_scoped3A_38, %dma_wait3A_729, %dma_wait3A_730] : memref<4x48x128xf32, #tpu.memory_space<vmem>> -> memref<1x48x128xf32, #tpu.memory_space<vmem>>
      %dma_wait3A_732 = tpu.memref_squeeze %dma_wait3A_731 : memref<1x48x128xf32, #tpu.memory_space<vmem>> -> memref<48x128xf32, #tpu.memory_space<vmem>>
      tpu.wait_dma2 semaphore(%run_scoped3A_708 : memref<!tpu.dma_semaphore, #tpu.memory_space<semaphore_mem>>) src(%dma_wait3A_732 : memref<48x128xf32, #tpu.memory_space<vmem>>) dst(%dma_wait3A_728 : memref<48x128xf32, #tpu.memory_space<vmem_shared>>)
      tpu.yield
    }) : () -> ()
    %add3A_39 = arith.constant 432 : i32
    %add3A_40 = arith.addi %mul3A_2, %add3A_39 : i32
    %run_scoped3A_41 = arith.constant 3 : i32
    "tpu.region"() ({
      %run_scoped3A_708 = tpu.sem_alloc : memref<!tpu.dma_semaphore, #tpu.memory_space<semaphore_mem>>
      %dma_start3A_709 = arith.constant 0 : i32
      %dma_start3A_710 = arith.constant 0 : i32
      %dma_start3A_711 = tpu.memref_slice %arg8[%run_scoped3A_41, %dma_start3A_709, %dma_start3A_710] : memref<4x48x128xf32, #tpu.memory_space<vmem>> -> memref<1x48x128xf32, #tpu.memory_space<vmem>>
      %dma_start3A_712 = tpu.memref_squeeze %dma_start3A_711 : memref<1x48x128xf32, #tpu.memory_space<vmem>> -> memref<48x128xf32, #tpu.memory_space<vmem>>
      %dma_start3A_713 = arith.constant 0 : i32
      %dma_start3A_714 = tpu.memref_slice %arg9[%add3A_40, %dma_start3A_713] : memref<10240x128xf32, #tpu.memory_space<vmem_shared>> -> memref<48x128xf32, #tpu.memory_space<vmem_shared>>
      %dma_start3A_715 = arith.constant 0 : i32
      %dma_start3A_716 = tpu.memref_slice %arg9[%add3A_40, %dma_start3A_715] : memref<10240x128xf32, #tpu.memory_space<vmem_shared>> -> memref<48x128xf32, #tpu.memory_space<vmem_shared>>
      %dma_start3A_717 = arith.constant 0 : i32
      %dma_start3A_718 = arith.constant 0 : i32
      %dma_start3A_719 = tpu.memref_slice %arg8[%run_scoped3A_41, %dma_start3A_717, %dma_start3A_718] : memref<4x48x128xf32, #tpu.memory_space<vmem>> -> memref<1x48x128xf32, #tpu.memory_space<vmem>>
      %dma_start3A_720 = tpu.memref_squeeze %dma_start3A_719 : memref<1x48x128xf32, #tpu.memory_space<vmem>> -> memref<48x128xf32, #tpu.memory_space<vmem>>
      tpu.enqueue_dma source(%dma_start3A_720 : memref<48x128xf32, #tpu.memory_space<vmem>>) target(%dma_start3A_716 : memref<48x128xf32, #tpu.memory_space<vmem_shared>>) target_semaphore(%run_scoped3A_708 : memref<!tpu.dma_semaphore, #tpu.memory_space<semaphore_mem>>)
      %dma_wait3A_721 = arith.constant 0 : i32
      %dma_wait3A_722 = arith.constant 0 : i32
      %dma_wait3A_723 = tpu.memref_slice %arg8[%run_scoped3A_41, %dma_wait3A_721, %dma_wait3A_722] : memref<4x48x128xf32, #tpu.memory_space<vmem>> -> memref<1x48x128xf32, #tpu.memory_space<vmem>>
      %dma_wait3A_724 = tpu.memref_squeeze %dma_wait3A_723 : memref<1x48x128xf32, #tpu.memory_space<vmem>> -> memref<48x128xf32, #tpu.memory_space<vmem>>
      %dma_wait3A_725 = arith.constant 0 : i32
      %dma_wait3A_726 = tpu.memref_slice %arg9[%add3A_40, %dma_wait3A_725] : memref<10240x128xf32, #tpu.memory_space<vmem_shared>> -> memref<48x128xf32, #tpu.memory_space<vmem_shared>>
      %dma_wait3A_727 = arith.constant 0 : i32
      %dma_wait3A_728 = tpu.memref_slice %arg9[%add3A_40, %dma_wait3A_727] : memref<10240x128xf32, #tpu.memory_space<vmem_shared>> -> memref<48x128xf32, #tpu.memory_space<vmem_shared>>
      %dma_wait3A_729 = arith.constant 0 : i32
      %dma_wait3A_730 = arith.constant 0 : i32
      %dma_wait3A_731 = tpu.memref_slice %arg8[%run_scoped3A_41, %dma_wait3A_729, %dma_wait3A_730] : memref<4x48x128xf32, #tpu.memory_space<vmem>> -> memref<1x48x128xf32, #tpu.memory_space<vmem>>
      %dma_wait3A_732 = tpu.memref_squeeze %dma_wait3A_731 : memref<1x48x128xf32, #tpu.memory_space<vmem>> -> memref<48x128xf32, #tpu.memory_space<vmem>>
      tpu.wait_dma2 semaphore(%run_scoped3A_708 : memref<!tpu.dma_semaphore, #tpu.memory_space<semaphore_mem>>) src(%dma_wait3A_732 : memref<48x128xf32, #tpu.memory_space<vmem>>) dst(%dma_wait3A_728 : memref<48x128xf32, #tpu.memory_space<vmem_shared>>)
      tpu.yield
    }) : () -> ()
    %add3A_42 = arith.constant 480 : i32
    %add3A_43 = arith.addi %mul3A_2, %add3A_42 : i32
    %run_scoped3A_44 = arith.constant 3 : i32
    "tpu.region"() ({
      %run_scoped3A_708 = tpu.sem_alloc : memref<!tpu.dma_semaphore, #tpu.memory_space<semaphore_mem>>
      %dma_start3A_709 = arith.constant 0 : i32
      %dma_start3A_710 = arith.constant 0 : i32
      %dma_start3A_711 = tpu.memref_slice %arg8[%run_scoped3A_44, %dma_start3A_709, %dma_start3A_710] : memref<4x48x128xf32, #tpu.memory_space<vmem>> -> memref<1x48x128xf32, #tpu.memory_space<vmem>>
      %dma_start3A_712 = tpu.memref_squeeze %dma_start3A_711 : memref<1x48x128xf32, #tpu.memory_space<vmem>> -> memref<48x128xf32, #tpu.memory_space<vmem>>
      %dma_start3A_713 = arith.constant 0 : i32
      %dma_start3A_714 = tpu.memref_slice %arg9[%add3A_43, %dma_start3A_713] : memref<10240x128xf32, #tpu.memory_space<vmem_shared>> -> memref<48x128xf32, #tpu.memory_space<vmem_shared>>
      %dma_start3A_715 = arith.constant 0 : i32
      %dma_start3A_716 = tpu.memref_slice %arg9[%add3A_43, %dma_start3A_715] : memref<10240x128xf32, #tpu.memory_space<vmem_shared>> -> memref<48x128xf32, #tpu.memory_space<vmem_shared>>
      %dma_start3A_717 = arith.constant 0 : i32
      %dma_start3A_718 = arith.constant 0 : i32
      %dma_start3A_719 = tpu.memref_slice %arg8[%run_scoped3A_44, %dma_start3A_717, %dma_start3A_718] : memref<4x48x128xf32, #tpu.memory_space<vmem>> -> memref<1x48x128xf32, #tpu.memory_space<vmem>>
      %dma_start3A_720 = tpu.memref_squeeze %dma_start3A_719 : memref<1x48x128xf32, #tpu.memory_space<vmem>> -> memref<48x128xf32, #tpu.memory_space<vmem>>
      tpu.enqueue_dma source(%dma_start3A_720 : memref<48x128xf32, #tpu.memory_space<vmem>>) target(%dma_start3A_716 : memref<48x128xf32, #tpu.memory_space<vmem_shared>>) target_semaphore(%run_scoped3A_708 : memref<!tpu.dma_semaphore, #tpu.memory_space<semaphore_mem>>)
      %dma_wait3A_721 = arith.constant 0 : i32
      %dma_wait3A_722 = arith.constant 0 : i32
      %dma_wait3A_723 = tpu.memref_slice %arg8[%run_scoped3A_44, %dma_wait3A_721, %dma_wait3A_722] : memref<4x48x128xf32, #tpu.memory_space<vmem>> -> memref<1x48x128xf32, #tpu.memory_space<vmem>>
      %dma_wait3A_724 = tpu.memref_squeeze %dma_wait3A_723 : memref<1x48x128xf32, #tpu.memory_space<vmem>> -> memref<48x128xf32, #tpu.memory_space<vmem>>
      %dma_wait3A_725 = arith.constant 0 : i32
      %dma_wait3A_726 = tpu.memref_slice %arg9[%add3A_43, %dma_wait3A_725] : memref<10240x128xf32, #tpu.memory_space<vmem_shared>> -> memref<48x128xf32, #tpu.memory_space<vmem_shared>>
      %dma_wait3A_727 = arith.constant 0 : i32
      %dma_wait3A_728 = tpu.memref_slice %arg9[%add3A_43, %dma_wait3A_727] : memref<10240x128xf32, #tpu.memory_space<vmem_shared>> -> memref<48x128xf32, #tpu.memory_space<vmem_shared>>
      %dma_wait3A_729 = arith.constant 0 : i32
      %dma_wait3A_730 = arith.constant 0 : i32
      %dma_wait3A_731 = tpu.memref_slice %arg8[%run_scoped3A_44, %dma_wait3A_729, %dma_wait3A_730] : memref<4x48x128xf32, #tpu.memory_space<vmem>> -> memref<1x48x128xf32, #tpu.memory_space<vmem>>
      %dma_wait3A_732 = tpu.memref_squeeze %dma_wait3A_731 : memref<1x48x128xf32, #tpu.memory_space<vmem>> -> memref<48x128xf32, #tpu.memory_space<vmem>>
      tpu.wait_dma2 semaphore(%run_scoped3A_708 : memref<!tpu.dma_semaphore, #tpu.memory_space<semaphore_mem>>) src(%dma_wait3A_732 : memref<48x128xf32, #tpu.memory_space<vmem>>) dst(%dma_wait3A_728 : memref<48x128xf32, #tpu.memory_space<vmem_shared>>)
      tpu.yield
    }) : () -> ()
    %add3A_45 = arith.constant 528 : i32
    %add3A_46 = arith.addi %mul3A_2, %add3A_45 : i32
    %run_scoped3A_47 = arith.constant 3 : i32
    "tpu.region"() ({
      %run_scoped3A_708 = tpu.sem_alloc : memref<!tpu.dma_semaphore, #tpu.memory_space<semaphore_mem>>
      %dma_start3A_709 = arith.constant 0 : i32
      %dma_start3A_710 = arith.constant 0 : i32
      %dma_start3A_711 = tpu.memref_slice %arg8[%run_scoped3A_47, %dma_start3A_709, %dma_start3A_710] : memref<4x48x128xf32, #tpu.memory_space<vmem>> -> memref<1x48x128xf32, #tpu.memory_space<vmem>>
      %dma_start3A_712 = tpu.memref_squeeze %dma_start3A_711 : memref<1x48x128xf32, #tpu.memory_space<vmem>> -> memref<48x128xf32, #tpu.memory_space<vmem>>
      %dma_start3A_713 = arith.constant 0 : i32
      %dma_start3A_714 = tpu.memref_slice %arg9[%add3A_46, %dma_start3A_713] : memref<10240x128xf32, #tpu.memory_space<vmem_shared>> -> memref<48x128xf32, #tpu.memory_space<vmem_shared>>
      %dma_start3A_715 = arith.constant 0 : i32
      %dma_start3A_716 = tpu.memref_slice %arg9[%add3A_46, %dma_start3A_715] : memref<10240x128xf32, #tpu.memory_space<vmem_shared>> -> memref<48x128xf32, #tpu.memory_space<vmem_shared>>
      %dma_start3A_717 = arith.constant 0 : i32
      %dma_start3A_718 = arith.constant 0 : i32
      %dma_start3A_719 = tpu.memref_slice %arg8[%run_scoped3A_47, %dma_start3A_717, %dma_start3A_718] : memref<4x48x128xf32, #tpu.memory_space<vmem>> -> memref<1x48x128xf32, #tpu.memory_space<vmem>>
      %dma_start3A_720 = tpu.memref_squeeze %dma_start3A_719 : memref<1x48x128xf32, #tpu.memory_space<vmem>> -> memref<48x128xf32, #tpu.memory_space<vmem>>
      tpu.enqueue_dma source(%dma_start3A_720 : memref<48x128xf32, #tpu.memory_space<vmem>>) target(%dma_start3A_716 : memref<48x128xf32, #tpu.memory_space<vmem_shared>>) target_semaphore(%run_scoped3A_708 : memref<!tpu.dma_semaphore, #tpu.memory_space<semaphore_mem>>)
      %dma_wait3A_721 = arith.constant 0 : i32
      %dma_wait3A_722 = arith.constant 0 : i32
      %dma_wait3A_723 = tpu.memref_slice %arg8[%run_scoped3A_47, %dma_wait3A_721, %dma_wait3A_722] : memref<4x48x128xf32, #tpu.memory_space<vmem>> -> memref<1x48x128xf32, #tpu.memory_space<vmem>>
      %dma_wait3A_724 = tpu.memref_squeeze %dma_wait3A_723 : memref<1x48x128xf32, #tpu.memory_space<vmem>> -> memref<48x128xf32, #tpu.memory_space<vmem>>
      %dma_wait3A_725 = arith.constant 0 : i32
      %dma_wait3A_726 = tpu.memref_slice %arg9[%add3A_46, %dma_wait3A_725] : memref<10240x128xf32, #tpu.memory_space<vmem_shared>> -> memref<48x128xf32, #tpu.memory_space<vmem_shared>>
      %dma_wait3A_727 = arith.constant 0 : i32
      %dma_wait3A_728 = tpu.memref_slice %arg9[%add3A_46, %dma_wait3A_727] : memref<10240x128xf32, #tpu.memory_space<vmem_shared>> -> memref<48x128xf32, #tpu.memory_space<vmem_shared>>
      %dma_wait3A_729 = arith.constant 0 : i32
      %dma_wait3A_730 = arith.constant 0 : i32
      %dma_wait3A_731 = tpu.memref_slice %arg8[%run_scoped3A_47, %dma_wait3A_729, %dma_wait3A_730] : memref<4x48x128xf32, #tpu.memory_space<vmem>> -> memref<1x48x128xf32, #tpu.memory_space<vmem>>
      %dma_wait3A_732 = tpu.memref_squeeze %dma_wait3A_731 : memref<1x48x128xf32, #tpu.memory_space<vmem>> -> memref<48x128xf32, #tpu.memory_space<vmem>>
      tpu.wait_dma2 semaphore(%run_scoped3A_708 : memref<!tpu.dma_semaphore, #tpu.memory_space<semaphore_mem>>) src(%dma_wait3A_732 : memref<48x128xf32, #tpu.memory_space<vmem>>) dst(%dma_wait3A_728 : memref<48x128xf32, #tpu.memory_space<vmem_shared>>)
      tpu.yield
    }) : () -> ()
    %add3A_48 = arith.constant 576 : i32
    %add3A_49 = arith.addi %mul3A_2, %add3A_48 : i32
    %run_scoped3A_50 = arith.constant 3 : i32
    "tpu.region"() ({
      %run_scoped3A_708 = tpu.sem_alloc : memref<!tpu.dma_semaphore, #tpu.memory_space<semaphore_mem>>
      %dma_start3A_709 = arith.constant 0 : i32
      %dma_start3A_710 = arith.constant 0 : i32
      %dma_start3A_711 = tpu.memref_slice %arg8[%run_scoped3A_50, %dma_start3A_709, %dma_start3A_710] : memref<4x48x128xf32, #tpu.memory_space<vmem>> -> memref<1x48x128xf32, #tpu.memory_space<vmem>>
      %dma_start3A_712 = tpu.memref_squeeze %dma_start3A_711 : memref<1x48x128xf32, #tpu.memory_space<vmem>> -> memref<48x128xf32, #tpu.memory_space<vmem>>
      %dma_start3A_713 = arith.constant 0 : i32
      %dma_start3A_714 = tpu.memref_slice %arg9[%add3A_49, %dma_start3A_713] : memref<10240x128xf32, #tpu.memory_space<vmem_shared>> -> memref<48x128xf32, #tpu.memory_space<vmem_shared>>
      %dma_start3A_715 = arith.constant 0 : i32
      %dma_start3A_716 = tpu.memref_slice %arg9[%add3A_49, %dma_start3A_715] : memref<10240x128xf32, #tpu.memory_space<vmem_shared>> -> memref<48x128xf32, #tpu.memory_space<vmem_shared>>
      %dma_start3A_717 = arith.constant 0 : i32
      %dma_start3A_718 = arith.constant 0 : i32
      %dma_start3A_719 = tpu.memref_slice %arg8[%run_scoped3A_50, %dma_start3A_717, %dma_start3A_718] : memref<4x48x128xf32, #tpu.memory_space<vmem>> -> memref<1x48x128xf32, #tpu.memory_space<vmem>>
      %dma_start3A_720 = tpu.memref_squeeze %dma_start3A_719 : memref<1x48x128xf32, #tpu.memory_space<vmem>> -> memref<48x128xf32, #tpu.memory_space<vmem>>
      tpu.enqueue_dma source(%dma_start3A_720 : memref<48x128xf32, #tpu.memory_space<vmem>>) target(%dma_start3A_716 : memref<48x128xf32, #tpu.memory_space<vmem_shared>>) target_semaphore(%run_scoped3A_708 : memref<!tpu.dma_semaphore, #tpu.memory_space<semaphore_mem>>)
      %dma_wait3A_721 = arith.constant 0 : i32
      %dma_wait3A_722 = arith.constant 0 : i32
      %dma_wait3A_723 = tpu.memref_slice %arg8[%run_scoped3A_50, %dma_wait3A_721, %dma_wait3A_722] : memref<4x48x128xf32, #tpu.memory_space<vmem>> -> memref<1x48x128xf32, #tpu.memory_space<vmem>>
      %dma_wait3A_724 = tpu.memref_squeeze %dma_wait3A_723 : memref<1x48x128xf32, #tpu.memory_space<vmem>> -> memref<48x128xf32, #tpu.memory_space<vmem>>
      %dma_wait3A_725 = arith.constant 0 : i32
      %dma_wait3A_726 = tpu.memref_slice %arg9[%add3A_49, %dma_wait3A_725] : memref<10240x128xf32, #tpu.memory_space<vmem_shared>> -> memref<48x128xf32, #tpu.memory_space<vmem_shared>>
      %dma_wait3A_727 = arith.constant 0 : i32
      %dma_wait3A_728 = tpu.memref_slice %arg9[%add3A_49, %dma_wait3A_727] : memref<10240x128xf32, #tpu.memory_space<vmem_shared>> -> memref<48x128xf32, #tpu.memory_space<vmem_shared>>
      %dma_wait3A_729 = arith.constant 0 : i32
      %dma_wait3A_730 = arith.constant 0 : i32
      %dma_wait3A_731 = tpu.memref_slice %arg8[%run_scoped3A_50, %dma_wait3A_729, %dma_wait3A_730] : memref<4x48x128xf32, #tpu.memory_space<vmem>> -> memref<1x48x128xf32, #tpu.memory_space<vmem>>
      %dma_wait3A_732 = tpu.memref_squeeze %dma_wait3A_731 : memref<1x48x128xf32, #tpu.memory_space<vmem>> -> memref<48x128xf32, #tpu.memory_space<vmem>>
      tpu.wait_dma2 semaphore(%run_scoped3A_708 : memref<!tpu.dma_semaphore, #tpu.memory_space<semaphore_mem>>) src(%dma_wait3A_732 : memref<48x128xf32, #tpu.memory_space<vmem>>) dst(%dma_wait3A_728 : memref<48x128xf32, #tpu.memory_space<vmem_shared>>)
      tpu.yield
    }) : () -> ()
    %add3A_51 = arith.constant 624 : i32
    %add3A_52 = arith.addi %mul3A_2, %add3A_51 : i32
    %run_scoped3A_53 = arith.constant 3 : i32
    "tpu.region"() ({
      %run_scoped3A_708 = tpu.sem_alloc : memref<!tpu.dma_semaphore, #tpu.memory_space<semaphore_mem>>
      %dma_start3A_709 = arith.constant 0 : i32
      %dma_start3A_710 = arith.constant 0 : i32
      %dma_start3A_711 = tpu.memref_slice %arg8[%run_scoped3A_53, %dma_start3A_709, %dma_start3A_710] : memref<4x48x128xf32, #tpu.memory_space<vmem>> -> memref<1x16x128xf32, #tpu.memory_space<vmem>>
      %dma_start3A_712 = tpu.memref_squeeze %dma_start3A_711 : memref<1x16x128xf32, #tpu.memory_space<vmem>> -> memref<16x128xf32, #tpu.memory_space<vmem>>
      %dma_start3A_713 = arith.constant 0 : i32
      %dma_start3A_714 = tpu.memref_slice %arg9[%add3A_52, %dma_start3A_713] : memref<10240x128xf32, #tpu.memory_space<vmem_shared>> -> memref<16x128xf32, #tpu.memory_space<vmem_shared>>
      %dma_start3A_715 = arith.constant 0 : i32
      %dma_start3A_716 = tpu.memref_slice %arg9[%add3A_52, %dma_start3A_715] : memref<10240x128xf32, #tpu.memory_space<vmem_shared>> -> memref<16x128xf32, #tpu.memory_space<vmem_shared>>
      %dma_start3A_717 = arith.constant 0 : i32
      %dma_start3A_718 = arith.constant 0 : i32
      %dma_start3A_719 = tpu.memref_slice %arg8[%run_scoped3A_53, %dma_start3A_717, %dma_start3A_718] : memref<4x48x128xf32, #tpu.memory_space<vmem>> -> memref<1x16x128xf32, #tpu.memory_space<vmem>>
      %dma_start3A_720 = tpu.memref_squeeze %dma_start3A_719 : memref<1x16x128xf32, #tpu.memory_space<vmem>> -> memref<16x128xf32, #tpu.memory_space<vmem>>
      tpu.enqueue_dma source(%dma_start3A_720 : memref<16x128xf32, #tpu.memory_space<vmem>>) target(%dma_start3A_716 : memref<16x128xf32, #tpu.memory_space<vmem_shared>>) target_semaphore(%run_scoped3A_708 : memref<!tpu.dma_semaphore, #tpu.memory_space<semaphore_mem>>)
      %dma_wait3A_721 = arith.constant 0 : i32
      %dma_wait3A_722 = arith.constant 0 : i32
      %dma_wait3A_723 = tpu.memref_slice %arg8[%run_scoped3A_53, %dma_wait3A_721, %dma_wait3A_722] : memref<4x48x128xf32, #tpu.memory_space<vmem>> -> memref<1x16x128xf32, #tpu.memory_space<vmem>>
      %dma_wait3A_724 = tpu.memref_squeeze %dma_wait3A_723 : memref<1x16x128xf32, #tpu.memory_space<vmem>> -> memref<16x128xf32, #tpu.memory_space<vmem>>
      %dma_wait3A_725 = arith.constant 0 : i32
      %dma_wait3A_726 = tpu.memref_slice %arg9[%add3A_52, %dma_wait3A_725] : memref<10240x128xf32, #tpu.memory_space<vmem_shared>> -> memref<16x128xf32, #tpu.memory_space<vmem_shared>>
      %dma_wait3A_727 = arith.constant 0 : i32
      %dma_wait3A_728 = tpu.memref_slice %arg9[%add3A_52, %dma_wait3A_727] : memref<10240x128xf32, #tpu.memory_space<vmem_shared>> -> memref<16x128xf32, #tpu.memory_space<vmem_shared>>
      %dma_wait3A_729 = arith.constant 0 : i32
      %dma_wait3A_730 = arith.constant 0 : i32
      %dma_wait3A_731 = tpu.memref_slice %arg8[%run_scoped3A_53, %dma_wait3A_729, %dma_wait3A_730] : memref<4x48x128xf32, #tpu.memory_space<vmem>> -> memref<1x16x128xf32, #tpu.memory_space<vmem>>
      %dma_wait3A_732 = tpu.memref_squeeze %dma_wait3A_731 : memref<1x16x128xf32, #tpu.memory_space<vmem>> -> memref<16x128xf32, #tpu.memory_space<vmem>>
      tpu.wait_dma2 semaphore(%run_scoped3A_708 : memref<!tpu.dma_semaphore, #tpu.memory_space<semaphore_mem>>) src(%dma_wait3A_732 : memref<16x128xf32, #tpu.memory_space<vmem>>) dst(%dma_wait3A_728 : memref<16x128xf32, #tpu.memory_space<vmem_shared>>)
      tpu.yield
    }) : () -> ()
    %barrier3A = arith.constant 0 : index
    tpu.barrier barrier_id(%barrier3A)
    %dma_start3A = arith.constant 0 : i32
    %dma_start3A_54 = arith.constant 0 : i32
    %dma_start3A_55 = arith.constant 0 : i32
    %dma_start3A_56 = tpu.memref_slice %arg8[%dma_start3A, %dma_start3A_54, %dma_start3A_55] : memref<4x48x128xf32, #tpu.memory_space<vmem>> -> memref<1x48x128xf32, #tpu.memory_space<vmem>>
    %dma_start3A_57 = tpu.memref_squeeze %dma_start3A_56 : memref<1x48x128xf32, #tpu.memory_space<vmem>> -> memref<48x128xf32, #tpu.memory_space<vmem>>
    %dma_start3A_58 = arith.constant 0 : i32
    %dma_start3A_59 = tpu.memref_slice %arg6[%dma_start3A_58] : memref<10000xi32, #tpu.memory_space<vmem>> -> memref<48xi32, #tpu.memory_space<vmem>>
    %dma_start3A_60 = arith.constant 0 : i32
    %dma_start3A_61 = arith.constant 0 : i32
    %dma_start3A_62 = tpu.memref_slice %arg2[%dma_start3A_60, %dma_start3A_61] : memref<10000x128xf32, #tpu.memory_space<hbm>> -> memref<10000x128xf32, #tpu.memory_space<hbm>>
    tpu.enqueue_indirect_dma source(%dma_start3A_62 : memref<10000x128xf32, #tpu.memory_space<hbm>>) target(%dma_start3A_57 : memref<48x128xf32, #tpu.memory_space<vmem>>) offsets(%dma_start3A_59 : memref<48xi32, #tpu.memory_space<vmem>>) semaphore(%arg10 : memref<!tpu.dma_semaphore, #tpu.memory_space<semaphore_mem>>)
    %dma_start3A_63 = arith.constant 1 : i32
    %dma_start3A_64 = arith.constant 0 : i32
    %dma_start3A_65 = arith.constant 0 : i32
    %dma_start3A_66 = tpu.memref_slice %arg8[%dma_start3A_63, %dma_start3A_64, %dma_start3A_65] : memref<4x48x128xf32, #tpu.memory_space<vmem>> -> memref<1x48x128xf32, #tpu.memory_space<vmem>>
    %dma_start3A_67 = tpu.memref_squeeze %dma_start3A_66 : memref<1x48x128xf32, #tpu.memory_space<vmem>> -> memref<48x128xf32, #tpu.memory_space<vmem>>
    %dma_start3A_68 = arith.constant 48 : i32
    %dma_start3A_69 = tpu.memref_slice %arg6[%dma_start3A_68] : memref<10000xi32, #tpu.memory_space<vmem>> -> memref<48xi32, #tpu.memory_space<vmem>>
    %dma_start3A_70 = arith.constant 0 : i32
    %dma_start3A_71 = arith.constant 0 : i32
    %dma_start3A_72 = tpu.memref_slice %arg2[%dma_start3A_70, %dma_start3A_71] : memref<10000x128xf32, #tpu.memory_space<hbm>> -> memref<10000x128xf32, #tpu.memory_space<hbm>>
    tpu.enqueue_indirect_dma source(%dma_start3A_72 : memref<10000x128xf32, #tpu.memory_space<hbm>>) target(%dma_start3A_67 : memref<48x128xf32, #tpu.memory_space<vmem>>) offsets(%dma_start3A_69 : memref<48xi32, #tpu.memory_space<vmem>>) semaphore(%arg11 : memref<!tpu.dma_semaphore, #tpu.memory_space<semaphore_mem>>)
    %dma_start3A_73 = arith.constant 2 : i32
    %dma_start3A_74 = arith.constant 0 : i32
    %dma_start3A_75 = arith.constant 0 : i32
    %dma_start3A_76 = tpu.memref_slice %arg8[%dma_start3A_73, %dma_start3A_74, %dma_start3A_75] : memref<4x48x128xf32, #tpu.memory_space<vmem>> -> memref<1x48x128xf32, #tpu.memory_space<vmem>>
    %dma_start3A_77 = tpu.memref_squeeze %dma_start3A_76 : memref<1x48x128xf32, #tpu.memory_space<vmem>> -> memref<48x128xf32, #tpu.memory_space<vmem>>
    %dma_start3A_78 = arith.constant 96 : i32
    %dma_start3A_79 = tpu.memref_slice %arg6[%dma_start3A_78] : memref<10000xi32, #tpu.memory_space<vmem>> -> memref<48xi32, #tpu.memory_space<vmem>>
    %dma_start3A_80 = arith.constant 0 : i32
    %dma_start3A_81 = arith.constant 0 : i32
    %dma_start3A_82 = tpu.memref_slice %arg2[%dma_start3A_80, %dma_start3A_81] : memref<10000x128xf32, #tpu.memory_space<hbm>> -> memref<10000x128xf32, #tpu.memory_space<hbm>>
    tpu.enqueue_indirect_dma source(%dma_start3A_82 : memref<10000x128xf32, #tpu.memory_space<hbm>>) target(%dma_start3A_77 : memref<48x128xf32, #tpu.memory_space<vmem>>) offsets(%dma_start3A_79 : memref<48xi32, #tpu.memory_space<vmem>>) semaphore(%arg12 : memref<!tpu.dma_semaphore, #tpu.memory_space<semaphore_mem>>)
    %scan3A_83 = arith.constant 0 : i32
    %scan3A_84 = arith.constant 0 : i32
    %scan3A_85 = arith.constant 50 : i32
    %scan3A_86 = arith.addi %scan3A_84, %scan3A_85 : i32
    %scan3A_87 = arith.constant 1 : i32
    scf.for %scan3A_708 = %scan3A_84 to %scan3A_86 step %scan3A_87  : i32 {
      %mul3A_709 = arith.constant 4 : i32
      %mul3A_710 = arith.muli %scan3A_708, %mul3A_709 : i32
      %add3A_711 = arith.constant 0 : i32
      %add3A_712 = arith.addi %mul3A_710, %add3A_711 : i32
      %dma_wait3A_713 = arith.constant 0 : i32
      %dma_wait3A_714 = arith.constant 0 : i32
      %dma_wait3A_715 = arith.constant 0 : i32
      %dma_wait3A_716 = tpu.memref_slice %arg8[%dma_wait3A_713, %dma_wait3A_714, %dma_wait3A_715] : memref<4x48x128xf32, #tpu.memory_space<vmem>> -> memref<1x48x128xf32, #tpu.memory_space<vmem>>
      %dma_wait3A_717 = tpu.memref_squeeze %dma_wait3A_716 : memref<1x48x128xf32, #tpu.memory_space<vmem>> -> memref<48x128xf32, #tpu.memory_space<vmem>>
      %dma_wait3A_718 = arith.constant 0 : i32
      %dma_wait3A_719 = arith.constant 0 : i32
      %dma_wait3A_720 = tpu.memref_slice %arg2[%dma_wait3A_718, %dma_wait3A_719] : memref<10000x128xf32, #tpu.memory_space<hbm>> -> memref<48x128xf32, #tpu.memory_space<hbm>>
      %dma_wait3A_721 = arith.constant 0 : i32
      %dma_wait3A_722 = arith.constant 0 : i32
      %dma_wait3A_723 = tpu.memref_slice %arg8[%dma_wait3A_713, %dma_wait3A_721, %dma_wait3A_722] : memref<4x48x128xf32, #tpu.memory_space<vmem>> -> memref<1x48x128xf32, #tpu.memory_space<vmem>>
      %dma_wait3A_724 = tpu.memref_squeeze %dma_wait3A_723 : memref<1x48x128xf32, #tpu.memory_space<vmem>> -> memref<48x128xf32, #tpu.memory_space<vmem>>
      %dma_wait3A_725 = arith.constant 0 : i32
      %dma_wait3A_726 = arith.constant 0 : i32
      %dma_wait3A_727 = tpu.memref_slice %arg2[%dma_wait3A_725, %dma_wait3A_726] : memref<10000x128xf32, #tpu.memory_space<hbm>> -> memref<48x128xf32, #tpu.memory_space<hbm>>
      tpu.wait_dma2 semaphore(%arg10 : memref<!tpu.dma_semaphore, #tpu.memory_space<semaphore_mem>>) src(%dma_wait3A_727 : memref<48x128xf32, #tpu.memory_space<hbm>>) dst(%dma_wait3A_724 : memref<48x128xf32, #tpu.memory_space<vmem>>)
      %ge3A = arith.constant 1 : i32
      %ge3A_728 = arith.cmpi sge, %add3A_712, %ge3A : i32
      %convert_element_type3A = arith.extui %ge3A_728 : i1 to i32
      %cond3A = arith.constant 0 : i32
      %cond3A_729 = arith.cmpi ne, %convert_element_type3A, %cond3A : i32
      scf.if %cond3A_729 {
        %dma_wait3A_1065 = arith.constant 0 : i32
        %dma_wait3A_1066 = arith.constant 0 : i32
        %dma_wait3A_1067 = arith.constant 0 : i32
        %dma_wait3A_1068 = tpu.memref_slice %arg8[%dma_wait3A_1065, %dma_wait3A_1066, %dma_wait3A_1067] : memref<4x48x128xf32, #tpu.memory_space<vmem>> -> memref<1x48x128xf32, #tpu.memory_space<vmem>>
        %dma_wait3A_1069 = tpu.memref_squeeze %dma_wait3A_1068 : memref<1x48x128xf32, #tpu.memory_space<vmem>> -> memref<48x128xf32, #tpu.memory_space<vmem>>
        %dma_wait3A_1070 = arith.constant 0 : i32
        %dma_wait3A_1071 = arith.constant 0 : i32
        %dma_wait3A_1072 = tpu.memref_slice %arg2[%dma_wait3A_1070, %dma_wait3A_1071] : memref<10000x128xf32, #tpu.memory_space<hbm>> -> memref<48x128xf32, #tpu.memory_space<hbm>>
        %dma_wait3A_1073 = arith.constant 0 : i32
        %dma_wait3A_1074 = arith.constant 0 : i32
        %dma_wait3A_1075 = tpu.memref_slice %arg8[%dma_wait3A_1065, %dma_wait3A_1073, %dma_wait3A_1074] : memref<4x48x128xf32, #tpu.memory_space<vmem>> -> memref<1x48x128xf32, #tpu.memory_space<vmem>>
        %dma_wait3A_1076 = tpu.memref_squeeze %dma_wait3A_1075 : memref<1x48x128xf32, #tpu.memory_space<vmem>> -> memref<48x128xf32, #tpu.memory_space<vmem>>
        %dma_wait3A_1077 = arith.constant 0 : i32
        %dma_wait3A_1078 = arith.constant 0 : i32
        %dma_wait3A_1079 = tpu.memref_slice %arg2[%dma_wait3A_1077, %dma_wait3A_1078] : memref<10000x128xf32, #tpu.memory_space<hbm>> -> memref<48x128xf32, #tpu.memory_space<hbm>>
        tpu.wait_dma2 semaphore(%arg14 : memref<!tpu.dma_semaphore, #tpu.memory_space<semaphore_mem>>) src(%dma_wait3A_1079 : memref<48x128xf32, #tpu.memory_space<hbm>>) dst(%dma_wait3A_1076 : memref<48x128xf32, #tpu.memory_space<vmem>>)
      } else {
      }
      %add3A_730 = arith.constant 4 : i32
      %add3A_731 = arith.addi %add3A_712, %add3A_730 : i32
      %sub3A = arith.constant 1 : i32
      %sub3A_732 = arith.subi %add3A_731, %sub3A : i32
      %mul3A_733 = arith.constant 48 : i32
      %mul3A_734 = arith.muli %sub3A_732, %mul3A_733 : i32
      %dma_start3A_735 = arith.constant 3 : i32
      %dma_start3A_736 = arith.constant 0 : i32
      %dma_start3A_737 = arith.constant 0 : i32
      %dma_start3A_738 = tpu.memref_slice %arg8[%dma_start3A_735, %dma_start3A_736, %dma_start3A_737] : memref<4x48x128xf32, #tpu.memory_space<vmem>> -> memref<1x48x128xf32, #tpu.memory_space<vmem>>
      %dma_start3A_739 = tpu.memref_squeeze %dma_start3A_738 : memref<1x48x128xf32, #tpu.memory_space<vmem>> -> memref<48x128xf32, #tpu.memory_space<vmem>>
      %dma_start3A_740 = tpu.memref_slice %arg6[%mul3A_734] : memref<10000xi32, #tpu.memory_space<vmem>> -> memref<48xi32, #tpu.memory_space<vmem>>
      %dma_start3A_741 = arith.constant 0 : i32
      %dma_start3A_742 = arith.constant 0 : i32
      %dma_start3A_743 = tpu.memref_slice %arg2[%dma_start3A_741, %dma_start3A_742] : memref<10000x128xf32, #tpu.memory_space<hbm>> -> memref<10000x128xf32, #tpu.memory_space<hbm>>
      tpu.enqueue_indirect_dma source(%dma_start3A_743 : memref<10000x128xf32, #tpu.memory_space<hbm>>) target(%dma_start3A_739 : memref<48x128xf32, #tpu.memory_space<vmem>>) offsets(%dma_start3A_740 : memref<48xi32, #tpu.memory_space<vmem>>) semaphore(%arg13 : memref<!tpu.dma_semaphore, #tpu.memory_space<semaphore_mem>>)
      %mul3A_744 = arith.constant 48 : i32
      %mul3A_745 = arith.muli %add3A_712, %mul3A_744 : i32
      %add3A_746 = arith.constant 0 : i32
      %add3A_747 = arith.addi %mul3A_745, %add3A_746 : i32
      %get3A_748 = arith.index_cast %add3A_747 : i32 to index
      %get3A_749 = tpu.vector_load %arg7[%get3A_748] {strides = array<i32>} : memref<10000xi32, #tpu.memory_space<vmem>>, vector<16xi32>,
      %get3A_750 = vector.shape_cast %get3A_749 : vector<16xi32> to vector<16xi32>
      %dma_start3A_751 = arith.constant 0 : i32
      %dma_start3A_752 = arith.constant 0 : i32
      %dma_start3A_753 = arith.constant 0 : i32
      %dma_start3A_754 = tpu.memref_slice %arg8[%dma_start3A_751, %dma_start3A_752, %dma_start3A_753] : memref<4x48x128xf32, #tpu.memory_space<vmem>> -> memref<1x16x128xf32, #tpu.memory_space<vmem>>
      %dma_start3A_755 = tpu.memref_squeeze %dma_start3A_754 : memref<1x16x128xf32, #tpu.memory_space<vmem>> -> memref<16x128xf32, #tpu.memory_space<vmem>>
      %dma_start3A_756 = arith.constant 0 : i32
      %dma_start3A_757 = arith.constant 0 : i32
      %dma_start3A_758 = tpu.memref_slice %arg9[%dma_start3A_756, %dma_start3A_757] : memref<10240x128xf32, #tpu.memory_space<vmem_shared>> -> memref<10240x128xf32, #tpu.memory_space<vmem_shared>>
      tpu.enqueue_indirect_dma source(%dma_start3A_755 : memref<16x128xf32, #tpu.memory_space<vmem>>) target(%dma_start3A_758 : memref<10240x128xf32, #tpu.memory_space<vmem_shared>>) offsets(%get3A_750 : vector<16xi32>) semaphore(%arg14 : memref<!tpu.dma_semaphore, #tpu.memory_space<semaphore_mem>>) {add = true}
      %mul3A_759 = arith.constant 48 : i32
      %mul3A_760 = arith.muli %add3A_712, %mul3A_759 : i32
      %add3A_761 = arith.constant 16 : i32
      %add3A_762 = arith.addi %mul3A_760, %add3A_761 : i32
      %get3A_763 = arith.index_cast %add3A_762 : i32 to index
      %get3A_764 = tpu.vector_load %arg7[%get3A_763] {strides = array<i32>} : memref<10000xi32, #tpu.memory_space<vmem>>, vector<16xi32>,
      %get3A_765 = vector.shape_cast %get3A_764 : vector<16xi32> to vector<16xi32>
      %dma_start3A_766 = arith.constant 0 : i32
      %dma_start3A_767 = arith.constant 16 : i32
      %dma_start3A_768 = arith.constant 0 : i32
      %dma_start3A_769 = tpu.memref_slice %arg8[%dma_start3A_766, %dma_start3A_767, %dma_start3A_768] : memref<4x48x128xf32, #tpu.memory_space<vmem>> -> memref<1x16x128xf32, #tpu.memory_space<vmem>>
      %dma_start3A_770 = tpu.memref_squeeze %dma_start3A_769 : memref<1x16x128xf32, #tpu.memory_space<vmem>> -> memref<16x128xf32, #tpu.memory_space<vmem>>
      %dma_start3A_771 = arith.constant 0 : i32
      %dma_start3A_772 = arith.constant 0 : i32
      %dma_start3A_773 = tpu.memref_slice %arg9[%dma_start3A_771, %dma_start3A_772] : memref<10240x128xf32, #tpu.memory_space<vmem_shared>> -> memref<10240x128xf32, #tpu.memory_space<vmem_shared>>
      tpu.enqueue_indirect_dma source(%dma_start3A_770 : memref<16x128xf32, #tpu.memory_space<vmem>>) target(%dma_start3A_773 : memref<10240x128xf32, #tpu.memory_space<vmem_shared>>) offsets(%get3A_765 : vector<16xi32>) semaphore(%arg14 : memref<!tpu.dma_semaphore, #tpu.memory_space<semaphore_mem>>) {add = true}
      %mul3A_774 = arith.constant 48 : i32
      %mul3A_775 = arith.muli %add3A_712, %mul3A_774 : i32
      %add3A_776 = arith.constant 32 : i32
      %add3A_777 = arith.addi %mul3A_775, %add3A_776 : i32
      %get3A_778 = arith.index_cast %add3A_777 : i32 to index
      %get3A_779 = tpu.vector_load %arg7[%get3A_778] {strides = array<i32>} : memref<10000xi32, #tpu.memory_space<vmem>>, vector<16xi32>,
      %get3A_780 = vector.shape_cast %get3A_779 : vector<16xi32> to vector<16xi32>
      %dma_start3A_781 = arith.constant 0 : i32
      %dma_start3A_782 = arith.constant 32 : i32
      %dma_start3A_783 = arith.constant 0 : i32
      %dma_start3A_784 = tpu.memref_slice %arg8[%dma_start3A_781, %dma_start3A_782, %dma_start3A_783] : memref<4x48x128xf32, #tpu.memory_space<vmem>> -> memref<1x16x128xf32, #tpu.memory_space<vmem>>
      %dma_start3A_785 = tpu.memref_squeeze %dma_start3A_784 : memref<1x16x128xf32, #tpu.memory_space<vmem>> -> memref<16x128xf32, #tpu.memory_space<vmem>>
      %dma_start3A_786 = arith.constant 0 : i32
      %dma_start3A_787 = arith.constant 0 : i32
      %dma_start3A_788 = tpu.memref_slice %arg9[%dma_start3A_786, %dma_start3A_787] : memref<10240x128xf32, #tpu.memory_space<vmem_shared>> -> memref<10240x128xf32, #tpu.memory_space<vmem_shared>>
      tpu.enqueue_indirect_dma source(%dma_start3A_785 : memref<16x128xf32, #tpu.memory_space<vmem>>) target(%dma_start3A_788 : memref<10240x128xf32, #tpu.memory_space<vmem_shared>>) offsets(%get3A_780 : vector<16xi32>) semaphore(%arg14 : memref<!tpu.dma_semaphore, #tpu.memory_space<semaphore_mem>>) {add = true}
      %add3A_789 = arith.constant 1 : i32
      %add3A_790 = arith.addi %mul3A_710, %add3A_789 : i32
      %dma_wait3A_791 = arith.constant 1 : i32
      %dma_wait3A_792 = arith.constant 0 : i32
      %dma_wait3A_793 = arith.constant 0 : i32
      %dma_wait3A_794 = tpu.memref_slice %arg8[%dma_wait3A_791, %dma_wait3A_792, %dma_wait3A_793] : memref<4x48x128xf32, #tpu.memory_space<vmem>> -> memref<1x48x128xf32, #tpu.memory_space<vmem>>
      %dma_wait3A_795 = tpu.memref_squeeze %dma_wait3A_794 : memref<1x48x128xf32, #tpu.memory_space<vmem>> -> memref<48x128xf32, #tpu.memory_space<vmem>>
      %dma_wait3A_796 = arith.constant 0 : i32
      %dma_wait3A_797 = arith.constant 0 : i32
      %dma_wait3A_798 = tpu.memref_slice %arg2[%dma_wait3A_796, %dma_wait3A_797] : memref<10000x128xf32, #tpu.memory_space<hbm>> -> memref<48x128xf32, #tpu.memory_space<hbm>>
      %dma_wait3A_799 = arith.constant 0 : i32
      %dma_wait3A_800 = arith.constant 0 : i32
      %dma_wait3A_801 = tpu.memref_slice %arg8[%dma_wait3A_791, %dma_wait3A_799, %dma_wait3A_800] : memref<4x48x128xf32, #tpu.memory_space<vmem>> -> memref<1x48x128xf32, #tpu.memory_space<vmem>>
      %dma_wait3A_802 = tpu.memref_squeeze %dma_wait3A_801 : memref<1x48x128xf32, #tpu.memory_space<vmem>> -> memref<48x128xf32, #tpu.memory_space<vmem>>
      %dma_wait3A_803 = arith.constant 0 : i32
      %dma_wait3A_804 = arith.constant 0 : i32
      %dma_wait3A_805 = tpu.memref_slice %arg2[%dma_wait3A_803, %dma_wait3A_804] : memref<10000x128xf32, #tpu.memory_space<hbm>> -> memref<48x128xf32, #tpu.memory_space<hbm>>
      tpu.wait_dma2 semaphore(%arg11 : memref<!tpu.dma_semaphore, #tpu.memory_space<semaphore_mem>>) src(%dma_wait3A_805 : memref<48x128xf32, #tpu.memory_space<hbm>>) dst(%dma_wait3A_802 : memref<48x128xf32, #tpu.memory_space<vmem>>)
      %dma_wait3A_806 = arith.constant 0 : i32
      %dma_wait3A_807 = arith.constant 0 : i32
      %dma_wait3A_808 = arith.constant 0 : i32
      %dma_wait3A_809 = tpu.memref_slice %arg8[%dma_wait3A_806, %dma_wait3A_807, %dma_wait3A_808] : memref<4x48x128xf32, #tpu.memory_space<vmem>> -> memref<1x48x128xf32, #tpu.memory_space<vmem>>
      %dma_wait3A_810 = tpu.memref_squeeze %dma_wait3A_809 : memref<1x48x128xf32, #tpu.memory_space<vmem>> -> memref<48x128xf32, #tpu.memory_space<vmem>>
      %dma_wait3A_811 = arith.constant 0 : i32
      %dma_wait3A_812 = arith.constant 0 : i32
      %dma_wait3A_813 = tpu.memref_slice %arg2[%dma_wait3A_811, %dma_wait3A_812] : memref<10000x128xf32, #tpu.memory_space<hbm>> -> memref<48x128xf32, #tpu.memory_space<hbm>>
      %dma_wait3A_814 = arith.constant 0 : i32
      %dma_wait3A_815 = arith.constant 0 : i32
      %dma_wait3A_816 = tpu.memref_slice %arg8[%dma_wait3A_806, %dma_wait3A_814, %dma_wait3A_815] : memref<4x48x128xf32, #tpu.memory_space<vmem>> -> memref<1x48x128xf32, #tpu.memory_space<vmem>>
      %dma_wait3A_817 = tpu.memref_squeeze %dma_wait3A_816 : memref<1x48x128xf32, #tpu.memory_space<vmem>> -> memref<48x128xf32, #tpu.memory_space<vmem>>
      %dma_wait3A_818 = arith.constant 0 : i32
      %dma_wait3A_819 = arith.constant 0 : i32
      %dma_wait3A_820 = tpu.memref_slice %arg2[%dma_wait3A_818, %dma_wait3A_819] : memref<10000x128xf32, #tpu.memory_space<hbm>> -> memref<48x128xf32, #tpu.memory_space<hbm>>
      tpu.wait_dma2 semaphore(%arg14 : memref<!tpu.dma_semaphore, #tpu.memory_space<semaphore_mem>>) src(%dma_wait3A_820 : memref<48x128xf32, #tpu.memory_space<hbm>>) dst(%dma_wait3A_817 : memref<48x128xf32, #tpu.memory_space<vmem>>)
      %add3A_821 = arith.constant 4 : i32
      %add3A_822 = arith.addi %add3A_790, %add3A_821 : i32
      %sub3A_823 = arith.constant 1 : i32
      %sub3A_824 = arith.subi %add3A_822, %sub3A_823 : i32
      %mul3A_825 = arith.constant 48 : i32
      %mul3A_826 = arith.muli %sub3A_824, %mul3A_825 : i32
      %dma_start3A_827 = arith.constant 0 : i32
      %dma_start3A_828 = arith.constant 0 : i32
      %dma_start3A_829 = arith.constant 0 : i32
      %dma_start3A_830 = tpu.memref_slice %arg8[%dma_start3A_827, %dma_start3A_828, %dma_start3A_829] : memref<4x48x128xf32, #tpu.memory_space<vmem>> -> memref<1x48x128xf32, #tpu.memory_space<vmem>>
      %dma_start3A_831 = tpu.memref_squeeze %dma_start3A_830 : memref<1x48x128xf32, #tpu.memory_space<vmem>> -> memref<48x128xf32, #tpu.memory_space<vmem>>
      %dma_start3A_832 = tpu.memref_slice %arg6[%mul3A_826] : memref<10000xi32, #tpu.memory_space<vmem>> -> memref<48xi32, #tpu.memory_space<vmem>>
      %dma_start3A_833 = arith.constant 0 : i32
      %dma_start3A_834 = arith.constant 0 : i32
      %dma_start3A_835 = tpu.memref_slice %arg2[%dma_start3A_833, %dma_start3A_834] : memref<10000x128xf32, #tpu.memory_space<hbm>> -> memref<10000x128xf32, #tpu.memory_space<hbm>>
      tpu.enqueue_indirect_dma source(%dma_start3A_835 : memref<10000x128xf32, #tpu.memory_space<hbm>>) target(%dma_start3A_831 : memref<48x128xf32, #tpu.memory_space<vmem>>) offsets(%dma_start3A_832 : memref<48xi32, #tpu.memory_space<vmem>>) semaphore(%arg10 : memref<!tpu.dma_semaphore, #tpu.memory_space<semaphore_mem>>)
      %mul3A_836 = arith.constant 48 : i32
      %mul3A_837 = arith.muli %add3A_790, %mul3A_836 : i32
      %add3A_838 = arith.constant 0 : i32
      %add3A_839 = arith.addi %mul3A_837, %add3A_838 : i32
      %get3A_840 = arith.index_cast %add3A_839 : i32 to index
      %get3A_841 = tpu.vector_load %arg7[%get3A_840] {strides = array<i32>} : memref<10000xi32, #tpu.memory_space<vmem>>, vector<16xi32>,
      %get3A_842 = vector.shape_cast %get3A_841 : vector<16xi32> to vector<16xi32>
      %dma_start3A_843 = arith.constant 1 : i32
      %dma_start3A_844 = arith.constant 0 : i32
      %dma_start3A_845 = arith.constant 0 : i32
      %dma_start3A_846 = tpu.memref_slice %arg8[%dma_start3A_843, %dma_start3A_844, %dma_start3A_845] : memref<4x48x128xf32, #tpu.memory_space<vmem>> -> memref<1x16x128xf32, #tpu.memory_space<vmem>>
      %dma_start3A_847 = tpu.memref_squeeze %dma_start3A_846 : memref<1x16x128xf32, #tpu.memory_space<vmem>> -> memref<16x128xf32, #tpu.memory_space<vmem>>
      %dma_start3A_848 = arith.constant 0 : i32
      %dma_start3A_849 = arith.constant 0 : i32
      %dma_start3A_850 = tpu.memref_slice %arg9[%dma_start3A_848, %dma_start3A_849] : memref<10240x128xf32, #tpu.memory_space<vmem_shared>> -> memref<10240x128xf32, #tpu.memory_space<vmem_shared>>
      tpu.enqueue_indirect_dma source(%dma_start3A_847 : memref<16x128xf32, #tpu.memory_space<vmem>>) target(%dma_start3A_850 : memref<10240x128xf32, #tpu.memory_space<vmem_shared>>) offsets(%get3A_842 : vector<16xi32>) semaphore(%arg14 : memref<!tpu.dma_semaphore, #tpu.memory_space<semaphore_mem>>) {add = true}
      %mul3A_851 = arith.constant 48 : i32
      %mul3A_852 = arith.muli %add3A_790, %mul3A_851 : i32
      %add3A_853 = arith.constant 16 : i32
      %add3A_854 = arith.addi %mul3A_852, %add3A_853 : i32
      %get3A_855 = arith.index_cast %add3A_854 : i32 to index
      %get3A_856 = tpu.vector_load %arg7[%get3A_855] {strides = array<i32>} : memref<10000xi32, #tpu.memory_space<vmem>>, vector<16xi32>,
      %get3A_857 = vector.shape_cast %get3A_856 : vector<16xi32> to vector<16xi32>
      %dma_start3A_858 = arith.constant 1 : i32
      %dma_start3A_859 = arith.constant 16 : i32
      %dma_start3A_860 = arith.constant 0 : i32
      %dma_start3A_861 = tpu.memref_slice %arg8[%dma_start3A_858, %dma_start3A_859, %dma_start3A_860] : memref<4x48x128xf32, #tpu.memory_space<vmem>> -> memref<1x16x128xf32, #tpu.memory_space<vmem>>
      %dma_start3A_862 = tpu.memref_squeeze %dma_start3A_861 : memref<1x16x128xf32, #tpu.memory_space<vmem>> -> memref<16x128xf32, #tpu.memory_space<vmem>>
      %dma_start3A_863 = arith.constant 0 : i32
      %dma_start3A_864 = arith.constant 0 : i32
      %dma_start3A_865 = tpu.memref_slice %arg9[%dma_start3A_863, %dma_start3A_864] : memref<10240x128xf32, #tpu.memory_space<vmem_shared>> -> memref<10240x128xf32, #tpu.memory_space<vmem_shared>>
      tpu.enqueue_indirect_dma source(%dma_start3A_862 : memref<16x128xf32, #tpu.memory_space<vmem>>) target(%dma_start3A_865 : memref<10240x128xf32, #tpu.memory_space<vmem_shared>>) offsets(%get3A_857 : vector<16xi32>) semaphore(%arg14 : memref<!tpu.dma_semaphore, #tpu.memory_space<semaphore_mem>>) {add = true}
      %mul3A_866 = arith.constant 48 : i32
      %mul3A_867 = arith.muli %add3A_790, %mul3A_866 : i32
      %add3A_868 = arith.constant 32 : i32
      %add3A_869 = arith.addi %mul3A_867, %add3A_868 : i32
      %get3A_870 = arith.index_cast %add3A_869 : i32 to index
      %get3A_871 = tpu.vector_load %arg7[%get3A_870] {strides = array<i32>} : memref<10000xi32, #tpu.memory_space<vmem>>, vector<16xi32>,
      %get3A_872 = vector.shape_cast %get3A_871 : vector<16xi32> to vector<16xi32>
      %dma_start3A_873 = arith.constant 1 : i32
      %dma_start3A_874 = arith.constant 32 : i32
      %dma_start3A_875 = arith.constant 0 : i32
      %dma_start3A_876 = tpu.memref_slice %arg8[%dma_start3A_873, %dma_start3A_874, %dma_start3A_875] : memref<4x48x128xf32, #tpu.memory_space<vmem>> -> memref<1x16x128xf32, #tpu.memory_space<vmem>>
      %dma_start3A_877 = tpu.memref_squeeze %dma_start3A_876 : memref<1x16x128xf32, #tpu.memory_space<vmem>> -> memref<16x128xf32, #tpu.memory_space<vmem>>
      %dma_start3A_878 = arith.constant 0 : i32
      %dma_start3A_879 = arith.constant 0 : i32
      %dma_start3A_880 = tpu.memref_slice %arg9[%dma_start3A_878, %dma_start3A_879] : memref<10240x128xf32, #tpu.memory_space<vmem_shared>> -> memref<10240x128xf32, #tpu.memory_space<vmem_shared>>
      tpu.enqueue_indirect_dma source(%dma_start3A_877 : memref<16x128xf32, #tpu.memory_space<vmem>>) target(%dma_start3A_880 : memref<10240x128xf32, #tpu.memory_space<vmem_shared>>) offsets(%get3A_872 : vector<16xi32>) semaphore(%arg14 : memref<!tpu.dma_semaphore, #tpu.memory_space<semaphore_mem>>) {add = true}
      %add3A_881 = arith.constant 2 : i32
      %add3A_882 = arith.addi %mul3A_710, %add3A_881 : i32
      %dma_wait3A_883 = arith.constant 2 : i32
      %dma_wait3A_884 = arith.constant 0 : i32
      %dma_wait3A_885 = arith.constant 0 : i32
      %dma_wait3A_886 = tpu.memref_slice %arg8[%dma_wait3A_883, %dma_wait3A_884, %dma_wait3A_885] : memref<4x48x128xf32, #tpu.memory_space<vmem>> -> memref<1x48x128xf32, #tpu.memory_space<vmem>>
      %dma_wait3A_887 = tpu.memref_squeeze %dma_wait3A_886 : memref<1x48x128xf32, #tpu.memory_space<vmem>> -> memref<48x128xf32, #tpu.memory_space<vmem>>
      %dma_wait3A_888 = arith.constant 0 : i32
      %dma_wait3A_889 = arith.constant 0 : i32
      %dma_wait3A_890 = tpu.memref_slice %arg2[%dma_wait3A_888, %dma_wait3A_889] : memref<10000x128xf32, #tpu.memory_space<hbm>> -> memref<48x128xf32, #tpu.memory_space<hbm>>
      %dma_wait3A_891 = arith.constant 0 : i32
      %dma_wait3A_892 = arith.constant 0 : i32
      %dma_wait3A_893 = tpu.memref_slice %arg8[%dma_wait3A_883, %dma_wait3A_891, %dma_wait3A_892] : memref<4x48x128xf32, #tpu.memory_space<vmem>> -> memref<1x48x128xf32, #tpu.memory_space<vmem>>
      %dma_wait3A_894 = tpu.memref_squeeze %dma_wait3A_893 : memref<1x48x128xf32, #tpu.memory_space<vmem>> -> memref<48x128xf32, #tpu.memory_space<vmem>>
      %dma_wait3A_895 = arith.constant 0 : i32
      %dma_wait3A_896 = arith.constant 0 : i32
      %dma_wait3A_897 = tpu.memref_slice %arg2[%dma_wait3A_895, %dma_wait3A_896] : memref<10000x128xf32, #tpu.memory_space<hbm>> -> memref<48x128xf32, #tpu.memory_space<hbm>>
      tpu.wait_dma2 semaphore(%arg12 : memref<!tpu.dma_semaphore, #tpu.memory_space<semaphore_mem>>) src(%dma_wait3A_897 : memref<48x128xf32, #tpu.memory_space<hbm>>) dst(%dma_wait3A_894 : memref<48x128xf32, #tpu.memory_space<vmem>>)
      %dma_wait3A_898 = arith.constant 0 : i32
      %dma_wait3A_899 = arith.constant 0 : i32
      %dma_wait3A_900 = arith.constant 0 : i32
      %dma_wait3A_901 = tpu.memref_slice %arg8[%dma_wait3A_898, %dma_wait3A_899, %dma_wait3A_900] : memref<4x48x128xf32, #tpu.memory_space<vmem>> -> memref<1x48x128xf32, #tpu.memory_space<vmem>>
      %dma_wait3A_902 = tpu.memref_squeeze %dma_wait3A_901 : memref<1x48x128xf32, #tpu.memory_space<vmem>> -> memref<48x128xf32, #tpu.memory_space<vmem>>
      %dma_wait3A_903 = arith.constant 0 : i32
      %dma_wait3A_904 = arith.constant 0 : i32
      %dma_wait3A_905 = tpu.memref_slice %arg2[%dma_wait3A_903, %dma_wait3A_904] : memref<10000x128xf32, #tpu.memory_space<hbm>> -> memref<48x128xf32, #tpu.memory_space<hbm>>
      %dma_wait3A_906 = arith.constant 0 : i32
      %dma_wait3A_907 = arith.constant 0 : i32
      %dma_wait3A_908 = tpu.memref_slice %arg8[%dma_wait3A_898, %dma_wait3A_906, %dma_wait3A_907] : memref<4x48x128xf32, #tpu.memory_space<vmem>> -> memref<1x48x128xf32, #tpu.memory_space<vmem>>
      %dma_wait3A_909 = tpu.memref_squeeze %dma_wait3A_908 : memref<1x48x128xf32, #tpu.memory_space<vmem>> -> memref<48x128xf32, #tpu.memory_space<vmem>>
      %dma_wait3A_910 = arith.constant 0 : i32
      %dma_wait3A_911 = arith.constant 0 : i32
      %dma_wait3A_912 = tpu.memref_slice %arg2[%dma_wait3A_910, %dma_wait3A_911] : memref<10000x128xf32, #tpu.memory_space<hbm>> -> memref<48x128xf32, #tpu.memory_space<hbm>>
      tpu.wait_dma2 semaphore(%arg14 : memref<!tpu.dma_semaphore, #tpu.memory_space<semaphore_mem>>) src(%dma_wait3A_912 : memref<48x128xf32, #tpu.memory_space<hbm>>) dst(%dma_wait3A_909 : memref<48x128xf32, #tpu.memory_space<vmem>>)
      %add3A_913 = arith.constant 4 : i32
      %add3A_914 = arith.addi %add3A_882, %add3A_913 : i32
      %sub3A_915 = arith.constant 1 : i32
      %sub3A_916 = arith.subi %add3A_914, %sub3A_915 : i32
      %mul3A_917 = arith.constant 48 : i32
      %mul3A_918 = arith.muli %sub3A_916, %mul3A_917 : i32
      %dma_start3A_919 = arith.constant 1 : i32
      %dma_start3A_920 = arith.constant 0 : i32
      %dma_start3A_921 = arith.constant 0 : i32
      %dma_start3A_922 = tpu.memref_slice %arg8[%dma_start3A_919, %dma_start3A_920, %dma_start3A_921] : memref<4x48x128xf32, #tpu.memory_space<vmem>> -> memref<1x48x128xf32, #tpu.memory_space<vmem>>
      %dma_start3A_923 = tpu.memref_squeeze %dma_start3A_922 : memref<1x48x128xf32, #tpu.memory_space<vmem>> -> memref<48x128xf32, #tpu.memory_space<vmem>>
      %dma_start3A_924 = tpu.memref_slice %arg6[%mul3A_918] : memref<10000xi32, #tpu.memory_space<vmem>> -> memref<48xi32, #tpu.memory_space<vmem>>
      %dma_start3A_925 = arith.constant 0 : i32
      %dma_start3A_926 = arith.constant 0 : i32
      %dma_start3A_927 = tpu.memref_slice %arg2[%dma_start3A_925, %dma_start3A_926] : memref<10000x128xf32, #tpu.memory_space<hbm>> -> memref<10000x128xf32, #tpu.memory_space<hbm>>
      tpu.enqueue_indirect_dma source(%dma_start3A_927 : memref<10000x128xf32, #tpu.memory_space<hbm>>) target(%dma_start3A_923 : memref<48x128xf32, #tpu.memory_space<vmem>>) offsets(%dma_start3A_924 : memref<48xi32, #tpu.memory_space<vmem>>) semaphore(%arg11 : memref<!tpu.dma_semaphore, #tpu.memory_space<semaphore_mem>>)
      %mul3A_928 = arith.constant 48 : i32
      %mul3A_929 = arith.muli %add3A_882, %mul3A_928 : i32
      %add3A_930 = arith.constant 0 : i32
      %add3A_931 = arith.addi %mul3A_929, %add3A_930 : i32
      %get3A_932 = arith.index_cast %add3A_931 : i32 to index
      %get3A_933 = tpu.vector_load %arg7[%get3A_932] {strides = array<i32>} : memref<10000xi32, #tpu.memory_space<vmem>>, vector<16xi32>,
      %get3A_934 = vector.shape_cast %get3A_933 : vector<16xi32> to vector<16xi32>
      %dma_start3A_935 = arith.constant 2 : i32
      %dma_start3A_936 = arith.constant 0 : i32
      %dma_start3A_937 = arith.constant 0 : i32
      %dma_start3A_938 = tpu.memref_slice %arg8[%dma_start3A_935, %dma_start3A_936, %dma_start3A_937] : memref<4x48x128xf32, #tpu.memory_space<vmem>> -> memref<1x16x128xf32, #tpu.memory_space<vmem>>
      %dma_start3A_939 = tpu.memref_squeeze %dma_start3A_938 : memref<1x16x128xf32, #tpu.memory_space<vmem>> -> memref<16x128xf32, #tpu.memory_space<vmem>>
      %dma_start3A_940 = arith.constant 0 : i32
      %dma_start3A_941 = arith.constant 0 : i32
      %dma_start3A_942 = tpu.memref_slice %arg9[%dma_start3A_940, %dma_start3A_941] : memref<10240x128xf32, #tpu.memory_space<vmem_shared>> -> memref<10240x128xf32, #tpu.memory_space<vmem_shared>>
      tpu.enqueue_indirect_dma source(%dma_start3A_939 : memref<16x128xf32, #tpu.memory_space<vmem>>) target(%dma_start3A_942 : memref<10240x128xf32, #tpu.memory_space<vmem_shared>>) offsets(%get3A_934 : vector<16xi32>) semaphore(%arg14 : memref<!tpu.dma_semaphore, #tpu.memory_space<semaphore_mem>>) {add = true}
      %mul3A_943 = arith.constant 48 : i32
      %mul3A_944 = arith.muli %add3A_882, %mul3A_943 : i32
      %add3A_945 = arith.constant 16 : i32
      %add3A_946 = arith.addi %mul3A_944, %add3A_945 : i32
      %get3A_947 = arith.index_cast %add3A_946 : i32 to index
      %get3A_948 = tpu.vector_load %arg7[%get3A_947] {strides = array<i32>} : memref<10000xi32, #tpu.memory_space<vmem>>, vector<16xi32>,
      %get3A_949 = vector.shape_cast %get3A_948 : vector<16xi32> to vector<16xi32>
      %dma_start3A_950 = arith.constant 2 : i32
      %dma_start3A_951 = arith.constant 16 : i32
      %dma_start3A_952 = arith.constant 0 : i32
      %dma_start3A_953 = tpu.memref_slice %arg8[%dma_start3A_950, %dma_start3A_951, %dma_start3A_952] : memref<4x48x128xf32, #tpu.memory_space<vmem>> -> memref<1x16x128xf32, #tpu.memory_space<vmem>>
      %dma_start3A_954 = tpu.memref_squeeze %dma_start3A_953 : memref<1x16x128xf32, #tpu.memory_space<vmem>> -> memref<16x128xf32, #tpu.memory_space<vmem>>
      %dma_start3A_955 = arith.constant 0 : i32
      %dma_start3A_956 = arith.constant 0 : i32
      %dma_start3A_957 = tpu.memref_slice %arg9[%dma_start3A_955, %dma_start3A_956] : memref<10240x128xf32, #tpu.memory_space<vmem_shared>> -> memref<10240x128xf32, #tpu.memory_space<vmem_shared>>
      tpu.enqueue_indirect_dma source(%dma_start3A_954 : memref<16x128xf32, #tpu.memory_space<vmem>>) target(%dma_start3A_957 : memref<10240x128xf32, #tpu.memory_space<vmem_shared>>) offsets(%get3A_949 : vector<16xi32>) semaphore(%arg14 : memref<!tpu.dma_semaphore, #tpu.memory_space<semaphore_mem>>) {add = true}
      %mul3A_958 = arith.constant 48 : i32
      %mul3A_959 = arith.muli %add3A_882, %mul3A_958 : i32
      %add3A_960 = arith.constant 32 : i32
      %add3A_961 = arith.addi %mul3A_959, %add3A_960 : i32
      %get3A_962 = arith.index_cast %add3A_961 : i32 to index
      %get3A_963 = tpu.vector_load %arg7[%get3A_962] {strides = array<i32>} : memref<10000xi32, #tpu.memory_space<vmem>>, vector<16xi32>,
      %get3A_964 = vector.shape_cast %get3A_963 : vector<16xi32> to vector<16xi32>
      %dma_start3A_965 = arith.constant 2 : i32
      %dma_start3A_966 = arith.constant 32 : i32
      %dma_start3A_967 = arith.constant 0 : i32
      %dma_start3A_968 = tpu.memref_slice %arg8[%dma_start3A_965, %dma_start3A_966, %dma_start3A_967] : memref<4x48x128xf32, #tpu.memory_space<vmem>> -> memref<1x16x128xf32, #tpu.memory_space<vmem>>
      %dma_start3A_969 = tpu.memref_squeeze %dma_start3A_968 : memref<1x16x128xf32, #tpu.memory_space<vmem>> -> memref<16x128xf32, #tpu.memory_space<vmem>>
      %dma_start3A_970 = arith.constant 0 : i32
      %dma_start3A_971 = arith.constant 0 : i32
      %dma_start3A_972 = tpu.memref_slice %arg9[%dma_start3A_970, %dma_start3A_971] : memref<10240x128xf32, #tpu.memory_space<vmem_shared>> -> memref<10240x128xf32, #tpu.memory_space<vmem_shared>>
      tpu.enqueue_indirect_dma source(%dma_start3A_969 : memref<16x128xf32, #tpu.memory_space<vmem>>) target(%dma_start3A_972 : memref<10240x128xf32, #tpu.memory_space<vmem_shared>>) offsets(%get3A_964 : vector<16xi32>) semaphore(%arg14 : memref<!tpu.dma_semaphore, #tpu.memory_space<semaphore_mem>>) {add = true}
      %add3A_973 = arith.constant 3 : i32
      %add3A_974 = arith.addi %mul3A_710, %add3A_973 : i32
      %dma_wait3A_975 = arith.constant 3 : i32
      %dma_wait3A_976 = arith.constant 0 : i32
      %dma_wait3A_977 = arith.constant 0 : i32
      %dma_wait3A_978 = tpu.memref_slice %arg8[%dma_wait3A_975, %dma_wait3A_976, %dma_wait3A_977] : memref<4x48x128xf32, #tpu.memory_space<vmem>> -> memref<1x48x128xf32, #tpu.memory_space<vmem>>
      %dma_wait3A_979 = tpu.memref_squeeze %dma_wait3A_978 : memref<1x48x128xf32, #tpu.memory_space<vmem>> -> memref<48x128xf32, #tpu.memory_space<vmem>>
      %dma_wait3A_980 = arith.constant 0 : i32
      %dma_wait3A_981 = arith.constant 0 : i32
      %dma_wait3A_982 = tpu.memref_slice %arg2[%dma_wait3A_980, %dma_wait3A_981] : memref<10000x128xf32, #tpu.memory_space<hbm>> -> memref<48x128xf32, #tpu.memory_space<hbm>>
      %dma_wait3A_983 = arith.constant 0 : i32
      %dma_wait3A_984 = arith.constant 0 : i32
      %dma_wait3A_985 = tpu.memref_slice %arg8[%dma_wait3A_975, %dma_wait3A_983, %dma_wait3A_984] : memref<4x48x128xf32, #tpu.memory_space<vmem>> -> memref<1x48x128xf32, #tpu.memory_space<vmem>>
      %dma_wait3A_986 = tpu.memref_squeeze %dma_wait3A_985 : memref<1x48x128xf32, #tpu.memory_space<vmem>> -> memref<48x128xf32, #tpu.memory_space<vmem>>
      %dma_wait3A_987 = arith.constant 0 : i32
      %dma_wait3A_988 = arith.constant 0 : i32
      %dma_wait3A_989 = tpu.memref_slice %arg2[%dma_wait3A_987, %dma_wait3A_988] : memref<10000x128xf32, #tpu.memory_space<hbm>> -> memref<48x128xf32, #tpu.memory_space<hbm>>
      tpu.wait_dma2 semaphore(%arg13 : memref<!tpu.dma_semaphore, #tpu.memory_space<semaphore_mem>>) src(%dma_wait3A_989 : memref<48x128xf32, #tpu.memory_space<hbm>>) dst(%dma_wait3A_986 : memref<48x128xf32, #tpu.memory_space<vmem>>)
      %dma_wait3A_990 = arith.constant 0 : i32
      %dma_wait3A_991 = arith.constant 0 : i32
      %dma_wait3A_992 = arith.constant 0 : i32
      %dma_wait3A_993 = tpu.memref_slice %arg8[%dma_wait3A_990, %dma_wait3A_991, %dma_wait3A_992] : memref<4x48x128xf32, #tpu.memory_space<vmem>> -> memref<1x48x128xf32, #tpu.memory_space<vmem>>
      %dma_wait3A_994 = tpu.memref_squeeze %dma_wait3A_993 : memref<1x48x128xf32, #tpu.memory_space<vmem>> -> memref<48x128xf32, #tpu.memory_space<vmem>>
      %dma_wait3A_995 = arith.constant 0 : i32
      %dma_wait3A_996 = arith.constant 0 : i32
      %dma_wait3A_997 = tpu.memref_slice %arg2[%dma_wait3A_995, %dma_wait3A_996] : memref<10000x128xf32, #tpu.memory_space<hbm>> -> memref<48x128xf32, #tpu.memory_space<hbm>>
      %dma_wait3A_998 = arith.constant 0 : i32
      %dma_wait3A_999 = arith.constant 0 : i32
      %dma_wait3A_1000 = tpu.memref_slice %arg8[%dma_wait3A_990, %dma_wait3A_998, %dma_wait3A_999] : memref<4x48x128xf32, #tpu.memory_space<vmem>> -> memref<1x48x128xf32, #tpu.memory_space<vmem>>
      %dma_wait3A_1001 = tpu.memref_squeeze %dma_wait3A_1000 : memref<1x48x128xf32, #tpu.memory_space<vmem>> -> memref<48x128xf32, #tpu.memory_space<vmem>>
      %dma_wait3A_1002 = arith.constant 0 : i32
      %dma_wait3A_1003 = arith.constant 0 : i32
      %dma_wait3A_1004 = tpu.memref_slice %arg2[%dma_wait3A_1002, %dma_wait3A_1003] : memref<10000x128xf32, #tpu.memory_space<hbm>> -> memref<48x128xf32, #tpu.memory_space<hbm>>
      tpu.wait_dma2 semaphore(%arg14 : memref<!tpu.dma_semaphore, #tpu.memory_space<semaphore_mem>>) src(%dma_wait3A_1004 : memref<48x128xf32, #tpu.memory_space<hbm>>) dst(%dma_wait3A_1001 : memref<48x128xf32, #tpu.memory_space<vmem>>)
      %add3A_1005 = arith.constant 4 : i32
      %add3A_1006 = arith.addi %add3A_974, %add3A_1005 : i32
      %sub3A_1007 = arith.constant 1 : i32
      %sub3A_1008 = arith.subi %add3A_1006, %sub3A_1007 : i32
      %mul3A_1009 = arith.constant 48 : i32
      %mul3A_1010 = arith.muli %sub3A_1008, %mul3A_1009 : i32
      %dma_start3A_1011 = arith.constant 2 : i32
      %dma_start3A_1012 = arith.constant 0 : i32
      %dma_start3A_1013 = arith.constant 0 : i32
      %dma_start3A_1014 = tpu.memref_slice %arg8[%dma_start3A_1011, %dma_start3A_1012, %dma_start3A_1013] : memref<4x48x128xf32, #tpu.memory_space<vmem>> -> memref<1x48x128xf32, #tpu.memory_space<vmem>>
      %dma_start3A_1015 = tpu.memref_squeeze %dma_start3A_1014 : memref<1x48x128xf32, #tpu.memory_space<vmem>> -> memref<48x128xf32, #tpu.memory_space<vmem>>
      %dma_start3A_1016 = tpu.memref_slice %arg6[%mul3A_1010] : memref<10000xi32, #tpu.memory_space<vmem>> -> memref<48xi32, #tpu.memory_space<vmem>>
      %dma_start3A_1017 = arith.constant 0 : i32
      %dma_start3A_1018 = arith.constant 0 : i32
      %dma_start3A_1019 = tpu.memref_slice %arg2[%dma_start3A_1017, %dma_start3A_1018] : memref<10000x128xf32, #tpu.memory_space<hbm>> -> memref<10000x128xf32, #tpu.memory_space<hbm>>
      tpu.enqueue_indirect_dma source(%dma_start3A_1019 : memref<10000x128xf32, #tpu.memory_space<hbm>>) target(%dma_start3A_1015 : memref<48x128xf32, #tpu.memory_space<vmem>>) offsets(%dma_start3A_1016 : memref<48xi32, #tpu.memory_space<vmem>>) semaphore(%arg12 : memref<!tpu.dma_semaphore, #tpu.memory_space<semaphore_mem>>)
      %mul3A_1020 = arith.constant 48 : i32
      %mul3A_1021 = arith.muli %add3A_974, %mul3A_1020 : i32
      %add3A_1022 = arith.constant 0 : i32
      %add3A_1023 = arith.addi %mul3A_1021, %add3A_1022 : i32
      %get3A_1024 = arith.index_cast %add3A_1023 : i32 to index
      %get3A_1025 = tpu.vector_load %arg7[%get3A_1024] {strides = array<i32>} : memref<10000xi32, #tpu.memory_space<vmem>>, vector<16xi32>,
      %get3A_1026 = vector.shape_cast %get3A_1025 : vector<16xi32> to vector<16xi32>
      %dma_start3A_1027 = arith.constant 3 : i32
      %dma_start3A_1028 = arith.constant 0 : i32
      %dma_start3A_1029 = arith.constant 0 : i32
      %dma_start3A_1030 = tpu.memref_slice %arg8[%dma_start3A_1027, %dma_start3A_1028, %dma_start3A_1029] : memref<4x48x128xf32, #tpu.memory_space<vmem>> -> memref<1x16x128xf32, #tpu.memory_space<vmem>>
      %dma_start3A_1031 = tpu.memref_squeeze %dma_start3A_1030 : memref<1x16x128xf32, #tpu.memory_space<vmem>> -> memref<16x128xf32, #tpu.memory_space<vmem>>
      %dma_start3A_1032 = arith.constant 0 : i32
      %dma_start3A_1033 = arith.constant 0 : i32
      %dma_start3A_1034 = tpu.memref_slice %arg9[%dma_start3A_1032, %dma_start3A_1033] : memref<10240x128xf32, #tpu.memory_space<vmem_shared>> -> memref<10240x128xf32, #tpu.memory_space<vmem_shared>>
      tpu.enqueue_indirect_dma source(%dma_start3A_1031 : memref<16x128xf32, #tpu.memory_space<vmem>>) target(%dma_start3A_1034 : memref<10240x128xf32, #tpu.memory_space<vmem_shared>>) offsets(%get3A_1026 : vector<16xi32>) semaphore(%arg14 : memref<!tpu.dma_semaphore, #tpu.memory_space<semaphore_mem>>) {add = true}
      %mul3A_1035 = arith.constant 48 : i32
      %mul3A_1036 = arith.muli %add3A_974, %mul3A_1035 : i32
      %add3A_1037 = arith.constant 16 : i32
      %add3A_1038 = arith.addi %mul3A_1036, %add3A_1037 : i32
      %get3A_1039 = arith.index_cast %add3A_1038 : i32 to index
      %get3A_1040 = tpu.vector_load %arg7[%get3A_1039] {strides = array<i32>} : memref<10000xi32, #tpu.memory_space<vmem>>, vector<16xi32>,
      %get3A_1041 = vector.shape_cast %get3A_1040 : vector<16xi32> to vector<16xi32>
      %dma_start3A_1042 = arith.constant 3 : i32
      %dma_start3A_1043 = arith.constant 16 : i32
      %dma_start3A_1044 = arith.constant 0 : i32
      %dma_start3A_1045 = tpu.memref_slice %arg8[%dma_start3A_1042, %dma_start3A_1043, %dma_start3A_1044] : memref<4x48x128xf32, #tpu.memory_space<vmem>> -> memref<1x16x128xf32, #tpu.memory_space<vmem>>
      %dma_start3A_1046 = tpu.memref_squeeze %dma_start3A_1045 : memref<1x16x128xf32, #tpu.memory_space<vmem>> -> memref<16x128xf32, #tpu.memory_space<vmem>>
      %dma_start3A_1047 = arith.constant 0 : i32
      %dma_start3A_1048 = arith.constant 0 : i32
      %dma_start3A_1049 = tpu.memref_slice %arg9[%dma_start3A_1047, %dma_start3A_1048] : memref<10240x128xf32, #tpu.memory_space<vmem_shared>> -> memref<10240x128xf32, #tpu.memory_space<vmem_shared>>
      tpu.enqueue_indirect_dma source(%dma_start3A_1046 : memref<16x128xf32, #tpu.memory_space<vmem>>) target(%dma_start3A_1049 : memref<10240x128xf32, #tpu.memory_space<vmem_shared>>) offsets(%get3A_1041 : vector<16xi32>) semaphore(%arg14 : memref<!tpu.dma_semaphore, #tpu.memory_space<semaphore_mem>>) {add = true}
      %mul3A_1050 = arith.constant 48 : i32
      %mul3A_1051 = arith.muli %add3A_974, %mul3A_1050 : i32
      %add3A_1052 = arith.constant 32 : i32
      %add3A_1053 = arith.addi %mul3A_1051, %add3A_1052 : i32
      %get3A_1054 = arith.index_cast %add3A_1053 : i32 to index
      %get3A_1055 = tpu.vector_load %arg7[%get3A_1054] {strides = array<i32>} : memref<10000xi32, #tpu.memory_space<vmem>>, vector<16xi32>,
      %get3A_1056 = vector.shape_cast %get3A_1055 : vector<16xi32> to vector<16xi32>
      %dma_start3A_1057 = arith.constant 3 : i32
      %dma_start3A_1058 = arith.constant 32 : i32
      %dma_start3A_1059 = arith.constant 0 : i32
      %dma_start3A_1060 = tpu.memref_slice %arg8[%dma_start3A_1057, %dma_start3A_1058, %dma_start3A_1059] : memref<4x48x128xf32, #tpu.memory_space<vmem>> -> memref<1x16x128xf32, #tpu.memory_space<vmem>>
      %dma_start3A_1061 = tpu.memref_squeeze %dma_start3A_1060 : memref<1x16x128xf32, #tpu.memory_space<vmem>> -> memref<16x128xf32, #tpu.memory_space<vmem>>
      %dma_start3A_1062 = arith.constant 0 : i32
      %dma_start3A_1063 = arith.constant 0 : i32
      %dma_start3A_1064 = tpu.memref_slice %arg9[%dma_start3A_1062, %dma_start3A_1063] : memref<10240x128xf32, #tpu.memory_space<vmem_shared>> -> memref<10240x128xf32, #tpu.memory_space<vmem_shared>>
      tpu.enqueue_indirect_dma source(%dma_start3A_1061 : memref<16x128xf32, #tpu.memory_space<vmem>>) target(%dma_start3A_1064 : memref<10240x128xf32, #tpu.memory_space<vmem_shared>>) offsets(%get3A_1056 : vector<16xi32>) semaphore(%arg14 : memref<!tpu.dma_semaphore, #tpu.memory_space<semaphore_mem>>) {add = true}
    }
    %scan3A_88 = arith.constant 50 : i32
    %dma_wait3A = arith.constant 0 : i32
    %dma_wait3A_89 = arith.constant 0 : i32
    %dma_wait3A_90 = arith.constant 0 : i32
    %dma_wait3A_91 = tpu.memref_slice %arg8[%dma_wait3A, %dma_wait3A_89, %dma_wait3A_90] : memref<4x48x128xf32, #tpu.memory_space<vmem>> -> memref<1x48x128xf32, #tpu.memory_space<vmem>>
    %dma_wait3A_92 = tpu.memref_squeeze %dma_wait3A_91 : memref<1x48x128xf32, #tpu.memory_space<vmem>> -> memref<48x128xf32, #tpu.memory_space<vmem>>
    %dma_wait3A_93 = arith.constant 0 : i32
    %dma_wait3A_94 = arith.constant 0 : i32
    %dma_wait3A_95 = tpu.memref_slice %arg2[%dma_wait3A_93, %dma_wait3A_94] : memref<10000x128xf32, #tpu.memory_space<hbm>> -> memref<48x128xf32, #tpu.memory_space<hbm>>
    %dma_wait3A_96 = arith.constant 0 : i32
    %dma_wait3A_97 = arith.constant 0 : i32
    %dma_wait3A_98 = tpu.memref_slice %arg8[%dma_wait3A, %dma_wait3A_96, %dma_wait3A_97] : memref<4x48x128xf32, #tpu.memory_space<vmem>> -> memref<1x48x128xf32, #tpu.memory_space<vmem>>
    %dma_wait3A_99 = tpu.memref_squeeze %dma_wait3A_98 : memref<1x48x128xf32, #tpu.memory_space<vmem>> -> memref<48x128xf32, #tpu.memory_space<vmem>>
    %dma_wait3A_100 = arith.constant 0 : i32
    %dma_wait3A_101 = arith.constant 0 : i32
    %dma_wait3A_102 = tpu.memref_slice %arg2[%dma_wait3A_100, %dma_wait3A_101] : memref<10000x128xf32, #tpu.memory_space<hbm>> -> memref<48x128xf32, #tpu.memory_space<hbm>>
    tpu.wait_dma2 semaphore(%arg10 : memref<!tpu.dma_semaphore, #tpu.memory_space<semaphore_mem>>) src(%dma_wait3A_102 : memref<48x128xf32, #tpu.memory_space<hbm>>) dst(%dma_wait3A_99 : memref<48x128xf32, #tpu.memory_space<vmem>>)
    %dma_wait3A_103 = arith.constant 0 : i32
    %dma_wait3A_104 = arith.constant 0 : i32
    %dma_wait3A_105 = arith.constant 0 : i32
    %dma_wait3A_106 = tpu.memref_slice %arg8[%dma_wait3A_103, %dma_wait3A_104, %dma_wait3A_105] : memref<4x48x128xf32, #tpu.memory_space<vmem>> -> memref<1x48x128xf32, #tpu.memory_space<vmem>>
    %dma_wait3A_107 = tpu.memref_squeeze %dma_wait3A_106 : memref<1x48x128xf32, #tpu.memory_space<vmem>> -> memref<48x128xf32, #tpu.memory_space<vmem>>
    %dma_wait3A_108 = arith.constant 0 : i32
    %dma_wait3A_109 = arith.constant 0 : i32
    %dma_wait3A_110 = tpu.memref_slice %arg2[%dma_wait3A_108, %dma_wait3A_109] : memref<10000x128xf32, #tpu.memory_space<hbm>> -> memref<48x128xf32, #tpu.memory_space<hbm>>
    %dma_wait3A_111 = arith.constant 0 : i32
    %dma_wait3A_112 = arith.constant 0 : i32
    %dma_wait3A_113 = tpu.memref_slice %arg8[%dma_wait3A_103, %dma_wait3A_111, %dma_wait3A_112] : memref<4x48x128xf32, #tpu.memory_space<vmem>> -> memref<1x48x128xf32, #tpu.memory_space<vmem>>
    %dma_wait3A_114 = tpu.memref_squeeze %dma_wait3A_113 : memref<1x48x128xf32, #tpu.memory_space<vmem>> -> memref<48x128xf32, #tpu.memory_space<vmem>>
    %dma_wait3A_115 = arith.constant 0 : i32
    %dma_wait3A_116 = arith.constant 0 : i32
    %dma_wait3A_117 = tpu.memref_slice %arg2[%dma_wait3A_115, %dma_wait3A_116] : memref<10000x128xf32, #tpu.memory_space<hbm>> -> memref<48x128xf32, #tpu.memory_space<hbm>>
    tpu.wait_dma2 semaphore(%arg14 : memref<!tpu.dma_semaphore, #tpu.memory_space<semaphore_mem>>) src(%dma_wait3A_117 : memref<48x128xf32, #tpu.memory_space<hbm>>) dst(%dma_wait3A_114 : memref<48x128xf32, #tpu.memory_space<vmem>>)
    %dma_start3A_118 = arith.constant 3 : i32
    %dma_start3A_119 = arith.constant 0 : i32
    %dma_start3A_120 = arith.constant 0 : i32
    %dma_start3A_121 = tpu.memref_slice %arg8[%dma_start3A_118, %dma_start3A_119, %dma_start3A_120] : memref<4x48x128xf32, #tpu.memory_space<vmem>> -> memref<1x48x128xf32, #tpu.memory_space<vmem>>
    %dma_start3A_122 = tpu.memref_squeeze %dma_start3A_121 : memref<1x48x128xf32, #tpu.memory_space<vmem>> -> memref<48x128xf32, #tpu.memory_space<vmem>>
    %dma_start3A_123 = arith.constant 9744 : i32
    %dma_start3A_124 = tpu.memref_slice %arg6[%dma_start3A_123] : memref<10000xi32, #tpu.memory_space<vmem>> -> memref<48xi32, #tpu.memory_space<vmem>>
    %dma_start3A_125 = arith.constant 0 : i32
    %dma_start3A_126 = arith.constant 0 : i32
    %dma_start3A_127 = tpu.memref_slice %arg2[%dma_start3A_125, %dma_start3A_126] : memref<10000x128xf32, #tpu.memory_space<hbm>> -> memref<10000x128xf32, #tpu.memory_space<hbm>>
    tpu.enqueue_indirect_dma source(%dma_start3A_127 : memref<10000x128xf32, #tpu.memory_space<hbm>>) target(%dma_start3A_122 : memref<48x128xf32, #tpu.memory_space<vmem>>) offsets(%dma_start3A_124 : memref<48xi32, #tpu.memory_space<vmem>>) semaphore(%arg13 : memref<!tpu.dma_semaphore, #tpu.memory_space<semaphore_mem>>)
    %get3A = arith.constant 9600 : index
    %get3A_128 = tpu.vector_load %arg7[%get3A] {strides = array<i32>} : memref<10000xi32, #tpu.memory_space<vmem>>, vector<16xi32>,
    %get3A_129 = vector.shape_cast %get3A_128 : vector<16xi32> to vector<16xi32>
    %dma_start3A_130 = arith.constant 0 : i32
    %dma_start3A_131 = arith.constant 0 : i32
    %dma_start3A_132 = arith.constant 0 : i32
    %dma_start3A_133 = tpu.memref_slice %arg8[%dma_start3A_130, %dma_start3A_131, %dma_start3A_132] : memref<4x48x128xf32, #tpu.memory_space<vmem>> -> memref<1x16x128xf32, #tpu.memory_space<vmem>>
    %dma_start3A_134 = tpu.memref_squeeze %dma_start3A_133 : memref<1x16x128xf32, #tpu.memory_space<vmem>> -> memref<16x128xf32, #tpu.memory_space<vmem>>
    %dma_start3A_135 = arith.constant 0 : i32
    %dma_start3A_136 = arith.constant 0 : i32
    %dma_start3A_137 = tpu.memref_slice %arg9[%dma_start3A_135, %dma_start3A_136] : memref<10240x128xf32, #tpu.memory_space<vmem_shared>> -> memref<10240x128xf32, #tpu.memory_space<vmem_shared>>
    tpu.enqueue_indirect_dma source(%dma_start3A_134 : memref<16x128xf32, #tpu.memory_space<vmem>>) target(%dma_start3A_137 : memref<10240x128xf32, #tpu.memory_space<vmem_shared>>) offsets(%get3A_129 : vector<16xi32>) semaphore(%arg14 : memref<!tpu.dma_semaphore, #tpu.memory_space<semaphore_mem>>) {add = true}
    %get3A_138 = arith.constant 9616 : index
    %get3A_139 = tpu.vector_load %arg7[%get3A_138] {strides = array<i32>} : memref<10000xi32, #tpu.memory_space<vmem>>, vector<16xi32>,
    %get3A_140 = vector.shape_cast %get3A_139 : vector<16xi32> to vector<16xi32>
    %dma_start3A_141 = arith.constant 0 : i32
    %dma_start3A_142 = arith.constant 16 : i32
    %dma_start3A_143 = arith.constant 0 : i32
    %dma_start3A_144 = tpu.memref_slice %arg8[%dma_start3A_141, %dma_start3A_142, %dma_start3A_143] : memref<4x48x128xf32, #tpu.memory_space<vmem>> -> memref<1x16x128xf32, #tpu.memory_space<vmem>>
    %dma_start3A_145 = tpu.memref_squeeze %dma_start3A_144 : memref<1x16x128xf32, #tpu.memory_space<vmem>> -> memref<16x128xf32, #tpu.memory_space<vmem>>
    %dma_start3A_146 = arith.constant 0 : i32
    %dma_start3A_147 = arith.constant 0 : i32
    %dma_start3A_148 = tpu.memref_slice %arg9[%dma_start3A_146, %dma_start3A_147] : memref<10240x128xf32, #tpu.memory_space<vmem_shared>> -> memref<10240x128xf32, #tpu.memory_space<vmem_shared>>
    tpu.enqueue_indirect_dma source(%dma_start3A_145 : memref<16x128xf32, #tpu.memory_space<vmem>>) target(%dma_start3A_148 : memref<10240x128xf32, #tpu.memory_space<vmem_shared>>) offsets(%get3A_140 : vector<16xi32>) semaphore(%arg14 : memref<!tpu.dma_semaphore, #tpu.memory_space<semaphore_mem>>) {add = true}
    %get3A_149 = arith.constant 9632 : index
    %get3A_150 = tpu.vector_load %arg7[%get3A_149] {strides = array<i32>} : memref<10000xi32, #tpu.memory_space<vmem>>, vector<16xi32>,
    %get3A_151 = vector.shape_cast %get3A_150 : vector<16xi32> to vector<16xi32>
    %dma_start3A_152 = arith.constant 0 : i32
    %dma_start3A_153 = arith.constant 32 : i32
    %dma_start3A_154 = arith.constant 0 : i32
    %dma_start3A_155 = tpu.memref_slice %arg8[%dma_start3A_152, %dma_start3A_153, %dma_start3A_154] : memref<4x48x128xf32, #tpu.memory_space<vmem>> -> memref<1x16x128xf32, #tpu.memory_space<vmem>>
    %dma_start3A_156 = tpu.memref_squeeze %dma_start3A_155 : memref<1x16x128xf32, #tpu.memory_space<vmem>> -> memref<16x128xf32, #tpu.memory_space<vmem>>
    %dma_start3A_157 = arith.constant 0 : i32
    %dma_start3A_158 = arith.constant 0 : i32
    %dma_start3A_159 = tpu.memref_slice %arg9[%dma_start3A_157, %dma_start3A_158] : memref<10240x128xf32, #tpu.memory_space<vmem_shared>> -> memref<10240x128xf32, #tpu.memory_space<vmem_shared>>
    tpu.enqueue_indirect_dma source(%dma_start3A_156 : memref<16x128xf32, #tpu.memory_space<vmem>>) target(%dma_start3A_159 : memref<10240x128xf32, #tpu.memory_space<vmem_shared>>) offsets(%get3A_151 : vector<16xi32>) semaphore(%arg14 : memref<!tpu.dma_semaphore, #tpu.memory_space<semaphore_mem>>) {add = true}
    %dma_wait3A_160 = arith.constant 1 : i32
    %dma_wait3A_161 = arith.constant 0 : i32
    %dma_wait3A_162 = arith.constant 0 : i32
    %dma_wait3A_163 = tpu.memref_slice %arg8[%dma_wait3A_160, %dma_wait3A_161, %dma_wait3A_162] : memref<4x48x128xf32, #tpu.memory_space<vmem>> -> memref<1x48x128xf32, #tpu.memory_space<vmem>>
    %dma_wait3A_164 = tpu.memref_squeeze %dma_wait3A_163 : memref<1x48x128xf32, #tpu.memory_space<vmem>> -> memref<48x128xf32, #tpu.memory_space<vmem>>
    %dma_wait3A_165 = arith.constant 0 : i32
    %dma_wait3A_166 = arith.constant 0 : i32
    %dma_wait3A_167 = tpu.memref_slice %arg2[%dma_wait3A_165, %dma_wait3A_166] : memref<10000x128xf32, #tpu.memory_space<hbm>> -> memref<48x128xf32, #tpu.memory_space<hbm>>
    %dma_wait3A_168 = arith.constant 0 : i32
    %dma_wait3A_169 = arith.constant 0 : i32
    %dma_wait3A_170 = tpu.memref_slice %arg8[%dma_wait3A_160, %dma_wait3A_168, %dma_wait3A_169] : memref<4x48x128xf32, #tpu.memory_space<vmem>> -> memref<1x48x128xf32, #tpu.memory_space<vmem>>
    %dma_wait3A_171 = tpu.memref_squeeze %dma_wait3A_170 : memref<1x48x128xf32, #tpu.memory_space<vmem>> -> memref<48x128xf32, #tpu.memory_space<vmem>>
    %dma_wait3A_172 = arith.constant 0 : i32
    %dma_wait3A_173 = arith.constant 0 : i32
    %dma_wait3A_174 = tpu.memref_slice %arg2[%dma_wait3A_172, %dma_wait3A_173] : memref<10000x128xf32, #tpu.memory_space<hbm>> -> memref<48x128xf32, #tpu.memory_space<hbm>>
    tpu.wait_dma2 semaphore(%arg11 : memref<!tpu.dma_semaphore, #tpu.memory_space<semaphore_mem>>) src(%dma_wait3A_174 : memref<48x128xf32, #tpu.memory_space<hbm>>) dst(%dma_wait3A_171 : memref<48x128xf32, #tpu.memory_space<vmem>>)
    %dma_wait3A_175 = arith.constant 0 : i32
    %dma_wait3A_176 = arith.constant 0 : i32
    %dma_wait3A_177 = arith.constant 0 : i32
    %dma_wait3A_178 = tpu.memref_slice %arg8[%dma_wait3A_175, %dma_wait3A_176, %dma_wait3A_177] : memref<4x48x128xf32, #tpu.memory_space<vmem>> -> memref<1x48x128xf32, #tpu.memory_space<vmem>>
    %dma_wait3A_179 = tpu.memref_squeeze %dma_wait3A_178 : memref<1x48x128xf32, #tpu.memory_space<vmem>> -> memref<48x128xf32, #tpu.memory_space<vmem>>
    %dma_wait3A_180 = arith.constant 0 : i32
    %dma_wait3A_181 = arith.constant 0 : i32
    %dma_wait3A_182 = tpu.memref_slice %arg2[%dma_wait3A_180, %dma_wait3A_181] : memref<10000x128xf32, #tpu.memory_space<hbm>> -> memref<48x128xf32, #tpu.memory_space<hbm>>
    %dma_wait3A_183 = arith.constant 0 : i32
    %dma_wait3A_184 = arith.constant 0 : i32
    %dma_wait3A_185 = tpu.memref_slice %arg8[%dma_wait3A_175, %dma_wait3A_183, %dma_wait3A_184] : memref<4x48x128xf32, #tpu.memory_space<vmem>> -> memref<1x48x128xf32, #tpu.memory_space<vmem>>
    %dma_wait3A_186 = tpu.memref_squeeze %dma_wait3A_185 : memref<1x48x128xf32, #tpu.memory_space<vmem>> -> memref<48x128xf32, #tpu.memory_space<vmem>>
    %dma_wait3A_187 = arith.constant 0 : i32
    %dma_wait3A_188 = arith.constant 0 : i32
    %dma_wait3A_189 = tpu.memref_slice %arg2[%dma_wait3A_187, %dma_wait3A_188] : memref<10000x128xf32, #tpu.memory_space<hbm>> -> memref<48x128xf32, #tpu.memory_space<hbm>>
    tpu.wait_dma2 semaphore(%arg14 : memref<!tpu.dma_semaphore, #tpu.memory_space<semaphore_mem>>) src(%dma_wait3A_189 : memref<48x128xf32, #tpu.memory_space<hbm>>) dst(%dma_wait3A_186 : memref<48x128xf32, #tpu.memory_space<vmem>>)
    %dma_start3A_190 = arith.constant 0 : i32
    %dma_start3A_191 = arith.constant 0 : i32
    %dma_start3A_192 = arith.constant 0 : i32
    %dma_start3A_193 = tpu.memref_slice %arg8[%dma_start3A_190, %dma_start3A_191, %dma_start3A_192] : memref<4x48x128xf32, #tpu.memory_space<vmem>> -> memref<1x48x128xf32, #tpu.memory_space<vmem>>
    %dma_start3A_194 = tpu.memref_squeeze %dma_start3A_193 : memref<1x48x128xf32, #tpu.memory_space<vmem>> -> memref<48x128xf32, #tpu.memory_space<vmem>>
    %dma_start3A_195 = arith.constant 9792 : i32
    %dma_start3A_196 = tpu.memref_slice %arg6[%dma_start3A_195] : memref<10000xi32, #tpu.memory_space<vmem>> -> memref<48xi32, #tpu.memory_space<vmem>>
    %dma_start3A_197 = arith.constant 0 : i32
    %dma_start3A_198 = arith.constant 0 : i32
    %dma_start3A_199 = tpu.memref_slice %arg2[%dma_start3A_197, %dma_start3A_198] : memref<10000x128xf32, #tpu.memory_space<hbm>> -> memref<10000x128xf32, #tpu.memory_space<hbm>>
    tpu.enqueue_indirect_dma source(%dma_start3A_199 : memref<10000x128xf32, #tpu.memory_space<hbm>>) target(%dma_start3A_194 : memref<48x128xf32, #tpu.memory_space<vmem>>) offsets(%dma_start3A_196 : memref<48xi32, #tpu.memory_space<vmem>>) semaphore(%arg10 : memref<!tpu.dma_semaphore, #tpu.memory_space<semaphore_mem>>)
    %get3A_200 = arith.constant 9648 : index
    %get3A_201 = tpu.vector_load %arg7[%get3A_200] {strides = array<i32>} : memref<10000xi32, #tpu.memory_space<vmem>>, vector<16xi32>,
    %get3A_202 = vector.shape_cast %get3A_201 : vector<16xi32> to vector<16xi32>
    %dma_start3A_203 = arith.constant 1 : i32
    %dma_start3A_204 = arith.constant 0 : i32
    %dma_start3A_205 = arith.constant 0 : i32
    %dma_start3A_206 = tpu.memref_slice %arg8[%dma_start3A_203, %dma_start3A_204, %dma_start3A_205] : memref<4x48x128xf32, #tpu.memory_space<vmem>> -> memref<1x16x128xf32, #tpu.memory_space<vmem>>
    %dma_start3A_207 = tpu.memref_squeeze %dma_start3A_206 : memref<1x16x128xf32, #tpu.memory_space<vmem>> -> memref<16x128xf32, #tpu.memory_space<vmem>>
    %dma_start3A_208 = arith.constant 0 : i32
    %dma_start3A_209 = arith.constant 0 : i32
    %dma_start3A_210 = tpu.memref_slice %arg9[%dma_start3A_208, %dma_start3A_209] : memref<10240x128xf32, #tpu.memory_space<vmem_shared>> -> memref<10240x128xf32, #tpu.memory_space<vmem_shared>>
    tpu.enqueue_indirect_dma source(%dma_start3A_207 : memref<16x128xf32, #tpu.memory_space<vmem>>) target(%dma_start3A_210 : memref<10240x128xf32, #tpu.memory_space<vmem_shared>>) offsets(%get3A_202 : vector<16xi32>) semaphore(%arg14 : memref<!tpu.dma_semaphore, #tpu.memory_space<semaphore_mem>>) {add = true}
    %get3A_211 = arith.constant 9664 : index
    %get3A_212 = tpu.vector_load %arg7[%get3A_211] {strides = array<i32>} : memref<10000xi32, #tpu.memory_space<vmem>>, vector<16xi32>,
    %get3A_213 = vector.shape_cast %get3A_212 : vector<16xi32> to vector<16xi32>
    %dma_start3A_214 = arith.constant 1 : i32
    %dma_start3A_215 = arith.constant 16 : i32
    %dma_start3A_216 = arith.constant 0 : i32
    %dma_start3A_217 = tpu.memref_slice %arg8[%dma_start3A_214, %dma_start3A_215, %dma_start3A_216] : memref<4x48x128xf32, #tpu.memory_space<vmem>> -> memref<1x16x128xf32, #tpu.memory_space<vmem>>
    %dma_start3A_218 = tpu.memref_squeeze %dma_start3A_217 : memref<1x16x128xf32, #tpu.memory_space<vmem>> -> memref<16x128xf32, #tpu.memory_space<vmem>>
    %dma_start3A_219 = arith.constant 0 : i32
    %dma_start3A_220 = arith.constant 0 : i32
    %dma_start3A_221 = tpu.memref_slice %arg9[%dma_start3A_219, %dma_start3A_220] : memref<10240x128xf32, #tpu.memory_space<vmem_shared>> -> memref<10240x128xf32, #tpu.memory_space<vmem_shared>>
    tpu.enqueue_indirect_dma source(%dma_start3A_218 : memref<16x128xf32, #tpu.memory_space<vmem>>) target(%dma_start3A_221 : memref<10240x128xf32, #tpu.memory_space<vmem_shared>>) offsets(%get3A_213 : vector<16xi32>) semaphore(%arg14 : memref<!tpu.dma_semaphore, #tpu.memory_space<semaphore_mem>>) {add = true}
    %get3A_222 = arith.constant 9680 : index
    %get3A_223 = tpu.vector_load %arg7[%get3A_222] {strides = array<i32>} : memref<10000xi32, #tpu.memory_space<vmem>>, vector<16xi32>,
    %get3A_224 = vector.shape_cast %get3A_223 : vector<16xi32> to vector<16xi32>
    %dma_start3A_225 = arith.constant 1 : i32
    %dma_start3A_226 = arith.constant 32 : i32
    %dma_start3A_227 = arith.constant 0 : i32
    %dma_start3A_228 = tpu.memref_slice %arg8[%dma_start3A_225, %dma_start3A_226, %dma_start3A_227] : memref<4x48x128xf32, #tpu.memory_space<vmem>> -> memref<1x16x128xf32, #tpu.memory_space<vmem>>
    %dma_start3A_229 = tpu.memref_squeeze %dma_start3A_228 : memref<1x16x128xf32, #tpu.memory_space<vmem>> -> memref<16x128xf32, #tpu.memory_space<vmem>>
    %dma_start3A_230 = arith.constant 0 : i32
    %dma_start3A_231 = arith.constant 0 : i32
    %dma_start3A_232 = tpu.memref_slice %arg9[%dma_start3A_230, %dma_start3A_231] : memref<10240x128xf32, #tpu.memory_space<vmem_shared>> -> memref<10240x128xf32, #tpu.memory_space<vmem_shared>>
    tpu.enqueue_indirect_dma source(%dma_start3A_229 : memref<16x128xf32, #tpu.memory_space<vmem>>) target(%dma_start3A_232 : memref<10240x128xf32, #tpu.memory_space<vmem_shared>>) offsets(%get3A_224 : vector<16xi32>) semaphore(%arg14 : memref<!tpu.dma_semaphore, #tpu.memory_space<semaphore_mem>>) {add = true}
    %dma_wait3A_233 = arith.constant 2 : i32
    %dma_wait3A_234 = arith.constant 0 : i32
    %dma_wait3A_235 = arith.constant 0 : i32
    %dma_wait3A_236 = tpu.memref_slice %arg8[%dma_wait3A_233, %dma_wait3A_234, %dma_wait3A_235] : memref<4x48x128xf32, #tpu.memory_space<vmem>> -> memref<1x48x128xf32, #tpu.memory_space<vmem>>
    %dma_wait3A_237 = tpu.memref_squeeze %dma_wait3A_236 : memref<1x48x128xf32, #tpu.memory_space<vmem>> -> memref<48x128xf32, #tpu.memory_space<vmem>>
    %dma_wait3A_238 = arith.constant 0 : i32
    %dma_wait3A_239 = arith.constant 0 : i32
    %dma_wait3A_240 = tpu.memref_slice %arg2[%dma_wait3A_238, %dma_wait3A_239] : memref<10000x128xf32, #tpu.memory_space<hbm>> -> memref<48x128xf32, #tpu.memory_space<hbm>>
    %dma_wait3A_241 = arith.constant 0 : i32
    %dma_wait3A_242 = arith.constant 0 : i32
    %dma_wait3A_243 = tpu.memref_slice %arg8[%dma_wait3A_233, %dma_wait3A_241, %dma_wait3A_242] : memref<4x48x128xf32, #tpu.memory_space<vmem>> -> memref<1x48x128xf32, #tpu.memory_space<vmem>>
    %dma_wait3A_244 = tpu.memref_squeeze %dma_wait3A_243 : memref<1x48x128xf32, #tpu.memory_space<vmem>> -> memref<48x128xf32, #tpu.memory_space<vmem>>
    %dma_wait3A_245 = arith.constant 0 : i32
    %dma_wait3A_246 = arith.constant 0 : i32
    %dma_wait3A_247 = tpu.memref_slice %arg2[%dma_wait3A_245, %dma_wait3A_246] : memref<10000x128xf32, #tpu.memory_space<hbm>> -> memref<48x128xf32, #tpu.memory_space<hbm>>
    tpu.wait_dma2 semaphore(%arg12 : memref<!tpu.dma_semaphore, #tpu.memory_space<semaphore_mem>>) src(%dma_wait3A_247 : memref<48x128xf32, #tpu.memory_space<hbm>>) dst(%dma_wait3A_244 : memref<48x128xf32, #tpu.memory_space<vmem>>)
    %dma_wait3A_248 = arith.constant 0 : i32
    %dma_wait3A_249 = arith.constant 0 : i32
    %dma_wait3A_250 = arith.constant 0 : i32
    %dma_wait3A_251 = tpu.memref_slice %arg8[%dma_wait3A_248, %dma_wait3A_249, %dma_wait3A_250] : memref<4x48x128xf32, #tpu.memory_space<vmem>> -> memref<1x48x128xf32, #tpu.memory_space<vmem>>
    %dma_wait3A_252 = tpu.memref_squeeze %dma_wait3A_251 : memref<1x48x128xf32, #tpu.memory_space<vmem>> -> memref<48x128xf32, #tpu.memory_space<vmem>>
    %dma_wait3A_253 = arith.constant 0 : i32
    %dma_wait3A_254 = arith.constant 0 : i32
    %dma_wait3A_255 = tpu.memref_slice %arg2[%dma_wait3A_253, %dma_wait3A_254] : memref<10000x128xf32, #tpu.memory_space<hbm>> -> memref<48x128xf32, #tpu.memory_space<hbm>>
    %dma_wait3A_256 = arith.constant 0 : i32
    %dma_wait3A_257 = arith.constant 0 : i32
    %dma_wait3A_258 = tpu.memref_slice %arg8[%dma_wait3A_248, %dma_wait3A_256, %dma_wait3A_257] : memref<4x48x128xf32, #tpu.memory_space<vmem>> -> memref<1x48x128xf32, #tpu.memory_space<vmem>>
    %dma_wait3A_259 = tpu.memref_squeeze %dma_wait3A_258 : memref<1x48x128xf32, #tpu.memory_space<vmem>> -> memref<48x128xf32, #tpu.memory_space<vmem>>
    %dma_wait3A_260 = arith.constant 0 : i32
    %dma_wait3A_261 = arith.constant 0 : i32
    %dma_wait3A_262 = tpu.memref_slice %arg2[%dma_wait3A_260, %dma_wait3A_261] : memref<10000x128xf32, #tpu.memory_space<hbm>> -> memref<48x128xf32, #tpu.memory_space<hbm>>
    tpu.wait_dma2 semaphore(%arg14 : memref<!tpu.dma_semaphore, #tpu.memory_space<semaphore_mem>>) src(%dma_wait3A_262 : memref<48x128xf32, #tpu.memory_space<hbm>>) dst(%dma_wait3A_259 : memref<48x128xf32, #tpu.memory_space<vmem>>)
    %dma_start3A_263 = arith.constant 1 : i32
    %dma_start3A_264 = arith.constant 0 : i32
    %dma_start3A_265 = arith.constant 0 : i32
    %dma_start3A_266 = tpu.memref_slice %arg8[%dma_start3A_263, %dma_start3A_264, %dma_start3A_265] : memref<4x48x128xf32, #tpu.memory_space<vmem>> -> memref<1x48x128xf32, #tpu.memory_space<vmem>>
    %dma_start3A_267 = tpu.memref_squeeze %dma_start3A_266 : memref<1x48x128xf32, #tpu.memory_space<vmem>> -> memref<48x128xf32, #tpu.memory_space<vmem>>
    %dma_start3A_268 = arith.constant 9840 : i32
    %dma_start3A_269 = tpu.memref_slice %arg6[%dma_start3A_268] : memref<10000xi32, #tpu.memory_space<vmem>> -> memref<48xi32, #tpu.memory_space<vmem>>
    %dma_start3A_270 = arith.constant 0 : i32
    %dma_start3A_271 = arith.constant 0 : i32
    %dma_start3A_272 = tpu.memref_slice %arg2[%dma_start3A_270, %dma_start3A_271] : memref<10000x128xf32, #tpu.memory_space<hbm>> -> memref<10000x128xf32, #tpu.memory_space<hbm>>
    tpu.enqueue_indirect_dma source(%dma_start3A_272 : memref<10000x128xf32, #tpu.memory_space<hbm>>) target(%dma_start3A_267 : memref<48x128xf32, #tpu.memory_space<vmem>>) offsets(%dma_start3A_269 : memref<48xi32, #tpu.memory_space<vmem>>) semaphore(%arg11 : memref<!tpu.dma_semaphore, #tpu.memory_space<semaphore_mem>>)
    %get3A_273 = arith.constant 9696 : index
    %get3A_274 = tpu.vector_load %arg7[%get3A_273] {strides = array<i32>} : memref<10000xi32, #tpu.memory_space<vmem>>, vector<16xi32>,
    %get3A_275 = vector.shape_cast %get3A_274 : vector<16xi32> to vector<16xi32>
    %dma_start3A_276 = arith.constant 2 : i32
    %dma_start3A_277 = arith.constant 0 : i32
    %dma_start3A_278 = arith.constant 0 : i32
    %dma_start3A_279 = tpu.memref_slice %arg8[%dma_start3A_276, %dma_start3A_277, %dma_start3A_278] : memref<4x48x128xf32, #tpu.memory_space<vmem>> -> memref<1x16x128xf32, #tpu.memory_space<vmem>>
    %dma_start3A_280 = tpu.memref_squeeze %dma_start3A_279 : memref<1x16x128xf32, #tpu.memory_space<vmem>> -> memref<16x128xf32, #tpu.memory_space<vmem>>
    %dma_start3A_281 = arith.constant 0 : i32
    %dma_start3A_282 = arith.constant 0 : i32
    %dma_start3A_283 = tpu.memref_slice %arg9[%dma_start3A_281, %dma_start3A_282] : memref<10240x128xf32, #tpu.memory_space<vmem_shared>> -> memref<10240x128xf32, #tpu.memory_space<vmem_shared>>
    tpu.enqueue_indirect_dma source(%dma_start3A_280 : memref<16x128xf32, #tpu.memory_space<vmem>>) target(%dma_start3A_283 : memref<10240x128xf32, #tpu.memory_space<vmem_shared>>) offsets(%get3A_275 : vector<16xi32>) semaphore(%arg14 : memref<!tpu.dma_semaphore, #tpu.memory_space<semaphore_mem>>) {add = true}
    %get3A_284 = arith.constant 9712 : index
    %get3A_285 = tpu.vector_load %arg7[%get3A_284] {strides = array<i32>} : memref<10000xi32, #tpu.memory_space<vmem>>, vector<16xi32>,
    %get3A_286 = vector.shape_cast %get3A_285 : vector<16xi32> to vector<16xi32>
    %dma_start3A_287 = arith.constant 2 : i32
    %dma_start3A_288 = arith.constant 16 : i32
    %dma_start3A_289 = arith.constant 0 : i32
    %dma_start3A_290 = tpu.memref_slice %arg8[%dma_start3A_287, %dma_start3A_288, %dma_start3A_289] : memref<4x48x128xf32, #tpu.memory_space<vmem>> -> memref<1x16x128xf32, #tpu.memory_space<vmem>>
    %dma_start3A_291 = tpu.memref_squeeze %dma_start3A_290 : memref<1x16x128xf32, #tpu.memory_space<vmem>> -> memref<16x128xf32, #tpu.memory_space<vmem>>
    %dma_start3A_292 = arith.constant 0 : i32
    %dma_start3A_293 = arith.constant 0 : i32
    %dma_start3A_294 = tpu.memref_slice %arg9[%dma_start3A_292, %dma_start3A_293] : memref<10240x128xf32, #tpu.memory_space<vmem_shared>> -> memref<10240x128xf32, #tpu.memory_space<vmem_shared>>
    tpu.enqueue_indirect_dma source(%dma_start3A_291 : memref<16x128xf32, #tpu.memory_space<vmem>>) target(%dma_start3A_294 : memref<10240x128xf32, #tpu.memory_space<vmem_shared>>) offsets(%get3A_286 : vector<16xi32>) semaphore(%arg14 : memref<!tpu.dma_semaphore, #tpu.memory_space<semaphore_mem>>) {add = true}
    %get3A_295 = arith.constant 9728 : index
    %get3A_296 = tpu.vector_load %arg7[%get3A_295] {strides = array<i32>} : memref<10000xi32, #tpu.memory_space<vmem>>, vector<16xi32>,
    %get3A_297 = vector.shape_cast %get3A_296 : vector<16xi32> to vector<16xi32>
    %dma_start3A_298 = arith.constant 2 : i32
    %dma_start3A_299 = arith.constant 32 : i32
    %dma_start3A_300 = arith.constant 0 : i32
    %dma_start3A_301 = tpu.memref_slice %arg8[%dma_start3A_298, %dma_start3A_299, %dma_start3A_300] : memref<4x48x128xf32, #tpu.memory_space<vmem>> -> memref<1x16x128xf32, #tpu.memory_space<vmem>>
    %dma_start3A_302 = tpu.memref_squeeze %dma_start3A_301 : memref<1x16x128xf32, #tpu.memory_space<vmem>> -> memref<16x128xf32, #tpu.memory_space<vmem>>
    %dma_start3A_303 = arith.constant 0 : i32
    %dma_start3A_304 = arith.constant 0 : i32
    %dma_start3A_305 = tpu.memref_slice %arg9[%dma_start3A_303, %dma_start3A_304] : memref<10240x128xf32, #tpu.memory_space<vmem_shared>> -> memref<10240x128xf32, #tpu.memory_space<vmem_shared>>
    tpu.enqueue_indirect_dma source(%dma_start3A_302 : memref<16x128xf32, #tpu.memory_space<vmem>>) target(%dma_start3A_305 : memref<10240x128xf32, #tpu.memory_space<vmem_shared>>) offsets(%get3A_297 : vector<16xi32>) semaphore(%arg14 : memref<!tpu.dma_semaphore, #tpu.memory_space<semaphore_mem>>) {add = true}
    %dma_wait3A_306 = arith.constant 3 : i32
    %dma_wait3A_307 = arith.constant 0 : i32
    %dma_wait3A_308 = arith.constant 0 : i32
    %dma_wait3A_309 = tpu.memref_slice %arg8[%dma_wait3A_306, %dma_wait3A_307, %dma_wait3A_308] : memref<4x48x128xf32, #tpu.memory_space<vmem>> -> memref<1x48x128xf32, #tpu.memory_space<vmem>>
    %dma_wait3A_310 = tpu.memref_squeeze %dma_wait3A_309 : memref<1x48x128xf32, #tpu.memory_space<vmem>> -> memref<48x128xf32, #tpu.memory_space<vmem>>
    %dma_wait3A_311 = arith.constant 0 : i32
    %dma_wait3A_312 = arith.constant 0 : i32
    %dma_wait3A_313 = tpu.memref_slice %arg2[%dma_wait3A_311, %dma_wait3A_312] : memref<10000x128xf32, #tpu.memory_space<hbm>> -> memref<48x128xf32, #tpu.memory_space<hbm>>
    %dma_wait3A_314 = arith.constant 0 : i32
    %dma_wait3A_315 = arith.constant 0 : i32
    %dma_wait3A_316 = tpu.memref_slice %arg8[%dma_wait3A_306, %dma_wait3A_314, %dma_wait3A_315] : memref<4x48x128xf32, #tpu.memory_space<vmem>> -> memref<1x48x128xf32, #tpu.memory_space<vmem>>
    %dma_wait3A_317 = tpu.memref_squeeze %dma_wait3A_316 : memref<1x48x128xf32, #tpu.memory_space<vmem>> -> memref<48x128xf32, #tpu.memory_space<vmem>>
    %dma_wait3A_318 = arith.constant 0 : i32
    %dma_wait3A_319 = arith.constant 0 : i32
    %dma_wait3A_320 = tpu.memref_slice %arg2[%dma_wait3A_318, %dma_wait3A_319] : memref<10000x128xf32, #tpu.memory_space<hbm>> -> memref<48x128xf32, #tpu.memory_space<hbm>>
    tpu.wait_dma2 semaphore(%arg13 : memref<!tpu.dma_semaphore, #tpu.memory_space<semaphore_mem>>) src(%dma_wait3A_320 : memref<48x128xf32, #tpu.memory_space<hbm>>) dst(%dma_wait3A_317 : memref<48x128xf32, #tpu.memory_space<vmem>>)
    %dma_wait3A_321 = arith.constant 0 : i32
    %dma_wait3A_322 = arith.constant 0 : i32
    %dma_wait3A_323 = arith.constant 0 : i32
    %dma_wait3A_324 = tpu.memref_slice %arg8[%dma_wait3A_321, %dma_wait3A_322, %dma_wait3A_323] : memref<4x48x128xf32, #tpu.memory_space<vmem>> -> memref<1x48x128xf32, #tpu.memory_space<vmem>>
    %dma_wait3A_325 = tpu.memref_squeeze %dma_wait3A_324 : memref<1x48x128xf32, #tpu.memory_space<vmem>> -> memref<48x128xf32, #tpu.memory_space<vmem>>
    %dma_wait3A_326 = arith.constant 0 : i32
    %dma_wait3A_327 = arith.constant 0 : i32
    %dma_wait3A_328 = tpu.memref_slice %arg2[%dma_wait3A_326, %dma_wait3A_327] : memref<10000x128xf32, #tpu.memory_space<hbm>> -> memref<48x128xf32, #tpu.memory_space<hbm>>
    %dma_wait3A_329 = arith.constant 0 : i32
    %dma_wait3A_330 = arith.constant 0 : i32
    %dma_wait3A_331 = tpu.memref_slice %arg8[%dma_wait3A_321, %dma_wait3A_329, %dma_wait3A_330] : memref<4x48x128xf32, #tpu.memory_space<vmem>> -> memref<1x48x128xf32, #tpu.memory_space<vmem>>
    %dma_wait3A_332 = tpu.memref_squeeze %dma_wait3A_331 : memref<1x48x128xf32, #tpu.memory_space<vmem>> -> memref<48x128xf32, #tpu.memory_space<vmem>>
    %dma_wait3A_333 = arith.constant 0 : i32
    %dma_wait3A_334 = arith.constant 0 : i32
    %dma_wait3A_335 = tpu.memref_slice %arg2[%dma_wait3A_333, %dma_wait3A_334] : memref<10000x128xf32, #tpu.memory_space<hbm>> -> memref<48x128xf32, #tpu.memory_space<hbm>>
    tpu.wait_dma2 semaphore(%arg14 : memref<!tpu.dma_semaphore, #tpu.memory_space<semaphore_mem>>) src(%dma_wait3A_335 : memref<48x128xf32, #tpu.memory_space<hbm>>) dst(%dma_wait3A_332 : memref<48x128xf32, #tpu.memory_space<vmem>>)
    %dma_start3A_336 = arith.constant 2 : i32
    %dma_start3A_337 = arith.constant 0 : i32
    %dma_start3A_338 = arith.constant 0 : i32
    %dma_start3A_339 = tpu.memref_slice %arg8[%dma_start3A_336, %dma_start3A_337, %dma_start3A_338] : memref<4x48x128xf32, #tpu.memory_space<vmem>> -> memref<1x48x128xf32, #tpu.memory_space<vmem>>
    %dma_start3A_340 = tpu.memref_squeeze %dma_start3A_339 : memref<1x48x128xf32, #tpu.memory_space<vmem>> -> memref<48x128xf32, #tpu.memory_space<vmem>>
    %dma_start3A_341 = arith.constant 9888 : i32
    %dma_start3A_342 = tpu.memref_slice %arg6[%dma_start3A_341] : memref<10000xi32, #tpu.memory_space<vmem>> -> memref<48xi32, #tpu.memory_space<vmem>>
    %dma_start3A_343 = arith.constant 0 : i32
    %dma_start3A_344 = arith.constant 0 : i32
    %dma_start3A_345 = tpu.memref_slice %arg2[%dma_start3A_343, %dma_start3A_344] : memref<10000x128xf32, #tpu.memory_space<hbm>> -> memref<10000x128xf32, #tpu.memory_space<hbm>>
    tpu.enqueue_indirect_dma source(%dma_start3A_345 : memref<10000x128xf32, #tpu.memory_space<hbm>>) target(%dma_start3A_340 : memref<48x128xf32, #tpu.memory_space<vmem>>) offsets(%dma_start3A_342 : memref<48xi32, #tpu.memory_space<vmem>>) semaphore(%arg12 : memref<!tpu.dma_semaphore, #tpu.memory_space<semaphore_mem>>)
    %get3A_346 = arith.constant 9744 : index
    %get3A_347 = tpu.vector_load %arg7[%get3A_346] {strides = array<i32>} : memref<10000xi32, #tpu.memory_space<vmem>>, vector<16xi32>,
    %get3A_348 = vector.shape_cast %get3A_347 : vector<16xi32> to vector<16xi32>
    %dma_start3A_349 = arith.constant 3 : i32
    %dma_start3A_350 = arith.constant 0 : i32
    %dma_start3A_351 = arith.constant 0 : i32
    %dma_start3A_352 = tpu.memref_slice %arg8[%dma_start3A_349, %dma_start3A_350, %dma_start3A_351] : memref<4x48x128xf32, #tpu.memory_space<vmem>> -> memref<1x16x128xf32, #tpu.memory_space<vmem>>
    %dma_start3A_353 = tpu.memref_squeeze %dma_start3A_352 : memref<1x16x128xf32, #tpu.memory_space<vmem>> -> memref<16x128xf32, #tpu.memory_space<vmem>>
    %dma_start3A_354 = arith.constant 0 : i32
    %dma_start3A_355 = arith.constant 0 : i32
    %dma_start3A_356 = tpu.memref_slice %arg9[%dma_start3A_354, %dma_start3A_355] : memref<10240x128xf32, #tpu.memory_space<vmem_shared>> -> memref<10240x128xf32, #tpu.memory_space<vmem_shared>>
    tpu.enqueue_indirect_dma source(%dma_start3A_353 : memref<16x128xf32, #tpu.memory_space<vmem>>) target(%dma_start3A_356 : memref<10240x128xf32, #tpu.memory_space<vmem_shared>>) offsets(%get3A_348 : vector<16xi32>) semaphore(%arg14 : memref<!tpu.dma_semaphore, #tpu.memory_space<semaphore_mem>>) {add = true}
    %get3A_357 = arith.constant 9760 : index
    %get3A_358 = tpu.vector_load %arg7[%get3A_357] {strides = array<i32>} : memref<10000xi32, #tpu.memory_space<vmem>>, vector<16xi32>,
    %get3A_359 = vector.shape_cast %get3A_358 : vector<16xi32> to vector<16xi32>
    %dma_start3A_360 = arith.constant 3 : i32
    %dma_start3A_361 = arith.constant 16 : i32
    %dma_start3A_362 = arith.constant 0 : i32
    %dma_start3A_363 = tpu.memref_slice %arg8[%dma_start3A_360, %dma_start3A_361, %dma_start3A_362] : memref<4x48x128xf32, #tpu.memory_space<vmem>> -> memref<1x16x128xf32, #tpu.memory_space<vmem>>
    %dma_start3A_364 = tpu.memref_squeeze %dma_start3A_363 : memref<1x16x128xf32, #tpu.memory_space<vmem>> -> memref<16x128xf32, #tpu.memory_space<vmem>>
    %dma_start3A_365 = arith.constant 0 : i32
    %dma_start3A_366 = arith.constant 0 : i32
    %dma_start3A_367 = tpu.memref_slice %arg9[%dma_start3A_365, %dma_start3A_366] : memref<10240x128xf32, #tpu.memory_space<vmem_shared>> -> memref<10240x128xf32, #tpu.memory_space<vmem_shared>>
    tpu.enqueue_indirect_dma source(%dma_start3A_364 : memref<16x128xf32, #tpu.memory_space<vmem>>) target(%dma_start3A_367 : memref<10240x128xf32, #tpu.memory_space<vmem_shared>>) offsets(%get3A_359 : vector<16xi32>) semaphore(%arg14 : memref<!tpu.dma_semaphore, #tpu.memory_space<semaphore_mem>>) {add = true}
    %get3A_368 = arith.constant 9776 : index
    %get3A_369 = tpu.vector_load %arg7[%get3A_368] {strides = array<i32>} : memref<10000xi32, #tpu.memory_space<vmem>>, vector<16xi32>,
    %get3A_370 = vector.shape_cast %get3A_369 : vector<16xi32> to vector<16xi32>
    %dma_start3A_371 = arith.constant 3 : i32
    %dma_start3A_372 = arith.constant 32 : i32
    %dma_start3A_373 = arith.constant 0 : i32
    %dma_start3A_374 = tpu.memref_slice %arg8[%dma_start3A_371, %dma_start3A_372, %dma_start3A_373] : memref<4x48x128xf32, #tpu.memory_space<vmem>> -> memref<1x16x128xf32, #tpu.memory_space<vmem>>
    %dma_start3A_375 = tpu.memref_squeeze %dma_start3A_374 : memref<1x16x128xf32, #tpu.memory_space<vmem>> -> memref<16x128xf32, #tpu.memory_space<vmem>>
    %dma_start3A_376 = arith.constant 0 : i32
    %dma_start3A_377 = arith.constant 0 : i32
    %dma_start3A_378 = tpu.memref_slice %arg9[%dma_start3A_376, %dma_start3A_377] : memref<10240x128xf32, #tpu.memory_space<vmem_shared>> -> memref<10240x128xf32, #tpu.memory_space<vmem_shared>>
    tpu.enqueue_indirect_dma source(%dma_start3A_375 : memref<16x128xf32, #tpu.memory_space<vmem>>) target(%dma_start3A_378 : memref<10240x128xf32, #tpu.memory_space<vmem_shared>>) offsets(%get3A_370 : vector<16xi32>) semaphore(%arg14 : memref<!tpu.dma_semaphore, #tpu.memory_space<semaphore_mem>>) {add = true}
    %dma_wait3A_379 = arith.constant 0 : i32
    %dma_wait3A_380 = arith.constant 0 : i32
    %dma_wait3A_381 = arith.constant 0 : i32
    %dma_wait3A_382 = tpu.memref_slice %arg8[%dma_wait3A_379, %dma_wait3A_380, %dma_wait3A_381] : memref<4x48x128xf32, #tpu.memory_space<vmem>> -> memref<1x48x128xf32, #tpu.memory_space<vmem>>
    %dma_wait3A_383 = tpu.memref_squeeze %dma_wait3A_382 : memref<1x48x128xf32, #tpu.memory_space<vmem>> -> memref<48x128xf32, #tpu.memory_space<vmem>>
    %dma_wait3A_384 = arith.constant 0 : i32
    %dma_wait3A_385 = arith.constant 0 : i32
    %dma_wait3A_386 = tpu.memref_slice %arg2[%dma_wait3A_384, %dma_wait3A_385] : memref<10000x128xf32, #tpu.memory_space<hbm>> -> memref<48x128xf32, #tpu.memory_space<hbm>>
    %dma_wait3A_387 = arith.constant 0 : i32
    %dma_wait3A_388 = arith.constant 0 : i32
    %dma_wait3A_389 = tpu.memref_slice %arg8[%dma_wait3A_379, %dma_wait3A_387, %dma_wait3A_388] : memref<4x48x128xf32, #tpu.memory_space<vmem>> -> memref<1x48x128xf32, #tpu.memory_space<vmem>>
    %dma_wait3A_390 = tpu.memref_squeeze %dma_wait3A_389 : memref<1x48x128xf32, #tpu.memory_space<vmem>> -> memref<48x128xf32, #tpu.memory_space<vmem>>
    %dma_wait3A_391 = arith.constant 0 : i32
    %dma_wait3A_392 = arith.constant 0 : i32
    %dma_wait3A_393 = tpu.memref_slice %arg2[%dma_wait3A_391, %dma_wait3A_392] : memref<10000x128xf32, #tpu.memory_space<hbm>> -> memref<48x128xf32, #tpu.memory_space<hbm>>
    tpu.wait_dma2 semaphore(%arg10 : memref<!tpu.dma_semaphore, #tpu.memory_space<semaphore_mem>>) src(%dma_wait3A_393 : memref<48x128xf32, #tpu.memory_space<hbm>>) dst(%dma_wait3A_390 : memref<48x128xf32, #tpu.memory_space<vmem>>)
    %dma_wait3A_394 = arith.constant 0 : i32
    %dma_wait3A_395 = arith.constant 0 : i32
    %dma_wait3A_396 = arith.constant 0 : i32
    %dma_wait3A_397 = tpu.memref_slice %arg8[%dma_wait3A_394, %dma_wait3A_395, %dma_wait3A_396] : memref<4x48x128xf32, #tpu.memory_space<vmem>> -> memref<1x48x128xf32, #tpu.memory_space<vmem>>
    %dma_wait3A_398 = tpu.memref_squeeze %dma_wait3A_397 : memref<1x48x128xf32, #tpu.memory_space<vmem>> -> memref<48x128xf32, #tpu.memory_space<vmem>>
    %dma_wait3A_399 = arith.constant 0 : i32
    %dma_wait3A_400 = arith.constant 0 : i32
    %dma_wait3A_401 = tpu.memref_slice %arg2[%dma_wait3A_399, %dma_wait3A_400] : memref<10000x128xf32, #tpu.memory_space<hbm>> -> memref<48x128xf32, #tpu.memory_space<hbm>>
    %dma_wait3A_402 = arith.constant 0 : i32
    %dma_wait3A_403 = arith.constant 0 : i32
    %dma_wait3A_404 = tpu.memref_slice %arg8[%dma_wait3A_394, %dma_wait3A_402, %dma_wait3A_403] : memref<4x48x128xf32, #tpu.memory_space<vmem>> -> memref<1x48x128xf32, #tpu.memory_space<vmem>>
    %dma_wait3A_405 = tpu.memref_squeeze %dma_wait3A_404 : memref<1x48x128xf32, #tpu.memory_space<vmem>> -> memref<48x128xf32, #tpu.memory_space<vmem>>
    %dma_wait3A_406 = arith.constant 0 : i32
    %dma_wait3A_407 = arith.constant 0 : i32
    %dma_wait3A_408 = tpu.memref_slice %arg2[%dma_wait3A_406, %dma_wait3A_407] : memref<10000x128xf32, #tpu.memory_space<hbm>> -> memref<48x128xf32, #tpu.memory_space<hbm>>
    tpu.wait_dma2 semaphore(%arg14 : memref<!tpu.dma_semaphore, #tpu.memory_space<semaphore_mem>>) src(%dma_wait3A_408 : memref<48x128xf32, #tpu.memory_space<hbm>>) dst(%dma_wait3A_405 : memref<48x128xf32, #tpu.memory_space<vmem>>)
    %dma_start3A_409 = arith.constant 3 : i32
    %dma_start3A_410 = arith.constant 0 : i32
    %dma_start3A_411 = arith.constant 0 : i32
    %dma_start3A_412 = tpu.memref_slice %arg8[%dma_start3A_409, %dma_start3A_410, %dma_start3A_411] : memref<4x48x128xf32, #tpu.memory_space<vmem>> -> memref<1x48x128xf32, #tpu.memory_space<vmem>>
    %dma_start3A_413 = tpu.memref_squeeze %dma_start3A_412 : memref<1x48x128xf32, #tpu.memory_space<vmem>> -> memref<48x128xf32, #tpu.memory_space<vmem>>
    %dma_start3A_414 = arith.constant 9936 : i32
    %dma_start3A_415 = tpu.memref_slice %arg6[%dma_start3A_414] : memref<10000xi32, #tpu.memory_space<vmem>> -> memref<48xi32, #tpu.memory_space<vmem>>
    %dma_start3A_416 = arith.constant 0 : i32
    %dma_start3A_417 = arith.constant 0 : i32
    %dma_start3A_418 = tpu.memref_slice %arg2[%dma_start3A_416, %dma_start3A_417] : memref<10000x128xf32, #tpu.memory_space<hbm>> -> memref<10000x128xf32, #tpu.memory_space<hbm>>
    tpu.enqueue_indirect_dma source(%dma_start3A_418 : memref<10000x128xf32, #tpu.memory_space<hbm>>) target(%dma_start3A_413 : memref<48x128xf32, #tpu.memory_space<vmem>>) offsets(%dma_start3A_415 : memref<48xi32, #tpu.memory_space<vmem>>) semaphore(%arg13 : memref<!tpu.dma_semaphore, #tpu.memory_space<semaphore_mem>>)
    %get3A_419 = arith.constant 9792 : index
    %get3A_420 = tpu.vector_load %arg7[%get3A_419] {strides = array<i32>} : memref<10000xi32, #tpu.memory_space<vmem>>, vector<16xi32>,
    %get3A_421 = vector.shape_cast %get3A_420 : vector<16xi32> to vector<16xi32>
    %dma_start3A_422 = arith.constant 0 : i32
    %dma_start3A_423 = arith.constant 0 : i32
    %dma_start3A_424 = arith.constant 0 : i32
    %dma_start3A_425 = tpu.memref_slice %arg8[%dma_start3A_422, %dma_start3A_423, %dma_start3A_424] : memref<4x48x128xf32, #tpu.memory_space<vmem>> -> memref<1x16x128xf32, #tpu.memory_space<vmem>>
    %dma_start3A_426 = tpu.memref_squeeze %dma_start3A_425 : memref<1x16x128xf32, #tpu.memory_space<vmem>> -> memref<16x128xf32, #tpu.memory_space<vmem>>
    %dma_start3A_427 = arith.constant 0 : i32
    %dma_start3A_428 = arith.constant 0 : i32
    %dma_start3A_429 = tpu.memref_slice %arg9[%dma_start3A_427, %dma_start3A_428] : memref<10240x128xf32, #tpu.memory_space<vmem_shared>> -> memref<10240x128xf32, #tpu.memory_space<vmem_shared>>
    tpu.enqueue_indirect_dma source(%dma_start3A_426 : memref<16x128xf32, #tpu.memory_space<vmem>>) target(%dma_start3A_429 : memref<10240x128xf32, #tpu.memory_space<vmem_shared>>) offsets(%get3A_421 : vector<16xi32>) semaphore(%arg14 : memref<!tpu.dma_semaphore, #tpu.memory_space<semaphore_mem>>) {add = true}
    %get3A_430 = arith.constant 9808 : index
    %get3A_431 = tpu.vector_load %arg7[%get3A_430] {strides = array<i32>} : memref<10000xi32, #tpu.memory_space<vmem>>, vector<16xi32>,
    %get3A_432 = vector.shape_cast %get3A_431 : vector<16xi32> to vector<16xi32>
    %dma_start3A_433 = arith.constant 0 : i32
    %dma_start3A_434 = arith.constant 16 : i32
    %dma_start3A_435 = arith.constant 0 : i32
    %dma_start3A_436 = tpu.memref_slice %arg8[%dma_start3A_433, %dma_start3A_434, %dma_start3A_435] : memref<4x48x128xf32, #tpu.memory_space<vmem>> -> memref<1x16x128xf32, #tpu.memory_space<vmem>>
    %dma_start3A_437 = tpu.memref_squeeze %dma_start3A_436 : memref<1x16x128xf32, #tpu.memory_space<vmem>> -> memref<16x128xf32, #tpu.memory_space<vmem>>
    %dma_start3A_438 = arith.constant 0 : i32
    %dma_start3A_439 = arith.constant 0 : i32
    %dma_start3A_440 = tpu.memref_slice %arg9[%dma_start3A_438, %dma_start3A_439] : memref<10240x128xf32, #tpu.memory_space<vmem_shared>> -> memref<10240x128xf32, #tpu.memory_space<vmem_shared>>
    tpu.enqueue_indirect_dma source(%dma_start3A_437 : memref<16x128xf32, #tpu.memory_space<vmem>>) target(%dma_start3A_440 : memref<10240x128xf32, #tpu.memory_space<vmem_shared>>) offsets(%get3A_432 : vector<16xi32>) semaphore(%arg14 : memref<!tpu.dma_semaphore, #tpu.memory_space<semaphore_mem>>) {add = true}
    %get3A_441 = arith.constant 9824 : index
    %get3A_442 = tpu.vector_load %arg7[%get3A_441] {strides = array<i32>} : memref<10000xi32, #tpu.memory_space<vmem>>, vector<16xi32>,
    %get3A_443 = vector.shape_cast %get3A_442 : vector<16xi32> to vector<16xi32>
    %dma_start3A_444 = arith.constant 0 : i32
    %dma_start3A_445 = arith.constant 32 : i32
    %dma_start3A_446 = arith.constant 0 : i32
    %dma_start3A_447 = tpu.memref_slice %arg8[%dma_start3A_444, %dma_start3A_445, %dma_start3A_446] : memref<4x48x128xf32, #tpu.memory_space<vmem>> -> memref<1x16x128xf32, #tpu.memory_space<vmem>>
    %dma_start3A_448 = tpu.memref_squeeze %dma_start3A_447 : memref<1x16x128xf32, #tpu.memory_space<vmem>> -> memref<16x128xf32, #tpu.memory_space<vmem>>
    %dma_start3A_449 = arith.constant 0 : i32
    %dma_start3A_450 = arith.constant 0 : i32
    %dma_start3A_451 = tpu.memref_slice %arg9[%dma_start3A_449, %dma_start3A_450] : memref<10240x128xf32, #tpu.memory_space<vmem_shared>> -> memref<10240x128xf32, #tpu.memory_space<vmem_shared>>
    tpu.enqueue_indirect_dma source(%dma_start3A_448 : memref<16x128xf32, #tpu.memory_space<vmem>>) target(%dma_start3A_451 : memref<10240x128xf32, #tpu.memory_space<vmem_shared>>) offsets(%get3A_443 : vector<16xi32>) semaphore(%arg14 : memref<!tpu.dma_semaphore, #tpu.memory_space<semaphore_mem>>) {add = true}
    %dma_wait3A_452 = arith.constant 1 : i32
    %dma_wait3A_453 = arith.constant 0 : i32
    %dma_wait3A_454 = arith.constant 0 : i32
    %dma_wait3A_455 = tpu.memref_slice %arg8[%dma_wait3A_452, %dma_wait3A_453, %dma_wait3A_454] : memref<4x48x128xf32, #tpu.memory_space<vmem>> -> memref<1x48x128xf32, #tpu.memory_space<vmem>>
    %dma_wait3A_456 = tpu.memref_squeeze %dma_wait3A_455 : memref<1x48x128xf32, #tpu.memory_space<vmem>> -> memref<48x128xf32, #tpu.memory_space<vmem>>
    %dma_wait3A_457 = arith.constant 0 : i32
    %dma_wait3A_458 = arith.constant 0 : i32
    %dma_wait3A_459 = tpu.memref_slice %arg2[%dma_wait3A_457, %dma_wait3A_458] : memref<10000x128xf32, #tpu.memory_space<hbm>> -> memref<48x128xf32, #tpu.memory_space<hbm>>
    %dma_wait3A_460 = arith.constant 0 : i32
    %dma_wait3A_461 = arith.constant 0 : i32
    %dma_wait3A_462 = tpu.memref_slice %arg8[%dma_wait3A_452, %dma_wait3A_460, %dma_wait3A_461] : memref<4x48x128xf32, #tpu.memory_space<vmem>> -> memref<1x48x128xf32, #tpu.memory_space<vmem>>
    %dma_wait3A_463 = tpu.memref_squeeze %dma_wait3A_462 : memref<1x48x128xf32, #tpu.memory_space<vmem>> -> memref<48x128xf32, #tpu.memory_space<vmem>>
    %dma_wait3A_464 = arith.constant 0 : i32
    %dma_wait3A_465 = arith.constant 0 : i32
    %dma_wait3A_466 = tpu.memref_slice %arg2[%dma_wait3A_464, %dma_wait3A_465] : memref<10000x128xf32, #tpu.memory_space<hbm>> -> memref<48x128xf32, #tpu.memory_space<hbm>>
    tpu.wait_dma2 semaphore(%arg11 : memref<!tpu.dma_semaphore, #tpu.memory_space<semaphore_mem>>) src(%dma_wait3A_466 : memref<48x128xf32, #tpu.memory_space<hbm>>) dst(%dma_wait3A_463 : memref<48x128xf32, #tpu.memory_space<vmem>>)
    %dma_wait3A_467 = arith.constant 0 : i32
    %dma_wait3A_468 = arith.constant 0 : i32
    %dma_wait3A_469 = arith.constant 0 : i32
    %dma_wait3A_470 = tpu.memref_slice %arg8[%dma_wait3A_467, %dma_wait3A_468, %dma_wait3A_469] : memref<4x48x128xf32, #tpu.memory_space<vmem>> -> memref<1x48x128xf32, #tpu.memory_space<vmem>>
    %dma_wait3A_471 = tpu.memref_squeeze %dma_wait3A_470 : memref<1x48x128xf32, #tpu.memory_space<vmem>> -> memref<48x128xf32, #tpu.memory_space<vmem>>
    %dma_wait3A_472 = arith.constant 0 : i32
    %dma_wait3A_473 = arith.constant 0 : i32
    %dma_wait3A_474 = tpu.memref_slice %arg2[%dma_wait3A_472, %dma_wait3A_473] : memref<10000x128xf32, #tpu.memory_space<hbm>> -> memref<48x128xf32, #tpu.memory_space<hbm>>
    %dma_wait3A_475 = arith.constant 0 : i32
    %dma_wait3A_476 = arith.constant 0 : i32
    %dma_wait3A_477 = tpu.memref_slice %arg8[%dma_wait3A_467, %dma_wait3A_475, %dma_wait3A_476] : memref<4x48x128xf32, #tpu.memory_space<vmem>> -> memref<1x48x128xf32, #tpu.memory_space<vmem>>
    %dma_wait3A_478 = tpu.memref_squeeze %dma_wait3A_477 : memref<1x48x128xf32, #tpu.memory_space<vmem>> -> memref<48x128xf32, #tpu.memory_space<vmem>>
    %dma_wait3A_479 = arith.constant 0 : i32
    %dma_wait3A_480 = arith.constant 0 : i32
    %dma_wait3A_481 = tpu.memref_slice %arg2[%dma_wait3A_479, %dma_wait3A_480] : memref<10000x128xf32, #tpu.memory_space<hbm>> -> memref<48x128xf32, #tpu.memory_space<hbm>>
    tpu.wait_dma2 semaphore(%arg14 : memref<!tpu.dma_semaphore, #tpu.memory_space<semaphore_mem>>) src(%dma_wait3A_481 : memref<48x128xf32, #tpu.memory_space<hbm>>) dst(%dma_wait3A_478 : memref<48x128xf32, #tpu.memory_space<vmem>>)
    %dma_start3A_482 = arith.constant 0 : i32
    %dma_start3A_483 = arith.constant 0 : i32
    %dma_start3A_484 = arith.constant 0 : i32
    %dma_start3A_485 = tpu.memref_slice %arg8[%dma_start3A_482, %dma_start3A_483, %dma_start3A_484] : memref<4x48x128xf32, #tpu.memory_space<vmem>> -> memref<1x16x128xf32, #tpu.memory_space<vmem>>
    %dma_start3A_486 = tpu.memref_squeeze %dma_start3A_485 : memref<1x16x128xf32, #tpu.memory_space<vmem>> -> memref<16x128xf32, #tpu.memory_space<vmem>>
    %dma_start3A_487 = arith.constant 9984 : i32
    %dma_start3A_488 = tpu.memref_slice %arg6[%dma_start3A_487] : memref<10000xi32, #tpu.memory_space<vmem>> -> memref<16xi32, #tpu.memory_space<vmem>>
    %dma_start3A_489 = arith.constant 0 : i32
    %dma_start3A_490 = arith.constant 0 : i32
    %dma_start3A_491 = tpu.memref_slice %arg2[%dma_start3A_489, %dma_start3A_490] : memref<10000x128xf32, #tpu.memory_space<hbm>> -> memref<10000x128xf32, #tpu.memory_space<hbm>>
    tpu.enqueue_indirect_dma source(%dma_start3A_491 : memref<10000x128xf32, #tpu.memory_space<hbm>>) target(%dma_start3A_486 : memref<16x128xf32, #tpu.memory_space<vmem>>) offsets(%dma_start3A_488 : memref<16xi32, #tpu.memory_space<vmem>>) semaphore(%arg10 : memref<!tpu.dma_semaphore, #tpu.memory_space<semaphore_mem>>)
    %get3A_492 = arith.constant 9840 : index
    %get3A_493 = tpu.vector_load %arg7[%get3A_492] {strides = array<i32>} : memref<10000xi32, #tpu.memory_space<vmem>>, vector<16xi32>,
    %get3A_494 = vector.shape_cast %get3A_493 : vector<16xi32> to vector<16xi32>
    %dma_start3A_495 = arith.constant 1 : i32
    %dma_start3A_496 = arith.constant 0 : i32
    %dma_start3A_497 = arith.constant 0 : i32
    %dma_start3A_498 = tpu.memref_slice %arg8[%dma_start3A_495, %dma_start3A_496, %dma_start3A_497] : memref<4x48x128xf32, #tpu.memory_space<vmem>> -> memref<1x16x128xf32, #tpu.memory_space<vmem>>
    %dma_start3A_499 = tpu.memref_squeeze %dma_start3A_498 : memref<1x16x128xf32, #tpu.memory_space<vmem>> -> memref<16x128xf32, #tpu.memory_space<vmem>>
    %dma_start3A_500 = arith.constant 0 : i32
    %dma_start3A_501 = arith.constant 0 : i32
    %dma_start3A_502 = tpu.memref_slice %arg9[%dma_start3A_500, %dma_start3A_501] : memref<10240x128xf32, #tpu.memory_space<vmem_shared>> -> memref<10240x128xf32, #tpu.memory_space<vmem_shared>>
    tpu.enqueue_indirect_dma source(%dma_start3A_499 : memref<16x128xf32, #tpu.memory_space<vmem>>) target(%dma_start3A_502 : memref<10240x128xf32, #tpu.memory_space<vmem_shared>>) offsets(%get3A_494 : vector<16xi32>) semaphore(%arg14 : memref<!tpu.dma_semaphore, #tpu.memory_space<semaphore_mem>>) {add = true}
    %get3A_503 = arith.constant 9856 : index
    %get3A_504 = tpu.vector_load %arg7[%get3A_503] {strides = array<i32>} : memref<10000xi32, #tpu.memory_space<vmem>>, vector<16xi32>,
    %get3A_505 = vector.shape_cast %get3A_504 : vector<16xi32> to vector<16xi32>
    %dma_start3A_506 = arith.constant 1 : i32
    %dma_start3A_507 = arith.constant 16 : i32
    %dma_start3A_508 = arith.constant 0 : i32
    %dma_start3A_509 = tpu.memref_slice %arg8[%dma_start3A_506, %dma_start3A_507, %dma_start3A_508] : memref<4x48x128xf32, #tpu.memory_space<vmem>> -> memref<1x16x128xf32, #tpu.memory_space<vmem>>
    %dma_start3A_510 = tpu.memref_squeeze %dma_start3A_509 : memref<1x16x128xf32, #tpu.memory_space<vmem>> -> memref<16x128xf32, #tpu.memory_space<vmem>>
    %dma_start3A_511 = arith.constant 0 : i32
    %dma_start3A_512 = arith.constant 0 : i32
    %dma_start3A_513 = tpu.memref_slice %arg9[%dma_start3A_511, %dma_start3A_512] : memref<10240x128xf32, #tpu.memory_space<vmem_shared>> -> memref<10240x128xf32, #tpu.memory_space<vmem_shared>>
    tpu.enqueue_indirect_dma source(%dma_start3A_510 : memref<16x128xf32, #tpu.memory_space<vmem>>) target(%dma_start3A_513 : memref<10240x128xf32, #tpu.memory_space<vmem_shared>>) offsets(%get3A_505 : vector<16xi32>) semaphore(%arg14 : memref<!tpu.dma_semaphore, #tpu.memory_space<semaphore_mem>>) {add = true}
    %get3A_514 = arith.constant 9872 : index
    %get3A_515 = tpu.vector_load %arg7[%get3A_514] {strides = array<i32>} : memref<10000xi32, #tpu.memory_space<vmem>>, vector<16xi32>,
    %get3A_516 = vector.shape_cast %get3A_515 : vector<16xi32> to vector<16xi32>
    %dma_start3A_517 = arith.constant 1 : i32
    %dma_start3A_518 = arith.constant 32 : i32
    %dma_start3A_519 = arith.constant 0 : i32
    %dma_start3A_520 = tpu.memref_slice %arg8[%dma_start3A_517, %dma_start3A_518, %dma_start3A_519] : memref<4x48x128xf32, #tpu.memory_space<vmem>> -> memref<1x16x128xf32, #tpu.memory_space<vmem>>
    %dma_start3A_521 = tpu.memref_squeeze %dma_start3A_520 : memref<1x16x128xf32, #tpu.memory_space<vmem>> -> memref<16x128xf32, #tpu.memory_space<vmem>>
    %dma_start3A_522 = arith.constant 0 : i32
    %dma_start3A_523 = arith.constant 0 : i32
    %dma_start3A_524 = tpu.memref_slice %arg9[%dma_start3A_522, %dma_start3A_523] : memref<10240x128xf32, #tpu.memory_space<vmem_shared>> -> memref<10240x128xf32, #tpu.memory_space<vmem_shared>>
    tpu.enqueue_indirect_dma source(%dma_start3A_521 : memref<16x128xf32, #tpu.memory_space<vmem>>) target(%dma_start3A_524 : memref<10240x128xf32, #tpu.memory_space<vmem_shared>>) offsets(%get3A_516 : vector<16xi32>) semaphore(%arg14 : memref<!tpu.dma_semaphore, #tpu.memory_space<semaphore_mem>>) {add = true}
    %dma_wait3A_525 = arith.constant 2 : i32
    %dma_wait3A_526 = arith.constant 0 : i32
    %dma_wait3A_527 = arith.constant 0 : i32
    %dma_wait3A_528 = tpu.memref_slice %arg8[%dma_wait3A_525, %dma_wait3A_526, %dma_wait3A_527] : memref<4x48x128xf32, #tpu.memory_space<vmem>> -> memref<1x48x128xf32, #tpu.memory_space<vmem>>
    %dma_wait3A_529 = tpu.memref_squeeze %dma_wait3A_528 : memref<1x48x128xf32, #tpu.memory_space<vmem>> -> memref<48x128xf32, #tpu.memory_space<vmem>>
    %dma_wait3A_530 = arith.constant 0 : i32
    %dma_wait3A_531 = arith.constant 0 : i32
    %dma_wait3A_532 = tpu.memref_slice %arg2[%dma_wait3A_530, %dma_wait3A_531] : memref<10000x128xf32, #tpu.memory_space<hbm>> -> memref<48x128xf32, #tpu.memory_space<hbm>>
    %dma_wait3A_533 = arith.constant 0 : i32
    %dma_wait3A_534 = arith.constant 0 : i32
    %dma_wait3A_535 = tpu.memref_slice %arg8[%dma_wait3A_525, %dma_wait3A_533, %dma_wait3A_534] : memref<4x48x128xf32, #tpu.memory_space<vmem>> -> memref<1x48x128xf32, #tpu.memory_space<vmem>>
    %dma_wait3A_536 = tpu.memref_squeeze %dma_wait3A_535 : memref<1x48x128xf32, #tpu.memory_space<vmem>> -> memref<48x128xf32, #tpu.memory_space<vmem>>
    %dma_wait3A_537 = arith.constant 0 : i32
    %dma_wait3A_538 = arith.constant 0 : i32
    %dma_wait3A_539 = tpu.memref_slice %arg2[%dma_wait3A_537, %dma_wait3A_538] : memref<10000x128xf32, #tpu.memory_space<hbm>> -> memref<48x128xf32, #tpu.memory_space<hbm>>
    tpu.wait_dma2 semaphore(%arg12 : memref<!tpu.dma_semaphore, #tpu.memory_space<semaphore_mem>>) src(%dma_wait3A_539 : memref<48x128xf32, #tpu.memory_space<hbm>>) dst(%dma_wait3A_536 : memref<48x128xf32, #tpu.memory_space<vmem>>)
    %dma_wait3A_540 = arith.constant 0 : i32
    %dma_wait3A_541 = arith.constant 0 : i32
    %dma_wait3A_542 = arith.constant 0 : i32
    %dma_wait3A_543 = tpu.memref_slice %arg8[%dma_wait3A_540, %dma_wait3A_541, %dma_wait3A_542] : memref<4x48x128xf32, #tpu.memory_space<vmem>> -> memref<1x48x128xf32, #tpu.memory_space<vmem>>
    %dma_wait3A_544 = tpu.memref_squeeze %dma_wait3A_543 : memref<1x48x128xf32, #tpu.memory_space<vmem>> -> memref<48x128xf32, #tpu.memory_space<vmem>>
    %dma_wait3A_545 = arith.constant 0 : i32
    %dma_wait3A_546 = arith.constant 0 : i32
    %dma_wait3A_547 = tpu.memref_slice %arg2[%dma_wait3A_545, %dma_wait3A_546] : memref<10000x128xf32, #tpu.memory_space<hbm>> -> memref<48x128xf32, #tpu.memory_space<hbm>>
    %dma_wait3A_548 = arith.constant 0 : i32
    %dma_wait3A_549 = arith.constant 0 : i32
    %dma_wait3A_550 = tpu.memref_slice %arg8[%dma_wait3A_540, %dma_wait3A_548, %dma_wait3A_549] : memref<4x48x128xf32, #tpu.memory_space<vmem>> -> memref<1x48x128xf32, #tpu.memory_space<vmem>>
    %dma_wait3A_551 = tpu.memref_squeeze %dma_wait3A_550 : memref<1x48x128xf32, #tpu.memory_space<vmem>> -> memref<48x128xf32, #tpu.memory_space<vmem>>
    %dma_wait3A_552 = arith.constant 0 : i32
    %dma_wait3A_553 = arith.constant 0 : i32
    %dma_wait3A_554 = tpu.memref_slice %arg2[%dma_wait3A_552, %dma_wait3A_553] : memref<10000x128xf32, #tpu.memory_space<hbm>> -> memref<48x128xf32, #tpu.memory_space<hbm>>
    tpu.wait_dma2 semaphore(%arg14 : memref<!tpu.dma_semaphore, #tpu.memory_space<semaphore_mem>>) src(%dma_wait3A_554 : memref<48x128xf32, #tpu.memory_space<hbm>>) dst(%dma_wait3A_551 : memref<48x128xf32, #tpu.memory_space<vmem>>)
    %get3A_555 = arith.constant 9888 : index
    %get3A_556 = tpu.vector_load %arg7[%get3A_555] {strides = array<i32>} : memref<10000xi32, #tpu.memory_space<vmem>>, vector<16xi32>,
    %get3A_557 = vector.shape_cast %get3A_556 : vector<16xi32> to vector<16xi32>
    %dma_start3A_558 = arith.constant 2 : i32
    %dma_start3A_559 = arith.constant 0 : i32
    %dma_start3A_560 = arith.constant 0 : i32
    %dma_start3A_561 = tpu.memref_slice %arg8[%dma_start3A_558, %dma_start3A_559, %dma_start3A_560] : memref<4x48x128xf32, #tpu.memory_space<vmem>> -> memref<1x16x128xf32, #tpu.memory_space<vmem>>
    %dma_start3A_562 = tpu.memref_squeeze %dma_start3A_561 : memref<1x16x128xf32, #tpu.memory_space<vmem>> -> memref<16x128xf32, #tpu.memory_space<vmem>>
    %dma_start3A_563 = arith.constant 0 : i32
    %dma_start3A_564 = arith.constant 0 : i32
    %dma_start3A_565 = tpu.memref_slice %arg9[%dma_start3A_563, %dma_start3A_564] : memref<10240x128xf32, #tpu.memory_space<vmem_shared>> -> memref<10240x128xf32, #tpu.memory_space<vmem_shared>>
    tpu.enqueue_indirect_dma source(%dma_start3A_562 : memref<16x128xf32, #tpu.memory_space<vmem>>) target(%dma_start3A_565 : memref<10240x128xf32, #tpu.memory_space<vmem_shared>>) offsets(%get3A_557 : vector<16xi32>) semaphore(%arg14 : memref<!tpu.dma_semaphore, #tpu.memory_space<semaphore_mem>>) {add = true}
    %get3A_566 = arith.constant 9904 : index
    %get3A_567 = tpu.vector_load %arg7[%get3A_566] {strides = array<i32>} : memref<10000xi32, #tpu.memory_space<vmem>>, vector<16xi32>,
    %get3A_568 = vector.shape_cast %get3A_567 : vector<16xi32> to vector<16xi32>
    %dma_start3A_569 = arith.constant 2 : i32
    %dma_start3A_570 = arith.constant 16 : i32
    %dma_start3A_571 = arith.constant 0 : i32
    %dma_start3A_572 = tpu.memref_slice %arg8[%dma_start3A_569, %dma_start3A_570, %dma_start3A_571] : memref<4x48x128xf32, #tpu.memory_space<vmem>> -> memref<1x16x128xf32, #tpu.memory_space<vmem>>
    %dma_start3A_573 = tpu.memref_squeeze %dma_start3A_572 : memref<1x16x128xf32, #tpu.memory_space<vmem>> -> memref<16x128xf32, #tpu.memory_space<vmem>>
    %dma_start3A_574 = arith.constant 0 : i32
    %dma_start3A_575 = arith.constant 0 : i32
    %dma_start3A_576 = tpu.memref_slice %arg9[%dma_start3A_574, %dma_start3A_575] : memref<10240x128xf32, #tpu.memory_space<vmem_shared>> -> memref<10240x128xf32, #tpu.memory_space<vmem_shared>>
    tpu.enqueue_indirect_dma source(%dma_start3A_573 : memref<16x128xf32, #tpu.memory_space<vmem>>) target(%dma_start3A_576 : memref<10240x128xf32, #tpu.memory_space<vmem_shared>>) offsets(%get3A_568 : vector<16xi32>) semaphore(%arg14 : memref<!tpu.dma_semaphore, #tpu.memory_space<semaphore_mem>>) {add = true}
    %get3A_577 = arith.constant 9920 : index
    %get3A_578 = tpu.vector_load %arg7[%get3A_577] {strides = array<i32>} : memref<10000xi32, #tpu.memory_space<vmem>>, vector<16xi32>,
    %get3A_579 = vector.shape_cast %get3A_578 : vector<16xi32> to vector<16xi32>
    %dma_start3A_580 = arith.constant 2 : i32
    %dma_start3A_581 = arith.constant 32 : i32
    %dma_start3A_582 = arith.constant 0 : i32
    %dma_start3A_583 = tpu.memref_slice %arg8[%dma_start3A_580, %dma_start3A_581, %dma_start3A_582] : memref<4x48x128xf32, #tpu.memory_space<vmem>> -> memref<1x16x128xf32, #tpu.memory_space<vmem>>
    %dma_start3A_584 = tpu.memref_squeeze %dma_start3A_583 : memref<1x16x128xf32, #tpu.memory_space<vmem>> -> memref<16x128xf32, #tpu.memory_space<vmem>>
    %dma_start3A_585 = arith.constant 0 : i32
    %dma_start3A_586 = arith.constant 0 : i32
    %dma_start3A_587 = tpu.memref_slice %arg9[%dma_start3A_585, %dma_start3A_586] : memref<10240x128xf32, #tpu.memory_space<vmem_shared>> -> memref<10240x128xf32, #tpu.memory_space<vmem_shared>>
    tpu.enqueue_indirect_dma source(%dma_start3A_584 : memref<16x128xf32, #tpu.memory_space<vmem>>) target(%dma_start3A_587 : memref<10240x128xf32, #tpu.memory_space<vmem_shared>>) offsets(%get3A_579 : vector<16xi32>) semaphore(%arg14 : memref<!tpu.dma_semaphore, #tpu.memory_space<semaphore_mem>>) {add = true}
    %dma_wait3A_588 = arith.constant 3 : i32
    %dma_wait3A_589 = arith.constant 0 : i32
    %dma_wait3A_590 = arith.constant 0 : i32
    %dma_wait3A_591 = tpu.memref_slice %arg8[%dma_wait3A_588, %dma_wait3A_589, %dma_wait3A_590] : memref<4x48x128xf32, #tpu.memory_space<vmem>> -> memref<1x48x128xf32, #tpu.memory_space<vmem>>
    %dma_wait3A_592 = tpu.memref_squeeze %dma_wait3A_591 : memref<1x48x128xf32, #tpu.memory_space<vmem>> -> memref<48x128xf32, #tpu.memory_space<vmem>>
    %dma_wait3A_593 = arith.constant 0 : i32
    %dma_wait3A_594 = arith.constant 0 : i32
    %dma_wait3A_595 = tpu.memref_slice %arg2[%dma_wait3A_593, %dma_wait3A_594] : memref<10000x128xf32, #tpu.memory_space<hbm>> -> memref<48x128xf32, #tpu.memory_space<hbm>>
    %dma_wait3A_596 = arith.constant 0 : i32
    %dma_wait3A_597 = arith.constant 0 : i32
    %dma_wait3A_598 = tpu.memref_slice %arg8[%dma_wait3A_588, %dma_wait3A_596, %dma_wait3A_597] : memref<4x48x128xf32, #tpu.memory_space<vmem>> -> memref<1x48x128xf32, #tpu.memory_space<vmem>>
    %dma_wait3A_599 = tpu.memref_squeeze %dma_wait3A_598 : memref<1x48x128xf32, #tpu.memory_space<vmem>> -> memref<48x128xf32, #tpu.memory_space<vmem>>
    %dma_wait3A_600 = arith.constant 0 : i32
    %dma_wait3A_601 = arith.constant 0 : i32
    %dma_wait3A_602 = tpu.memref_slice %arg2[%dma_wait3A_600, %dma_wait3A_601] : memref<10000x128xf32, #tpu.memory_space<hbm>> -> memref<48x128xf32, #tpu.memory_space<hbm>>
    tpu.wait_dma2 semaphore(%arg13 : memref<!tpu.dma_semaphore, #tpu.memory_space<semaphore_mem>>) src(%dma_wait3A_602 : memref<48x128xf32, #tpu.memory_space<hbm>>) dst(%dma_wait3A_599 : memref<48x128xf32, #tpu.memory_space<vmem>>)
    %dma_wait3A_603 = arith.constant 0 : i32
    %dma_wait3A_604 = arith.constant 0 : i32
    %dma_wait3A_605 = arith.constant 0 : i32
    %dma_wait3A_606 = tpu.memref_slice %arg8[%dma_wait3A_603, %dma_wait3A_604, %dma_wait3A_605] : memref<4x48x128xf32, #tpu.memory_space<vmem>> -> memref<1x48x128xf32, #tpu.memory_space<vmem>>
    %dma_wait3A_607 = tpu.memref_squeeze %dma_wait3A_606 : memref<1x48x128xf32, #tpu.memory_space<vmem>> -> memref<48x128xf32, #tpu.memory_space<vmem>>
    %dma_wait3A_608 = arith.constant 0 : i32
    %dma_wait3A_609 = arith.constant 0 : i32
    %dma_wait3A_610 = tpu.memref_slice %arg2[%dma_wait3A_608, %dma_wait3A_609] : memref<10000x128xf32, #tpu.memory_space<hbm>> -> memref<48x128xf32, #tpu.memory_space<hbm>>
    %dma_wait3A_611 = arith.constant 0 : i32
    %dma_wait3A_612 = arith.constant 0 : i32
    %dma_wait3A_613 = tpu.memref_slice %arg8[%dma_wait3A_603, %dma_wait3A_611, %dma_wait3A_612] : memref<4x48x128xf32, #tpu.memory_space<vmem>> -> memref<1x48x128xf32, #tpu.memory_space<vmem>>
    %dma_wait3A_614 = tpu.memref_squeeze %dma_wait3A_613 : memref<1x48x128xf32, #tpu.memory_space<vmem>> -> memref<48x128xf32, #tpu.memory_space<vmem>>
    %dma_wait3A_615 = arith.constant 0 : i32
    %dma_wait3A_616 = arith.constant 0 : i32
    %dma_wait3A_617 = tpu.memref_slice %arg2[%dma_wait3A_615, %dma_wait3A_616] : memref<10000x128xf32, #tpu.memory_space<hbm>> -> memref<48x128xf32, #tpu.memory_space<hbm>>
    tpu.wait_dma2 semaphore(%arg14 : memref<!tpu.dma_semaphore, #tpu.memory_space<semaphore_mem>>) src(%dma_wait3A_617 : memref<48x128xf32, #tpu.memory_space<hbm>>) dst(%dma_wait3A_614 : memref<48x128xf32, #tpu.memory_space<vmem>>)
    %get3A_618 = arith.constant 9936 : index
    %get3A_619 = tpu.vector_load %arg7[%get3A_618] {strides = array<i32>} : memref<10000xi32, #tpu.memory_space<vmem>>, vector<16xi32>,
    %get3A_620 = vector.shape_cast %get3A_619 : vector<16xi32> to vector<16xi32>
    %dma_start3A_621 = arith.constant 3 : i32
    %dma_start3A_622 = arith.constant 0 : i32
    %dma_start3A_623 = arith.constant 0 : i32
    %dma_start3A_624 = tpu.memref_slice %arg8[%dma_start3A_621, %dma_start3A_622, %dma_start3A_623] : memref<4x48x128xf32, #tpu.memory_space<vmem>> -> memref<1x16x128xf32, #tpu.memory_space<vmem>>
    %dma_start3A_625 = tpu.memref_squeeze %dma_start3A_624 : memref<1x16x128xf32, #tpu.memory_space<vmem>> -> memref<16x128xf32, #tpu.memory_space<vmem>>
    %dma_start3A_626 = arith.constant 0 : i32
    %dma_start3A_627 = arith.constant 0 : i32
    %dma_start3A_628 = tpu.memref_slice %arg9[%dma_start3A_626, %dma_start3A_627] : memref<10240x128xf32, #tpu.memory_space<vmem_shared>> -> memref<10240x128xf32, #tpu.memory_space<vmem_shared>>
    tpu.enqueue_indirect_dma source(%dma_start3A_625 : memref<16x128xf32, #tpu.memory_space<vmem>>) target(%dma_start3A_628 : memref<10240x128xf32, #tpu.memory_space<vmem_shared>>) offsets(%get3A_620 : vector<16xi32>) semaphore(%arg14 : memref<!tpu.dma_semaphore, #tpu.memory_space<semaphore_mem>>) {add = true}
    %get3A_629 = arith.constant 9952 : index
    %get3A_630 = tpu.vector_load %arg7[%get3A_629] {strides = array<i32>} : memref<10000xi32, #tpu.memory_space<vmem>>, vector<16xi32>,
    %get3A_631 = vector.shape_cast %get3A_630 : vector<16xi32> to vector<16xi32>
    %dma_start3A_632 = arith.constant 3 : i32
    %dma_start3A_633 = arith.constant 16 : i32
    %dma_start3A_634 = arith.constant 0 : i32
    %dma_start3A_635 = tpu.memref_slice %arg8[%dma_start3A_632, %dma_start3A_633, %dma_start3A_634] : memref<4x48x128xf32, #tpu.memory_space<vmem>> -> memref<1x16x128xf32, #tpu.memory_space<vmem>>
    %dma_start3A_636 = tpu.memref_squeeze %dma_start3A_635 : memref<1x16x128xf32, #tpu.memory_space<vmem>> -> memref<16x128xf32, #tpu.memory_space<vmem>>
    %dma_start3A_637 = arith.constant 0 : i32
    %dma_start3A_638 = arith.constant 0 : i32
    %dma_start3A_639 = tpu.memref_slice %arg9[%dma_start3A_637, %dma_start3A_638] : memref<10240x128xf32, #tpu.memory_space<vmem_shared>> -> memref<10240x128xf32, #tpu.memory_space<vmem_shared>>
    tpu.enqueue_indirect_dma source(%dma_start3A_636 : memref<16x128xf32, #tpu.memory_space<vmem>>) target(%dma_start3A_639 : memref<10240x128xf32, #tpu.memory_space<vmem_shared>>) offsets(%get3A_631 : vector<16xi32>) semaphore(%arg14 : memref<!tpu.dma_semaphore, #tpu.memory_space<semaphore_mem>>) {add = true}
    %get3A_640 = arith.constant 9968 : index
    %get3A_641 = tpu.vector_load %arg7[%get3A_640] {strides = array<i32>} : memref<10000xi32, #tpu.memory_space<vmem>>, vector<16xi32>,
    %get3A_642 = vector.shape_cast %get3A_641 : vector<16xi32> to vector<16xi32>
    %dma_start3A_643 = arith.constant 3 : i32
    %dma_start3A_644 = arith.constant 32 : i32
    %dma_start3A_645 = arith.constant 0 : i32
    %dma_start3A_646 = tpu.memref_slice %arg8[%dma_start3A_643, %dma_start3A_644, %dma_start3A_645] : memref<4x48x128xf32, #tpu.memory_space<vmem>> -> memref<1x16x128xf32, #tpu.memory_space<vmem>>
    %dma_start3A_647 = tpu.memref_squeeze %dma_start3A_646 : memref<1x16x128xf32, #tpu.memory_space<vmem>> -> memref<16x128xf32, #tpu.memory_space<vmem>>
    %dma_start3A_648 = arith.constant 0 : i32
    %dma_start3A_649 = arith.constant 0 : i32
    %dma_start3A_650 = tpu.memref_slice %arg9[%dma_start3A_648, %dma_start3A_649] : memref<10240x128xf32, #tpu.memory_space<vmem_shared>> -> memref<10240x128xf32, #tpu.memory_space<vmem_shared>>
    tpu.enqueue_indirect_dma source(%dma_start3A_647 : memref<16x128xf32, #tpu.memory_space<vmem>>) target(%dma_start3A_650 : memref<10240x128xf32, #tpu.memory_space<vmem_shared>>) offsets(%get3A_642 : vector<16xi32>) semaphore(%arg14 : memref<!tpu.dma_semaphore, #tpu.memory_space<semaphore_mem>>) {add = true}
    %dma_wait3A_651 = arith.constant 0 : i32
    %dma_wait3A_652 = arith.constant 0 : i32
    %dma_wait3A_653 = arith.constant 0 : i32
    %dma_wait3A_654 = tpu.memref_slice %arg8[%dma_wait3A_651, %dma_wait3A_652, %dma_wait3A_653] : memref<4x48x128xf32, #tpu.memory_space<vmem>> -> memref<1x16x128xf32, #tpu.memory_space<vmem>>
    %dma_wait3A_655 = tpu.memref_squeeze %dma_wait3A_654 : memref<1x16x128xf32, #tpu.memory_space<vmem>> -> memref<16x128xf32, #tpu.memory_space<vmem>>
    %dma_wait3A_656 = arith.constant 0 : i32
    %dma_wait3A_657 = arith.constant 0 : i32
    %dma_wait3A_658 = tpu.memref_slice %arg2[%dma_wait3A_656, %dma_wait3A_657] : memref<10000x128xf32, #tpu.memory_space<hbm>> -> memref<16x128xf32, #tpu.memory_space<hbm>>
    %dma_wait3A_659 = arith.constant 0 : i32
    %dma_wait3A_660 = arith.constant 0 : i32
    %dma_wait3A_661 = tpu.memref_slice %arg8[%dma_wait3A_651, %dma_wait3A_659, %dma_wait3A_660] : memref<4x48x128xf32, #tpu.memory_space<vmem>> -> memref<1x16x128xf32, #tpu.memory_space<vmem>>
    %dma_wait3A_662 = tpu.memref_squeeze %dma_wait3A_661 : memref<1x16x128xf32, #tpu.memory_space<vmem>> -> memref<16x128xf32, #tpu.memory_space<vmem>>
    %dma_wait3A_663 = arith.constant 0 : i32
    %dma_wait3A_664 = arith.constant 0 : i32
    %dma_wait3A_665 = tpu.memref_slice %arg2[%dma_wait3A_663, %dma_wait3A_664] : memref<10000x128xf32, #tpu.memory_space<hbm>> -> memref<16x128xf32, #tpu.memory_space<hbm>>
    tpu.wait_dma2 semaphore(%arg10 : memref<!tpu.dma_semaphore, #tpu.memory_space<semaphore_mem>>) src(%dma_wait3A_665 : memref<16x128xf32, #tpu.memory_space<hbm>>) dst(%dma_wait3A_662 : memref<16x128xf32, #tpu.memory_space<vmem>>)
    %dma_wait3A_666 = arith.constant 0 : i32
    %dma_wait3A_667 = arith.constant 0 : i32
    %dma_wait3A_668 = arith.constant 0 : i32
    %dma_wait3A_669 = tpu.memref_slice %arg8[%dma_wait3A_666, %dma_wait3A_667, %dma_wait3A_668] : memref<4x48x128xf32, #tpu.memory_space<vmem>> -> memref<1x48x128xf32, #tpu.memory_space<vmem>>
    %dma_wait3A_670 = tpu.memref_squeeze %dma_wait3A_669 : memref<1x48x128xf32, #tpu.memory_space<vmem>> -> memref<48x128xf32, #tpu.memory_space<vmem>>
    %dma_wait3A_671 = arith.constant 0 : i32
    %dma_wait3A_672 = arith.constant 0 : i32
    %dma_wait3A_673 = tpu.memref_slice %arg2[%dma_wait3A_671, %dma_wait3A_672] : memref<10000x128xf32, #tpu.memory_space<hbm>> -> memref<48x128xf32, #tpu.memory_space<hbm>>
    %dma_wait3A_674 = arith.constant 0 : i32
    %dma_wait3A_675 = arith.constant 0 : i32
    %dma_wait3A_676 = tpu.memref_slice %arg8[%dma_wait3A_666, %dma_wait3A_674, %dma_wait3A_675] : memref<4x48x128xf32, #tpu.memory_space<vmem>> -> memref<1x48x128xf32, #tpu.memory_space<vmem>>
    %dma_wait3A_677 = tpu.memref_squeeze %dma_wait3A_676 : memref<1x48x128xf32, #tpu.memory_space<vmem>> -> memref<48x128xf32, #tpu.memory_space<vmem>>
    %dma_wait3A_678 = arith.constant 0 : i32
    %dma_wait3A_679 = arith.constant 0 : i32
    %dma_wait3A_680 = tpu.memref_slice %arg2[%dma_wait3A_678, %dma_wait3A_679] : memref<10000x128xf32, #tpu.memory_space<hbm>> -> memref<48x128xf32, #tpu.memory_space<hbm>>
    tpu.wait_dma2 semaphore(%arg14 : memref<!tpu.dma_semaphore, #tpu.memory_space<semaphore_mem>>) src(%dma_wait3A_680 : memref<48x128xf32, #tpu.memory_space<hbm>>) dst(%dma_wait3A_677 : memref<48x128xf32, #tpu.memory_space<vmem>>)
    %get3A_681 = arith.constant 9984 : index
    %get3A_682 = tpu.vector_load %arg7[%get3A_681] {strides = array<i32>} : memref<10000xi32, #tpu.memory_space<vmem>>, vector<16xi32>,
    %get3A_683 = vector.shape_cast %get3A_682 : vector<16xi32> to vector<16xi32>
    %dma_start3A_684 = arith.constant 0 : i32
    %dma_start3A_685 = arith.constant 0 : i32
    %dma_start3A_686 = arith.constant 0 : i32
    %dma_start3A_687 = tpu.memref_slice %arg8[%dma_start3A_684, %dma_start3A_685, %dma_start3A_686] : memref<4x48x128xf32, #tpu.memory_space<vmem>> -> memref<1x16x128xf32, #tpu.memory_space<vmem>>
    %dma_start3A_688 = tpu.memref_squeeze %dma_start3A_687 : memref<1x16x128xf32, #tpu.memory_space<vmem>> -> memref<16x128xf32, #tpu.memory_space<vmem>>
    %dma_start3A_689 = arith.constant 0 : i32
    %dma_start3A_690 = arith.constant 0 : i32
    %dma_start3A_691 = tpu.memref_slice %arg9[%dma_start3A_689, %dma_start3A_690] : memref<10240x128xf32, #tpu.memory_space<vmem_shared>> -> memref<10240x128xf32, #tpu.memory_space<vmem_shared>>
    tpu.enqueue_indirect_dma source(%dma_start3A_688 : memref<16x128xf32, #tpu.memory_space<vmem>>) target(%dma_start3A_691 : memref<10240x128xf32, #tpu.memory_space<vmem_shared>>) offsets(%get3A_683 : vector<16xi32>) semaphore(%arg14 : memref<!tpu.dma_semaphore, #tpu.memory_space<semaphore_mem>>) {add = true}
    %dma_wait3A_692 = arith.constant 0 : i32
    %dma_wait3A_693 = arith.constant 0 : i32
    %dma_wait3A_694 = arith.constant 0 : i32
    %dma_wait3A_695 = tpu.memref_slice %arg8[%dma_wait3A_692, %dma_wait3A_693, %dma_wait3A_694] : memref<4x48x128xf32, #tpu.memory_space<vmem>> -> memref<1x16x128xf32, #tpu.memory_space<vmem>>
    %dma_wait3A_696 = tpu.memref_squeeze %dma_wait3A_695 : memref<1x16x128xf32, #tpu.memory_space<vmem>> -> memref<16x128xf32, #tpu.memory_space<vmem>>
    %dma_wait3A_697 = arith.constant 0 : i32
    %dma_wait3A_698 = arith.constant 0 : i32
    %dma_wait3A_699 = tpu.memref_slice %arg2[%dma_wait3A_697, %dma_wait3A_698] : memref<10000x128xf32, #tpu.memory_space<hbm>> -> memref<16x128xf32, #tpu.memory_space<hbm>>
    %dma_wait3A_700 = arith.constant 0 : i32
    %dma_wait3A_701 = arith.constant 0 : i32
    %dma_wait3A_702 = tpu.memref_slice %arg8[%dma_wait3A_692, %dma_wait3A_700, %dma_wait3A_701] : memref<4x48x128xf32, #tpu.memory_space<vmem>> -> memref<1x16x128xf32, #tpu.memory_space<vmem>>
    %dma_wait3A_703 = tpu.memref_squeeze %dma_wait3A_702 : memref<1x16x128xf32, #tpu.memory_space<vmem>> -> memref<16x128xf32, #tpu.memory_space<vmem>>
    %dma_wait3A_704 = arith.constant 0 : i32
    %dma_wait3A_705 = arith.constant 0 : i32
    %dma_wait3A_706 = tpu.memref_slice %arg2[%dma_wait3A_704, %dma_wait3A_705] : memref<10000x128xf32, #tpu.memory_space<hbm>> -> memref<16x128xf32, #tpu.memory_space<hbm>>
    tpu.wait_dma2 semaphore(%arg14 : memref<!tpu.dma_semaphore, #tpu.memory_space<semaphore_mem>>) src(%dma_wait3A_706 : memref<16x128xf32, #tpu.memory_space<hbm>>) dst(%dma_wait3A_703 : memref<16x128xf32, #tpu.memory_space<vmem>>)
    %barrier3A_707 = arith.constant 0 : index
    tpu.barrier barrier_id(%barrier3A_707)
    "tpu.region"() ({
      %run_scoped3A_708 = tpu.sem_alloc : memref<!tpu.dma_semaphore, #tpu.memory_space<semaphore_mem>>
      %dma_start3A_709 = arith.constant 0 : i32
      %dma_start3A_710 = tpu.memref_slice %arg5[%arg0, %mul3A_2, %dma_start3A_709] : memref<2x10240x128xf32, #tpu.memory_space<hbm>> -> memref<1x640x128xf32, #tpu.memory_space<hbm>>
      %dma_start3A_711 = tpu.memref_squeeze %dma_start3A_710 : memref<1x640x128xf32, #tpu.memory_space<hbm>> -> memref<640x128xf32, #tpu.memory_space<hbm>>
      %dma_start3A_712 = arith.constant 0 : i32
      %dma_start3A_713 = tpu.memref_slice %arg9[%mul3A_2, %dma_start3A_712] : memref<10240x128xf32, #tpu.memory_space<vmem_shared>> -> memref<640x128xf32, #tpu.memory_space<vmem_shared>>
      tpu.enqueue_dma source(%dma_start3A_713 : memref<640x128xf32, #tpu.memory_space<vmem_shared>>) target(%dma_start3A_711 : memref<640x128xf32, #tpu.memory_space<hbm>>) target_semaphore(%run_scoped3A_708 : memref<!tpu.dma_semaphore, #tpu.memory_space<semaphore_mem>>)
      %dma_wait3A_714 = arith.constant 0 : i32
      %dma_wait3A_715 = tpu.memref_slice %arg5[%arg0, %mul3A_2, %dma_wait3A_714] : memref<2x10240x128xf32, #tpu.memory_space<hbm>> -> memref<1x640x128xf32, #tpu.memory_space<hbm>>
      %dma_wait3A_716 = tpu.memref_squeeze %dma_wait3A_715 : memref<1x640x128xf32, #tpu.memory_space<hbm>> -> memref<640x128xf32, #tpu.memory_space<hbm>>
      %dma_wait3A_717 = arith.constant 0 : i32
      %dma_wait3A_718 = tpu.memref_slice %arg9[%mul3A_2, %dma_wait3A_717] : memref<10240x128xf32, #tpu.memory_space<vmem_shared>> -> memref<640x128xf32, #tpu.memory_space<vmem_shared>>
      tpu.wait_dma2 semaphore(%run_scoped3A_708 : memref<!tpu.dma_semaphore, #tpu.memory_space<semaphore_mem>>) src(%dma_wait3A_718 : memref<640x128xf32, #tpu.memory_space<vmem_shared>>) dst(%dma_wait3A_716 : memref<640x128xf32, #tpu.memory_space<hbm>>)
      tpu.yield
    }) : () -> ()
    return
  }
}

#map = affine_map<(d0, d1) -> (0, 0, 0)>
#map1 = affine_map<(d0, d1) -> (0, 0)>
module attributes {stable_mosaic.version = 14 : i64} {
  func.func @_sc_degree_body(%arg0: i32, %arg1: i32, %arg2: memref<32x125x80xi32, #tpu.memory_space<hbm>>, %arg3: memref<2x10240xf32, #tpu.memory_space<hbm>>, %arg4: memref<125x80xi32, #tpu.memory_space<vmem>>, %arg5: memref<80xf32, #tpu.memory_space<vmem>>, %arg6: memref<640xf32, #tpu.memory_space<vmem>>, %arg7: memref<10240xf32, #tpu.memory_space<vmem_shared>>, %arg8: memref<!tpu.dma_semaphore, #tpu.memory_space<semaphore_mem>>) attributes {dimension_semantics = [#tpu.dimension_semantics<core_parallel>, #tpu.dimension_semantics<subcore_parallel>], iteration_bounds = array<i64: 2, 16>, scalar_prefetch = 0 : i64, scratch_operands = 5 : i64, tpu.core_type = #tpu.core_type<sc_vector_subcore>, window_params = [{transform_indices = #map}, {transform_indices = #map1}]} {
    %mul3A = arith.constant 16 : i32
    %mul3A_0 = arith.muli %arg0, %mul3A : i32
    %add3A = arith.addi %mul3A_0, %arg1 : i32
    %mul3A_1 = arith.constant 640 : i32
    %mul3A_2 = arith.muli %arg1, %mul3A_1 : i32
    %broadcast_in_dim3A = arith.constant 1.000000e+00 : f32
    %broadcast_in_dim3A_3 = vector.broadcast %broadcast_in_dim3A : f32 to vector<16xf32>
    %broadcast_in_dim3A_4 = arith.constant 0.000000e+00 : f32
    %broadcast_in_dim3A_5 = vector.broadcast %broadcast_in_dim3A_4 : f32 to vector<16xf32>
    %scan3A = arith.constant 0 : i32
    %scan3A_6 = arith.constant 0 : i32
    %scan3A_7 = arith.constant 5 : i32
    %scan3A_8 = arith.addi %scan3A_6, %scan3A_7 : i32
    %scan3A_9 = arith.constant 1 : i32
    scf.for %scan3A_71 = %scan3A_6 to %scan3A_8 step %scan3A_9  : i32 {
      %mul3A_72 = arith.constant 16 : i32
      %mul3A_73 = arith.muli %scan3A_71, %mul3A_72 : i32
      %swap3A = arith.index_cast %mul3A_73 : i32 to index
      %swap3A_74 = tpu.vector_load %arg5[%swap3A] {strides = array<i32>} : memref<80xf32, #tpu.memory_space<vmem>>, vector<16xf32>,
      %swap3A_75 = vector.shape_cast %swap3A_74 : vector<16xf32> to vector<16xf32>
      %swap3A_76 = vector.shape_cast %broadcast_in_dim3A_3 : vector<16xf32> to vector<16xf32>
      tpu.vector_store %arg5[%swap3A], %swap3A_76 {strides = array<i32>} : memref<80xf32, #tpu.memory_space<vmem>>, vector<16xf32>,
    }
    %scan3A_10 = arith.constant 5 : i32
    %scan3A_11 = arith.constant 0 : i32
    %scan3A_12 = arith.constant 0 : i32
    %scan3A_13 = arith.constant 40 : i32
    %scan3A_14 = arith.addi %scan3A_12, %scan3A_13 : i32
    %scan3A_15 = arith.constant 1 : i32
    scf.for %scan3A_71 = %scan3A_12 to %scan3A_14 step %scan3A_15  : i32 {
      %mul3A_72 = arith.constant 16 : i32
      %mul3A_73 = arith.muli %scan3A_71, %mul3A_72 : i32
      %swap3A = arith.index_cast %mul3A_73 : i32 to index
      %swap3A_74 = tpu.vector_load %arg6[%swap3A] {strides = array<i32>} : memref<640xf32, #tpu.memory_space<vmem>>, vector<16xf32>,
      %swap3A_75 = vector.shape_cast %swap3A_74 : vector<16xf32> to vector<16xf32>
      %swap3A_76 = vector.shape_cast %broadcast_in_dim3A_5 : vector<16xf32> to vector<16xf32>
      tpu.vector_store %arg6[%swap3A], %swap3A_76 {strides = array<i32>} : memref<640xf32, #tpu.memory_space<vmem>>, vector<16xf32>,
    }
    %scan3A_16 = arith.constant 40 : i32
    "tpu.region"() ({
      %run_scoped3A = tpu.sem_alloc : memref<!tpu.dma_semaphore, #tpu.memory_space<semaphore_mem>>
      %dma_start3A = arith.constant 0 : i32
      %dma_start3A_71 = arith.constant 0 : i32
      %dma_start3A_72 = tpu.memref_slice %arg2[%add3A, %dma_start3A, %dma_start3A_71] : memref<32x125x80xi32, #tpu.memory_space<hbm>> -> memref<1x125x80xi32, #tpu.memory_space<hbm>>
      %dma_start3A_73 = tpu.memref_squeeze %dma_start3A_72 : memref<1x125x80xi32, #tpu.memory_space<hbm>> -> memref<125x80xi32, #tpu.memory_space<hbm>>
      %dma_start3A_74 = arith.constant 0 : i32
      %dma_start3A_75 = arith.constant 0 : i32
      %dma_start3A_76 = tpu.memref_slice %arg2[%add3A, %dma_start3A_74, %dma_start3A_75] : memref<32x125x80xi32, #tpu.memory_space<hbm>> -> memref<1x125x80xi32, #tpu.memory_space<hbm>>
      %dma_start3A_77 = tpu.memref_squeeze %dma_start3A_76 : memref<1x125x80xi32, #tpu.memory_space<hbm>> -> memref<125x80xi32, #tpu.memory_space<hbm>>
      tpu.enqueue_dma source(%dma_start3A_77 : memref<125x80xi32, #tpu.memory_space<hbm>>) target(%arg4 : memref<125x80xi32, #tpu.memory_space<vmem>>) target_semaphore(%run_scoped3A : memref<!tpu.dma_semaphore, #tpu.memory_space<semaphore_mem>>)
      %dma_wait3A_78 = arith.constant 0 : i32
      %dma_wait3A_79 = arith.constant 0 : i32
      %dma_wait3A_80 = tpu.memref_slice %arg2[%add3A, %dma_wait3A_78, %dma_wait3A_79] : memref<32x125x80xi32, #tpu.memory_space<hbm>> -> memref<1x125x80xi32, #tpu.memory_space<hbm>>
      %dma_wait3A_81 = tpu.memref_squeeze %dma_wait3A_80 : memref<1x125x80xi32, #tpu.memory_space<hbm>> -> memref<125x80xi32, #tpu.memory_space<hbm>>
      %dma_wait3A_82 = arith.constant 0 : i32
      %dma_wait3A_83 = arith.constant 0 : i32
      %dma_wait3A_84 = tpu.memref_slice %arg2[%add3A, %dma_wait3A_82, %dma_wait3A_83] : memref<32x125x80xi32, #tpu.memory_space<hbm>> -> memref<1x125x80xi32, #tpu.memory_space<hbm>>
      %dma_wait3A_85 = tpu.memref_squeeze %dma_wait3A_84 : memref<1x125x80xi32, #tpu.memory_space<hbm>> -> memref<125x80xi32, #tpu.memory_space<hbm>>
      tpu.wait_dma2 semaphore(%run_scoped3A : memref<!tpu.dma_semaphore, #tpu.memory_space<semaphore_mem>>) src(%dma_wait3A_85 : memref<125x80xi32, #tpu.memory_space<hbm>>) dst(%arg4 : memref<125x80xi32, #tpu.memory_space<vmem>>)
      tpu.yield
    }) : () -> ()
    "tpu.region"() ({
      %run_scoped3A = tpu.sem_alloc : memref<!tpu.dma_semaphore, #tpu.memory_space<semaphore_mem>>
      %dma_start3A = tpu.memref_slice %arg7[%mul3A_2] : memref<10240xf32, #tpu.memory_space<vmem_shared>> -> memref<640xf32, #tpu.memory_space<vmem_shared>>
      %dma_start3A_71 = tpu.memref_slice %arg7[%mul3A_2] : memref<10240xf32, #tpu.memory_space<vmem_shared>> -> memref<640xf32, #tpu.memory_space<vmem_shared>>
      tpu.enqueue_dma source(%arg6 : memref<640xf32, #tpu.memory_space<vmem>>) target(%dma_start3A_71 : memref<640xf32, #tpu.memory_space<vmem_shared>>) target_semaphore(%run_scoped3A : memref<!tpu.dma_semaphore, #tpu.memory_space<semaphore_mem>>)
      %dma_wait3A_72 = tpu.memref_slice %arg7[%mul3A_2] : memref<10240xf32, #tpu.memory_space<vmem_shared>> -> memref<640xf32, #tpu.memory_space<vmem_shared>>
      %dma_wait3A_73 = tpu.memref_slice %arg7[%mul3A_2] : memref<10240xf32, #tpu.memory_space<vmem_shared>> -> memref<640xf32, #tpu.memory_space<vmem_shared>>
      tpu.wait_dma2 semaphore(%run_scoped3A : memref<!tpu.dma_semaphore, #tpu.memory_space<semaphore_mem>>) src(%arg6 : memref<640xf32, #tpu.memory_space<vmem>>) dst(%dma_wait3A_73 : memref<640xf32, #tpu.memory_space<vmem_shared>>)
      tpu.yield
    }) : () -> ()
    %barrier3A = arith.constant 0 : index
    tpu.barrier barrier_id(%barrier3A)
    %scan3A_17 = arith.constant 0 : i32
    %scan3A_18 = arith.constant 0 : i32
    %scan3A_19 = arith.constant 125 : i32
    %scan3A_20 = arith.addi %scan3A_18, %scan3A_19 : i32
    %scan3A_21 = arith.constant 1 : i32
    scf.for %scan3A_71 = %scan3A_18 to %scan3A_20 step %scan3A_21  : i32 {
      %dma_start3A = arith.constant 0 : i32
      %dma_start3A_72 = tpu.memref_slice %arg4[%scan3A_71, %dma_start3A] : memref<125x80xi32, #tpu.memory_space<vmem>> -> memref<1x80xi32, #tpu.memory_space<vmem>>
      %dma_start3A_73 = tpu.memref_squeeze %dma_start3A_72 : memref<1x80xi32, #tpu.memory_space<vmem>> -> memref<80xi32, #tpu.memory_space<vmem>>
      %dma_start3A_74 = arith.constant 0 : i32
      %dma_start3A_75 = tpu.memref_slice %arg7[%dma_start3A_74] : memref<10240xf32, #tpu.memory_space<vmem_shared>> -> memref<10240xf32, #tpu.memory_space<vmem_shared>>
      tpu.enqueue_indirect_dma source(%arg5 : memref<80xf32, #tpu.memory_space<vmem>>) target(%dma_start3A_75 : memref<10240xf32, #tpu.memory_space<vmem_shared>>) offsets(%dma_start3A_73 : memref<80xi32, #tpu.memory_space<vmem>>) semaphore(%arg8 : memref<!tpu.dma_semaphore, #tpu.memory_space<semaphore_mem>>) {add = true}
      %ge3A = arith.constant 8 : i32
      %ge3A_76 = arith.cmpi sge, %scan3A_71, %ge3A : i32
      %convert_element_type3A = arith.extui %ge3A_76 : i1 to i32
      %cond3A = arith.constant 0 : i32
      %cond3A_77 = arith.cmpi ne, %convert_element_type3A, %cond3A : i32
      scf.if %cond3A_77 {
        %sub3A = arith.constant 8 : i32
        %sub3A_78 = arith.subi %scan3A_71, %sub3A : i32
        %dma_wait3A_79 = arith.constant 0 : i32
        %dma_wait3A_80 = tpu.memref_slice %arg4[%sub3A_78, %dma_wait3A_79] : memref<125x80xi32, #tpu.memory_space<vmem>> -> memref<1x80xi32, #tpu.memory_space<vmem>>
        %dma_wait3A_81 = tpu.memref_squeeze %dma_wait3A_80 : memref<1x80xi32, #tpu.memory_space<vmem>> -> memref<80xi32, #tpu.memory_space<vmem>>
        %dma_wait3A_82 = arith.constant 0 : i32
        %dma_wait3A_83 = tpu.memref_slice %arg7[%dma_wait3A_82] : memref<10240xf32, #tpu.memory_space<vmem_shared>> -> memref<10240xf32, #tpu.memory_space<vmem_shared>>
        tpu.wait_indirect_dma semaphore(%arg8 : memref<!tpu.dma_semaphore, #tpu.memory_space<semaphore_mem>>) src(%arg5 : memref<80xf32, #tpu.memory_space<vmem>>) dst(%dma_wait3A_83 : memref<10240xf32, #tpu.memory_space<vmem_shared>>)
      } else {
      }
    }
    %scan3A_22 = arith.constant 125 : i32
    %dma_wait3A = arith.constant 117 : i32
    %dma_wait3A_23 = arith.constant 0 : i32
    %dma_wait3A_24 = tpu.memref_slice %arg4[%dma_wait3A, %dma_wait3A_23] : memref<125x80xi32, #tpu.memory_space<vmem>> -> memref<1x80xi32, #tpu.memory_space<vmem>>
    %dma_wait3A_25 = tpu.memref_squeeze %dma_wait3A_24 : memref<1x80xi32, #tpu.memory_space<vmem>> -> memref<80xi32, #tpu.memory_space<vmem>>
    %dma_wait3A_26 = arith.constant 0 : i32
    %dma_wait3A_27 = tpu.memref_slice %arg7[%dma_wait3A_26] : memref<10240xf32, #tpu.memory_space<vmem_shared>> -> memref<10240xf32, #tpu.memory_space<vmem_shared>>
    tpu.wait_indirect_dma semaphore(%arg8 : memref<!tpu.dma_semaphore, #tpu.memory_space<semaphore_mem>>) src(%arg5 : memref<80xf32, #tpu.memory_space<vmem>>) dst(%dma_wait3A_27 : memref<10240xf32, #tpu.memory_space<vmem_shared>>)
    %dma_wait3A_28 = arith.constant 118 : i32
    %dma_wait3A_29 = arith.constant 0 : i32
    %dma_wait3A_30 = tpu.memref_slice %arg4[%dma_wait3A_28, %dma_wait3A_29] : memref<125x80xi32, #tpu.memory_space<vmem>> -> memref<1x80xi32, #tpu.memory_space<vmem>>
    %dma_wait3A_31 = tpu.memref_squeeze %dma_wait3A_30 : memref<1x80xi32, #tpu.memory_space<vmem>> -> memref<80xi32, #tpu.memory_space<vmem>>
    %dma_wait3A_32 = arith.constant 0 : i32
    %dma_wait3A_33 = tpu.memref_slice %arg7[%dma_wait3A_32] : memref<10240xf32, #tpu.memory_space<vmem_shared>> -> memref<10240xf32, #tpu.memory_space<vmem_shared>>
    tpu.wait_indirect_dma semaphore(%arg8 : memref<!tpu.dma_semaphore, #tpu.memory_space<semaphore_mem>>) src(%arg5 : memref<80xf32, #tpu.memory_space<vmem>>) dst(%dma_wait3A_33 : memref<10240xf32, #tpu.memory_space<vmem_shared>>)
    %dma_wait3A_34 = arith.constant 119 : i32
    %dma_wait3A_35 = arith.constant 0 : i32
    %dma_wait3A_36 = tpu.memref_slice %arg4[%dma_wait3A_34, %dma_wait3A_35] : memref<125x80xi32, #tpu.memory_space<vmem>> -> memref<1x80xi32, #tpu.memory_space<vmem>>
    %dma_wait3A_37 = tpu.memref_squeeze %dma_wait3A_36 : memref<1x80xi32, #tpu.memory_space<vmem>> -> memref<80xi32, #tpu.memory_space<vmem>>
    %dma_wait3A_38 = arith.constant 0 : i32
    %dma_wait3A_39 = tpu.memref_slice %arg7[%dma_wait3A_38] : memref<10240xf32, #tpu.memory_space<vmem_shared>> -> memref<10240xf32, #tpu.memory_space<vmem_shared>>
    tpu.wait_indirect_dma semaphore(%arg8 : memref<!tpu.dma_semaphore, #tpu.memory_space<semaphore_mem>>) src(%arg5 : memref<80xf32, #tpu.memory_space<vmem>>) dst(%dma_wait3A_39 : memref<10240xf32, #tpu.memory_space<vmem_shared>>)
    %dma_wait3A_40 = arith.constant 120 : i32
    %dma_wait3A_41 = arith.constant 0 : i32
    %dma_wait3A_42 = tpu.memref_slice %arg4[%dma_wait3A_40, %dma_wait3A_41] : memref<125x80xi32, #tpu.memory_space<vmem>> -> memref<1x80xi32, #tpu.memory_space<vmem>>
    %dma_wait3A_43 = tpu.memref_squeeze %dma_wait3A_42 : memref<1x80xi32, #tpu.memory_space<vmem>> -> memref<80xi32, #tpu.memory_space<vmem>>
    %dma_wait3A_44 = arith.constant 0 : i32
    %dma_wait3A_45 = tpu.memref_slice %arg7[%dma_wait3A_44] : memref<10240xf32, #tpu.memory_space<vmem_shared>> -> memref<10240xf32, #tpu.memory_space<vmem_shared>>
    tpu.wait_indirect_dma semaphore(%arg8 : memref<!tpu.dma_semaphore, #tpu.memory_space<semaphore_mem>>) src(%arg5 : memref<80xf32, #tpu.memory_space<vmem>>) dst(%dma_wait3A_45 : memref<10240xf32, #tpu.memory_space<vmem_shared>>)
    %dma_wait3A_46 = arith.constant 121 : i32
    %dma_wait3A_47 = arith.constant 0 : i32
    %dma_wait3A_48 = tpu.memref_slice %arg4[%dma_wait3A_46, %dma_wait3A_47] : memref<125x80xi32, #tpu.memory_space<vmem>> -> memref<1x80xi32, #tpu.memory_space<vmem>>
    %dma_wait3A_49 = tpu.memref_squeeze %dma_wait3A_48 : memref<1x80xi32, #tpu.memory_space<vmem>> -> memref<80xi32, #tpu.memory_space<vmem>>
    %dma_wait3A_50 = arith.constant 0 : i32
    %dma_wait3A_51 = tpu.memref_slice %arg7[%dma_wait3A_50] : memref<10240xf32, #tpu.memory_space<vmem_shared>> -> memref<10240xf32, #tpu.memory_space<vmem_shared>>
    tpu.wait_indirect_dma semaphore(%arg8 : memref<!tpu.dma_semaphore, #tpu.memory_space<semaphore_mem>>) src(%arg5 : memref<80xf32, #tpu.memory_space<vmem>>) dst(%dma_wait3A_51 : memref<10240xf32, #tpu.memory_space<vmem_shared>>)
    %dma_wait3A_52 = arith.constant 122 : i32
    %dma_wait3A_53 = arith.constant 0 : i32
    %dma_wait3A_54 = tpu.memref_slice %arg4[%dma_wait3A_52, %dma_wait3A_53] : memref<125x80xi32, #tpu.memory_space<vmem>> -> memref<1x80xi32, #tpu.memory_space<vmem>>
    %dma_wait3A_55 = tpu.memref_squeeze %dma_wait3A_54 : memref<1x80xi32, #tpu.memory_space<vmem>> -> memref<80xi32, #tpu.memory_space<vmem>>
    %dma_wait3A_56 = arith.constant 0 : i32
    %dma_wait3A_57 = tpu.memref_slice %arg7[%dma_wait3A_56] : memref<10240xf32, #tpu.memory_space<vmem_shared>> -> memref<10240xf32, #tpu.memory_space<vmem_shared>>
    tpu.wait_indirect_dma semaphore(%arg8 : memref<!tpu.dma_semaphore, #tpu.memory_space<semaphore_mem>>) src(%arg5 : memref<80xf32, #tpu.memory_space<vmem>>) dst(%dma_wait3A_57 : memref<10240xf32, #tpu.memory_space<vmem_shared>>)
    %dma_wait3A_58 = arith.constant 123 : i32
    %dma_wait3A_59 = arith.constant 0 : i32
    %dma_wait3A_60 = tpu.memref_slice %arg4[%dma_wait3A_58, %dma_wait3A_59] : memref<125x80xi32, #tpu.memory_space<vmem>> -> memref<1x80xi32, #tpu.memory_space<vmem>>
    %dma_wait3A_61 = tpu.memref_squeeze %dma_wait3A_60 : memref<1x80xi32, #tpu.memory_space<vmem>> -> memref<80xi32, #tpu.memory_space<vmem>>
    %dma_wait3A_62 = arith.constant 0 : i32
    %dma_wait3A_63 = tpu.memref_slice %arg7[%dma_wait3A_62] : memref<10240xf32, #tpu.memory_space<vmem_shared>> -> memref<10240xf32, #tpu.memory_space<vmem_shared>>
    tpu.wait_indirect_dma semaphore(%arg8 : memref<!tpu.dma_semaphore, #tpu.memory_space<semaphore_mem>>) src(%arg5 : memref<80xf32, #tpu.memory_space<vmem>>) dst(%dma_wait3A_63 : memref<10240xf32, #tpu.memory_space<vmem_shared>>)
    %dma_wait3A_64 = arith.constant 124 : i32
    %dma_wait3A_65 = arith.constant 0 : i32
    %dma_wait3A_66 = tpu.memref_slice %arg4[%dma_wait3A_64, %dma_wait3A_65] : memref<125x80xi32, #tpu.memory_space<vmem>> -> memref<1x80xi32, #tpu.memory_space<vmem>>
    %dma_wait3A_67 = tpu.memref_squeeze %dma_wait3A_66 : memref<1x80xi32, #tpu.memory_space<vmem>> -> memref<80xi32, #tpu.memory_space<vmem>>
    %dma_wait3A_68 = arith.constant 0 : i32
    %dma_wait3A_69 = tpu.memref_slice %arg7[%dma_wait3A_68] : memref<10240xf32, #tpu.memory_space<vmem_shared>> -> memref<10240xf32, #tpu.memory_space<vmem_shared>>
    tpu.wait_indirect_dma semaphore(%arg8 : memref<!tpu.dma_semaphore, #tpu.memory_space<semaphore_mem>>) src(%arg5 : memref<80xf32, #tpu.memory_space<vmem>>) dst(%dma_wait3A_69 : memref<10240xf32, #tpu.memory_space<vmem_shared>>)
    %barrier3A_70 = arith.constant 0 : index
    tpu.barrier barrier_id(%barrier3A_70)
    "tpu.region"() ({
      %run_scoped3A = tpu.sem_alloc : memref<!tpu.dma_semaphore, #tpu.memory_space<semaphore_mem>>
      %dma_start3A = tpu.memref_slice %arg3[%arg0, %mul3A_2] : memref<2x10240xf32, #tpu.memory_space<hbm>> -> memref<1x640xf32, #tpu.memory_space<hbm>>
      %dma_start3A_71 = tpu.memref_squeeze %dma_start3A : memref<1x640xf32, #tpu.memory_space<hbm>> -> memref<640xf32, #tpu.memory_space<hbm>>
      %dma_start3A_72 = tpu.memref_slice %arg7[%mul3A_2] : memref<10240xf32, #tpu.memory_space<vmem_shared>> -> memref<640xf32, #tpu.memory_space<vmem_shared>>
      tpu.enqueue_dma source(%dma_start3A_72 : memref<640xf32, #tpu.memory_space<vmem_shared>>) target(%dma_start3A_71 : memref<640xf32, #tpu.memory_space<hbm>>) target_semaphore(%run_scoped3A : memref<!tpu.dma_semaphore, #tpu.memory_space<semaphore_mem>>)
      %dma_wait3A_73 = tpu.memref_slice %arg3[%arg0, %mul3A_2] : memref<2x10240xf32, #tpu.memory_space<hbm>> -> memref<1x640xf32, #tpu.memory_space<hbm>>
      %dma_wait3A_74 = tpu.memref_squeeze %dma_wait3A_73 : memref<1x640xf32, #tpu.memory_space<hbm>> -> memref<640xf32, #tpu.memory_space<hbm>>
      %dma_wait3A_75 = tpu.memref_slice %arg7[%mul3A_2] : memref<10240xf32, #tpu.memory_space<vmem_shared>> -> memref<640xf32, #tpu.memory_space<vmem_shared>>
      tpu.wait_dma2 semaphore(%run_scoped3A : memref<!tpu.dma_semaphore, #tpu.memory_space<semaphore_mem>>) src(%dma_wait3A_75 : memref<640xf32, #tpu.memory_space<vmem_shared>>) dst(%dma_wait3A_74 : memref<640xf32, #tpu.memory_space<hbm>>)
      tpu.yield
    }) : () -> ()
    return
  }
}

#map = affine_map<(d0, d1) -> (0, 0)>
#map1 = affine_map<(d0, d1) -> (0)>
#map2 = affine_map<(d0, d1) -> (0, 0, 0)>
module attributes {stable_mosaic.version = 14 : i64} {
  func.func @_sc_scatter_body(%arg0: i32, %arg1: i32, %arg2: memref<10000x128xf32, #tpu.memory_space<hbm>>, %arg3: memref<320000xi32, #tpu.memory_space<hbm>>, %arg4: memref<320000xi32, #tpu.memory_space<hbm>>, %arg5: memref<2x10240x128xf32, #tpu.memory_space<hbm>>, %arg6: memref<10000xi32, #tpu.memory_space<vmem>>, %arg7: memref<10000xi32, #tpu.memory_space<vmem>>, %arg8: memref<4x48x128xf32, #tpu.memory_space<vmem>>, %arg9: memref<10240x128xf32, #tpu.memory_space<vmem_shared>>, %arg10: memref<!tpu.dma_semaphore, #tpu.memory_space<semaphore_mem>>, %arg11: memref<!tpu.dma_semaphore, #tpu.memory_space<semaphore_mem>>, %arg12: memref<!tpu.dma_semaphore, #tpu.memory_space<semaphore_mem>>, %arg13: memref<!tpu.dma_semaphore, #tpu.memory_space<semaphore_mem>>, %arg14: memref<!tpu.dma_semaphore, #tpu.memory_space<semaphore_mem>>) attributes {dimension_semantics = [#tpu.dimension_semantics<core_parallel>, #tpu.dimension_semantics<subcore_parallel>], iteration_bounds = array<i64: 2, 16>, scalar_prefetch = 0 : i64, scratch_operands = 9 : i64, tpu.core_type = #tpu.core_type<sc_vector_subcore>, window_params = [{transform_indices = #map}, {transform_indices = #map1}, {transform_indices = #map1}, {transform_indices = #map2}]} {
    %mul3A = arith.constant 16 : i32
    %mul3A_0 = arith.muli %arg0, %mul3A : i32
    %add3A = arith.addi %mul3A_0, %arg1 : i32
    %mul3A_1 = arith.constant 640 : i32
    %mul3A_2 = arith.muli %arg1, %mul3A_1 : i32
    %broadcast_in_dim3A = arith.constant 0.000000e+00 : f32
    %broadcast_in_dim3A_3 = vector.broadcast %broadcast_in_dim3A : f32 to vector<16xf32>
    %scan3A = arith.constant 0 : i32
    %scan3A_4 = arith.constant 0 : i32
    %scan3A_5 = arith.constant 384 : i32
    %scan3A_6 = arith.addi %scan3A_4, %scan3A_5 : i32
    %scan3A_7 = arith.constant 1 : i32
    scf.for %scan3A_708 = %scan3A_4 to %scan3A_6 step %scan3A_7  : i32 {
      %jit3A = arith.constant 8 : i32
      %div3A = arith.divsi %scan3A_708, %jit3A : i32
      %sign3A = arith.constant 0 : i32
      %sign3A_709 = arith.cmpi sgt, %scan3A_708, %sign3A : i32
      %sign3A_710 = arith.extui %sign3A_709 : i1 to i32
      %sign3A_711 = arith.constant 0 : i32
      %sign3A_712 = arith.cmpi slt, %scan3A_708, %sign3A_711 : i32
      %sign3A_713 = arith.extui %sign3A_712 : i1 to i32
      %sign3A_714 = arith.subi %sign3A_710, %sign3A_713 : i32
      %sign3A_715 = arith.constant 0 : i32
      %sign3A_716 = arith.cmpi sgt, %jit3A, %sign3A_715 : i32
      %sign3A_717 = arith.extui %sign3A_716 : i1 to i32
      %sign3A_718 = arith.constant 0 : i32
      %sign3A_719 = arith.cmpi slt, %jit3A, %sign3A_718 : i32
      %sign3A_720 = arith.extui %sign3A_719 : i1 to i32
      %sign3A_721 = arith.subi %sign3A_717, %sign3A_720 : i32
      %ne3A = arith.cmpi ne, %sign3A_714, %sign3A_721 : i32
      %rem3A = arith.remsi %scan3A_708, %jit3A : i32
      %ne3A_722 = arith.constant 0 : i32
      %ne3A_723 = arith.cmpi ne, %rem3A, %ne3A_722 : i32
      %and3A = arith.andi %ne3A, %ne3A_723 : i1
      %sub3A = arith.constant 1 : i32
      %sub3A_724 = arith.subi %div3A, %sub3A : i32
      %select_n3A = arith.select %and3A, %sub3A_724, %div3A : i32
      %jit3A_725 = arith.constant 8 : i32
      %eq3A = arith.constant 0 : i32
      %eq3A_726 = arith.cmpi eq, %jit3A_725, %eq3A : i32
      %jit3A_727 = arith.constant 1 : i32
      %select_n3A_728 = arith.select %eq3A_726, %jit3A_727, %jit3A_725 : i32
      %rem3A_729 = arith.remsi %scan3A_708, %select_n3A_728 : i32
      %ne3A_730 = arith.constant 0 : i32
      %ne3A_731 = arith.cmpi ne, %rem3A_729, %ne3A_730 : i32
      %lt3A = arith.constant 0 : i32
      %lt3A_732 = arith.cmpi slt, %rem3A_729, %lt3A : i32
      %lt3A_733 = arith.constant 0 : i32
      %lt3A_734 = arith.cmpi slt, %select_n3A_728, %lt3A_733 : i32
      %ne3A_735 = arith.xori %lt3A_732, %lt3A_734 : i1
      %and3A_736 = arith.andi %ne3A_735, %ne3A_731 : i1
      %add3A_737 = arith.addi %rem3A_729, %select_n3A_728 : i32
      %select_n3A_738 = arith.select %and3A_736, %add3A_737, %rem3A_729 : i32
      %mul3A_739 = arith.constant 16 : i32
      %mul3A_740 = arith.muli %select_n3A_738, %mul3A_739 : i32
      %swap3A = arith.constant 3 : i32
      %swap3A_741 = arith.index_cast %swap3A : i32 to index
      %swap3A_742 = arith.index_cast %select_n3A : i32 to index
      %swap3A_743 = arith.index_cast %mul3A_740 : i32 to index
      %swap3A_744 = tpu.vector_load %arg8[%swap3A_741, %swap3A_742, %swap3A_743] {strides = array<i32>} : memref<4x48x128xf32, #tpu.memory_space<vmem>>, vector<1x1x16xf32>,
      %swap3A_745 = vector.shape_cast %swap3A_744 : vector<1x1x16xf32> to vector<16xf32>
      %swap3A_746 = vector.shape_cast %broadcast_in_dim3A_3 : vector<16xf32> to vector<1x1x16xf32>
      tpu.vector_store %arg8[%swap3A_741, %swap3A_742, %swap3A_743], %swap3A_746 {strides = array<i32>} : memref<4x48x128xf32, #tpu.memory_space<vmem>>, vector<1x1x16xf32>,
    }
    %scan3A_8 = arith.constant 384 : i32
    %mul3A_9 = arith.constant 10000 : i32
    %mul3A_10 = arith.muli %add3A, %mul3A_9 : i32
    "tpu.region"() ({
      %run_scoped3A_708 = tpu.sem_alloc : memref<!tpu.dma_semaphore, #tpu.memory_space<semaphore_mem>>
      %dma_start3A_709 = tpu.memref_slice %arg3[%mul3A_10] : memref<320000xi32, #tpu.memory_space<hbm>> -> memref<10000xi32, #tpu.memory_space<hbm>>
      %dma_start3A_710 = tpu.memref_slice %arg3[%mul3A_10] : memref<320000xi32, #tpu.memory_space<hbm>> -> memref<10000xi32, #tpu.memory_space<hbm>>
      tpu.enqueue_dma source(%dma_start3A_710 : memref<10000xi32, #tpu.memory_space<hbm>>) target(%arg6 : memref<10000xi32, #tpu.memory_space<vmem>>) target_semaphore(%run_scoped3A_708 : memref<!tpu.dma_semaphore, #tpu.memory_space<semaphore_mem>>)
      %dma_wait3A_711 = tpu.memref_slice %arg3[%mul3A_10] : memref<320000xi32, #tpu.memory_space<hbm>> -> memref<10000xi32, #tpu.memory_space<hbm>>
      %dma_wait3A_712 = tpu.memref_slice %arg3[%mul3A_10] : memref<320000xi32, #tpu.memory_space<hbm>> -> memref<10000xi32, #tpu.memory_space<hbm>>
      tpu.wait_dma2 semaphore(%run_scoped3A_708 : memref<!tpu.dma_semaphore, #tpu.memory_space<semaphore_mem>>) src(%dma_wait3A_712 : memref<10000xi32, #tpu.memory_space<hbm>>) dst(%arg6 : memref<10000xi32, #tpu.memory_space<vmem>>)
      tpu.yield
    }) : () -> ()
    %mul3A_11 = arith.constant 10000 : i32
    %mul3A_12 = arith.muli %add3A, %mul3A_11 : i32
    "tpu.region"() ({
      %run_scoped3A_708 = tpu.sem_alloc : memref<!tpu.dma_semaphore, #tpu.memory_space<semaphore_mem>>
      %dma_start3A_709 = tpu.memref_slice %arg4[%mul3A_12] : memref<320000xi32, #tpu.memory_space<hbm>> -> memref<10000xi32, #tpu.memory_space<hbm>>
      %dma_start3A_710 = tpu.memref_slice %arg4[%mul3A_12] : memref<320000xi32, #tpu.memory_space<hbm>> -> memref<10000xi32, #tpu.memory_space<hbm>>
      tpu.enqueue_dma source(%dma_start3A_710 : memref<10000xi32, #tpu.memory_space<hbm>>) target(%arg7 : memref<10000xi32, #tpu.memory_space<vmem>>) target_semaphore(%run_scoped3A_708 : memref<!tpu.dma_semaphore, #tpu.memory_space<semaphore_mem>>)
      %dma_wait3A_711 = tpu.memref_slice %arg4[%mul3A_12] : memref<320000xi32, #tpu.memory_space<hbm>> -> memref<10000xi32, #tpu.memory_space<hbm>>
      %dma_wait3A_712 = tpu.memref_slice %arg4[%mul3A_12] : memref<320000xi32, #tpu.memory_space<hbm>> -> memref<10000xi32, #tpu.memory_space<hbm>>
      tpu.wait_dma2 semaphore(%run_scoped3A_708 : memref<!tpu.dma_semaphore, #tpu.memory_space<semaphore_mem>>) src(%dma_wait3A_712 : memref<10000xi32, #tpu.memory_space<hbm>>) dst(%arg7 : memref<10000xi32, #tpu.memory_space<vmem>>)
      tpu.yield
    }) : () -> ()
    %add3A_13 = arith.constant 0 : i32
    %add3A_14 = arith.addi %mul3A_2, %add3A_13 : i32
    %run_scoped3A = arith.constant 3 : i32
    "tpu.region"() ({
      %run_scoped3A_708 = tpu.sem_alloc : memref<!tpu.dma_semaphore, #tpu.memory_space<semaphore_mem>>
      %dma_start3A_709 = arith.constant 0 : i32
      %dma_start3A_710 = arith.constant 0 : i32
      %dma_start3A_711 = tpu.memref_slice %arg8[%run_scoped3A, %dma_start3A_709, %dma_start3A_710] : memref<4x48x128xf32, #tpu.memory_space<vmem>> -> memref<1x48x128xf32, #tpu.memory_space<vmem>>
      %dma_start3A_712 = tpu.memref_squeeze %dma_start3A_711 : memref<1x48x128xf32, #tpu.memory_space<vmem>> -> memref<48x128xf32, #tpu.memory_space<vmem>>
      %dma_start3A_713 = arith.constant 0 : i32
      %dma_start3A_714 = tpu.memref_slice %arg9[%add3A_14, %dma_start3A_713] : memref<10240x128xf32, #tpu.memory_space<vmem_shared>> -> memref<48x128xf32, #tpu.memory_space<vmem_shared>>
      %dma_start3A_715 = arith.constant 0 : i32
      %dma_start3A_716 = tpu.memref_slice %arg9[%add3A_14, %dma_start3A_715] : memref<10240x128xf32, #tpu.memory_space<vmem_shared>> -> memref<48x128xf32, #tpu.memory_space<vmem_shared>>
      %dma_start3A_717 = arith.constant 0 : i32
      %dma_start3A_718 = arith.constant 0 : i32
      %dma_start3A_719 = tpu.memref_slice %arg8[%run_scoped3A, %dma_start3A_717, %dma_start3A_718] : memref<4x48x128xf32, #tpu.memory_space<vmem>> -> memref<1x48x128xf32, #tpu.memory_space<vmem>>
      %dma_start3A_720 = tpu.memref_squeeze %dma_start3A_719 : memref<1x48x128xf32, #tpu.memory_space<vmem>> -> memref<48x128xf32, #tpu.memory_space<vmem>>
      tpu.enqueue_dma source(%dma_start3A_720 : memref<48x128xf32, #tpu.memory_space<vmem>>) target(%dma_start3A_716 : memref<48x128xf32, #tpu.memory_space<vmem_shared>>) target_semaphore(%run_scoped3A_708 : memref<!tpu.dma_semaphore, #tpu.memory_space<semaphore_mem>>)
      %dma_wait3A_721 = arith.constant 0 : i32
      %dma_wait3A_722 = arith.constant 0 : i32
      %dma_wait3A_723 = tpu.memref_slice %arg8[%run_scoped3A, %dma_wait3A_721, %dma_wait3A_722] : memref<4x48x128xf32, #tpu.memory_space<vmem>> -> memref<1x48x128xf32, #tpu.memory_space<vmem>>
      %dma_wait3A_724 = tpu.memref_squeeze %dma_wait3A_723 : memref<1x48x128xf32, #tpu.memory_space<vmem>> -> memref<48x128xf32, #tpu.memory_space<vmem>>
      %dma_wait3A_725 = arith.constant 0 : i32
      %dma_wait3A_726 = tpu.memref_slice %arg9[%add3A_14, %dma_wait3A_725] : memref<10240x128xf32, #tpu.memory_space<vmem_shared>> -> memref<48x128xf32, #tpu.memory_space<vmem_shared>>
      %dma_wait3A_727 = arith.constant 0 : i32
      %dma_wait3A_728 = tpu.memref_slice %arg9[%add3A_14, %dma_wait3A_727] : memref<10240x128xf32, #tpu.memory_space<vmem_shared>> -> memref<48x128xf32, #tpu.memory_space<vmem_shared>>
      %dma_wait3A_729 = arith.constant 0 : i32
      %dma_wait3A_730 = arith.constant 0 : i32
      %dma_wait3A_731 = tpu.memref_slice %arg8[%run_scoped3A, %dma_wait3A_729, %dma_wait3A_730] : memref<4x48x128xf32, #tpu.memory_space<vmem>> -> memref<1x48x128xf32, #tpu.memory_space<vmem>>
      %dma_wait3A_732 = tpu.memref_squeeze %dma_wait3A_731 : memref<1x48x128xf32, #tpu.memory_space<vmem>> -> memref<48x128xf32, #tpu.memory_space<vmem>>
      tpu.wait_dma2 semaphore(%run_scoped3A_708 : memref<!tpu.dma_semaphore, #tpu.memory_space<semaphore_mem>>) src(%dma_wait3A_732 : memref<48x128xf32, #tpu.memory_space<vmem>>) dst(%dma_wait3A_728 : memref<48x128xf32, #tpu.memory_space<vmem_shared>>)
      tpu.yield
    }) : () -> ()
    %add3A_15 = arith.constant 48 : i32
    %add3A_16 = arith.addi %mul3A_2, %add3A_15 : i32
    %run_scoped3A_17 = arith.constant 3 : i32
    "tpu.region"() ({
      %run_scoped3A_708 = tpu.sem_alloc : memref<!tpu.dma_semaphore, #tpu.memory_space<semaphore_mem>>
      %dma_start3A_709 = arith.constant 0 : i32
      %dma_start3A_710 = arith.constant 0 : i32
      %dma_start3A_711 = tpu.memref_slice %arg8[%run_scoped3A_17, %dma_start3A_709, %dma_start3A_710] : memref<4x48x128xf32, #tpu.memory_space<vmem>> -> memref<1x48x128xf32, #tpu.memory_space<vmem>>
      %dma_start3A_712 = tpu.memref_squeeze %dma_start3A_711 : memref<1x48x128xf32, #tpu.memory_space<vmem>> -> memref<48x128xf32, #tpu.memory_space<vmem>>
      %dma_start3A_713 = arith.constant 0 : i32
      %dma_start3A_714 = tpu.memref_slice %arg9[%add3A_16, %dma_start3A_713] : memref<10240x128xf32, #tpu.memory_space<vmem_shared>> -> memref<48x128xf32, #tpu.memory_space<vmem_shared>>
      %dma_start3A_715 = arith.constant 0 : i32
      %dma_start3A_716 = tpu.memref_slice %arg9[%add3A_16, %dma_start3A_715] : memref<10240x128xf32, #tpu.memory_space<vmem_shared>> -> memref<48x128xf32, #tpu.memory_space<vmem_shared>>
      %dma_start3A_717 = arith.constant 0 : i32
      %dma_start3A_718 = arith.constant 0 : i32
      %dma_start3A_719 = tpu.memref_slice %arg8[%run_scoped3A_17, %dma_start3A_717, %dma_start3A_718] : memref<4x48x128xf32, #tpu.memory_space<vmem>> -> memref<1x48x128xf32, #tpu.memory_space<vmem>>
      %dma_start3A_720 = tpu.memref_squeeze %dma_start3A_719 : memref<1x48x128xf32, #tpu.memory_space<vmem>> -> memref<48x128xf32, #tpu.memory_space<vmem>>
      tpu.enqueue_dma source(%dma_start3A_720 : memref<48x128xf32, #tpu.memory_space<vmem>>) target(%dma_start3A_716 : memref<48x128xf32, #tpu.memory_space<vmem_shared>>) target_semaphore(%run_scoped3A_708 : memref<!tpu.dma_semaphore, #tpu.memory_space<semaphore_mem>>)
      %dma_wait3A_721 = arith.constant 0 : i32
      %dma_wait3A_722 = arith.constant 0 : i32
      %dma_wait3A_723 = tpu.memref_slice %arg8[%run_scoped3A_17, %dma_wait3A_721, %dma_wait3A_722] : memref<4x48x128xf32, #tpu.memory_space<vmem>> -> memref<1x48x128xf32, #tpu.memory_space<vmem>>
      %dma_wait3A_724 = tpu.memref_squeeze %dma_wait3A_723 : memref<1x48x128xf32, #tpu.memory_space<vmem>> -> memref<48x128xf32, #tpu.memory_space<vmem>>
      %dma_wait3A_725 = arith.constant 0 : i32
      %dma_wait3A_726 = tpu.memref_slice %arg9[%add3A_16, %dma_wait3A_725] : memref<10240x128xf32, #tpu.memory_space<vmem_shared>> -> memref<48x128xf32, #tpu.memory_space<vmem_shared>>
      %dma_wait3A_727 = arith.constant 0 : i32
      %dma_wait3A_728 = tpu.memref_slice %arg9[%add3A_16, %dma_wait3A_727] : memref<10240x128xf32, #tpu.memory_space<vmem_shared>> -> memref<48x128xf32, #tpu.memory_space<vmem_shared>>
      %dma_wait3A_729 = arith.constant 0 : i32
      %dma_wait3A_730 = arith.constant 0 : i32
      %dma_wait3A_731 = tpu.memref_slice %arg8[%run_scoped3A_17, %dma_wait3A_729, %dma_wait3A_730] : memref<4x48x128xf32, #tpu.memory_space<vmem>> -> memref<1x48x128xf32, #tpu.memory_space<vmem>>
      %dma_wait3A_732 = tpu.memref_squeeze %dma_wait3A_731 : memref<1x48x128xf32, #tpu.memory_space<vmem>> -> memref<48x128xf32, #tpu.memory_space<vmem>>
      tpu.wait_dma2 semaphore(%run_scoped3A_708 : memref<!tpu.dma_semaphore, #tpu.memory_space<semaphore_mem>>) src(%dma_wait3A_732 : memref<48x128xf32, #tpu.memory_space<vmem>>) dst(%dma_wait3A_728 : memref<48x128xf32, #tpu.memory_space<vmem_shared>>)
      tpu.yield
    }) : () -> ()
    %add3A_18 = arith.constant 96 : i32
    %add3A_19 = arith.addi %mul3A_2, %add3A_18 : i32
    %run_scoped3A_20 = arith.constant 3 : i32
    "tpu.region"() ({
      %run_scoped3A_708 = tpu.sem_alloc : memref<!tpu.dma_semaphore, #tpu.memory_space<semaphore_mem>>
      %dma_start3A_709 = arith.constant 0 : i32
      %dma_start3A_710 = arith.constant 0 : i32
      %dma_start3A_711 = tpu.memref_slice %arg8[%run_scoped3A_20, %dma_start3A_709, %dma_start3A_710] : memref<4x48x128xf32, #tpu.memory_space<vmem>> -> memref<1x48x128xf32, #tpu.memory_space<vmem>>
      %dma_start3A_712 = tpu.memref_squeeze %dma_start3A_711 : memref<1x48x128xf32, #tpu.memory_space<vmem>> -> memref<48x128xf32, #tpu.memory_space<vmem>>
      %dma_start3A_713 = arith.constant 0 : i32
      %dma_start3A_714 = tpu.memref_slice %arg9[%add3A_19, %dma_start3A_713] : memref<10240x128xf32, #tpu.memory_space<vmem_shared>> -> memref<48x128xf32, #tpu.memory_space<vmem_shared>>
      %dma_start3A_715 = arith.constant 0 : i32
      %dma_start3A_716 = tpu.memref_slice %arg9[%add3A_19, %dma_start3A_715] : memref<10240x128xf32, #tpu.memory_space<vmem_shared>> -> memref<48x128xf32, #tpu.memory_space<vmem_shared>>
      %dma_start3A_717 = arith.constant 0 : i32
      %dma_start3A_718 = arith.constant 0 : i32
      %dma_start3A_719 = tpu.memref_slice %arg8[%run_scoped3A_20, %dma_start3A_717, %dma_start3A_718] : memref<4x48x128xf32, #tpu.memory_space<vmem>> -> memref<1x48x128xf32, #tpu.memory_space<vmem>>
      %dma_start3A_720 = tpu.memref_squeeze %dma_start3A_719 : memref<1x48x128xf32, #tpu.memory_space<vmem>> -> memref<48x128xf32, #tpu.memory_space<vmem>>
      tpu.enqueue_dma source(%dma_start3A_720 : memref<48x128xf32, #tpu.memory_space<vmem>>) target(%dma_start3A_716 : memref<48x128xf32, #tpu.memory_space<vmem_shared>>) target_semaphore(%run_scoped3A_708 : memref<!tpu.dma_semaphore, #tpu.memory_space<semaphore_mem>>)
      %dma_wait3A_721 = arith.constant 0 : i32
      %dma_wait3A_722 = arith.constant 0 : i32
      %dma_wait3A_723 = tpu.memref_slice %arg8[%run_scoped3A_20, %dma_wait3A_721, %dma_wait3A_722] : memref<4x48x128xf32, #tpu.memory_space<vmem>> -> memref<1x48x128xf32, #tpu.memory_space<vmem>>
      %dma_wait3A_724 = tpu.memref_squeeze %dma_wait3A_723 : memref<1x48x128xf32, #tpu.memory_space<vmem>> -> memref<48x128xf32, #tpu.memory_space<vmem>>
      %dma_wait3A_725 = arith.constant 0 : i32
      %dma_wait3A_726 = tpu.memref_slice %arg9[%add3A_19, %dma_wait3A_725] : memref<10240x128xf32, #tpu.memory_space<vmem_shared>> -> memref<48x128xf32, #tpu.memory_space<vmem_shared>>
      %dma_wait3A_727 = arith.constant 0 : i32
      %dma_wait3A_728 = tpu.memref_slice %arg9[%add3A_19, %dma_wait3A_727] : memref<10240x128xf32, #tpu.memory_space<vmem_shared>> -> memref<48x128xf32, #tpu.memory_space<vmem_shared>>
      %dma_wait3A_729 = arith.constant 0 : i32
      %dma_wait3A_730 = arith.constant 0 : i32
      %dma_wait3A_731 = tpu.memref_slice %arg8[%run_scoped3A_20, %dma_wait3A_729, %dma_wait3A_730] : memref<4x48x128xf32, #tpu.memory_space<vmem>> -> memref<1x48x128xf32, #tpu.memory_space<vmem>>
      %dma_wait3A_732 = tpu.memref_squeeze %dma_wait3A_731 : memref<1x48x128xf32, #tpu.memory_space<vmem>> -> memref<48x128xf32, #tpu.memory_space<vmem>>
      tpu.wait_dma2 semaphore(%run_scoped3A_708 : memref<!tpu.dma_semaphore, #tpu.memory_space<semaphore_mem>>) src(%dma_wait3A_732 : memref<48x128xf32, #tpu.memory_space<vmem>>) dst(%dma_wait3A_728 : memref<48x128xf32, #tpu.memory_space<vmem_shared>>)
      tpu.yield
    }) : () -> ()
    %add3A_21 = arith.constant 144 : i32
    %add3A_22 = arith.addi %mul3A_2, %add3A_21 : i32
    %run_scoped3A_23 = arith.constant 3 : i32
    "tpu.region"() ({
      %run_scoped3A_708 = tpu.sem_alloc : memref<!tpu.dma_semaphore, #tpu.memory_space<semaphore_mem>>
      %dma_start3A_709 = arith.constant 0 : i32
      %dma_start3A_710 = arith.constant 0 : i32
      %dma_start3A_711 = tpu.memref_slice %arg8[%run_scoped3A_23, %dma_start3A_709, %dma_start3A_710] : memref<4x48x128xf32, #tpu.memory_space<vmem>> -> memref<1x48x128xf32, #tpu.memory_space<vmem>>
      %dma_start3A_712 = tpu.memref_squeeze %dma_start3A_711 : memref<1x48x128xf32, #tpu.memory_space<vmem>> -> memref<48x128xf32, #tpu.memory_space<vmem>>
      %dma_start3A_713 = arith.constant 0 : i32
      %dma_start3A_714 = tpu.memref_slice %arg9[%add3A_22, %dma_start3A_713] : memref<10240x128xf32, #tpu.memory_space<vmem_shared>> -> memref<48x128xf32, #tpu.memory_space<vmem_shared>>
      %dma_start3A_715 = arith.constant 0 : i32
      %dma_start3A_716 = tpu.memref_slice %arg9[%add3A_22, %dma_start3A_715] : memref<10240x128xf32, #tpu.memory_space<vmem_shared>> -> memref<48x128xf32, #tpu.memory_space<vmem_shared>>
      %dma_start3A_717 = arith.constant 0 : i32
      %dma_start3A_718 = arith.constant 0 : i32
      %dma_start3A_719 = tpu.memref_slice %arg8[%run_scoped3A_23, %dma_start3A_717, %dma_start3A_718] : memref<4x48x128xf32, #tpu.memory_space<vmem>> -> memref<1x48x128xf32, #tpu.memory_space<vmem>>
      %dma_start3A_720 = tpu.memref_squeeze %dma_start3A_719 : memref<1x48x128xf32, #tpu.memory_space<vmem>> -> memref<48x128xf32, #tpu.memory_space<vmem>>
      tpu.enqueue_dma source(%dma_start3A_720 : memref<48x128xf32, #tpu.memory_space<vmem>>) target(%dma_start3A_716 : memref<48x128xf32, #tpu.memory_space<vmem_shared>>) target_semaphore(%run_scoped3A_708 : memref<!tpu.dma_semaphore, #tpu.memory_space<semaphore_mem>>)
      %dma_wait3A_721 = arith.constant 0 : i32
      %dma_wait3A_722 = arith.constant 0 : i32
      %dma_wait3A_723 = tpu.memref_slice %arg8[%run_scoped3A_23, %dma_wait3A_721, %dma_wait3A_722] : memref<4x48x128xf32, #tpu.memory_space<vmem>> -> memref<1x48x128xf32, #tpu.memory_space<vmem>>
      %dma_wait3A_724 = tpu.memref_squeeze %dma_wait3A_723 : memref<1x48x128xf32, #tpu.memory_space<vmem>> -> memref<48x128xf32, #tpu.memory_space<vmem>>
      %dma_wait3A_725 = arith.constant 0 : i32
      %dma_wait3A_726 = tpu.memref_slice %arg9[%add3A_22, %dma_wait3A_725] : memref<10240x128xf32, #tpu.memory_space<vmem_shared>> -> memref<48x128xf32, #tpu.memory_space<vmem_shared>>
      %dma_wait3A_727 = arith.constant 0 : i32
      %dma_wait3A_728 = tpu.memref_slice %arg9[%add3A_22, %dma_wait3A_727] : memref<10240x128xf32, #tpu.memory_space<vmem_shared>> -> memref<48x128xf32, #tpu.memory_space<vmem_shared>>
      %dma_wait3A_729 = arith.constant 0 : i32
      %dma_wait3A_730 = arith.constant 0 : i32
      %dma_wait3A_731 = tpu.memref_slice %arg8[%run_scoped3A_23, %dma_wait3A_729, %dma_wait3A_730] : memref<4x48x128xf32, #tpu.memory_space<vmem>> -> memref<1x48x128xf32, #tpu.memory_space<vmem>>
      %dma_wait3A_732 = tpu.memref_squeeze %dma_wait3A_731 : memref<1x48x128xf32, #tpu.memory_space<vmem>> -> memref<48x128xf32, #tpu.memory_space<vmem>>
      tpu.wait_dma2 semaphore(%run_scoped3A_708 : memref<!tpu.dma_semaphore, #tpu.memory_space<semaphore_mem>>) src(%dma_wait3A_732 : memref<48x128xf32, #tpu.memory_space<vmem>>) dst(%dma_wait3A_728 : memref<48x128xf32, #tpu.memory_space<vmem_shared>>)
      tpu.yield
    }) : () -> ()
    %add3A_24 = arith.constant 192 : i32
    %add3A_25 = arith.addi %mul3A_2, %add3A_24 : i32
    %run_scoped3A_26 = arith.constant 3 : i32
    "tpu.region"() ({
      %run_scoped3A_708 = tpu.sem_alloc : memref<!tpu.dma_semaphore, #tpu.memory_space<semaphore_mem>>
      %dma_start3A_709 = arith.constant 0 : i32
      %dma_start3A_710 = arith.constant 0 : i32
      %dma_start3A_711 = tpu.memref_slice %arg8[%run_scoped3A_26, %dma_start3A_709, %dma_start3A_710] : memref<4x48x128xf32, #tpu.memory_space<vmem>> -> memref<1x48x128xf32, #tpu.memory_space<vmem>>
      %dma_start3A_712 = tpu.memref_squeeze %dma_start3A_711 : memref<1x48x128xf32, #tpu.memory_space<vmem>> -> memref<48x128xf32, #tpu.memory_space<vmem>>
      %dma_start3A_713 = arith.constant 0 : i32
      %dma_start3A_714 = tpu.memref_slice %arg9[%add3A_25, %dma_start3A_713] : memref<10240x128xf32, #tpu.memory_space<vmem_shared>> -> memref<48x128xf32, #tpu.memory_space<vmem_shared>>
      %dma_start3A_715 = arith.constant 0 : i32
      %dma_start3A_716 = tpu.memref_slice %arg9[%add3A_25, %dma_start3A_715] : memref<10240x128xf32, #tpu.memory_space<vmem_shared>> -> memref<48x128xf32, #tpu.memory_space<vmem_shared>>
      %dma_start3A_717 = arith.constant 0 : i32
      %dma_start3A_718 = arith.constant 0 : i32
      %dma_start3A_719 = tpu.memref_slice %arg8[%run_scoped3A_26, %dma_start3A_717, %dma_start3A_718] : memref<4x48x128xf32, #tpu.memory_space<vmem>> -> memref<1x48x128xf32, #tpu.memory_space<vmem>>
      %dma_start3A_720 = tpu.memref_squeeze %dma_start3A_719 : memref<1x48x128xf32, #tpu.memory_space<vmem>> -> memref<48x128xf32, #tpu.memory_space<vmem>>
      tpu.enqueue_dma source(%dma_start3A_720 : memref<48x128xf32, #tpu.memory_space<vmem>>) target(%dma_start3A_716 : memref<48x128xf32, #tpu.memory_space<vmem_shared>>) target_semaphore(%run_scoped3A_708 : memref<!tpu.dma_semaphore, #tpu.memory_space<semaphore_mem>>)
      %dma_wait3A_721 = arith.constant 0 : i32
      %dma_wait3A_722 = arith.constant 0 : i32
      %dma_wait3A_723 = tpu.memref_slice %arg8[%run_scoped3A_26, %dma_wait3A_721, %dma_wait3A_722] : memref<4x48x128xf32, #tpu.memory_space<vmem>> -> memref<1x48x128xf32, #tpu.memory_space<vmem>>
      %dma_wait3A_724 = tpu.memref_squeeze %dma_wait3A_723 : memref<1x48x128xf32, #tpu.memory_space<vmem>> -> memref<48x128xf32, #tpu.memory_space<vmem>>
      %dma_wait3A_725 = arith.constant 0 : i32
      %dma_wait3A_726 = tpu.memref_slice %arg9[%add3A_25, %dma_wait3A_725] : memref<10240x128xf32, #tpu.memory_space<vmem_shared>> -> memref<48x128xf32, #tpu.memory_space<vmem_shared>>
      %dma_wait3A_727 = arith.constant 0 : i32
      %dma_wait3A_728 = tpu.memref_slice %arg9[%add3A_25, %dma_wait3A_727] : memref<10240x128xf32, #tpu.memory_space<vmem_shared>> -> memref<48x128xf32, #tpu.memory_space<vmem_shared>>
      %dma_wait3A_729 = arith.constant 0 : i32
      %dma_wait3A_730 = arith.constant 0 : i32
      %dma_wait3A_731 = tpu.memref_slice %arg8[%run_scoped3A_26, %dma_wait3A_729, %dma_wait3A_730] : memref<4x48x128xf32, #tpu.memory_space<vmem>> -> memref<1x48x128xf32, #tpu.memory_space<vmem>>
      %dma_wait3A_732 = tpu.memref_squeeze %dma_wait3A_731 : memref<1x48x128xf32, #tpu.memory_space<vmem>> -> memref<48x128xf32, #tpu.memory_space<vmem>>
      tpu.wait_dma2 semaphore(%run_scoped3A_708 : memref<!tpu.dma_semaphore, #tpu.memory_space<semaphore_mem>>) src(%dma_wait3A_732 : memref<48x128xf32, #tpu.memory_space<vmem>>) dst(%dma_wait3A_728 : memref<48x128xf32, #tpu.memory_space<vmem_shared>>)
      tpu.yield
    }) : () -> ()
    %add3A_27 = arith.constant 240 : i32
    %add3A_28 = arith.addi %mul3A_2, %add3A_27 : i32
    %run_scoped3A_29 = arith.constant 3 : i32
    "tpu.region"() ({
      %run_scoped3A_708 = tpu.sem_alloc : memref<!tpu.dma_semaphore, #tpu.memory_space<semaphore_mem>>
      %dma_start3A_709 = arith.constant 0 : i32
      %dma_start3A_710 = arith.constant 0 : i32
      %dma_start3A_711 = tpu.memref_slice %arg8[%run_scoped3A_29, %dma_start3A_709, %dma_start3A_710] : memref<4x48x128xf32, #tpu.memory_space<vmem>> -> memref<1x48x128xf32, #tpu.memory_space<vmem>>
      %dma_start3A_712 = tpu.memref_squeeze %dma_start3A_711 : memref<1x48x128xf32, #tpu.memory_space<vmem>> -> memref<48x128xf32, #tpu.memory_space<vmem>>
      %dma_start3A_713 = arith.constant 0 : i32
      %dma_start3A_714 = tpu.memref_slice %arg9[%add3A_28, %dma_start3A_713] : memref<10240x128xf32, #tpu.memory_space<vmem_shared>> -> memref<48x128xf32, #tpu.memory_space<vmem_shared>>
      %dma_start3A_715 = arith.constant 0 : i32
      %dma_start3A_716 = tpu.memref_slice %arg9[%add3A_28, %dma_start3A_715] : memref<10240x128xf32, #tpu.memory_space<vmem_shared>> -> memref<48x128xf32, #tpu.memory_space<vmem_shared>>
      %dma_start3A_717 = arith.constant 0 : i32
      %dma_start3A_718 = arith.constant 0 : i32
      %dma_start3A_719 = tpu.memref_slice %arg8[%run_scoped3A_29, %dma_start3A_717, %dma_start3A_718] : memref<4x48x128xf32, #tpu.memory_space<vmem>> -> memref<1x48x128xf32, #tpu.memory_space<vmem>>
      %dma_start3A_720 = tpu.memref_squeeze %dma_start3A_719 : memref<1x48x128xf32, #tpu.memory_space<vmem>> -> memref<48x128xf32, #tpu.memory_space<vmem>>
      tpu.enqueue_dma source(%dma_start3A_720 : memref<48x128xf32, #tpu.memory_space<vmem>>) target(%dma_start3A_716 : memref<48x128xf32, #tpu.memory_space<vmem_shared>>) target_semaphore(%run_scoped3A_708 : memref<!tpu.dma_semaphore, #tpu.memory_space<semaphore_mem>>)
      %dma_wait3A_721 = arith.constant 0 : i32
      %dma_wait3A_722 = arith.constant 0 : i32
      %dma_wait3A_723 = tpu.memref_slice %arg8[%run_scoped3A_29, %dma_wait3A_721, %dma_wait3A_722] : memref<4x48x128xf32, #tpu.memory_space<vmem>> -> memref<1x48x128xf32, #tpu.memory_space<vmem>>
      %dma_wait3A_724 = tpu.memref_squeeze %dma_wait3A_723 : memref<1x48x128xf32, #tpu.memory_space<vmem>> -> memref<48x128xf32, #tpu.memory_space<vmem>>
      %dma_wait3A_725 = arith.constant 0 : i32
      %dma_wait3A_726 = tpu.memref_slice %arg9[%add3A_28, %dma_wait3A_725] : memref<10240x128xf32, #tpu.memory_space<vmem_shared>> -> memref<48x128xf32, #tpu.memory_space<vmem_shared>>
      %dma_wait3A_727 = arith.constant 0 : i32
      %dma_wait3A_728 = tpu.memref_slice %arg9[%add3A_28, %dma_wait3A_727] : memref<10240x128xf32, #tpu.memory_space<vmem_shared>> -> memref<48x128xf32, #tpu.memory_space<vmem_shared>>
      %dma_wait3A_729 = arith.constant 0 : i32
      %dma_wait3A_730 = arith.constant 0 : i32
      %dma_wait3A_731 = tpu.memref_slice %arg8[%run_scoped3A_29, %dma_wait3A_729, %dma_wait3A_730] : memref<4x48x128xf32, #tpu.memory_space<vmem>> -> memref<1x48x128xf32, #tpu.memory_space<vmem>>
      %dma_wait3A_732 = tpu.memref_squeeze %dma_wait3A_731 : memref<1x48x128xf32, #tpu.memory_space<vmem>> -> memref<48x128xf32, #tpu.memory_space<vmem>>
      tpu.wait_dma2 semaphore(%run_scoped3A_708 : memref<!tpu.dma_semaphore, #tpu.memory_space<semaphore_mem>>) src(%dma_wait3A_732 : memref<48x128xf32, #tpu.memory_space<vmem>>) dst(%dma_wait3A_728 : memref<48x128xf32, #tpu.memory_space<vmem_shared>>)
      tpu.yield
    }) : () -> ()
    %add3A_30 = arith.constant 288 : i32
    %add3A_31 = arith.addi %mul3A_2, %add3A_30 : i32
    %run_scoped3A_32 = arith.constant 3 : i32
    "tpu.region"() ({
      %run_scoped3A_708 = tpu.sem_alloc : memref<!tpu.dma_semaphore, #tpu.memory_space<semaphore_mem>>
      %dma_start3A_709 = arith.constant 0 : i32
      %dma_start3A_710 = arith.constant 0 : i32
      %dma_start3A_711 = tpu.memref_slice %arg8[%run_scoped3A_32, %dma_start3A_709, %dma_start3A_710] : memref<4x48x128xf32, #tpu.memory_space<vmem>> -> memref<1x48x128xf32, #tpu.memory_space<vmem>>
      %dma_start3A_712 = tpu.memref_squeeze %dma_start3A_711 : memref<1x48x128xf32, #tpu.memory_space<vmem>> -> memref<48x128xf32, #tpu.memory_space<vmem>>
      %dma_start3A_713 = arith.constant 0 : i32
      %dma_start3A_714 = tpu.memref_slice %arg9[%add3A_31, %dma_start3A_713] : memref<10240x128xf32, #tpu.memory_space<vmem_shared>> -> memref<48x128xf32, #tpu.memory_space<vmem_shared>>
      %dma_start3A_715 = arith.constant 0 : i32
      %dma_start3A_716 = tpu.memref_slice %arg9[%add3A_31, %dma_start3A_715] : memref<10240x128xf32, #tpu.memory_space<vmem_shared>> -> memref<48x128xf32, #tpu.memory_space<vmem_shared>>
      %dma_start3A_717 = arith.constant 0 : i32
      %dma_start3A_718 = arith.constant 0 : i32
      %dma_start3A_719 = tpu.memref_slice %arg8[%run_scoped3A_32, %dma_start3A_717, %dma_start3A_718] : memref<4x48x128xf32, #tpu.memory_space<vmem>> -> memref<1x48x128xf32, #tpu.memory_space<vmem>>
      %dma_start3A_720 = tpu.memref_squeeze %dma_start3A_719 : memref<1x48x128xf32, #tpu.memory_space<vmem>> -> memref<48x128xf32, #tpu.memory_space<vmem>>
      tpu.enqueue_dma source(%dma_start3A_720 : memref<48x128xf32, #tpu.memory_space<vmem>>) target(%dma_start3A_716 : memref<48x128xf32, #tpu.memory_space<vmem_shared>>) target_semaphore(%run_scoped3A_708 : memref<!tpu.dma_semaphore, #tpu.memory_space<semaphore_mem>>)
      %dma_wait3A_721 = arith.constant 0 : i32
      %dma_wait3A_722 = arith.constant 0 : i32
      %dma_wait3A_723 = tpu.memref_slice %arg8[%run_scoped3A_32, %dma_wait3A_721, %dma_wait3A_722] : memref<4x48x128xf32, #tpu.memory_space<vmem>> -> memref<1x48x128xf32, #tpu.memory_space<vmem>>
      %dma_wait3A_724 = tpu.memref_squeeze %dma_wait3A_723 : memref<1x48x128xf32, #tpu.memory_space<vmem>> -> memref<48x128xf32, #tpu.memory_space<vmem>>
      %dma_wait3A_725 = arith.constant 0 : i32
      %dma_wait3A_726 = tpu.memref_slice %arg9[%add3A_31, %dma_wait3A_725] : memref<10240x128xf32, #tpu.memory_space<vmem_shared>> -> memref<48x128xf32, #tpu.memory_space<vmem_shared>>
      %dma_wait3A_727 = arith.constant 0 : i32
      %dma_wait3A_728 = tpu.memref_slice %arg9[%add3A_31, %dma_wait3A_727] : memref<10240x128xf32, #tpu.memory_space<vmem_shared>> -> memref<48x128xf32, #tpu.memory_space<vmem_shared>>
      %dma_wait3A_729 = arith.constant 0 : i32
      %dma_wait3A_730 = arith.constant 0 : i32
      %dma_wait3A_731 = tpu.memref_slice %arg8[%run_scoped3A_32, %dma_wait3A_729, %dma_wait3A_730] : memref<4x48x128xf32, #tpu.memory_space<vmem>> -> memref<1x48x128xf32, #tpu.memory_space<vmem>>
      %dma_wait3A_732 = tpu.memref_squeeze %dma_wait3A_731 : memref<1x48x128xf32, #tpu.memory_space<vmem>> -> memref<48x128xf32, #tpu.memory_space<vmem>>
      tpu.wait_dma2 semaphore(%run_scoped3A_708 : memref<!tpu.dma_semaphore, #tpu.memory_space<semaphore_mem>>) src(%dma_wait3A_732 : memref<48x128xf32, #tpu.memory_space<vmem>>) dst(%dma_wait3A_728 : memref<48x128xf32, #tpu.memory_space<vmem_shared>>)
      tpu.yield
    }) : () -> ()
    %add3A_33 = arith.constant 336 : i32
    %add3A_34 = arith.addi %mul3A_2, %add3A_33 : i32
    %run_scoped3A_35 = arith.constant 3 : i32
    "tpu.region"() ({
      %run_scoped3A_708 = tpu.sem_alloc : memref<!tpu.dma_semaphore, #tpu.memory_space<semaphore_mem>>
      %dma_start3A_709 = arith.constant 0 : i32
      %dma_start3A_710 = arith.constant 0 : i32
      %dma_start3A_711 = tpu.memref_slice %arg8[%run_scoped3A_35, %dma_start3A_709, %dma_start3A_710] : memref<4x48x128xf32, #tpu.memory_space<vmem>> -> memref<1x48x128xf32, #tpu.memory_space<vmem>>
      %dma_start3A_712 = tpu.memref_squeeze %dma_start3A_711 : memref<1x48x128xf32, #tpu.memory_space<vmem>> -> memref<48x128xf32, #tpu.memory_space<vmem>>
      %dma_start3A_713 = arith.constant 0 : i32
      %dma_start3A_714 = tpu.memref_slice %arg9[%add3A_34, %dma_start3A_713] : memref<10240x128xf32, #tpu.memory_space<vmem_shared>> -> memref<48x128xf32, #tpu.memory_space<vmem_shared>>
      %dma_start3A_715 = arith.constant 0 : i32
      %dma_start3A_716 = tpu.memref_slice %arg9[%add3A_34, %dma_start3A_715] : memref<10240x128xf32, #tpu.memory_space<vmem_shared>> -> memref<48x128xf32, #tpu.memory_space<vmem_shared>>
      %dma_start3A_717 = arith.constant 0 : i32
      %dma_start3A_718 = arith.constant 0 : i32
      %dma_start3A_719 = tpu.memref_slice %arg8[%run_scoped3A_35, %dma_start3A_717, %dma_start3A_718] : memref<4x48x128xf32, #tpu.memory_space<vmem>> -> memref<1x48x128xf32, #tpu.memory_space<vmem>>
      %dma_start3A_720 = tpu.memref_squeeze %dma_start3A_719 : memref<1x48x128xf32, #tpu.memory_space<vmem>> -> memref<48x128xf32, #tpu.memory_space<vmem>>
      tpu.enqueue_dma source(%dma_start3A_720 : memref<48x128xf32, #tpu.memory_space<vmem>>) target(%dma_start3A_716 : memref<48x128xf32, #tpu.memory_space<vmem_shared>>) target_semaphore(%run_scoped3A_708 : memref<!tpu.dma_semaphore, #tpu.memory_space<semaphore_mem>>)
      %dma_wait3A_721 = arith.constant 0 : i32
      %dma_wait3A_722 = arith.constant 0 : i32
      %dma_wait3A_723 = tpu.memref_slice %arg8[%run_scoped3A_35, %dma_wait3A_721, %dma_wait3A_722] : memref<4x48x128xf32, #tpu.memory_space<vmem>> -> memref<1x48x128xf32, #tpu.memory_space<vmem>>
      %dma_wait3A_724 = tpu.memref_squeeze %dma_wait3A_723 : memref<1x48x128xf32, #tpu.memory_space<vmem>> -> memref<48x128xf32, #tpu.memory_space<vmem>>
      %dma_wait3A_725 = arith.constant 0 : i32
      %dma_wait3A_726 = tpu.memref_slice %arg9[%add3A_34, %dma_wait3A_725] : memref<10240x128xf32, #tpu.memory_space<vmem_shared>> -> memref<48x128xf32, #tpu.memory_space<vmem_shared>>
      %dma_wait3A_727 = arith.constant 0 : i32
      %dma_wait3A_728 = tpu.memref_slice %arg9[%add3A_34, %dma_wait3A_727] : memref<10240x128xf32, #tpu.memory_space<vmem_shared>> -> memref<48x128xf32, #tpu.memory_space<vmem_shared>>
      %dma_wait3A_729 = arith.constant 0 : i32
      %dma_wait3A_730 = arith.constant 0 : i32
      %dma_wait3A_731 = tpu.memref_slice %arg8[%run_scoped3A_35, %dma_wait3A_729, %dma_wait3A_730] : memref<4x48x128xf32, #tpu.memory_space<vmem>> -> memref<1x48x128xf32, #tpu.memory_space<vmem>>
      %dma_wait3A_732 = tpu.memref_squeeze %dma_wait3A_731 : memref<1x48x128xf32, #tpu.memory_space<vmem>> -> memref<48x128xf32, #tpu.memory_space<vmem>>
      tpu.wait_dma2 semaphore(%run_scoped3A_708 : memref<!tpu.dma_semaphore, #tpu.memory_space<semaphore_mem>>) src(%dma_wait3A_732 : memref<48x128xf32, #tpu.memory_space<vmem>>) dst(%dma_wait3A_728 : memref<48x128xf32, #tpu.memory_space<vmem_shared>>)
      tpu.yield
    }) : () -> ()
    %add3A_36 = arith.constant 384 : i32
    %add3A_37 = arith.addi %mul3A_2, %add3A_36 : i32
    %run_scoped3A_38 = arith.constant 3 : i32
    "tpu.region"() ({
      %run_scoped3A_708 = tpu.sem_alloc : memref<!tpu.dma_semaphore, #tpu.memory_space<semaphore_mem>>
      %dma_start3A_709 = arith.constant 0 : i32
      %dma_start3A_710 = arith.constant 0 : i32
      %dma_start3A_711 = tpu.memref_slice %arg8[%run_scoped3A_38, %dma_start3A_709, %dma_start3A_710] : memref<4x48x128xf32, #tpu.memory_space<vmem>> -> memref<1x48x128xf32, #tpu.memory_space<vmem>>
      %dma_start3A_712 = tpu.memref_squeeze %dma_start3A_711 : memref<1x48x128xf32, #tpu.memory_space<vmem>> -> memref<48x128xf32, #tpu.memory_space<vmem>>
      %dma_start3A_713 = arith.constant 0 : i32
      %dma_start3A_714 = tpu.memref_slice %arg9[%add3A_37, %dma_start3A_713] : memref<10240x128xf32, #tpu.memory_space<vmem_shared>> -> memref<48x128xf32, #tpu.memory_space<vmem_shared>>
      %dma_start3A_715 = arith.constant 0 : i32
      %dma_start3A_716 = tpu.memref_slice %arg9[%add3A_37, %dma_start3A_715] : memref<10240x128xf32, #tpu.memory_space<vmem_shared>> -> memref<48x128xf32, #tpu.memory_space<vmem_shared>>
      %dma_start3A_717 = arith.constant 0 : i32
      %dma_start3A_718 = arith.constant 0 : i32
      %dma_start3A_719 = tpu.memref_slice %arg8[%run_scoped3A_38, %dma_start3A_717, %dma_start3A_718] : memref<4x48x128xf32, #tpu.memory_space<vmem>> -> memref<1x48x128xf32, #tpu.memory_space<vmem>>
      %dma_start3A_720 = tpu.memref_squeeze %dma_start3A_719 : memref<1x48x128xf32, #tpu.memory_space<vmem>> -> memref<48x128xf32, #tpu.memory_space<vmem>>
      tpu.enqueue_dma source(%dma_start3A_720 : memref<48x128xf32, #tpu.memory_space<vmem>>) target(%dma_start3A_716 : memref<48x128xf32, #tpu.memory_space<vmem_shared>>) target_semaphore(%run_scoped3A_708 : memref<!tpu.dma_semaphore, #tpu.memory_space<semaphore_mem>>)
      %dma_wait3A_721 = arith.constant 0 : i32
      %dma_wait3A_722 = arith.constant 0 : i32
      %dma_wait3A_723 = tpu.memref_slice %arg8[%run_scoped3A_38, %dma_wait3A_721, %dma_wait3A_722] : memref<4x48x128xf32, #tpu.memory_space<vmem>> -> memref<1x48x128xf32, #tpu.memory_space<vmem>>
      %dma_wait3A_724 = tpu.memref_squeeze %dma_wait3A_723 : memref<1x48x128xf32, #tpu.memory_space<vmem>> -> memref<48x128xf32, #tpu.memory_space<vmem>>
      %dma_wait3A_725 = arith.constant 0 : i32
      %dma_wait3A_726 = tpu.memref_slice %arg9[%add3A_37, %dma_wait3A_725] : memref<10240x128xf32, #tpu.memory_space<vmem_shared>> -> memref<48x128xf32, #tpu.memory_space<vmem_shared>>
      %dma_wait3A_727 = arith.constant 0 : i32
      %dma_wait3A_728 = tpu.memref_slice %arg9[%add3A_37, %dma_wait3A_727] : memref<10240x128xf32, #tpu.memory_space<vmem_shared>> -> memref<48x128xf32, #tpu.memory_space<vmem_shared>>
      %dma_wait3A_729 = arith.constant 0 : i32
      %dma_wait3A_730 = arith.constant 0 : i32
      %dma_wait3A_731 = tpu.memref_slice %arg8[%run_scoped3A_38, %dma_wait3A_729, %dma_wait3A_730] : memref<4x48x128xf32, #tpu.memory_space<vmem>> -> memref<1x48x128xf32, #tpu.memory_space<vmem>>
      %dma_wait3A_732 = tpu.memref_squeeze %dma_wait3A_731 : memref<1x48x128xf32, #tpu.memory_space<vmem>> -> memref<48x128xf32, #tpu.memory_space<vmem>>
      tpu.wait_dma2 semaphore(%run_scoped3A_708 : memref<!tpu.dma_semaphore, #tpu.memory_space<semaphore_mem>>) src(%dma_wait3A_732 : memref<48x128xf32, #tpu.memory_space<vmem>>) dst(%dma_wait3A_728 : memref<48x128xf32, #tpu.memory_space<vmem_shared>>)
      tpu.yield
    }) : () -> ()
    %add3A_39 = arith.constant 432 : i32
    %add3A_40 = arith.addi %mul3A_2, %add3A_39 : i32
    %run_scoped3A_41 = arith.constant 3 : i32
    "tpu.region"() ({
      %run_scoped3A_708 = tpu.sem_alloc : memref<!tpu.dma_semaphore, #tpu.memory_space<semaphore_mem>>
      %dma_start3A_709 = arith.constant 0 : i32
      %dma_start3A_710 = arith.constant 0 : i32
      %dma_start3A_711 = tpu.memref_slice %arg8[%run_scoped3A_41, %dma_start3A_709, %dma_start3A_710] : memref<4x48x128xf32, #tpu.memory_space<vmem>> -> memref<1x48x128xf32, #tpu.memory_space<vmem>>
      %dma_start3A_712 = tpu.memref_squeeze %dma_start3A_711 : memref<1x48x128xf32, #tpu.memory_space<vmem>> -> memref<48x128xf32, #tpu.memory_space<vmem>>
      %dma_start3A_713 = arith.constant 0 : i32
      %dma_start3A_714 = tpu.memref_slice %arg9[%add3A_40, %dma_start3A_713] : memref<10240x128xf32, #tpu.memory_space<vmem_shared>> -> memref<48x128xf32, #tpu.memory_space<vmem_shared>>
      %dma_start3A_715 = arith.constant 0 : i32
      %dma_start3A_716 = tpu.memref_slice %arg9[%add3A_40, %dma_start3A_715] : memref<10240x128xf32, #tpu.memory_space<vmem_shared>> -> memref<48x128xf32, #tpu.memory_space<vmem_shared>>
      %dma_start3A_717 = arith.constant 0 : i32
      %dma_start3A_718 = arith.constant 0 : i32
      %dma_start3A_719 = tpu.memref_slice %arg8[%run_scoped3A_41, %dma_start3A_717, %dma_start3A_718] : memref<4x48x128xf32, #tpu.memory_space<vmem>> -> memref<1x48x128xf32, #tpu.memory_space<vmem>>
      %dma_start3A_720 = tpu.memref_squeeze %dma_start3A_719 : memref<1x48x128xf32, #tpu.memory_space<vmem>> -> memref<48x128xf32, #tpu.memory_space<vmem>>
      tpu.enqueue_dma source(%dma_start3A_720 : memref<48x128xf32, #tpu.memory_space<vmem>>) target(%dma_start3A_716 : memref<48x128xf32, #tpu.memory_space<vmem_shared>>) target_semaphore(%run_scoped3A_708 : memref<!tpu.dma_semaphore, #tpu.memory_space<semaphore_mem>>)
      %dma_wait3A_721 = arith.constant 0 : i32
      %dma_wait3A_722 = arith.constant 0 : i32
      %dma_wait3A_723 = tpu.memref_slice %arg8[%run_scoped3A_41, %dma_wait3A_721, %dma_wait3A_722] : memref<4x48x128xf32, #tpu.memory_space<vmem>> -> memref<1x48x128xf32, #tpu.memory_space<vmem>>
      %dma_wait3A_724 = tpu.memref_squeeze %dma_wait3A_723 : memref<1x48x128xf32, #tpu.memory_space<vmem>> -> memref<48x128xf32, #tpu.memory_space<vmem>>
      %dma_wait3A_725 = arith.constant 0 : i32
      %dma_wait3A_726 = tpu.memref_slice %arg9[%add3A_40, %dma_wait3A_725] : memref<10240x128xf32, #tpu.memory_space<vmem_shared>> -> memref<48x128xf32, #tpu.memory_space<vmem_shared>>
      %dma_wait3A_727 = arith.constant 0 : i32
      %dma_wait3A_728 = tpu.memref_slice %arg9[%add3A_40, %dma_wait3A_727] : memref<10240x128xf32, #tpu.memory_space<vmem_shared>> -> memref<48x128xf32, #tpu.memory_space<vmem_shared>>
      %dma_wait3A_729 = arith.constant 0 : i32
      %dma_wait3A_730 = arith.constant 0 : i32
      %dma_wait3A_731 = tpu.memref_slice %arg8[%run_scoped3A_41, %dma_wait3A_729, %dma_wait3A_730] : memref<4x48x128xf32, #tpu.memory_space<vmem>> -> memref<1x48x128xf32, #tpu.memory_space<vmem>>
      %dma_wait3A_732 = tpu.memref_squeeze %dma_wait3A_731 : memref<1x48x128xf32, #tpu.memory_space<vmem>> -> memref<48x128xf32, #tpu.memory_space<vmem>>
      tpu.wait_dma2 semaphore(%run_scoped3A_708 : memref<!tpu.dma_semaphore, #tpu.memory_space<semaphore_mem>>) src(%dma_wait3A_732 : memref<48x128xf32, #tpu.memory_space<vmem>>) dst(%dma_wait3A_728 : memref<48x128xf32, #tpu.memory_space<vmem_shared>>)
      tpu.yield
    }) : () -> ()
    %add3A_42 = arith.constant 480 : i32
    %add3A_43 = arith.addi %mul3A_2, %add3A_42 : i32
    %run_scoped3A_44 = arith.constant 3 : i32
    "tpu.region"() ({
      %run_scoped3A_708 = tpu.sem_alloc : memref<!tpu.dma_semaphore, #tpu.memory_space<semaphore_mem>>
      %dma_start3A_709 = arith.constant 0 : i32
      %dma_start3A_710 = arith.constant 0 : i32
      %dma_start3A_711 = tpu.memref_slice %arg8[%run_scoped3A_44, %dma_start3A_709, %dma_start3A_710] : memref<4x48x128xf32, #tpu.memory_space<vmem>> -> memref<1x48x128xf32, #tpu.memory_space<vmem>>
      %dma_start3A_712 = tpu.memref_squeeze %dma_start3A_711 : memref<1x48x128xf32, #tpu.memory_space<vmem>> -> memref<48x128xf32, #tpu.memory_space<vmem>>
      %dma_start3A_713 = arith.constant 0 : i32
      %dma_start3A_714 = tpu.memref_slice %arg9[%add3A_43, %dma_start3A_713] : memref<10240x128xf32, #tpu.memory_space<vmem_shared>> -> memref<48x128xf32, #tpu.memory_space<vmem_shared>>
      %dma_start3A_715 = arith.constant 0 : i32
      %dma_start3A_716 = tpu.memref_slice %arg9[%add3A_43, %dma_start3A_715] : memref<10240x128xf32, #tpu.memory_space<vmem_shared>> -> memref<48x128xf32, #tpu.memory_space<vmem_shared>>
      %dma_start3A_717 = arith.constant 0 : i32
      %dma_start3A_718 = arith.constant 0 : i32
      %dma_start3A_719 = tpu.memref_slice %arg8[%run_scoped3A_44, %dma_start3A_717, %dma_start3A_718] : memref<4x48x128xf32, #tpu.memory_space<vmem>> -> memref<1x48x128xf32, #tpu.memory_space<vmem>>
      %dma_start3A_720 = tpu.memref_squeeze %dma_start3A_719 : memref<1x48x128xf32, #tpu.memory_space<vmem>> -> memref<48x128xf32, #tpu.memory_space<vmem>>
      tpu.enqueue_dma source(%dma_start3A_720 : memref<48x128xf32, #tpu.memory_space<vmem>>) target(%dma_start3A_716 : memref<48x128xf32, #tpu.memory_space<vmem_shared>>) target_semaphore(%run_scoped3A_708 : memref<!tpu.dma_semaphore, #tpu.memory_space<semaphore_mem>>)
      %dma_wait3A_721 = arith.constant 0 : i32
      %dma_wait3A_722 = arith.constant 0 : i32
      %dma_wait3A_723 = tpu.memref_slice %arg8[%run_scoped3A_44, %dma_wait3A_721, %dma_wait3A_722] : memref<4x48x128xf32, #tpu.memory_space<vmem>> -> memref<1x48x128xf32, #tpu.memory_space<vmem>>
      %dma_wait3A_724 = tpu.memref_squeeze %dma_wait3A_723 : memref<1x48x128xf32, #tpu.memory_space<vmem>> -> memref<48x128xf32, #tpu.memory_space<vmem>>
      %dma_wait3A_725 = arith.constant 0 : i32
      %dma_wait3A_726 = tpu.memref_slice %arg9[%add3A_43, %dma_wait3A_725] : memref<10240x128xf32, #tpu.memory_space<vmem_shared>> -> memref<48x128xf32, #tpu.memory_space<vmem_shared>>
      %dma_wait3A_727 = arith.constant 0 : i32
      %dma_wait3A_728 = tpu.memref_slice %arg9[%add3A_43, %dma_wait3A_727] : memref<10240x128xf32, #tpu.memory_space<vmem_shared>> -> memref<48x128xf32, #tpu.memory_space<vmem_shared>>
      %dma_wait3A_729 = arith.constant 0 : i32
      %dma_wait3A_730 = arith.constant 0 : i32
      %dma_wait3A_731 = tpu.memref_slice %arg8[%run_scoped3A_44, %dma_wait3A_729, %dma_wait3A_730] : memref<4x48x128xf32, #tpu.memory_space<vmem>> -> memref<1x48x128xf32, #tpu.memory_space<vmem>>
      %dma_wait3A_732 = tpu.memref_squeeze %dma_wait3A_731 : memref<1x48x128xf32, #tpu.memory_space<vmem>> -> memref<48x128xf32, #tpu.memory_space<vmem>>
      tpu.wait_dma2 semaphore(%run_scoped3A_708 : memref<!tpu.dma_semaphore, #tpu.memory_space<semaphore_mem>>) src(%dma_wait3A_732 : memref<48x128xf32, #tpu.memory_space<vmem>>) dst(%dma_wait3A_728 : memref<48x128xf32, #tpu.memory_space<vmem_shared>>)
      tpu.yield
    }) : () -> ()
    %add3A_45 = arith.constant 528 : i32
    %add3A_46 = arith.addi %mul3A_2, %add3A_45 : i32
    %run_scoped3A_47 = arith.constant 3 : i32
    "tpu.region"() ({
      %run_scoped3A_708 = tpu.sem_alloc : memref<!tpu.dma_semaphore, #tpu.memory_space<semaphore_mem>>
      %dma_start3A_709 = arith.constant 0 : i32
      %dma_start3A_710 = arith.constant 0 : i32
      %dma_start3A_711 = tpu.memref_slice %arg8[%run_scoped3A_47, %dma_start3A_709, %dma_start3A_710] : memref<4x48x128xf32, #tpu.memory_space<vmem>> -> memref<1x48x128xf32, #tpu.memory_space<vmem>>
      %dma_start3A_712 = tpu.memref_squeeze %dma_start3A_711 : memref<1x48x128xf32, #tpu.memory_space<vmem>> -> memref<48x128xf32, #tpu.memory_space<vmem>>
      %dma_start3A_713 = arith.constant 0 : i32
      %dma_start3A_714 = tpu.memref_slice %arg9[%add3A_46, %dma_start3A_713] : memref<10240x128xf32, #tpu.memory_space<vmem_shared>> -> memref<48x128xf32, #tpu.memory_space<vmem_shared>>
      %dma_start3A_715 = arith.constant 0 : i32
      %dma_start3A_716 = tpu.memref_slice %arg9[%add3A_46, %dma_start3A_715] : memref<10240x128xf32, #tpu.memory_space<vmem_shared>> -> memref<48x128xf32, #tpu.memory_space<vmem_shared>>
      %dma_start3A_717 = arith.constant 0 : i32
      %dma_start3A_718 = arith.constant 0 : i32
      %dma_start3A_719 = tpu.memref_slice %arg8[%run_scoped3A_47, %dma_start3A_717, %dma_start3A_718] : memref<4x48x128xf32, #tpu.memory_space<vmem>> -> memref<1x48x128xf32, #tpu.memory_space<vmem>>
      %dma_start3A_720 = tpu.memref_squeeze %dma_start3A_719 : memref<1x48x128xf32, #tpu.memory_space<vmem>> -> memref<48x128xf32, #tpu.memory_space<vmem>>
      tpu.enqueue_dma source(%dma_start3A_720 : memref<48x128xf32, #tpu.memory_space<vmem>>) target(%dma_start3A_716 : memref<48x128xf32, #tpu.memory_space<vmem_shared>>) target_semaphore(%run_scoped3A_708 : memref<!tpu.dma_semaphore, #tpu.memory_space<semaphore_mem>>)
      %dma_wait3A_721 = arith.constant 0 : i32
      %dma_wait3A_722 = arith.constant 0 : i32
      %dma_wait3A_723 = tpu.memref_slice %arg8[%run_scoped3A_47, %dma_wait3A_721, %dma_wait3A_722] : memref<4x48x128xf32, #tpu.memory_space<vmem>> -> memref<1x48x128xf32, #tpu.memory_space<vmem>>
      %dma_wait3A_724 = tpu.memref_squeeze %dma_wait3A_723 : memref<1x48x128xf32, #tpu.memory_space<vmem>> -> memref<48x128xf32, #tpu.memory_space<vmem>>
      %dma_wait3A_725 = arith.constant 0 : i32
      %dma_wait3A_726 = tpu.memref_slice %arg9[%add3A_46, %dma_wait3A_725] : memref<10240x128xf32, #tpu.memory_space<vmem_shared>> -> memref<48x128xf32, #tpu.memory_space<vmem_shared>>
      %dma_wait3A_727 = arith.constant 0 : i32
      %dma_wait3A_728 = tpu.memref_slice %arg9[%add3A_46, %dma_wait3A_727] : memref<10240x128xf32, #tpu.memory_space<vmem_shared>> -> memref<48x128xf32, #tpu.memory_space<vmem_shared>>
      %dma_wait3A_729 = arith.constant 0 : i32
      %dma_wait3A_730 = arith.constant 0 : i32
      %dma_wait3A_731 = tpu.memref_slice %arg8[%run_scoped3A_47, %dma_wait3A_729, %dma_wait3A_730] : memref<4x48x128xf32, #tpu.memory_space<vmem>> -> memref<1x48x128xf32, #tpu.memory_space<vmem>>
      %dma_wait3A_732 = tpu.memref_squeeze %dma_wait3A_731 : memref<1x48x128xf32, #tpu.memory_space<vmem>> -> memref<48x128xf32, #tpu.memory_space<vmem>>
      tpu.wait_dma2 semaphore(%run_scoped3A_708 : memref<!tpu.dma_semaphore, #tpu.memory_space<semaphore_mem>>) src(%dma_wait3A_732 : memref<48x128xf32, #tpu.memory_space<vmem>>) dst(%dma_wait3A_728 : memref<48x128xf32, #tpu.memory_space<vmem_shared>>)
      tpu.yield
    }) : () -> ()
    %add3A_48 = arith.constant 576 : i32
    %add3A_49 = arith.addi %mul3A_2, %add3A_48 : i32
    %run_scoped3A_50 = arith.constant 3 : i32
    "tpu.region"() ({
      %run_scoped3A_708 = tpu.sem_alloc : memref<!tpu.dma_semaphore, #tpu.memory_space<semaphore_mem>>
      %dma_start3A_709 = arith.constant 0 : i32
      %dma_start3A_710 = arith.constant 0 : i32
      %dma_start3A_711 = tpu.memref_slice %arg8[%run_scoped3A_50, %dma_start3A_709, %dma_start3A_710] : memref<4x48x128xf32, #tpu.memory_space<vmem>> -> memref<1x48x128xf32, #tpu.memory_space<vmem>>
      %dma_start3A_712 = tpu.memref_squeeze %dma_start3A_711 : memref<1x48x128xf32, #tpu.memory_space<vmem>> -> memref<48x128xf32, #tpu.memory_space<vmem>>
      %dma_start3A_713 = arith.constant 0 : i32
      %dma_start3A_714 = tpu.memref_slice %arg9[%add3A_49, %dma_start3A_713] : memref<10240x128xf32, #tpu.memory_space<vmem_shared>> -> memref<48x128xf32, #tpu.memory_space<vmem_shared>>
      %dma_start3A_715 = arith.constant 0 : i32
      %dma_start3A_716 = tpu.memref_slice %arg9[%add3A_49, %dma_start3A_715] : memref<10240x128xf32, #tpu.memory_space<vmem_shared>> -> memref<48x128xf32, #tpu.memory_space<vmem_shared>>
      %dma_start3A_717 = arith.constant 0 : i32
      %dma_start3A_718 = arith.constant 0 : i32
      %dma_start3A_719 = tpu.memref_slice %arg8[%run_scoped3A_50, %dma_start3A_717, %dma_start3A_718] : memref<4x48x128xf32, #tpu.memory_space<vmem>> -> memref<1x48x128xf32, #tpu.memory_space<vmem>>
      %dma_start3A_720 = tpu.memref_squeeze %dma_start3A_719 : memref<1x48x128xf32, #tpu.memory_space<vmem>> -> memref<48x128xf32, #tpu.memory_space<vmem>>
      tpu.enqueue_dma source(%dma_start3A_720 : memref<48x128xf32, #tpu.memory_space<vmem>>) target(%dma_start3A_716 : memref<48x128xf32, #tpu.memory_space<vmem_shared>>) target_semaphore(%run_scoped3A_708 : memref<!tpu.dma_semaphore, #tpu.memory_space<semaphore_mem>>)
      %dma_wait3A_721 = arith.constant 0 : i32
      %dma_wait3A_722 = arith.constant 0 : i32
      %dma_wait3A_723 = tpu.memref_slice %arg8[%run_scoped3A_50, %dma_wait3A_721, %dma_wait3A_722] : memref<4x48x128xf32, #tpu.memory_space<vmem>> -> memref<1x48x128xf32, #tpu.memory_space<vmem>>
      %dma_wait3A_724 = tpu.memref_squeeze %dma_wait3A_723 : memref<1x48x128xf32, #tpu.memory_space<vmem>> -> memref<48x128xf32, #tpu.memory_space<vmem>>
      %dma_wait3A_725 = arith.constant 0 : i32
      %dma_wait3A_726 = tpu.memref_slice %arg9[%add3A_49, %dma_wait3A_725] : memref<10240x128xf32, #tpu.memory_space<vmem_shared>> -> memref<48x128xf32, #tpu.memory_space<vmem_shared>>
      %dma_wait3A_727 = arith.constant 0 : i32
      %dma_wait3A_728 = tpu.memref_slice %arg9[%add3A_49, %dma_wait3A_727] : memref<10240x128xf32, #tpu.memory_space<vmem_shared>> -> memref<48x128xf32, #tpu.memory_space<vmem_shared>>
      %dma_wait3A_729 = arith.constant 0 : i32
      %dma_wait3A_730 = arith.constant 0 : i32
      %dma_wait3A_731 = tpu.memref_slice %arg8[%run_scoped3A_50, %dma_wait3A_729, %dma_wait3A_730] : memref<4x48x128xf32, #tpu.memory_space<vmem>> -> memref<1x48x128xf32, #tpu.memory_space<vmem>>
      %dma_wait3A_732 = tpu.memref_squeeze %dma_wait3A_731 : memref<1x48x128xf32, #tpu.memory_space<vmem>> -> memref<48x128xf32, #tpu.memory_space<vmem>>
      tpu.wait_dma2 semaphore(%run_scoped3A_708 : memref<!tpu.dma_semaphore, #tpu.memory_space<semaphore_mem>>) src(%dma_wait3A_732 : memref<48x128xf32, #tpu.memory_space<vmem>>) dst(%dma_wait3A_728 : memref<48x128xf32, #tpu.memory_space<vmem_shared>>)
      tpu.yield
    }) : () -> ()
    %add3A_51 = arith.constant 624 : i32
    %add3A_52 = arith.addi %mul3A_2, %add3A_51 : i32
    %run_scoped3A_53 = arith.constant 3 : i32
    "tpu.region"() ({
      %run_scoped3A_708 = tpu.sem_alloc : memref<!tpu.dma_semaphore, #tpu.memory_space<semaphore_mem>>
      %dma_start3A_709 = arith.constant 0 : i32
      %dma_start3A_710 = arith.constant 0 : i32
      %dma_start3A_711 = tpu.memref_slice %arg8[%run_scoped3A_53, %dma_start3A_709, %dma_start3A_710] : memref<4x48x128xf32, #tpu.memory_space<vmem>> -> memref<1x16x128xf32, #tpu.memory_space<vmem>>
      %dma_start3A_712 = tpu.memref_squeeze %dma_start3A_711 : memref<1x16x128xf32, #tpu.memory_space<vmem>> -> memref<16x128xf32, #tpu.memory_space<vmem>>
      %dma_start3A_713 = arith.constant 0 : i32
      %dma_start3A_714 = tpu.memref_slice %arg9[%add3A_52, %dma_start3A_713] : memref<10240x128xf32, #tpu.memory_space<vmem_shared>> -> memref<16x128xf32, #tpu.memory_space<vmem_shared>>
      %dma_start3A_715 = arith.constant 0 : i32
      %dma_start3A_716 = tpu.memref_slice %arg9[%add3A_52, %dma_start3A_715] : memref<10240x128xf32, #tpu.memory_space<vmem_shared>> -> memref<16x128xf32, #tpu.memory_space<vmem_shared>>
      %dma_start3A_717 = arith.constant 0 : i32
      %dma_start3A_718 = arith.constant 0 : i32
      %dma_start3A_719 = tpu.memref_slice %arg8[%run_scoped3A_53, %dma_start3A_717, %dma_start3A_718] : memref<4x48x128xf32, #tpu.memory_space<vmem>> -> memref<1x16x128xf32, #tpu.memory_space<vmem>>
      %dma_start3A_720 = tpu.memref_squeeze %dma_start3A_719 : memref<1x16x128xf32, #tpu.memory_space<vmem>> -> memref<16x128xf32, #tpu.memory_space<vmem>>
      tpu.enqueue_dma source(%dma_start3A_720 : memref<16x128xf32, #tpu.memory_space<vmem>>) target(%dma_start3A_716 : memref<16x128xf32, #tpu.memory_space<vmem_shared>>) target_semaphore(%run_scoped3A_708 : memref<!tpu.dma_semaphore, #tpu.memory_space<semaphore_mem>>)
      %dma_wait3A_721 = arith.constant 0 : i32
      %dma_wait3A_722 = arith.constant 0 : i32
      %dma_wait3A_723 = tpu.memref_slice %arg8[%run_scoped3A_53, %dma_wait3A_721, %dma_wait3A_722] : memref<4x48x128xf32, #tpu.memory_space<vmem>> -> memref<1x16x128xf32, #tpu.memory_space<vmem>>
      %dma_wait3A_724 = tpu.memref_squeeze %dma_wait3A_723 : memref<1x16x128xf32, #tpu.memory_space<vmem>> -> memref<16x128xf32, #tpu.memory_space<vmem>>
      %dma_wait3A_725 = arith.constant 0 : i32
      %dma_wait3A_726 = tpu.memref_slice %arg9[%add3A_52, %dma_wait3A_725] : memref<10240x128xf32, #tpu.memory_space<vmem_shared>> -> memref<16x128xf32, #tpu.memory_space<vmem_shared>>
      %dma_wait3A_727 = arith.constant 0 : i32
      %dma_wait3A_728 = tpu.memref_slice %arg9[%add3A_52, %dma_wait3A_727] : memref<10240x128xf32, #tpu.memory_space<vmem_shared>> -> memref<16x128xf32, #tpu.memory_space<vmem_shared>>
      %dma_wait3A_729 = arith.constant 0 : i32
      %dma_wait3A_730 = arith.constant 0 : i32
      %dma_wait3A_731 = tpu.memref_slice %arg8[%run_scoped3A_53, %dma_wait3A_729, %dma_wait3A_730] : memref<4x48x128xf32, #tpu.memory_space<vmem>> -> memref<1x16x128xf32, #tpu.memory_space<vmem>>
      %dma_wait3A_732 = tpu.memref_squeeze %dma_wait3A_731 : memref<1x16x128xf32, #tpu.memory_space<vmem>> -> memref<16x128xf32, #tpu.memory_space<vmem>>
      tpu.wait_dma2 semaphore(%run_scoped3A_708 : memref<!tpu.dma_semaphore, #tpu.memory_space<semaphore_mem>>) src(%dma_wait3A_732 : memref<16x128xf32, #tpu.memory_space<vmem>>) dst(%dma_wait3A_728 : memref<16x128xf32, #tpu.memory_space<vmem_shared>>)
      tpu.yield
    }) : () -> ()
    %barrier3A = arith.constant 0 : index
    tpu.barrier barrier_id(%barrier3A)
    %dma_start3A = arith.constant 0 : i32
    %dma_start3A_54 = arith.constant 0 : i32
    %dma_start3A_55 = arith.constant 0 : i32
    %dma_start3A_56 = tpu.memref_slice %arg8[%dma_start3A, %dma_start3A_54, %dma_start3A_55] : memref<4x48x128xf32, #tpu.memory_space<vmem>> -> memref<1x48x128xf32, #tpu.memory_space<vmem>>
    %dma_start3A_57 = tpu.memref_squeeze %dma_start3A_56 : memref<1x48x128xf32, #tpu.memory_space<vmem>> -> memref<48x128xf32, #tpu.memory_space<vmem>>
    %dma_start3A_58 = arith.constant 0 : i32
    %dma_start3A_59 = tpu.memref_slice %arg6[%dma_start3A_58] : memref<10000xi32, #tpu.memory_space<vmem>> -> memref<48xi32, #tpu.memory_space<vmem>>
    %dma_start3A_60 = arith.constant 0 : i32
    %dma_start3A_61 = arith.constant 0 : i32
    %dma_start3A_62 = tpu.memref_slice %arg2[%dma_start3A_60, %dma_start3A_61] : memref<10000x128xf32, #tpu.memory_space<hbm>> -> memref<10000x128xf32, #tpu.memory_space<hbm>>
    tpu.enqueue_indirect_dma source(%dma_start3A_62 : memref<10000x128xf32, #tpu.memory_space<hbm>>) target(%dma_start3A_57 : memref<48x128xf32, #tpu.memory_space<vmem>>) offsets(%dma_start3A_59 : memref<48xi32, #tpu.memory_space<vmem>>) semaphore(%arg10 : memref<!tpu.dma_semaphore, #tpu.memory_space<semaphore_mem>>)
    %dma_start3A_63 = arith.constant 1 : i32
    %dma_start3A_64 = arith.constant 0 : i32
    %dma_start3A_65 = arith.constant 0 : i32
    %dma_start3A_66 = tpu.memref_slice %arg8[%dma_start3A_63, %dma_start3A_64, %dma_start3A_65] : memref<4x48x128xf32, #tpu.memory_space<vmem>> -> memref<1x48x128xf32, #tpu.memory_space<vmem>>
    %dma_start3A_67 = tpu.memref_squeeze %dma_start3A_66 : memref<1x48x128xf32, #tpu.memory_space<vmem>> -> memref<48x128xf32, #tpu.memory_space<vmem>>
    %dma_start3A_68 = arith.constant 48 : i32
    %dma_start3A_69 = tpu.memref_slice %arg6[%dma_start3A_68] : memref<10000xi32, #tpu.memory_space<vmem>> -> memref<48xi32, #tpu.memory_space<vmem>>
    %dma_start3A_70 = arith.constant 0 : i32
    %dma_start3A_71 = arith.constant 0 : i32
    %dma_start3A_72 = tpu.memref_slice %arg2[%dma_start3A_70, %dma_start3A_71] : memref<10000x128xf32, #tpu.memory_space<hbm>> -> memref<10000x128xf32, #tpu.memory_space<hbm>>
    tpu.enqueue_indirect_dma source(%dma_start3A_72 : memref<10000x128xf32, #tpu.memory_space<hbm>>) target(%dma_start3A_67 : memref<48x128xf32, #tpu.memory_space<vmem>>) offsets(%dma_start3A_69 : memref<48xi32, #tpu.memory_space<vmem>>) semaphore(%arg11 : memref<!tpu.dma_semaphore, #tpu.memory_space<semaphore_mem>>)
    %dma_start3A_73 = arith.constant 2 : i32
    %dma_start3A_74 = arith.constant 0 : i32
    %dma_start3A_75 = arith.constant 0 : i32
    %dma_start3A_76 = tpu.memref_slice %arg8[%dma_start3A_73, %dma_start3A_74, %dma_start3A_75] : memref<4x48x128xf32, #tpu.memory_space<vmem>> -> memref<1x48x128xf32, #tpu.memory_space<vmem>>
    %dma_start3A_77 = tpu.memref_squeeze %dma_start3A_76 : memref<1x48x128xf32, #tpu.memory_space<vmem>> -> memref<48x128xf32, #tpu.memory_space<vmem>>
    %dma_start3A_78 = arith.constant 96 : i32
    %dma_start3A_79 = tpu.memref_slice %arg6[%dma_start3A_78] : memref<10000xi32, #tpu.memory_space<vmem>> -> memref<48xi32, #tpu.memory_space<vmem>>
    %dma_start3A_80 = arith.constant 0 : i32
    %dma_start3A_81 = arith.constant 0 : i32
    %dma_start3A_82 = tpu.memref_slice %arg2[%dma_start3A_80, %dma_start3A_81] : memref<10000x128xf32, #tpu.memory_space<hbm>> -> memref<10000x128xf32, #tpu.memory_space<hbm>>
    tpu.enqueue_indirect_dma source(%dma_start3A_82 : memref<10000x128xf32, #tpu.memory_space<hbm>>) target(%dma_start3A_77 : memref<48x128xf32, #tpu.memory_space<vmem>>) offsets(%dma_start3A_79 : memref<48xi32, #tpu.memory_space<vmem>>) semaphore(%arg12 : memref<!tpu.dma_semaphore, #tpu.memory_space<semaphore_mem>>)
    %scan3A_83 = arith.constant 0 : i32
    %scan3A_84 = arith.constant 0 : i32
    %scan3A_85 = arith.constant 50 : i32
    %scan3A_86 = arith.addi %scan3A_84, %scan3A_85 : i32
    %scan3A_87 = arith.constant 1 : i32
    scf.for %scan3A_708 = %scan3A_84 to %scan3A_86 step %scan3A_87  : i32 {
      %mul3A_709 = arith.constant 4 : i32
      %mul3A_710 = arith.muli %scan3A_708, %mul3A_709 : i32
      %add3A_711 = arith.constant 0 : i32
      %add3A_712 = arith.addi %mul3A_710, %add3A_711 : i32
      %dma_wait3A_713 = arith.constant 0 : i32
      %dma_wait3A_714 = arith.constant 0 : i32
      %dma_wait3A_715 = arith.constant 0 : i32
      %dma_wait3A_716 = tpu.memref_slice %arg8[%dma_wait3A_713, %dma_wait3A_714, %dma_wait3A_715] : memref<4x48x128xf32, #tpu.memory_space<vmem>> -> memref<1x48x128xf32, #tpu.memory_space<vmem>>
      %dma_wait3A_717 = tpu.memref_squeeze %dma_wait3A_716 : memref<1x48x128xf32, #tpu.memory_space<vmem>> -> memref<48x128xf32, #tpu.memory_space<vmem>>
      %dma_wait3A_718 = arith.constant 0 : i32
      %dma_wait3A_719 = arith.constant 0 : i32
      %dma_wait3A_720 = tpu.memref_slice %arg2[%dma_wait3A_718, %dma_wait3A_719] : memref<10000x128xf32, #tpu.memory_space<hbm>> -> memref<48x128xf32, #tpu.memory_space<hbm>>
      %dma_wait3A_721 = arith.constant 0 : i32
      %dma_wait3A_722 = arith.constant 0 : i32
      %dma_wait3A_723 = tpu.memref_slice %arg8[%dma_wait3A_713, %dma_wait3A_721, %dma_wait3A_722] : memref<4x48x128xf32, #tpu.memory_space<vmem>> -> memref<1x48x128xf32, #tpu.memory_space<vmem>>
      %dma_wait3A_724 = tpu.memref_squeeze %dma_wait3A_723 : memref<1x48x128xf32, #tpu.memory_space<vmem>> -> memref<48x128xf32, #tpu.memory_space<vmem>>
      %dma_wait3A_725 = arith.constant 0 : i32
      %dma_wait3A_726 = arith.constant 0 : i32
      %dma_wait3A_727 = tpu.memref_slice %arg2[%dma_wait3A_725, %dma_wait3A_726] : memref<10000x128xf32, #tpu.memory_space<hbm>> -> memref<48x128xf32, #tpu.memory_space<hbm>>
      tpu.wait_dma2 semaphore(%arg10 : memref<!tpu.dma_semaphore, #tpu.memory_space<semaphore_mem>>) src(%dma_wait3A_727 : memref<48x128xf32, #tpu.memory_space<hbm>>) dst(%dma_wait3A_724 : memref<48x128xf32, #tpu.memory_space<vmem>>)
      %ge3A = arith.constant 1 : i32
      %ge3A_728 = arith.cmpi sge, %add3A_712, %ge3A : i32
      %convert_element_type3A = arith.extui %ge3A_728 : i1 to i32
      %cond3A = arith.constant 0 : i32
      %cond3A_729 = arith.cmpi ne, %convert_element_type3A, %cond3A : i32
      scf.if %cond3A_729 {
        %dma_wait3A_1065 = arith.constant 0 : i32
        %dma_wait3A_1066 = arith.constant 0 : i32
        %dma_wait3A_1067 = arith.constant 0 : i32
        %dma_wait3A_1068 = tpu.memref_slice %arg8[%dma_wait3A_1065, %dma_wait3A_1066, %dma_wait3A_1067] : memref<4x48x128xf32, #tpu.memory_space<vmem>> -> memref<1x48x128xf32, #tpu.memory_space<vmem>>
        %dma_wait3A_1069 = tpu.memref_squeeze %dma_wait3A_1068 : memref<1x48x128xf32, #tpu.memory_space<vmem>> -> memref<48x128xf32, #tpu.memory_space<vmem>>
        %dma_wait3A_1070 = arith.constant 0 : i32
        %dma_wait3A_1071 = arith.constant 0 : i32
        %dma_wait3A_1072 = tpu.memref_slice %arg2[%dma_wait3A_1070, %dma_wait3A_1071] : memref<10000x128xf32, #tpu.memory_space<hbm>> -> memref<48x128xf32, #tpu.memory_space<hbm>>
        %dma_wait3A_1073 = arith.constant 0 : i32
        %dma_wait3A_1074 = arith.constant 0 : i32
        %dma_wait3A_1075 = tpu.memref_slice %arg8[%dma_wait3A_1065, %dma_wait3A_1073, %dma_wait3A_1074] : memref<4x48x128xf32, #tpu.memory_space<vmem>> -> memref<1x48x128xf32, #tpu.memory_space<vmem>>
        %dma_wait3A_1076 = tpu.memref_squeeze %dma_wait3A_1075 : memref<1x48x128xf32, #tpu.memory_space<vmem>> -> memref<48x128xf32, #tpu.memory_space<vmem>>
        %dma_wait3A_1077 = arith.constant 0 : i32
        %dma_wait3A_1078 = arith.constant 0 : i32
        %dma_wait3A_1079 = tpu.memref_slice %arg2[%dma_wait3A_1077, %dma_wait3A_1078] : memref<10000x128xf32, #tpu.memory_space<hbm>> -> memref<48x128xf32, #tpu.memory_space<hbm>>
        tpu.wait_dma2 semaphore(%arg14 : memref<!tpu.dma_semaphore, #tpu.memory_space<semaphore_mem>>) src(%dma_wait3A_1079 : memref<48x128xf32, #tpu.memory_space<hbm>>) dst(%dma_wait3A_1076 : memref<48x128xf32, #tpu.memory_space<vmem>>)
      } else {
      }
      %add3A_730 = arith.constant 4 : i32
      %add3A_731 = arith.addi %add3A_712, %add3A_730 : i32
      %sub3A = arith.constant 1 : i32
      %sub3A_732 = arith.subi %add3A_731, %sub3A : i32
      %mul3A_733 = arith.constant 48 : i32
      %mul3A_734 = arith.muli %sub3A_732, %mul3A_733 : i32
      %dma_start3A_735 = arith.constant 3 : i32
      %dma_start3A_736 = arith.constant 0 : i32
      %dma_start3A_737 = arith.constant 0 : i32
      %dma_start3A_738 = tpu.memref_slice %arg8[%dma_start3A_735, %dma_start3A_736, %dma_start3A_737] : memref<4x48x128xf32, #tpu.memory_space<vmem>> -> memref<1x48x128xf32, #tpu.memory_space<vmem>>
      %dma_start3A_739 = tpu.memref_squeeze %dma_start3A_738 : memref<1x48x128xf32, #tpu.memory_space<vmem>> -> memref<48x128xf32, #tpu.memory_space<vmem>>
      %dma_start3A_740 = tpu.memref_slice %arg6[%mul3A_734] : memref<10000xi32, #tpu.memory_space<vmem>> -> memref<48xi32, #tpu.memory_space<vmem>>
      %dma_start3A_741 = arith.constant 0 : i32
      %dma_start3A_742 = arith.constant 0 : i32
      %dma_start3A_743 = tpu.memref_slice %arg2[%dma_start3A_741, %dma_start3A_742] : memref<10000x128xf32, #tpu.memory_space<hbm>> -> memref<10000x128xf32, #tpu.memory_space<hbm>>
      tpu.enqueue_indirect_dma source(%dma_start3A_743 : memref<10000x128xf32, #tpu.memory_space<hbm>>) target(%dma_start3A_739 : memref<48x128xf32, #tpu.memory_space<vmem>>) offsets(%dma_start3A_740 : memref<48xi32, #tpu.memory_space<vmem>>) semaphore(%arg13 : memref<!tpu.dma_semaphore, #tpu.memory_space<semaphore_mem>>)
      %mul3A_744 = arith.constant 48 : i32
      %mul3A_745 = arith.muli %add3A_712, %mul3A_744 : i32
      %add3A_746 = arith.constant 0 : i32
      %add3A_747 = arith.addi %mul3A_745, %add3A_746 : i32
      %get3A_748 = arith.index_cast %add3A_747 : i32 to index
      %get3A_749 = tpu.vector_load %arg7[%get3A_748] {strides = array<i32>} : memref<10000xi32, #tpu.memory_space<vmem>>, vector<16xi32>,
      %get3A_750 = vector.shape_cast %get3A_749 : vector<16xi32> to vector<16xi32>
      %dma_start3A_751 = arith.constant 0 : i32
      %dma_start3A_752 = arith.constant 0 : i32
      %dma_start3A_753 = arith.constant 0 : i32
      %dma_start3A_754 = tpu.memref_slice %arg8[%dma_start3A_751, %dma_start3A_752, %dma_start3A_753] : memref<4x48x128xf32, #tpu.memory_space<vmem>> -> memref<1x16x128xf32, #tpu.memory_space<vmem>>
      %dma_start3A_755 = tpu.memref_squeeze %dma_start3A_754 : memref<1x16x128xf32, #tpu.memory_space<vmem>> -> memref<16x128xf32, #tpu.memory_space<vmem>>
      %dma_start3A_756 = arith.constant 0 : i32
      %dma_start3A_757 = arith.constant 0 : i32
      %dma_start3A_758 = tpu.memref_slice %arg9[%dma_start3A_756, %dma_start3A_757] : memref<10240x128xf32, #tpu.memory_space<vmem_shared>> -> memref<10240x128xf32, #tpu.memory_space<vmem_shared>>
      tpu.enqueue_indirect_dma source(%dma_start3A_755 : memref<16x128xf32, #tpu.memory_space<vmem>>) target(%dma_start3A_758 : memref<10240x128xf32, #tpu.memory_space<vmem_shared>>) offsets(%get3A_750 : vector<16xi32>) semaphore(%arg14 : memref<!tpu.dma_semaphore, #tpu.memory_space<semaphore_mem>>) {add = true}
      %mul3A_759 = arith.constant 48 : i32
      %mul3A_760 = arith.muli %add3A_712, %mul3A_759 : i32
      %add3A_761 = arith.constant 16 : i32
      %add3A_762 = arith.addi %mul3A_760, %add3A_761 : i32
      %get3A_763 = arith.index_cast %add3A_762 : i32 to index
      %get3A_764 = tpu.vector_load %arg7[%get3A_763] {strides = array<i32>} : memref<10000xi32, #tpu.memory_space<vmem>>, vector<16xi32>,
      %get3A_765 = vector.shape_cast %get3A_764 : vector<16xi32> to vector<16xi32>
      %dma_start3A_766 = arith.constant 0 : i32
      %dma_start3A_767 = arith.constant 16 : i32
      %dma_start3A_768 = arith.constant 0 : i32
      %dma_start3A_769 = tpu.memref_slice %arg8[%dma_start3A_766, %dma_start3A_767, %dma_start3A_768] : memref<4x48x128xf32, #tpu.memory_space<vmem>> -> memref<1x16x128xf32, #tpu.memory_space<vmem>>
      %dma_start3A_770 = tpu.memref_squeeze %dma_start3A_769 : memref<1x16x128xf32, #tpu.memory_space<vmem>> -> memref<16x128xf32, #tpu.memory_space<vmem>>
      %dma_start3A_771 = arith.constant 0 : i32
      %dma_start3A_772 = arith.constant 0 : i32
      %dma_start3A_773 = tpu.memref_slice %arg9[%dma_start3A_771, %dma_start3A_772] : memref<10240x128xf32, #tpu.memory_space<vmem_shared>> -> memref<10240x128xf32, #tpu.memory_space<vmem_shared>>
      tpu.enqueue_indirect_dma source(%dma_start3A_770 : memref<16x128xf32, #tpu.memory_space<vmem>>) target(%dma_start3A_773 : memref<10240x128xf32, #tpu.memory_space<vmem_shared>>) offsets(%get3A_765 : vector<16xi32>) semaphore(%arg14 : memref<!tpu.dma_semaphore, #tpu.memory_space<semaphore_mem>>) {add = true}
      %mul3A_774 = arith.constant 48 : i32
      %mul3A_775 = arith.muli %add3A_712, %mul3A_774 : i32
      %add3A_776 = arith.constant 32 : i32
      %add3A_777 = arith.addi %mul3A_775, %add3A_776 : i32
      %get3A_778 = arith.index_cast %add3A_777 : i32 to index
      %get3A_779 = tpu.vector_load %arg7[%get3A_778] {strides = array<i32>} : memref<10000xi32, #tpu.memory_space<vmem>>, vector<16xi32>,
      %get3A_780 = vector.shape_cast %get3A_779 : vector<16xi32> to vector<16xi32>
      %dma_start3A_781 = arith.constant 0 : i32
      %dma_start3A_782 = arith.constant 32 : i32
      %dma_start3A_783 = arith.constant 0 : i32
      %dma_start3A_784 = tpu.memref_slice %arg8[%dma_start3A_781, %dma_start3A_782, %dma_start3A_783] : memref<4x48x128xf32, #tpu.memory_space<vmem>> -> memref<1x16x128xf32, #tpu.memory_space<vmem>>
      %dma_start3A_785 = tpu.memref_squeeze %dma_start3A_784 : memref<1x16x128xf32, #tpu.memory_space<vmem>> -> memref<16x128xf32, #tpu.memory_space<vmem>>
      %dma_start3A_786 = arith.constant 0 : i32
      %dma_start3A_787 = arith.constant 0 : i32
      %dma_start3A_788 = tpu.memref_slice %arg9[%dma_start3A_786, %dma_start3A_787] : memref<10240x128xf32, #tpu.memory_space<vmem_shared>> -> memref<10240x128xf32, #tpu.memory_space<vmem_shared>>
      tpu.enqueue_indirect_dma source(%dma_start3A_785 : memref<16x128xf32, #tpu.memory_space<vmem>>) target(%dma_start3A_788 : memref<10240x128xf32, #tpu.memory_space<vmem_shared>>) offsets(%get3A_780 : vector<16xi32>) semaphore(%arg14 : memref<!tpu.dma_semaphore, #tpu.memory_space<semaphore_mem>>) {add = true}
      %add3A_789 = arith.constant 1 : i32
      %add3A_790 = arith.addi %mul3A_710, %add3A_789 : i32
      %dma_wait3A_791 = arith.constant 1 : i32
      %dma_wait3A_792 = arith.constant 0 : i32
      %dma_wait3A_793 = arith.constant 0 : i32
      %dma_wait3A_794 = tpu.memref_slice %arg8[%dma_wait3A_791, %dma_wait3A_792, %dma_wait3A_793] : memref<4x48x128xf32, #tpu.memory_space<vmem>> -> memref<1x48x128xf32, #tpu.memory_space<vmem>>
      %dma_wait3A_795 = tpu.memref_squeeze %dma_wait3A_794 : memref<1x48x128xf32, #tpu.memory_space<vmem>> -> memref<48x128xf32, #tpu.memory_space<vmem>>
      %dma_wait3A_796 = arith.constant 0 : i32
      %dma_wait3A_797 = arith.constant 0 : i32
      %dma_wait3A_798 = tpu.memref_slice %arg2[%dma_wait3A_796, %dma_wait3A_797] : memref<10000x128xf32, #tpu.memory_space<hbm>> -> memref<48x128xf32, #tpu.memory_space<hbm>>
      %dma_wait3A_799 = arith.constant 0 : i32
      %dma_wait3A_800 = arith.constant 0 : i32
      %dma_wait3A_801 = tpu.memref_slice %arg8[%dma_wait3A_791, %dma_wait3A_799, %dma_wait3A_800] : memref<4x48x128xf32, #tpu.memory_space<vmem>> -> memref<1x48x128xf32, #tpu.memory_space<vmem>>
      %dma_wait3A_802 = tpu.memref_squeeze %dma_wait3A_801 : memref<1x48x128xf32, #tpu.memory_space<vmem>> -> memref<48x128xf32, #tpu.memory_space<vmem>>
      %dma_wait3A_803 = arith.constant 0 : i32
      %dma_wait3A_804 = arith.constant 0 : i32
      %dma_wait3A_805 = tpu.memref_slice %arg2[%dma_wait3A_803, %dma_wait3A_804] : memref<10000x128xf32, #tpu.memory_space<hbm>> -> memref<48x128xf32, #tpu.memory_space<hbm>>
      tpu.wait_dma2 semaphore(%arg11 : memref<!tpu.dma_semaphore, #tpu.memory_space<semaphore_mem>>) src(%dma_wait3A_805 : memref<48x128xf32, #tpu.memory_space<hbm>>) dst(%dma_wait3A_802 : memref<48x128xf32, #tpu.memory_space<vmem>>)
      %dma_wait3A_806 = arith.constant 0 : i32
      %dma_wait3A_807 = arith.constant 0 : i32
      %dma_wait3A_808 = arith.constant 0 : i32
      %dma_wait3A_809 = tpu.memref_slice %arg8[%dma_wait3A_806, %dma_wait3A_807, %dma_wait3A_808] : memref<4x48x128xf32, #tpu.memory_space<vmem>> -> memref<1x48x128xf32, #tpu.memory_space<vmem>>
      %dma_wait3A_810 = tpu.memref_squeeze %dma_wait3A_809 : memref<1x48x128xf32, #tpu.memory_space<vmem>> -> memref<48x128xf32, #tpu.memory_space<vmem>>
      %dma_wait3A_811 = arith.constant 0 : i32
      %dma_wait3A_812 = arith.constant 0 : i32
      %dma_wait3A_813 = tpu.memref_slice %arg2[%dma_wait3A_811, %dma_wait3A_812] : memref<10000x128xf32, #tpu.memory_space<hbm>> -> memref<48x128xf32, #tpu.memory_space<hbm>>
      %dma_wait3A_814 = arith.constant 0 : i32
      %dma_wait3A_815 = arith.constant 0 : i32
      %dma_wait3A_816 = tpu.memref_slice %arg8[%dma_wait3A_806, %dma_wait3A_814, %dma_wait3A_815] : memref<4x48x128xf32, #tpu.memory_space<vmem>> -> memref<1x48x128xf32, #tpu.memory_space<vmem>>
      %dma_wait3A_817 = tpu.memref_squeeze %dma_wait3A_816 : memref<1x48x128xf32, #tpu.memory_space<vmem>> -> memref<48x128xf32, #tpu.memory_space<vmem>>
      %dma_wait3A_818 = arith.constant 0 : i32
      %dma_wait3A_819 = arith.constant 0 : i32
      %dma_wait3A_820 = tpu.memref_slice %arg2[%dma_wait3A_818, %dma_wait3A_819] : memref<10000x128xf32, #tpu.memory_space<hbm>> -> memref<48x128xf32, #tpu.memory_space<hbm>>
      tpu.wait_dma2 semaphore(%arg14 : memref<!tpu.dma_semaphore, #tpu.memory_space<semaphore_mem>>) src(%dma_wait3A_820 : memref<48x128xf32, #tpu.memory_space<hbm>>) dst(%dma_wait3A_817 : memref<48x128xf32, #tpu.memory_space<vmem>>)
      %add3A_821 = arith.constant 4 : i32
      %add3A_822 = arith.addi %add3A_790, %add3A_821 : i32
      %sub3A_823 = arith.constant 1 : i32
      %sub3A_824 = arith.subi %add3A_822, %sub3A_823 : i32
      %mul3A_825 = arith.constant 48 : i32
      %mul3A_826 = arith.muli %sub3A_824, %mul3A_825 : i32
      %dma_start3A_827 = arith.constant 0 : i32
      %dma_start3A_828 = arith.constant 0 : i32
      %dma_start3A_829 = arith.constant 0 : i32
      %dma_start3A_830 = tpu.memref_slice %arg8[%dma_start3A_827, %dma_start3A_828, %dma_start3A_829] : memref<4x48x128xf32, #tpu.memory_space<vmem>> -> memref<1x48x128xf32, #tpu.memory_space<vmem>>
      %dma_start3A_831 = tpu.memref_squeeze %dma_start3A_830 : memref<1x48x128xf32, #tpu.memory_space<vmem>> -> memref<48x128xf32, #tpu.memory_space<vmem>>
      %dma_start3A_832 = tpu.memref_slice %arg6[%mul3A_826] : memref<10000xi32, #tpu.memory_space<vmem>> -> memref<48xi32, #tpu.memory_space<vmem>>
      %dma_start3A_833 = arith.constant 0 : i32
      %dma_start3A_834 = arith.constant 0 : i32
      %dma_start3A_835 = tpu.memref_slice %arg2[%dma_start3A_833, %dma_start3A_834] : memref<10000x128xf32, #tpu.memory_space<hbm>> -> memref<10000x128xf32, #tpu.memory_space<hbm>>
      tpu.enqueue_indirect_dma source(%dma_start3A_835 : memref<10000x128xf32, #tpu.memory_space<hbm>>) target(%dma_start3A_831 : memref<48x128xf32, #tpu.memory_space<vmem>>) offsets(%dma_start3A_832 : memref<48xi32, #tpu.memory_space<vmem>>) semaphore(%arg10 : memref<!tpu.dma_semaphore, #tpu.memory_space<semaphore_mem>>)
      %mul3A_836 = arith.constant 48 : i32
      %mul3A_837 = arith.muli %add3A_790, %mul3A_836 : i32
      %add3A_838 = arith.constant 0 : i32
      %add3A_839 = arith.addi %mul3A_837, %add3A_838 : i32
      %get3A_840 = arith.index_cast %add3A_839 : i32 to index
      %get3A_841 = tpu.vector_load %arg7[%get3A_840] {strides = array<i32>} : memref<10000xi32, #tpu.memory_space<vmem>>, vector<16xi32>,
      %get3A_842 = vector.shape_cast %get3A_841 : vector<16xi32> to vector<16xi32>
      %dma_start3A_843 = arith.constant 1 : i32
      %dma_start3A_844 = arith.constant 0 : i32
      %dma_start3A_845 = arith.constant 0 : i32
      %dma_start3A_846 = tpu.memref_slice %arg8[%dma_start3A_843, %dma_start3A_844, %dma_start3A_845] : memref<4x48x128xf32, #tpu.memory_space<vmem>> -> memref<1x16x128xf32, #tpu.memory_space<vmem>>
      %dma_start3A_847 = tpu.memref_squeeze %dma_start3A_846 : memref<1x16x128xf32, #tpu.memory_space<vmem>> -> memref<16x128xf32, #tpu.memory_space<vmem>>
      %dma_start3A_848 = arith.constant 0 : i32
      %dma_start3A_849 = arith.constant 0 : i32
      %dma_start3A_850 = tpu.memref_slice %arg9[%dma_start3A_848, %dma_start3A_849] : memref<10240x128xf32, #tpu.memory_space<vmem_shared>> -> memref<10240x128xf32, #tpu.memory_space<vmem_shared>>
      tpu.enqueue_indirect_dma source(%dma_start3A_847 : memref<16x128xf32, #tpu.memory_space<vmem>>) target(%dma_start3A_850 : memref<10240x128xf32, #tpu.memory_space<vmem_shared>>) offsets(%get3A_842 : vector<16xi32>) semaphore(%arg14 : memref<!tpu.dma_semaphore, #tpu.memory_space<semaphore_mem>>) {add = true}
      %mul3A_851 = arith.constant 48 : i32
      %mul3A_852 = arith.muli %add3A_790, %mul3A_851 : i32
      %add3A_853 = arith.constant 16 : i32
      %add3A_854 = arith.addi %mul3A_852, %add3A_853 : i32
      %get3A_855 = arith.index_cast %add3A_854 : i32 to index
      %get3A_856 = tpu.vector_load %arg7[%get3A_855] {strides = array<i32>} : memref<10000xi32, #tpu.memory_space<vmem>>, vector<16xi32>,
      %get3A_857 = vector.shape_cast %get3A_856 : vector<16xi32> to vector<16xi32>
      %dma_start3A_858 = arith.constant 1 : i32
      %dma_start3A_859 = arith.constant 16 : i32
      %dma_start3A_860 = arith.constant 0 : i32
      %dma_start3A_861 = tpu.memref_slice %arg8[%dma_start3A_858, %dma_start3A_859, %dma_start3A_860] : memref<4x48x128xf32, #tpu.memory_space<vmem>> -> memref<1x16x128xf32, #tpu.memory_space<vmem>>
      %dma_start3A_862 = tpu.memref_squeeze %dma_start3A_861 : memref<1x16x128xf32, #tpu.memory_space<vmem>> -> memref<16x128xf32, #tpu.memory_space<vmem>>
      %dma_start3A_863 = arith.constant 0 : i32
      %dma_start3A_864 = arith.constant 0 : i32
      %dma_start3A_865 = tpu.memref_slice %arg9[%dma_start3A_863, %dma_start3A_864] : memref<10240x128xf32, #tpu.memory_space<vmem_shared>> -> memref<10240x128xf32, #tpu.memory_space<vmem_shared>>
      tpu.enqueue_indirect_dma source(%dma_start3A_862 : memref<16x128xf32, #tpu.memory_space<vmem>>) target(%dma_start3A_865 : memref<10240x128xf32, #tpu.memory_space<vmem_shared>>) offsets(%get3A_857 : vector<16xi32>) semaphore(%arg14 : memref<!tpu.dma_semaphore, #tpu.memory_space<semaphore_mem>>) {add = true}
      %mul3A_866 = arith.constant 48 : i32
      %mul3A_867 = arith.muli %add3A_790, %mul3A_866 : i32
      %add3A_868 = arith.constant 32 : i32
      %add3A_869 = arith.addi %mul3A_867, %add3A_868 : i32
      %get3A_870 = arith.index_cast %add3A_869 : i32 to index
      %get3A_871 = tpu.vector_load %arg7[%get3A_870] {strides = array<i32>} : memref<10000xi32, #tpu.memory_space<vmem>>, vector<16xi32>,
      %get3A_872 = vector.shape_cast %get3A_871 : vector<16xi32> to vector<16xi32>
      %dma_start3A_873 = arith.constant 1 : i32
      %dma_start3A_874 = arith.constant 32 : i32
      %dma_start3A_875 = arith.constant 0 : i32
      %dma_start3A_876 = tpu.memref_slice %arg8[%dma_start3A_873, %dma_start3A_874, %dma_start3A_875] : memref<4x48x128xf32, #tpu.memory_space<vmem>> -> memref<1x16x128xf32, #tpu.memory_space<vmem>>
      %dma_start3A_877 = tpu.memref_squeeze %dma_start3A_876 : memref<1x16x128xf32, #tpu.memory_space<vmem>> -> memref<16x128xf32, #tpu.memory_space<vmem>>
      %dma_start3A_878 = arith.constant 0 : i32
      %dma_start3A_879 = arith.constant 0 : i32
      %dma_start3A_880 = tpu.memref_slice %arg9[%dma_start3A_878, %dma_start3A_879] : memref<10240x128xf32, #tpu.memory_space<vmem_shared>> -> memref<10240x128xf32, #tpu.memory_space<vmem_shared>>
      tpu.enqueue_indirect_dma source(%dma_start3A_877 : memref<16x128xf32, #tpu.memory_space<vmem>>) target(%dma_start3A_880 : memref<10240x128xf32, #tpu.memory_space<vmem_shared>>) offsets(%get3A_872 : vector<16xi32>) semaphore(%arg14 : memref<!tpu.dma_semaphore, #tpu.memory_space<semaphore_mem>>) {add = true}
      %add3A_881 = arith.constant 2 : i32
      %add3A_882 = arith.addi %mul3A_710, %add3A_881 : i32
      %dma_wait3A_883 = arith.constant 2 : i32
      %dma_wait3A_884 = arith.constant 0 : i32
      %dma_wait3A_885 = arith.constant 0 : i32
      %dma_wait3A_886 = tpu.memref_slice %arg8[%dma_wait3A_883, %dma_wait3A_884, %dma_wait3A_885] : memref<4x48x128xf32, #tpu.memory_space<vmem>> -> memref<1x48x128xf32, #tpu.memory_space<vmem>>
      %dma_wait3A_887 = tpu.memref_squeeze %dma_wait3A_886 : memref<1x48x128xf32, #tpu.memory_space<vmem>> -> memref<48x128xf32, #tpu.memory_space<vmem>>
      %dma_wait3A_888 = arith.constant 0 : i32
      %dma_wait3A_889 = arith.constant 0 : i32
      %dma_wait3A_890 = tpu.memref_slice %arg2[%dma_wait3A_888, %dma_wait3A_889] : memref<10000x128xf32, #tpu.memory_space<hbm>> -> memref<48x128xf32, #tpu.memory_space<hbm>>
      %dma_wait3A_891 = arith.constant 0 : i32
      %dma_wait3A_892 = arith.constant 0 : i32
      %dma_wait3A_893 = tpu.memref_slice %arg8[%dma_wait3A_883, %dma_wait3A_891, %dma_wait3A_892] : memref<4x48x128xf32, #tpu.memory_space<vmem>> -> memref<1x48x128xf32, #tpu.memory_space<vmem>>
      %dma_wait3A_894 = tpu.memref_squeeze %dma_wait3A_893 : memref<1x48x128xf32, #tpu.memory_space<vmem>> -> memref<48x128xf32, #tpu.memory_space<vmem>>
      %dma_wait3A_895 = arith.constant 0 : i32
      %dma_wait3A_896 = arith.constant 0 : i32
      %dma_wait3A_897 = tpu.memref_slice %arg2[%dma_wait3A_895, %dma_wait3A_896] : memref<10000x128xf32, #tpu.memory_space<hbm>> -> memref<48x128xf32, #tpu.memory_space<hbm>>
      tpu.wait_dma2 semaphore(%arg12 : memref<!tpu.dma_semaphore, #tpu.memory_space<semaphore_mem>>) src(%dma_wait3A_897 : memref<48x128xf32, #tpu.memory_space<hbm>>) dst(%dma_wait3A_894 : memref<48x128xf32, #tpu.memory_space<vmem>>)
      %dma_wait3A_898 = arith.constant 0 : i32
      %dma_wait3A_899 = arith.constant 0 : i32
      %dma_wait3A_900 = arith.constant 0 : i32
      %dma_wait3A_901 = tpu.memref_slice %arg8[%dma_wait3A_898, %dma_wait3A_899, %dma_wait3A_900] : memref<4x48x128xf32, #tpu.memory_space<vmem>> -> memref<1x48x128xf32, #tpu.memory_space<vmem>>
      %dma_wait3A_902 = tpu.memref_squeeze %dma_wait3A_901 : memref<1x48x128xf32, #tpu.memory_space<vmem>> -> memref<48x128xf32, #tpu.memory_space<vmem>>
      %dma_wait3A_903 = arith.constant 0 : i32
      %dma_wait3A_904 = arith.constant 0 : i32
      %dma_wait3A_905 = tpu.memref_slice %arg2[%dma_wait3A_903, %dma_wait3A_904] : memref<10000x128xf32, #tpu.memory_space<hbm>> -> memref<48x128xf32, #tpu.memory_space<hbm>>
      %dma_wait3A_906 = arith.constant 0 : i32
      %dma_wait3A_907 = arith.constant 0 : i32
      %dma_wait3A_908 = tpu.memref_slice %arg8[%dma_wait3A_898, %dma_wait3A_906, %dma_wait3A_907] : memref<4x48x128xf32, #tpu.memory_space<vmem>> -> memref<1x48x128xf32, #tpu.memory_space<vmem>>
      %dma_wait3A_909 = tpu.memref_squeeze %dma_wait3A_908 : memref<1x48x128xf32, #tpu.memory_space<vmem>> -> memref<48x128xf32, #tpu.memory_space<vmem>>
      %dma_wait3A_910 = arith.constant 0 : i32
      %dma_wait3A_911 = arith.constant 0 : i32
      %dma_wait3A_912 = tpu.memref_slice %arg2[%dma_wait3A_910, %dma_wait3A_911] : memref<10000x128xf32, #tpu.memory_space<hbm>> -> memref<48x128xf32, #tpu.memory_space<hbm>>
      tpu.wait_dma2 semaphore(%arg14 : memref<!tpu.dma_semaphore, #tpu.memory_space<semaphore_mem>>) src(%dma_wait3A_912 : memref<48x128xf32, #tpu.memory_space<hbm>>) dst(%dma_wait3A_909 : memref<48x128xf32, #tpu.memory_space<vmem>>)
      %add3A_913 = arith.constant 4 : i32
      %add3A_914 = arith.addi %add3A_882, %add3A_913 : i32
      %sub3A_915 = arith.constant 1 : i32
      %sub3A_916 = arith.subi %add3A_914, %sub3A_915 : i32
      %mul3A_917 = arith.constant 48 : i32
      %mul3A_918 = arith.muli %sub3A_916, %mul3A_917 : i32
      %dma_start3A_919 = arith.constant 1 : i32
      %dma_start3A_920 = arith.constant 0 : i32
      %dma_start3A_921 = arith.constant 0 : i32
      %dma_start3A_922 = tpu.memref_slice %arg8[%dma_start3A_919, %dma_start3A_920, %dma_start3A_921] : memref<4x48x128xf32, #tpu.memory_space<vmem>> -> memref<1x48x128xf32, #tpu.memory_space<vmem>>
      %dma_start3A_923 = tpu.memref_squeeze %dma_start3A_922 : memref<1x48x128xf32, #tpu.memory_space<vmem>> -> memref<48x128xf32, #tpu.memory_space<vmem>>
      %dma_start3A_924 = tpu.memref_slice %arg6[%mul3A_918] : memref<10000xi32, #tpu.memory_space<vmem>> -> memref<48xi32, #tpu.memory_space<vmem>>
      %dma_start3A_925 = arith.constant 0 : i32
      %dma_start3A_926 = arith.constant 0 : i32
      %dma_start3A_927 = tpu.memref_slice %arg2[%dma_start3A_925, %dma_start3A_926] : memref<10000x128xf32, #tpu.memory_space<hbm>> -> memref<10000x128xf32, #tpu.memory_space<hbm>>
      tpu.enqueue_indirect_dma source(%dma_start3A_927 : memref<10000x128xf32, #tpu.memory_space<hbm>>) target(%dma_start3A_923 : memref<48x128xf32, #tpu.memory_space<vmem>>) offsets(%dma_start3A_924 : memref<48xi32, #tpu.memory_space<vmem>>) semaphore(%arg11 : memref<!tpu.dma_semaphore, #tpu.memory_space<semaphore_mem>>)
      %mul3A_928 = arith.constant 48 : i32
      %mul3A_929 = arith.muli %add3A_882, %mul3A_928 : i32
      %add3A_930 = arith.constant 0 : i32
      %add3A_931 = arith.addi %mul3A_929, %add3A_930 : i32
      %get3A_932 = arith.index_cast %add3A_931 : i32 to index
      %get3A_933 = tpu.vector_load %arg7[%get3A_932] {strides = array<i32>} : memref<10000xi32, #tpu.memory_space<vmem>>, vector<16xi32>,
      %get3A_934 = vector.shape_cast %get3A_933 : vector<16xi32> to vector<16xi32>
      %dma_start3A_935 = arith.constant 2 : i32
      %dma_start3A_936 = arith.constant 0 : i32
      %dma_start3A_937 = arith.constant 0 : i32
      %dma_start3A_938 = tpu.memref_slice %arg8[%dma_start3A_935, %dma_start3A_936, %dma_start3A_937] : memref<4x48x128xf32, #tpu.memory_space<vmem>> -> memref<1x16x128xf32, #tpu.memory_space<vmem>>
      %dma_start3A_939 = tpu.memref_squeeze %dma_start3A_938 : memref<1x16x128xf32, #tpu.memory_space<vmem>> -> memref<16x128xf32, #tpu.memory_space<vmem>>
      %dma_start3A_940 = arith.constant 0 : i32
      %dma_start3A_941 = arith.constant 0 : i32
      %dma_start3A_942 = tpu.memref_slice %arg9[%dma_start3A_940, %dma_start3A_941] : memref<10240x128xf32, #tpu.memory_space<vmem_shared>> -> memref<10240x128xf32, #tpu.memory_space<vmem_shared>>
      tpu.enqueue_indirect_dma source(%dma_start3A_939 : memref<16x128xf32, #tpu.memory_space<vmem>>) target(%dma_start3A_942 : memref<10240x128xf32, #tpu.memory_space<vmem_shared>>) offsets(%get3A_934 : vector<16xi32>) semaphore(%arg14 : memref<!tpu.dma_semaphore, #tpu.memory_space<semaphore_mem>>) {add = true}
      %mul3A_943 = arith.constant 48 : i32
      %mul3A_944 = arith.muli %add3A_882, %mul3A_943 : i32
      %add3A_945 = arith.constant 16 : i32
      %add3A_946 = arith.addi %mul3A_944, %add3A_945 : i32
      %get3A_947 = arith.index_cast %add3A_946 : i32 to index
      %get3A_948 = tpu.vector_load %arg7[%get3A_947] {strides = array<i32>} : memref<10000xi32, #tpu.memory_space<vmem>>, vector<16xi32>,
      %get3A_949 = vector.shape_cast %get3A_948 : vector<16xi32> to vector<16xi32>
      %dma_start3A_950 = arith.constant 2 : i32
      %dma_start3A_951 = arith.constant 16 : i32
      %dma_start3A_952 = arith.constant 0 : i32
      %dma_start3A_953 = tpu.memref_slice %arg8[%dma_start3A_950, %dma_start3A_951, %dma_start3A_952] : memref<4x48x128xf32, #tpu.memory_space<vmem>> -> memref<1x16x128xf32, #tpu.memory_space<vmem>>
      %dma_start3A_954 = tpu.memref_squeeze %dma_start3A_953 : memref<1x16x128xf32, #tpu.memory_space<vmem>> -> memref<16x128xf32, #tpu.memory_space<vmem>>
      %dma_start3A_955 = arith.constant 0 : i32
      %dma_start3A_956 = arith.constant 0 : i32
      %dma_start3A_957 = tpu.memref_slice %arg9[%dma_start3A_955, %dma_start3A_956] : memref<10240x128xf32, #tpu.memory_space<vmem_shared>> -> memref<10240x128xf32, #tpu.memory_space<vmem_shared>>
      tpu.enqueue_indirect_dma source(%dma_start3A_954 : memref<16x128xf32, #tpu.memory_space<vmem>>) target(%dma_start3A_957 : memref<10240x128xf32, #tpu.memory_space<vmem_shared>>) offsets(%get3A_949 : vector<16xi32>) semaphore(%arg14 : memref<!tpu.dma_semaphore, #tpu.memory_space<semaphore_mem>>) {add = true}
      %mul3A_958 = arith.constant 48 : i32
      %mul3A_959 = arith.muli %add3A_882, %mul3A_958 : i32
      %add3A_960 = arith.constant 32 : i32
      %add3A_961 = arith.addi %mul3A_959, %add3A_960 : i32
      %get3A_962 = arith.index_cast %add3A_961 : i32 to index
      %get3A_963 = tpu.vector_load %arg7[%get3A_962] {strides = array<i32>} : memref<10000xi32, #tpu.memory_space<vmem>>, vector<16xi32>,
      %get3A_964 = vector.shape_cast %get3A_963 : vector<16xi32> to vector<16xi32>
      %dma_start3A_965 = arith.constant 2 : i32
      %dma_start3A_966 = arith.constant 32 : i32
      %dma_start3A_967 = arith.constant 0 : i32
      %dma_start3A_968 = tpu.memref_slice %arg8[%dma_start3A_965, %dma_start3A_966, %dma_start3A_967] : memref<4x48x128xf32, #tpu.memory_space<vmem>> -> memref<1x16x128xf32, #tpu.memory_space<vmem>>
      %dma_start3A_969 = tpu.memref_squeeze %dma_start3A_968 : memref<1x16x128xf32, #tpu.memory_space<vmem>> -> memref<16x128xf32, #tpu.memory_space<vmem>>
      %dma_start3A_970 = arith.constant 0 : i32
      %dma_start3A_971 = arith.constant 0 : i32
      %dma_start3A_972 = tpu.memref_slice %arg9[%dma_start3A_970, %dma_start3A_971] : memref<10240x128xf32, #tpu.memory_space<vmem_shared>> -> memref<10240x128xf32, #tpu.memory_space<vmem_shared>>
      tpu.enqueue_indirect_dma source(%dma_start3A_969 : memref<16x128xf32, #tpu.memory_space<vmem>>) target(%dma_start3A_972 : memref<10240x128xf32, #tpu.memory_space<vmem_shared>>) offsets(%get3A_964 : vector<16xi32>) semaphore(%arg14 : memref<!tpu.dma_semaphore, #tpu.memory_space<semaphore_mem>>) {add = true}
      %add3A_973 = arith.constant 3 : i32
      %add3A_974 = arith.addi %mul3A_710, %add3A_973 : i32
      %dma_wait3A_975 = arith.constant 3 : i32
      %dma_wait3A_976 = arith.constant 0 : i32
      %dma_wait3A_977 = arith.constant 0 : i32
      %dma_wait3A_978 = tpu.memref_slice %arg8[%dma_wait3A_975, %dma_wait3A_976, %dma_wait3A_977] : memref<4x48x128xf32, #tpu.memory_space<vmem>> -> memref<1x48x128xf32, #tpu.memory_space<vmem>>
      %dma_wait3A_979 = tpu.memref_squeeze %dma_wait3A_978 : memref<1x48x128xf32, #tpu.memory_space<vmem>> -> memref<48x128xf32, #tpu.memory_space<vmem>>
      %dma_wait3A_980 = arith.constant 0 : i32
      %dma_wait3A_981 = arith.constant 0 : i32
      %dma_wait3A_982 = tpu.memref_slice %arg2[%dma_wait3A_980, %dma_wait3A_981] : memref<10000x128xf32, #tpu.memory_space<hbm>> -> memref<48x128xf32, #tpu.memory_space<hbm>>
      %dma_wait3A_983 = arith.constant 0 : i32
      %dma_wait3A_984 = arith.constant 0 : i32
      %dma_wait3A_985 = tpu.memref_slice %arg8[%dma_wait3A_975, %dma_wait3A_983, %dma_wait3A_984] : memref<4x48x128xf32, #tpu.memory_space<vmem>> -> memref<1x48x128xf32, #tpu.memory_space<vmem>>
      %dma_wait3A_986 = tpu.memref_squeeze %dma_wait3A_985 : memref<1x48x128xf32, #tpu.memory_space<vmem>> -> memref<48x128xf32, #tpu.memory_space<vmem>>
      %dma_wait3A_987 = arith.constant 0 : i32
      %dma_wait3A_988 = arith.constant 0 : i32
      %dma_wait3A_989 = tpu.memref_slice %arg2[%dma_wait3A_987, %dma_wait3A_988] : memref<10000x128xf32, #tpu.memory_space<hbm>> -> memref<48x128xf32, #tpu.memory_space<hbm>>
      tpu.wait_dma2 semaphore(%arg13 : memref<!tpu.dma_semaphore, #tpu.memory_space<semaphore_mem>>) src(%dma_wait3A_989 : memref<48x128xf32, #tpu.memory_space<hbm>>) dst(%dma_wait3A_986 : memref<48x128xf32, #tpu.memory_space<vmem>>)
      %dma_wait3A_990 = arith.constant 0 : i32
      %dma_wait3A_991 = arith.constant 0 : i32
      %dma_wait3A_992 = arith.constant 0 : i32
      %dma_wait3A_993 = tpu.memref_slice %arg8[%dma_wait3A_990, %dma_wait3A_991, %dma_wait3A_992] : memref<4x48x128xf32, #tpu.memory_space<vmem>> -> memref<1x48x128xf32, #tpu.memory_space<vmem>>
      %dma_wait3A_994 = tpu.memref_squeeze %dma_wait3A_993 : memref<1x48x128xf32, #tpu.memory_space<vmem>> -> memref<48x128xf32, #tpu.memory_space<vmem>>
      %dma_wait3A_995 = arith.constant 0 : i32
      %dma_wait3A_996 = arith.constant 0 : i32
      %dma_wait3A_997 = tpu.memref_slice %arg2[%dma_wait3A_995, %dma_wait3A_996] : memref<10000x128xf32, #tpu.memory_space<hbm>> -> memref<48x128xf32, #tpu.memory_space<hbm>>
      %dma_wait3A_998 = arith.constant 0 : i32
      %dma_wait3A_999 = arith.constant 0 : i32
      %dma_wait3A_1000 = tpu.memref_slice %arg8[%dma_wait3A_990, %dma_wait3A_998, %dma_wait3A_999] : memref<4x48x128xf32, #tpu.memory_space<vmem>> -> memref<1x48x128xf32, #tpu.memory_space<vmem>>
      %dma_wait3A_1001 = tpu.memref_squeeze %dma_wait3A_1000 : memref<1x48x128xf32, #tpu.memory_space<vmem>> -> memref<48x128xf32, #tpu.memory_space<vmem>>
      %dma_wait3A_1002 = arith.constant 0 : i32
      %dma_wait3A_1003 = arith.constant 0 : i32
      %dma_wait3A_1004 = tpu.memref_slice %arg2[%dma_wait3A_1002, %dma_wait3A_1003] : memref<10000x128xf32, #tpu.memory_space<hbm>> -> memref<48x128xf32, #tpu.memory_space<hbm>>
      tpu.wait_dma2 semaphore(%arg14 : memref<!tpu.dma_semaphore, #tpu.memory_space<semaphore_mem>>) src(%dma_wait3A_1004 : memref<48x128xf32, #tpu.memory_space<hbm>>) dst(%dma_wait3A_1001 : memref<48x128xf32, #tpu.memory_space<vmem>>)
      %add3A_1005 = arith.constant 4 : i32
      %add3A_1006 = arith.addi %add3A_974, %add3A_1005 : i32
      %sub3A_1007 = arith.constant 1 : i32
      %sub3A_1008 = arith.subi %add3A_1006, %sub3A_1007 : i32
      %mul3A_1009 = arith.constant 48 : i32
      %mul3A_1010 = arith.muli %sub3A_1008, %mul3A_1009 : i32
      %dma_start3A_1011 = arith.constant 2 : i32
      %dma_start3A_1012 = arith.constant 0 : i32
      %dma_start3A_1013 = arith.constant 0 : i32
      %dma_start3A_1014 = tpu.memref_slice %arg8[%dma_start3A_1011, %dma_start3A_1012, %dma_start3A_1013] : memref<4x48x128xf32, #tpu.memory_space<vmem>> -> memref<1x48x128xf32, #tpu.memory_space<vmem>>
      %dma_start3A_1015 = tpu.memref_squeeze %dma_start3A_1014 : memref<1x48x128xf32, #tpu.memory_space<vmem>> -> memref<48x128xf32, #tpu.memory_space<vmem>>
      %dma_start3A_1016 = tpu.memref_slice %arg6[%mul3A_1010] : memref<10000xi32, #tpu.memory_space<vmem>> -> memref<48xi32, #tpu.memory_space<vmem>>
      %dma_start3A_1017 = arith.constant 0 : i32
      %dma_start3A_1018 = arith.constant 0 : i32
      %dma_start3A_1019 = tpu.memref_slice %arg2[%dma_start3A_1017, %dma_start3A_1018] : memref<10000x128xf32, #tpu.memory_space<hbm>> -> memref<10000x128xf32, #tpu.memory_space<hbm>>
      tpu.enqueue_indirect_dma source(%dma_start3A_1019 : memref<10000x128xf32, #tpu.memory_space<hbm>>) target(%dma_start3A_1015 : memref<48x128xf32, #tpu.memory_space<vmem>>) offsets(%dma_start3A_1016 : memref<48xi32, #tpu.memory_space<vmem>>) semaphore(%arg12 : memref<!tpu.dma_semaphore, #tpu.memory_space<semaphore_mem>>)
      %mul3A_1020 = arith.constant 48 : i32
      %mul3A_1021 = arith.muli %add3A_974, %mul3A_1020 : i32
      %add3A_1022 = arith.constant 0 : i32
      %add3A_1023 = arith.addi %mul3A_1021, %add3A_1022 : i32
      %get3A_1024 = arith.index_cast %add3A_1023 : i32 to index
      %get3A_1025 = tpu.vector_load %arg7[%get3A_1024] {strides = array<i32>} : memref<10000xi32, #tpu.memory_space<vmem>>, vector<16xi32>,
      %get3A_1026 = vector.shape_cast %get3A_1025 : vector<16xi32> to vector<16xi32>
      %dma_start3A_1027 = arith.constant 3 : i32
      %dma_start3A_1028 = arith.constant 0 : i32
      %dma_start3A_1029 = arith.constant 0 : i32
      %dma_start3A_1030 = tpu.memref_slice %arg8[%dma_start3A_1027, %dma_start3A_1028, %dma_start3A_1029] : memref<4x48x128xf32, #tpu.memory_space<vmem>> -> memref<1x16x128xf32, #tpu.memory_space<vmem>>
      %dma_start3A_1031 = tpu.memref_squeeze %dma_start3A_1030 : memref<1x16x128xf32, #tpu.memory_space<vmem>> -> memref<16x128xf32, #tpu.memory_space<vmem>>
      %dma_start3A_1032 = arith.constant 0 : i32
      %dma_start3A_1033 = arith.constant 0 : i32
      %dma_start3A_1034 = tpu.memref_slice %arg9[%dma_start3A_1032, %dma_start3A_1033] : memref<10240x128xf32, #tpu.memory_space<vmem_shared>> -> memref<10240x128xf32, #tpu.memory_space<vmem_shared>>
      tpu.enqueue_indirect_dma source(%dma_start3A_1031 : memref<16x128xf32, #tpu.memory_space<vmem>>) target(%dma_start3A_1034 : memref<10240x128xf32, #tpu.memory_space<vmem_shared>>) offsets(%get3A_1026 : vector<16xi32>) semaphore(%arg14 : memref<!tpu.dma_semaphore, #tpu.memory_space<semaphore_mem>>) {add = true}
      %mul3A_1035 = arith.constant 48 : i32
      %mul3A_1036 = arith.muli %add3A_974, %mul3A_1035 : i32
      %add3A_1037 = arith.constant 16 : i32
      %add3A_1038 = arith.addi %mul3A_1036, %add3A_1037 : i32
      %get3A_1039 = arith.index_cast %add3A_1038 : i32 to index
      %get3A_1040 = tpu.vector_load %arg7[%get3A_1039] {strides = array<i32>} : memref<10000xi32, #tpu.memory_space<vmem>>, vector<16xi32>,
      %get3A_1041 = vector.shape_cast %get3A_1040 : vector<16xi32> to vector<16xi32>
      %dma_start3A_1042 = arith.constant 3 : i32
      %dma_start3A_1043 = arith.constant 16 : i32
      %dma_start3A_1044 = arith.constant 0 : i32
      %dma_start3A_1045 = tpu.memref_slice %arg8[%dma_start3A_1042, %dma_start3A_1043, %dma_start3A_1044] : memref<4x48x128xf32, #tpu.memory_space<vmem>> -> memref<1x16x128xf32, #tpu.memory_space<vmem>>
      %dma_start3A_1046 = tpu.memref_squeeze %dma_start3A_1045 : memref<1x16x128xf32, #tpu.memory_space<vmem>> -> memref<16x128xf32, #tpu.memory_space<vmem>>
      %dma_start3A_1047 = arith.constant 0 : i32
      %dma_start3A_1048 = arith.constant 0 : i32
      %dma_start3A_1049 = tpu.memref_slice %arg9[%dma_start3A_1047, %dma_start3A_1048] : memref<10240x128xf32, #tpu.memory_space<vmem_shared>> -> memref<10240x128xf32, #tpu.memory_space<vmem_shared>>
      tpu.enqueue_indirect_dma source(%dma_start3A_1046 : memref<16x128xf32, #tpu.memory_space<vmem>>) target(%dma_start3A_1049 : memref<10240x128xf32, #tpu.memory_space<vmem_shared>>) offsets(%get3A_1041 : vector<16xi32>) semaphore(%arg14 : memref<!tpu.dma_semaphore, #tpu.memory_space<semaphore_mem>>) {add = true}
      %mul3A_1050 = arith.constant 48 : i32
      %mul3A_1051 = arith.muli %add3A_974, %mul3A_1050 : i32
      %add3A_1052 = arith.constant 32 : i32
      %add3A_1053 = arith.addi %mul3A_1051, %add3A_1052 : i32
      %get3A_1054 = arith.index_cast %add3A_1053 : i32 to index
      %get3A_1055 = tpu.vector_load %arg7[%get3A_1054] {strides = array<i32>} : memref<10000xi32, #tpu.memory_space<vmem>>, vector<16xi32>,
      %get3A_1056 = vector.shape_cast %get3A_1055 : vector<16xi32> to vector<16xi32>
      %dma_start3A_1057 = arith.constant 3 : i32
      %dma_start3A_1058 = arith.constant 32 : i32
      %dma_start3A_1059 = arith.constant 0 : i32
      %dma_start3A_1060 = tpu.memref_slice %arg8[%dma_start3A_1057, %dma_start3A_1058, %dma_start3A_1059] : memref<4x48x128xf32, #tpu.memory_space<vmem>> -> memref<1x16x128xf32, #tpu.memory_space<vmem>>
      %dma_start3A_1061 = tpu.memref_squeeze %dma_start3A_1060 : memref<1x16x128xf32, #tpu.memory_space<vmem>> -> memref<16x128xf32, #tpu.memory_space<vmem>>
      %dma_start3A_1062 = arith.constant 0 : i32
      %dma_start3A_1063 = arith.constant 0 : i32
      %dma_start3A_1064 = tpu.memref_slice %arg9[%dma_start3A_1062, %dma_start3A_1063] : memref<10240x128xf32, #tpu.memory_space<vmem_shared>> -> memref<10240x128xf32, #tpu.memory_space<vmem_shared>>
      tpu.enqueue_indirect_dma source(%dma_start3A_1061 : memref<16x128xf32, #tpu.memory_space<vmem>>) target(%dma_start3A_1064 : memref<10240x128xf32, #tpu.memory_space<vmem_shared>>) offsets(%get3A_1056 : vector<16xi32>) semaphore(%arg14 : memref<!tpu.dma_semaphore, #tpu.memory_space<semaphore_mem>>) {add = true}
    }
    %scan3A_88 = arith.constant 50 : i32
    %dma_wait3A = arith.constant 0 : i32
    %dma_wait3A_89 = arith.constant 0 : i32
    %dma_wait3A_90 = arith.constant 0 : i32
    %dma_wait3A_91 = tpu.memref_slice %arg8[%dma_wait3A, %dma_wait3A_89, %dma_wait3A_90] : memref<4x48x128xf32, #tpu.memory_space<vmem>> -> memref<1x48x128xf32, #tpu.memory_space<vmem>>
    %dma_wait3A_92 = tpu.memref_squeeze %dma_wait3A_91 : memref<1x48x128xf32, #tpu.memory_space<vmem>> -> memref<48x128xf32, #tpu.memory_space<vmem>>
    %dma_wait3A_93 = arith.constant 0 : i32
    %dma_wait3A_94 = arith.constant 0 : i32
    %dma_wait3A_95 = tpu.memref_slice %arg2[%dma_wait3A_93, %dma_wait3A_94] : memref<10000x128xf32, #tpu.memory_space<hbm>> -> memref<48x128xf32, #tpu.memory_space<hbm>>
    %dma_wait3A_96 = arith.constant 0 : i32
    %dma_wait3A_97 = arith.constant 0 : i32
    %dma_wait3A_98 = tpu.memref_slice %arg8[%dma_wait3A, %dma_wait3A_96, %dma_wait3A_97] : memref<4x48x128xf32, #tpu.memory_space<vmem>> -> memref<1x48x128xf32, #tpu.memory_space<vmem>>
    %dma_wait3A_99 = tpu.memref_squeeze %dma_wait3A_98 : memref<1x48x128xf32, #tpu.memory_space<vmem>> -> memref<48x128xf32, #tpu.memory_space<vmem>>
    %dma_wait3A_100 = arith.constant 0 : i32
    %dma_wait3A_101 = arith.constant 0 : i32
    %dma_wait3A_102 = tpu.memref_slice %arg2[%dma_wait3A_100, %dma_wait3A_101] : memref<10000x128xf32, #tpu.memory_space<hbm>> -> memref<48x128xf32, #tpu.memory_space<hbm>>
    tpu.wait_dma2 semaphore(%arg10 : memref<!tpu.dma_semaphore, #tpu.memory_space<semaphore_mem>>) src(%dma_wait3A_102 : memref<48x128xf32, #tpu.memory_space<hbm>>) dst(%dma_wait3A_99 : memref<48x128xf32, #tpu.memory_space<vmem>>)
    %dma_wait3A_103 = arith.constant 0 : i32
    %dma_wait3A_104 = arith.constant 0 : i32
    %dma_wait3A_105 = arith.constant 0 : i32
    %dma_wait3A_106 = tpu.memref_slice %arg8[%dma_wait3A_103, %dma_wait3A_104, %dma_wait3A_105] : memref<4x48x128xf32, #tpu.memory_space<vmem>> -> memref<1x48x128xf32, #tpu.memory_space<vmem>>
    %dma_wait3A_107 = tpu.memref_squeeze %dma_wait3A_106 : memref<1x48x128xf32, #tpu.memory_space<vmem>> -> memref<48x128xf32, #tpu.memory_space<vmem>>
    %dma_wait3A_108 = arith.constant 0 : i32
    %dma_wait3A_109 = arith.constant 0 : i32
    %dma_wait3A_110 = tpu.memref_slice %arg2[%dma_wait3A_108, %dma_wait3A_109] : memref<10000x128xf32, #tpu.memory_space<hbm>> -> memref<48x128xf32, #tpu.memory_space<hbm>>
    %dma_wait3A_111 = arith.constant 0 : i32
    %dma_wait3A_112 = arith.constant 0 : i32
    %dma_wait3A_113 = tpu.memref_slice %arg8[%dma_wait3A_103, %dma_wait3A_111, %dma_wait3A_112] : memref<4x48x128xf32, #tpu.memory_space<vmem>> -> memref<1x48x128xf32, #tpu.memory_space<vmem>>
    %dma_wait3A_114 = tpu.memref_squeeze %dma_wait3A_113 : memref<1x48x128xf32, #tpu.memory_space<vmem>> -> memref<48x128xf32, #tpu.memory_space<vmem>>
    %dma_wait3A_115 = arith.constant 0 : i32
    %dma_wait3A_116 = arith.constant 0 : i32
    %dma_wait3A_117 = tpu.memref_slice %arg2[%dma_wait3A_115, %dma_wait3A_116] : memref<10000x128xf32, #tpu.memory_space<hbm>> -> memref<48x128xf32, #tpu.memory_space<hbm>>
    tpu.wait_dma2 semaphore(%arg14 : memref<!tpu.dma_semaphore, #tpu.memory_space<semaphore_mem>>) src(%dma_wait3A_117 : memref<48x128xf32, #tpu.memory_space<hbm>>) dst(%dma_wait3A_114 : memref<48x128xf32, #tpu.memory_space<vmem>>)
    %dma_start3A_118 = arith.constant 3 : i32
    %dma_start3A_119 = arith.constant 0 : i32
    %dma_start3A_120 = arith.constant 0 : i32
    %dma_start3A_121 = tpu.memref_slice %arg8[%dma_start3A_118, %dma_start3A_119, %dma_start3A_120] : memref<4x48x128xf32, #tpu.memory_space<vmem>> -> memref<1x48x128xf32, #tpu.memory_space<vmem>>
    %dma_start3A_122 = tpu.memref_squeeze %dma_start3A_121 : memref<1x48x128xf32, #tpu.memory_space<vmem>> -> memref<48x128xf32, #tpu.memory_space<vmem>>
    %dma_start3A_123 = arith.constant 9744 : i32
    %dma_start3A_124 = tpu.memref_slice %arg6[%dma_start3A_123] : memref<10000xi32, #tpu.memory_space<vmem>> -> memref<48xi32, #tpu.memory_space<vmem>>
    %dma_start3A_125 = arith.constant 0 : i32
    %dma_start3A_126 = arith.constant 0 : i32
    %dma_start3A_127 = tpu.memref_slice %arg2[%dma_start3A_125, %dma_start3A_126] : memref<10000x128xf32, #tpu.memory_space<hbm>> -> memref<10000x128xf32, #tpu.memory_space<hbm>>
    tpu.enqueue_indirect_dma source(%dma_start3A_127 : memref<10000x128xf32, #tpu.memory_space<hbm>>) target(%dma_start3A_122 : memref<48x128xf32, #tpu.memory_space<vmem>>) offsets(%dma_start3A_124 : memref<48xi32, #tpu.memory_space<vmem>>) semaphore(%arg13 : memref<!tpu.dma_semaphore, #tpu.memory_space<semaphore_mem>>)
    %get3A = arith.constant 9600 : index
    %get3A_128 = tpu.vector_load %arg7[%get3A] {strides = array<i32>} : memref<10000xi32, #tpu.memory_space<vmem>>, vector<16xi32>,
    %get3A_129 = vector.shape_cast %get3A_128 : vector<16xi32> to vector<16xi32>
    %dma_start3A_130 = arith.constant 0 : i32
    %dma_start3A_131 = arith.constant 0 : i32
    %dma_start3A_132 = arith.constant 0 : i32
    %dma_start3A_133 = tpu.memref_slice %arg8[%dma_start3A_130, %dma_start3A_131, %dma_start3A_132] : memref<4x48x128xf32, #tpu.memory_space<vmem>> -> memref<1x16x128xf32, #tpu.memory_space<vmem>>
    %dma_start3A_134 = tpu.memref_squeeze %dma_start3A_133 : memref<1x16x128xf32, #tpu.memory_space<vmem>> -> memref<16x128xf32, #tpu.memory_space<vmem>>
    %dma_start3A_135 = arith.constant 0 : i32
    %dma_start3A_136 = arith.constant 0 : i32
    %dma_start3A_137 = tpu.memref_slice %arg9[%dma_start3A_135, %dma_start3A_136] : memref<10240x128xf32, #tpu.memory_space<vmem_shared>> -> memref<10240x128xf32, #tpu.memory_space<vmem_shared>>
    tpu.enqueue_indirect_dma source(%dma_start3A_134 : memref<16x128xf32, #tpu.memory_space<vmem>>) target(%dma_start3A_137 : memref<10240x128xf32, #tpu.memory_space<vmem_shared>>) offsets(%get3A_129 : vector<16xi32>) semaphore(%arg14 : memref<!tpu.dma_semaphore, #tpu.memory_space<semaphore_mem>>) {add = true}
    %get3A_138 = arith.constant 9616 : index
    %get3A_139 = tpu.vector_load %arg7[%get3A_138] {strides = array<i32>} : memref<10000xi32, #tpu.memory_space<vmem>>, vector<16xi32>,
    %get3A_140 = vector.shape_cast %get3A_139 : vector<16xi32> to vector<16xi32>
    %dma_start3A_141 = arith.constant 0 : i32
    %dma_start3A_142 = arith.constant 16 : i32
    %dma_start3A_143 = arith.constant 0 : i32
    %dma_start3A_144 = tpu.memref_slice %arg8[%dma_start3A_141, %dma_start3A_142, %dma_start3A_143] : memref<4x48x128xf32, #tpu.memory_space<vmem>> -> memref<1x16x128xf32, #tpu.memory_space<vmem>>
    %dma_start3A_145 = tpu.memref_squeeze %dma_start3A_144 : memref<1x16x128xf32, #tpu.memory_space<vmem>> -> memref<16x128xf32, #tpu.memory_space<vmem>>
    %dma_start3A_146 = arith.constant 0 : i32
    %dma_start3A_147 = arith.constant 0 : i32
    %dma_start3A_148 = tpu.memref_slice %arg9[%dma_start3A_146, %dma_start3A_147] : memref<10240x128xf32, #tpu.memory_space<vmem_shared>> -> memref<10240x128xf32, #tpu.memory_space<vmem_shared>>
    tpu.enqueue_indirect_dma source(%dma_start3A_145 : memref<16x128xf32, #tpu.memory_space<vmem>>) target(%dma_start3A_148 : memref<10240x128xf32, #tpu.memory_space<vmem_shared>>) offsets(%get3A_140 : vector<16xi32>) semaphore(%arg14 : memref<!tpu.dma_semaphore, #tpu.memory_space<semaphore_mem>>) {add = true}
    %get3A_149 = arith.constant 9632 : index
    %get3A_150 = tpu.vector_load %arg7[%get3A_149] {strides = array<i32>} : memref<10000xi32, #tpu.memory_space<vmem>>, vector<16xi32>,
    %get3A_151 = vector.shape_cast %get3A_150 : vector<16xi32> to vector<16xi32>
    %dma_start3A_152 = arith.constant 0 : i32
    %dma_start3A_153 = arith.constant 32 : i32
    %dma_start3A_154 = arith.constant 0 : i32
    %dma_start3A_155 = tpu.memref_slice %arg8[%dma_start3A_152, %dma_start3A_153, %dma_start3A_154] : memref<4x48x128xf32, #tpu.memory_space<vmem>> -> memref<1x16x128xf32, #tpu.memory_space<vmem>>
    %dma_start3A_156 = tpu.memref_squeeze %dma_start3A_155 : memref<1x16x128xf32, #tpu.memory_space<vmem>> -> memref<16x128xf32, #tpu.memory_space<vmem>>
    %dma_start3A_157 = arith.constant 0 : i32
    %dma_start3A_158 = arith.constant 0 : i32
    %dma_start3A_159 = tpu.memref_slice %arg9[%dma_start3A_157, %dma_start3A_158] : memref<10240x128xf32, #tpu.memory_space<vmem_shared>> -> memref<10240x128xf32, #tpu.memory_space<vmem_shared>>
    tpu.enqueue_indirect_dma source(%dma_start3A_156 : memref<16x128xf32, #tpu.memory_space<vmem>>) target(%dma_start3A_159 : memref<10240x128xf32, #tpu.memory_space<vmem_shared>>) offsets(%get3A_151 : vector<16xi32>) semaphore(%arg14 : memref<!tpu.dma_semaphore, #tpu.memory_space<semaphore_mem>>) {add = true}
    %dma_wait3A_160 = arith.constant 1 : i32
    %dma_wait3A_161 = arith.constant 0 : i32
    %dma_wait3A_162 = arith.constant 0 : i32
    %dma_wait3A_163 = tpu.memref_slice %arg8[%dma_wait3A_160, %dma_wait3A_161, %dma_wait3A_162] : memref<4x48x128xf32, #tpu.memory_space<vmem>> -> memref<1x48x128xf32, #tpu.memory_space<vmem>>
    %dma_wait3A_164 = tpu.memref_squeeze %dma_wait3A_163 : memref<1x48x128xf32, #tpu.memory_space<vmem>> -> memref<48x128xf32, #tpu.memory_space<vmem>>
    %dma_wait3A_165 = arith.constant 0 : i32
    %dma_wait3A_166 = arith.constant 0 : i32
    %dma_wait3A_167 = tpu.memref_slice %arg2[%dma_wait3A_165, %dma_wait3A_166] : memref<10000x128xf32, #tpu.memory_space<hbm>> -> memref<48x128xf32, #tpu.memory_space<hbm>>
    %dma_wait3A_168 = arith.constant 0 : i32
    %dma_wait3A_169 = arith.constant 0 : i32
    %dma_wait3A_170 = tpu.memref_slice %arg8[%dma_wait3A_160, %dma_wait3A_168, %dma_wait3A_169] : memref<4x48x128xf32, #tpu.memory_space<vmem>> -> memref<1x48x128xf32, #tpu.memory_space<vmem>>
    %dma_wait3A_171 = tpu.memref_squeeze %dma_wait3A_170 : memref<1x48x128xf32, #tpu.memory_space<vmem>> -> memref<48x128xf32, #tpu.memory_space<vmem>>
    %dma_wait3A_172 = arith.constant 0 : i32
    %dma_wait3A_173 = arith.constant 0 : i32
    %dma_wait3A_174 = tpu.memref_slice %arg2[%dma_wait3A_172, %dma_wait3A_173] : memref<10000x128xf32, #tpu.memory_space<hbm>> -> memref<48x128xf32, #tpu.memory_space<hbm>>
    tpu.wait_dma2 semaphore(%arg11 : memref<!tpu.dma_semaphore, #tpu.memory_space<semaphore_mem>>) src(%dma_wait3A_174 : memref<48x128xf32, #tpu.memory_space<hbm>>) dst(%dma_wait3A_171 : memref<48x128xf32, #tpu.memory_space<vmem>>)
    %dma_wait3A_175 = arith.constant 0 : i32
    %dma_wait3A_176 = arith.constant 0 : i32
    %dma_wait3A_177 = arith.constant 0 : i32
    %dma_wait3A_178 = tpu.memref_slice %arg8[%dma_wait3A_175, %dma_wait3A_176, %dma_wait3A_177] : memref<4x48x128xf32, #tpu.memory_space<vmem>> -> memref<1x48x128xf32, #tpu.memory_space<vmem>>
    %dma_wait3A_179 = tpu.memref_squeeze %dma_wait3A_178 : memref<1x48x128xf32, #tpu.memory_space<vmem>> -> memref<48x128xf32, #tpu.memory_space<vmem>>
    %dma_wait3A_180 = arith.constant 0 : i32
    %dma_wait3A_181 = arith.constant 0 : i32
    %dma_wait3A_182 = tpu.memref_slice %arg2[%dma_wait3A_180, %dma_wait3A_181] : memref<10000x128xf32, #tpu.memory_space<hbm>> -> memref<48x128xf32, #tpu.memory_space<hbm>>
    %dma_wait3A_183 = arith.constant 0 : i32
    %dma_wait3A_184 = arith.constant 0 : i32
    %dma_wait3A_185 = tpu.memref_slice %arg8[%dma_wait3A_175, %dma_wait3A_183, %dma_wait3A_184] : memref<4x48x128xf32, #tpu.memory_space<vmem>> -> memref<1x48x128xf32, #tpu.memory_space<vmem>>
    %dma_wait3A_186 = tpu.memref_squeeze %dma_wait3A_185 : memref<1x48x128xf32, #tpu.memory_space<vmem>> -> memref<48x128xf32, #tpu.memory_space<vmem>>
    %dma_wait3A_187 = arith.constant 0 : i32
    %dma_wait3A_188 = arith.constant 0 : i32
    %dma_wait3A_189 = tpu.memref_slice %arg2[%dma_wait3A_187, %dma_wait3A_188] : memref<10000x128xf32, #tpu.memory_space<hbm>> -> memref<48x128xf32, #tpu.memory_space<hbm>>
    tpu.wait_dma2 semaphore(%arg14 : memref<!tpu.dma_semaphore, #tpu.memory_space<semaphore_mem>>) src(%dma_wait3A_189 : memref<48x128xf32, #tpu.memory_space<hbm>>) dst(%dma_wait3A_186 : memref<48x128xf32, #tpu.memory_space<vmem>>)
    %dma_start3A_190 = arith.constant 0 : i32
    %dma_start3A_191 = arith.constant 0 : i32
    %dma_start3A_192 = arith.constant 0 : i32
    %dma_start3A_193 = tpu.memref_slice %arg8[%dma_start3A_190, %dma_start3A_191, %dma_start3A_192] : memref<4x48x128xf32, #tpu.memory_space<vmem>> -> memref<1x48x128xf32, #tpu.memory_space<vmem>>
    %dma_start3A_194 = tpu.memref_squeeze %dma_start3A_193 : memref<1x48x128xf32, #tpu.memory_space<vmem>> -> memref<48x128xf32, #tpu.memory_space<vmem>>
    %dma_start3A_195 = arith.constant 9792 : i32
    %dma_start3A_196 = tpu.memref_slice %arg6[%dma_start3A_195] : memref<10000xi32, #tpu.memory_space<vmem>> -> memref<48xi32, #tpu.memory_space<vmem>>
    %dma_start3A_197 = arith.constant 0 : i32
    %dma_start3A_198 = arith.constant 0 : i32
    %dma_start3A_199 = tpu.memref_slice %arg2[%dma_start3A_197, %dma_start3A_198] : memref<10000x128xf32, #tpu.memory_space<hbm>> -> memref<10000x128xf32, #tpu.memory_space<hbm>>
    tpu.enqueue_indirect_dma source(%dma_start3A_199 : memref<10000x128xf32, #tpu.memory_space<hbm>>) target(%dma_start3A_194 : memref<48x128xf32, #tpu.memory_space<vmem>>) offsets(%dma_start3A_196 : memref<48xi32, #tpu.memory_space<vmem>>) semaphore(%arg10 : memref<!tpu.dma_semaphore, #tpu.memory_space<semaphore_mem>>)
    %get3A_200 = arith.constant 9648 : index
    %get3A_201 = tpu.vector_load %arg7[%get3A_200] {strides = array<i32>} : memref<10000xi32, #tpu.memory_space<vmem>>, vector<16xi32>,
    %get3A_202 = vector.shape_cast %get3A_201 : vector<16xi32> to vector<16xi32>
    %dma_start3A_203 = arith.constant 1 : i32
    %dma_start3A_204 = arith.constant 0 : i32
    %dma_start3A_205 = arith.constant 0 : i32
    %dma_start3A_206 = tpu.memref_slice %arg8[%dma_start3A_203, %dma_start3A_204, %dma_start3A_205] : memref<4x48x128xf32, #tpu.memory_space<vmem>> -> memref<1x16x128xf32, #tpu.memory_space<vmem>>
    %dma_start3A_207 = tpu.memref_squeeze %dma_start3A_206 : memref<1x16x128xf32, #tpu.memory_space<vmem>> -> memref<16x128xf32, #tpu.memory_space<vmem>>
    %dma_start3A_208 = arith.constant 0 : i32
    %dma_start3A_209 = arith.constant 0 : i32
    %dma_start3A_210 = tpu.memref_slice %arg9[%dma_start3A_208, %dma_start3A_209] : memref<10240x128xf32, #tpu.memory_space<vmem_shared>> -> memref<10240x128xf32, #tpu.memory_space<vmem_shared>>
    tpu.enqueue_indirect_dma source(%dma_start3A_207 : memref<16x128xf32, #tpu.memory_space<vmem>>) target(%dma_start3A_210 : memref<10240x128xf32, #tpu.memory_space<vmem_shared>>) offsets(%get3A_202 : vector<16xi32>) semaphore(%arg14 : memref<!tpu.dma_semaphore, #tpu.memory_space<semaphore_mem>>) {add = true}
    %get3A_211 = arith.constant 9664 : index
    %get3A_212 = tpu.vector_load %arg7[%get3A_211] {strides = array<i32>} : memref<10000xi32, #tpu.memory_space<vmem>>, vector<16xi32>,
    %get3A_213 = vector.shape_cast %get3A_212 : vector<16xi32> to vector<16xi32>
    %dma_start3A_214 = arith.constant 1 : i32
    %dma_start3A_215 = arith.constant 16 : i32
    %dma_start3A_216 = arith.constant 0 : i32
    %dma_start3A_217 = tpu.memref_slice %arg8[%dma_start3A_214, %dma_start3A_215, %dma_start3A_216] : memref<4x48x128xf32, #tpu.memory_space<vmem>> -> memref<1x16x128xf32, #tpu.memory_space<vmem>>
    %dma_start3A_218 = tpu.memref_squeeze %dma_start3A_217 : memref<1x16x128xf32, #tpu.memory_space<vmem>> -> memref<16x128xf32, #tpu.memory_space<vmem>>
    %dma_start3A_219 = arith.constant 0 : i32
    %dma_start3A_220 = arith.constant 0 : i32
    %dma_start3A_221 = tpu.memref_slice %arg9[%dma_start3A_219, %dma_start3A_220] : memref<10240x128xf32, #tpu.memory_space<vmem_shared>> -> memref<10240x128xf32, #tpu.memory_space<vmem_shared>>
    tpu.enqueue_indirect_dma source(%dma_start3A_218 : memref<16x128xf32, #tpu.memory_space<vmem>>) target(%dma_start3A_221 : memref<10240x128xf32, #tpu.memory_space<vmem_shared>>) offsets(%get3A_213 : vector<16xi32>) semaphore(%arg14 : memref<!tpu.dma_semaphore, #tpu.memory_space<semaphore_mem>>) {add = true}
    %get3A_222 = arith.constant 9680 : index
    %get3A_223 = tpu.vector_load %arg7[%get3A_222] {strides = array<i32>} : memref<10000xi32, #tpu.memory_space<vmem>>, vector<16xi32>,
    %get3A_224 = vector.shape_cast %get3A_223 : vector<16xi32> to vector<16xi32>
    %dma_start3A_225 = arith.constant 1 : i32
    %dma_start3A_226 = arith.constant 32 : i32
    %dma_start3A_227 = arith.constant 0 : i32
    %dma_start3A_228 = tpu.memref_slice %arg8[%dma_start3A_225, %dma_start3A_226, %dma_start3A_227] : memref<4x48x128xf32, #tpu.memory_space<vmem>> -> memref<1x16x128xf32, #tpu.memory_space<vmem>>
    %dma_start3A_229 = tpu.memref_squeeze %dma_start3A_228 : memref<1x16x128xf32, #tpu.memory_space<vmem>> -> memref<16x128xf32, #tpu.memory_space<vmem>>
    %dma_start3A_230 = arith.constant 0 : i32
    %dma_start3A_231 = arith.constant 0 : i32
    %dma_start3A_232 = tpu.memref_slice %arg9[%dma_start3A_230, %dma_start3A_231] : memref<10240x128xf32, #tpu.memory_space<vmem_shared>> -> memref<10240x128xf32, #tpu.memory_space<vmem_shared>>
    tpu.enqueue_indirect_dma source(%dma_start3A_229 : memref<16x128xf32, #tpu.memory_space<vmem>>) target(%dma_start3A_232 : memref<10240x128xf32, #tpu.memory_space<vmem_shared>>) offsets(%get3A_224 : vector<16xi32>) semaphore(%arg14 : memref<!tpu.dma_semaphore, #tpu.memory_space<semaphore_mem>>) {add = true}
    %dma_wait3A_233 = arith.constant 2 : i32
    %dma_wait3A_234 = arith.constant 0 : i32
    %dma_wait3A_235 = arith.constant 0 : i32
    %dma_wait3A_236 = tpu.memref_slice %arg8[%dma_wait3A_233, %dma_wait3A_234, %dma_wait3A_235] : memref<4x48x128xf32, #tpu.memory_space<vmem>> -> memref<1x48x128xf32, #tpu.memory_space<vmem>>
    %dma_wait3A_237 = tpu.memref_squeeze %dma_wait3A_236 : memref<1x48x128xf32, #tpu.memory_space<vmem>> -> memref<48x128xf32, #tpu.memory_space<vmem>>
    %dma_wait3A_238 = arith.constant 0 : i32
    %dma_wait3A_239 = arith.constant 0 : i32
    %dma_wait3A_240 = tpu.memref_slice %arg2[%dma_wait3A_238, %dma_wait3A_239] : memref<10000x128xf32, #tpu.memory_space<hbm>> -> memref<48x128xf32, #tpu.memory_space<hbm>>
    %dma_wait3A_241 = arith.constant 0 : i32
    %dma_wait3A_242 = arith.constant 0 : i32
    %dma_wait3A_243 = tpu.memref_slice %arg8[%dma_wait3A_233, %dma_wait3A_241, %dma_wait3A_242] : memref<4x48x128xf32, #tpu.memory_space<vmem>> -> memref<1x48x128xf32, #tpu.memory_space<vmem>>
    %dma_wait3A_244 = tpu.memref_squeeze %dma_wait3A_243 : memref<1x48x128xf32, #tpu.memory_space<vmem>> -> memref<48x128xf32, #tpu.memory_space<vmem>>
    %dma_wait3A_245 = arith.constant 0 : i32
    %dma_wait3A_246 = arith.constant 0 : i32
    %dma_wait3A_247 = tpu.memref_slice %arg2[%dma_wait3A_245, %dma_wait3A_246] : memref<10000x128xf32, #tpu.memory_space<hbm>> -> memref<48x128xf32, #tpu.memory_space<hbm>>
    tpu.wait_dma2 semaphore(%arg12 : memref<!tpu.dma_semaphore, #tpu.memory_space<semaphore_mem>>) src(%dma_wait3A_247 : memref<48x128xf32, #tpu.memory_space<hbm>>) dst(%dma_wait3A_244 : memref<48x128xf32, #tpu.memory_space<vmem>>)
    %dma_wait3A_248 = arith.constant 0 : i32
    %dma_wait3A_249 = arith.constant 0 : i32
    %dma_wait3A_250 = arith.constant 0 : i32
    %dma_wait3A_251 = tpu.memref_slice %arg8[%dma_wait3A_248, %dma_wait3A_249, %dma_wait3A_250] : memref<4x48x128xf32, #tpu.memory_space<vmem>> -> memref<1x48x128xf32, #tpu.memory_space<vmem>>
    %dma_wait3A_252 = tpu.memref_squeeze %dma_wait3A_251 : memref<1x48x128xf32, #tpu.memory_space<vmem>> -> memref<48x128xf32, #tpu.memory_space<vmem>>
    %dma_wait3A_253 = arith.constant 0 : i32
    %dma_wait3A_254 = arith.constant 0 : i32
    %dma_wait3A_255 = tpu.memref_slice %arg2[%dma_wait3A_253, %dma_wait3A_254] : memref<10000x128xf32, #tpu.memory_space<hbm>> -> memref<48x128xf32, #tpu.memory_space<hbm>>
    %dma_wait3A_256 = arith.constant 0 : i32
    %dma_wait3A_257 = arith.constant 0 : i32
    %dma_wait3A_258 = tpu.memref_slice %arg8[%dma_wait3A_248, %dma_wait3A_256, %dma_wait3A_257] : memref<4x48x128xf32, #tpu.memory_space<vmem>> -> memref<1x48x128xf32, #tpu.memory_space<vmem>>
    %dma_wait3A_259 = tpu.memref_squeeze %dma_wait3A_258 : memref<1x48x128xf32, #tpu.memory_space<vmem>> -> memref<48x128xf32, #tpu.memory_space<vmem>>
    %dma_wait3A_260 = arith.constant 0 : i32
    %dma_wait3A_261 = arith.constant 0 : i32
    %dma_wait3A_262 = tpu.memref_slice %arg2[%dma_wait3A_260, %dma_wait3A_261] : memref<10000x128xf32, #tpu.memory_space<hbm>> -> memref<48x128xf32, #tpu.memory_space<hbm>>
    tpu.wait_dma2 semaphore(%arg14 : memref<!tpu.dma_semaphore, #tpu.memory_space<semaphore_mem>>) src(%dma_wait3A_262 : memref<48x128xf32, #tpu.memory_space<hbm>>) dst(%dma_wait3A_259 : memref<48x128xf32, #tpu.memory_space<vmem>>)
    %dma_start3A_263 = arith.constant 1 : i32
    %dma_start3A_264 = arith.constant 0 : i32
    %dma_start3A_265 = arith.constant 0 : i32
    %dma_start3A_266 = tpu.memref_slice %arg8[%dma_start3A_263, %dma_start3A_264, %dma_start3A_265] : memref<4x48x128xf32, #tpu.memory_space<vmem>> -> memref<1x48x128xf32, #tpu.memory_space<vmem>>
    %dma_start3A_267 = tpu.memref_squeeze %dma_start3A_266 : memref<1x48x128xf32, #tpu.memory_space<vmem>> -> memref<48x128xf32, #tpu.memory_space<vmem>>
    %dma_start3A_268 = arith.constant 9840 : i32
    %dma_start3A_269 = tpu.memref_slice %arg6[%dma_start3A_268] : memref<10000xi32, #tpu.memory_space<vmem>> -> memref<48xi32, #tpu.memory_space<vmem>>
    %dma_start3A_270 = arith.constant 0 : i32
    %dma_start3A_271 = arith.constant 0 : i32
    %dma_start3A_272 = tpu.memref_slice %arg2[%dma_start3A_270, %dma_start3A_271] : memref<10000x128xf32, #tpu.memory_space<hbm>> -> memref<10000x128xf32, #tpu.memory_space<hbm>>
    tpu.enqueue_indirect_dma source(%dma_start3A_272 : memref<10000x128xf32, #tpu.memory_space<hbm>>) target(%dma_start3A_267 : memref<48x128xf32, #tpu.memory_space<vmem>>) offsets(%dma_start3A_269 : memref<48xi32, #tpu.memory_space<vmem>>) semaphore(%arg11 : memref<!tpu.dma_semaphore, #tpu.memory_space<semaphore_mem>>)
    %get3A_273 = arith.constant 9696 : index
    %get3A_274 = tpu.vector_load %arg7[%get3A_273] {strides = array<i32>} : memref<10000xi32, #tpu.memory_space<vmem>>, vector<16xi32>,
    %get3A_275 = vector.shape_cast %get3A_274 : vector<16xi32> to vector<16xi32>
    %dma_start3A_276 = arith.constant 2 : i32
    %dma_start3A_277 = arith.constant 0 : i32
    %dma_start3A_278 = arith.constant 0 : i32
    %dma_start3A_279 = tpu.memref_slice %arg8[%dma_start3A_276, %dma_start3A_277, %dma_start3A_278] : memref<4x48x128xf32, #tpu.memory_space<vmem>> -> memref<1x16x128xf32, #tpu.memory_space<vmem>>
    %dma_start3A_280 = tpu.memref_squeeze %dma_start3A_279 : memref<1x16x128xf32, #tpu.memory_space<vmem>> -> memref<16x128xf32, #tpu.memory_space<vmem>>
    %dma_start3A_281 = arith.constant 0 : i32
    %dma_start3A_282 = arith.constant 0 : i32
    %dma_start3A_283 = tpu.memref_slice %arg9[%dma_start3A_281, %dma_start3A_282] : memref<10240x128xf32, #tpu.memory_space<vmem_shared>> -> memref<10240x128xf32, #tpu.memory_space<vmem_shared>>
    tpu.enqueue_indirect_dma source(%dma_start3A_280 : memref<16x128xf32, #tpu.memory_space<vmem>>) target(%dma_start3A_283 : memref<10240x128xf32, #tpu.memory_space<vmem_shared>>) offsets(%get3A_275 : vector<16xi32>) semaphore(%arg14 : memref<!tpu.dma_semaphore, #tpu.memory_space<semaphore_mem>>) {add = true}
    %get3A_284 = arith.constant 9712 : index
    %get3A_285 = tpu.vector_load %arg7[%get3A_284] {strides = array<i32>} : memref<10000xi32, #tpu.memory_space<vmem>>, vector<16xi32>,
    %get3A_286 = vector.shape_cast %get3A_285 : vector<16xi32> to vector<16xi32>
    %dma_start3A_287 = arith.constant 2 : i32
    %dma_start3A_288 = arith.constant 16 : i32
    %dma_start3A_289 = arith.constant 0 : i32
    %dma_start3A_290 = tpu.memref_slice %arg8[%dma_start3A_287, %dma_start3A_288, %dma_start3A_289] : memref<4x48x128xf32, #tpu.memory_space<vmem>> -> memref<1x16x128xf32, #tpu.memory_space<vmem>>
    %dma_start3A_291 = tpu.memref_squeeze %dma_start3A_290 : memref<1x16x128xf32, #tpu.memory_space<vmem>> -> memref<16x128xf32, #tpu.memory_space<vmem>>
    %dma_start3A_292 = arith.constant 0 : i32
    %dma_start3A_293 = arith.constant 0 : i32
    %dma_start3A_294 = tpu.memref_slice %arg9[%dma_start3A_292, %dma_start3A_293] : memref<10240x128xf32, #tpu.memory_space<vmem_shared>> -> memref<10240x128xf32, #tpu.memory_space<vmem_shared>>
    tpu.enqueue_indirect_dma source(%dma_start3A_291 : memref<16x128xf32, #tpu.memory_space<vmem>>) target(%dma_start3A_294 : memref<10240x128xf32, #tpu.memory_space<vmem_shared>>) offsets(%get3A_286 : vector<16xi32>) semaphore(%arg14 : memref<!tpu.dma_semaphore, #tpu.memory_space<semaphore_mem>>) {add = true}
    %get3A_295 = arith.constant 9728 : index
    %get3A_296 = tpu.vector_load %arg7[%get3A_295] {strides = array<i32>} : memref<10000xi32, #tpu.memory_space<vmem>>, vector<16xi32>,
    %get3A_297 = vector.shape_cast %get3A_296 : vector<16xi32> to vector<16xi32>
    %dma_start3A_298 = arith.constant 2 : i32
    %dma_start3A_299 = arith.constant 32 : i32
    %dma_start3A_300 = arith.constant 0 : i32
    %dma_start3A_301 = tpu.memref_slice %arg8[%dma_start3A_298, %dma_start3A_299, %dma_start3A_300] : memref<4x48x128xf32, #tpu.memory_space<vmem>> -> memref<1x16x128xf32, #tpu.memory_space<vmem>>
    %dma_start3A_302 = tpu.memref_squeeze %dma_start3A_301 : memref<1x16x128xf32, #tpu.memory_space<vmem>> -> memref<16x128xf32, #tpu.memory_space<vmem>>
    %dma_start3A_303 = arith.constant 0 : i32
    %dma_start3A_304 = arith.constant 0 : i32
    %dma_start3A_305 = tpu.memref_slice %arg9[%dma_start3A_303, %dma_start3A_304] : memref<10240x128xf32, #tpu.memory_space<vmem_shared>> -> memref<10240x128xf32, #tpu.memory_space<vmem_shared>>
    tpu.enqueue_indirect_dma source(%dma_start3A_302 : memref<16x128xf32, #tpu.memory_space<vmem>>) target(%dma_start3A_305 : memref<10240x128xf32, #tpu.memory_space<vmem_shared>>) offsets(%get3A_297 : vector<16xi32>) semaphore(%arg14 : memref<!tpu.dma_semaphore, #tpu.memory_space<semaphore_mem>>) {add = true}
    %dma_wait3A_306 = arith.constant 3 : i32
    %dma_wait3A_307 = arith.constant 0 : i32
    %dma_wait3A_308 = arith.constant 0 : i32
    %dma_wait3A_309 = tpu.memref_slice %arg8[%dma_wait3A_306, %dma_wait3A_307, %dma_wait3A_308] : memref<4x48x128xf32, #tpu.memory_space<vmem>> -> memref<1x48x128xf32, #tpu.memory_space<vmem>>
    %dma_wait3A_310 = tpu.memref_squeeze %dma_wait3A_309 : memref<1x48x128xf32, #tpu.memory_space<vmem>> -> memref<48x128xf32, #tpu.memory_space<vmem>>
    %dma_wait3A_311 = arith.constant 0 : i32
    %dma_wait3A_312 = arith.constant 0 : i32
    %dma_wait3A_313 = tpu.memref_slice %arg2[%dma_wait3A_311, %dma_wait3A_312] : memref<10000x128xf32, #tpu.memory_space<hbm>> -> memref<48x128xf32, #tpu.memory_space<hbm>>
    %dma_wait3A_314 = arith.constant 0 : i32
    %dma_wait3A_315 = arith.constant 0 : i32
    %dma_wait3A_316 = tpu.memref_slice %arg8[%dma_wait3A_306, %dma_wait3A_314, %dma_wait3A_315] : memref<4x48x128xf32, #tpu.memory_space<vmem>> -> memref<1x48x128xf32, #tpu.memory_space<vmem>>
    %dma_wait3A_317 = tpu.memref_squeeze %dma_wait3A_316 : memref<1x48x128xf32, #tpu.memory_space<vmem>> -> memref<48x128xf32, #tpu.memory_space<vmem>>
    %dma_wait3A_318 = arith.constant 0 : i32
    %dma_wait3A_319 = arith.constant 0 : i32
    %dma_wait3A_320 = tpu.memref_slice %arg2[%dma_wait3A_318, %dma_wait3A_319] : memref<10000x128xf32, #tpu.memory_space<hbm>> -> memref<48x128xf32, #tpu.memory_space<hbm>>
    tpu.wait_dma2 semaphore(%arg13 : memref<!tpu.dma_semaphore, #tpu.memory_space<semaphore_mem>>) src(%dma_wait3A_320 : memref<48x128xf32, #tpu.memory_space<hbm>>) dst(%dma_wait3A_317 : memref<48x128xf32, #tpu.memory_space<vmem>>)
    %dma_wait3A_321 = arith.constant 0 : i32
    %dma_wait3A_322 = arith.constant 0 : i32
    %dma_wait3A_323 = arith.constant 0 : i32
    %dma_wait3A_324 = tpu.memref_slice %arg8[%dma_wait3A_321, %dma_wait3A_322, %dma_wait3A_323] : memref<4x48x128xf32, #tpu.memory_space<vmem>> -> memref<1x48x128xf32, #tpu.memory_space<vmem>>
    %dma_wait3A_325 = tpu.memref_squeeze %dma_wait3A_324 : memref<1x48x128xf32, #tpu.memory_space<vmem>> -> memref<48x128xf32, #tpu.memory_space<vmem>>
    %dma_wait3A_326 = arith.constant 0 : i32
    %dma_wait3A_327 = arith.constant 0 : i32
    %dma_wait3A_328 = tpu.memref_slice %arg2[%dma_wait3A_326, %dma_wait3A_327] : memref<10000x128xf32, #tpu.memory_space<hbm>> -> memref<48x128xf32, #tpu.memory_space<hbm>>
    %dma_wait3A_329 = arith.constant 0 : i32
    %dma_wait3A_330 = arith.constant 0 : i32
    %dma_wait3A_331 = tpu.memref_slice %arg8[%dma_wait3A_321, %dma_wait3A_329, %dma_wait3A_330] : memref<4x48x128xf32, #tpu.memory_space<vmem>> -> memref<1x48x128xf32, #tpu.memory_space<vmem>>
    %dma_wait3A_332 = tpu.memref_squeeze %dma_wait3A_331 : memref<1x48x128xf32, #tpu.memory_space<vmem>> -> memref<48x128xf32, #tpu.memory_space<vmem>>
    %dma_wait3A_333 = arith.constant 0 : i32
    %dma_wait3A_334 = arith.constant 0 : i32
    %dma_wait3A_335 = tpu.memref_slice %arg2[%dma_wait3A_333, %dma_wait3A_334] : memref<10000x128xf32, #tpu.memory_space<hbm>> -> memref<48x128xf32, #tpu.memory_space<hbm>>
    tpu.wait_dma2 semaphore(%arg14 : memref<!tpu.dma_semaphore, #tpu.memory_space<semaphore_mem>>) src(%dma_wait3A_335 : memref<48x128xf32, #tpu.memory_space<hbm>>) dst(%dma_wait3A_332 : memref<48x128xf32, #tpu.memory_space<vmem>>)
    %dma_start3A_336 = arith.constant 2 : i32
    %dma_start3A_337 = arith.constant 0 : i32
    %dma_start3A_338 = arith.constant 0 : i32
    %dma_start3A_339 = tpu.memref_slice %arg8[%dma_start3A_336, %dma_start3A_337, %dma_start3A_338] : memref<4x48x128xf32, #tpu.memory_space<vmem>> -> memref<1x48x128xf32, #tpu.memory_space<vmem>>
    %dma_start3A_340 = tpu.memref_squeeze %dma_start3A_339 : memref<1x48x128xf32, #tpu.memory_space<vmem>> -> memref<48x128xf32, #tpu.memory_space<vmem>>
    %dma_start3A_341 = arith.constant 9888 : i32
    %dma_start3A_342 = tpu.memref_slice %arg6[%dma_start3A_341] : memref<10000xi32, #tpu.memory_space<vmem>> -> memref<48xi32, #tpu.memory_space<vmem>>
    %dma_start3A_343 = arith.constant 0 : i32
    %dma_start3A_344 = arith.constant 0 : i32
    %dma_start3A_345 = tpu.memref_slice %arg2[%dma_start3A_343, %dma_start3A_344] : memref<10000x128xf32, #tpu.memory_space<hbm>> -> memref<10000x128xf32, #tpu.memory_space<hbm>>
    tpu.enqueue_indirect_dma source(%dma_start3A_345 : memref<10000x128xf32, #tpu.memory_space<hbm>>) target(%dma_start3A_340 : memref<48x128xf32, #tpu.memory_space<vmem>>) offsets(%dma_start3A_342 : memref<48xi32, #tpu.memory_space<vmem>>) semaphore(%arg12 : memref<!tpu.dma_semaphore, #tpu.memory_space<semaphore_mem>>)
    %get3A_346 = arith.constant 9744 : index
    %get3A_347 = tpu.vector_load %arg7[%get3A_346] {strides = array<i32>} : memref<10000xi32, #tpu.memory_space<vmem>>, vector<16xi32>,
    %get3A_348 = vector.shape_cast %get3A_347 : vector<16xi32> to vector<16xi32>
    %dma_start3A_349 = arith.constant 3 : i32
    %dma_start3A_350 = arith.constant 0 : i32
    %dma_start3A_351 = arith.constant 0 : i32
    %dma_start3A_352 = tpu.memref_slice %arg8[%dma_start3A_349, %dma_start3A_350, %dma_start3A_351] : memref<4x48x128xf32, #tpu.memory_space<vmem>> -> memref<1x16x128xf32, #tpu.memory_space<vmem>>
    %dma_start3A_353 = tpu.memref_squeeze %dma_start3A_352 : memref<1x16x128xf32, #tpu.memory_space<vmem>> -> memref<16x128xf32, #tpu.memory_space<vmem>>
    %dma_start3A_354 = arith.constant 0 : i32
    %dma_start3A_355 = arith.constant 0 : i32
    %dma_start3A_356 = tpu.memref_slice %arg9[%dma_start3A_354, %dma_start3A_355] : memref<10240x128xf32, #tpu.memory_space<vmem_shared>> -> memref<10240x128xf32, #tpu.memory_space<vmem_shared>>
    tpu.enqueue_indirect_dma source(%dma_start3A_353 : memref<16x128xf32, #tpu.memory_space<vmem>>) target(%dma_start3A_356 : memref<10240x128xf32, #tpu.memory_space<vmem_shared>>) offsets(%get3A_348 : vector<16xi32>) semaphore(%arg14 : memref<!tpu.dma_semaphore, #tpu.memory_space<semaphore_mem>>) {add = true}
    %get3A_357 = arith.constant 9760 : index
    %get3A_358 = tpu.vector_load %arg7[%get3A_357] {strides = array<i32>} : memref<10000xi32, #tpu.memory_space<vmem>>, vector<16xi32>,
    %get3A_359 = vector.shape_cast %get3A_358 : vector<16xi32> to vector<16xi32>
    %dma_start3A_360 = arith.constant 3 : i32
    %dma_start3A_361 = arith.constant 16 : i32
    %dma_start3A_362 = arith.constant 0 : i32
    %dma_start3A_363 = tpu.memref_slice %arg8[%dma_start3A_360, %dma_start3A_361, %dma_start3A_362] : memref<4x48x128xf32, #tpu.memory_space<vmem>> -> memref<1x16x128xf32, #tpu.memory_space<vmem>>
    %dma_start3A_364 = tpu.memref_squeeze %dma_start3A_363 : memref<1x16x128xf32, #tpu.memory_space<vmem>> -> memref<16x128xf32, #tpu.memory_space<vmem>>
    %dma_start3A_365 = arith.constant 0 : i32
    %dma_start3A_366 = arith.constant 0 : i32
    %dma_start3A_367 = tpu.memref_slice %arg9[%dma_start3A_365, %dma_start3A_366] : memref<10240x128xf32, #tpu.memory_space<vmem_shared>> -> memref<10240x128xf32, #tpu.memory_space<vmem_shared>>
    tpu.enqueue_indirect_dma source(%dma_start3A_364 : memref<16x128xf32, #tpu.memory_space<vmem>>) target(%dma_start3A_367 : memref<10240x128xf32, #tpu.memory_space<vmem_shared>>) offsets(%get3A_359 : vector<16xi32>) semaphore(%arg14 : memref<!tpu.dma_semaphore, #tpu.memory_space<semaphore_mem>>) {add = true}
    %get3A_368 = arith.constant 9776 : index
    %get3A_369 = tpu.vector_load %arg7[%get3A_368] {strides = array<i32>} : memref<10000xi32, #tpu.memory_space<vmem>>, vector<16xi32>,
    %get3A_370 = vector.shape_cast %get3A_369 : vector<16xi32> to vector<16xi32>
    %dma_start3A_371 = arith.constant 3 : i32
    %dma_start3A_372 = arith.constant 32 : i32
    %dma_start3A_373 = arith.constant 0 : i32
    %dma_start3A_374 = tpu.memref_slice %arg8[%dma_start3A_371, %dma_start3A_372, %dma_start3A_373] : memref<4x48x128xf32, #tpu.memory_space<vmem>> -> memref<1x16x128xf32, #tpu.memory_space<vmem>>
    %dma_start3A_375 = tpu.memref_squeeze %dma_start3A_374 : memref<1x16x128xf32, #tpu.memory_space<vmem>> -> memref<16x128xf32, #tpu.memory_space<vmem>>
    %dma_start3A_376 = arith.constant 0 : i32
    %dma_start3A_377 = arith.constant 0 : i32
    %dma_start3A_378 = tpu.memref_slice %arg9[%dma_start3A_376, %dma_start3A_377] : memref<10240x128xf32, #tpu.memory_space<vmem_shared>> -> memref<10240x128xf32, #tpu.memory_space<vmem_shared>>
    tpu.enqueue_indirect_dma source(%dma_start3A_375 : memref<16x128xf32, #tpu.memory_space<vmem>>) target(%dma_start3A_378 : memref<10240x128xf32, #tpu.memory_space<vmem_shared>>) offsets(%get3A_370 : vector<16xi32>) semaphore(%arg14 : memref<!tpu.dma_semaphore, #tpu.memory_space<semaphore_mem>>) {add = true}
    %dma_wait3A_379 = arith.constant 0 : i32
    %dma_wait3A_380 = arith.constant 0 : i32
    %dma_wait3A_381 = arith.constant 0 : i32
    %dma_wait3A_382 = tpu.memref_slice %arg8[%dma_wait3A_379, %dma_wait3A_380, %dma_wait3A_381] : memref<4x48x128xf32, #tpu.memory_space<vmem>> -> memref<1x48x128xf32, #tpu.memory_space<vmem>>
    %dma_wait3A_383 = tpu.memref_squeeze %dma_wait3A_382 : memref<1x48x128xf32, #tpu.memory_space<vmem>> -> memref<48x128xf32, #tpu.memory_space<vmem>>
    %dma_wait3A_384 = arith.constant 0 : i32
    %dma_wait3A_385 = arith.constant 0 : i32
    %dma_wait3A_386 = tpu.memref_slice %arg2[%dma_wait3A_384, %dma_wait3A_385] : memref<10000x128xf32, #tpu.memory_space<hbm>> -> memref<48x128xf32, #tpu.memory_space<hbm>>
    %dma_wait3A_387 = arith.constant 0 : i32
    %dma_wait3A_388 = arith.constant 0 : i32
    %dma_wait3A_389 = tpu.memref_slice %arg8[%dma_wait3A_379, %dma_wait3A_387, %dma_wait3A_388] : memref<4x48x128xf32, #tpu.memory_space<vmem>> -> memref<1x48x128xf32, #tpu.memory_space<vmem>>
    %dma_wait3A_390 = tpu.memref_squeeze %dma_wait3A_389 : memref<1x48x128xf32, #tpu.memory_space<vmem>> -> memref<48x128xf32, #tpu.memory_space<vmem>>
    %dma_wait3A_391 = arith.constant 0 : i32
    %dma_wait3A_392 = arith.constant 0 : i32
    %dma_wait3A_393 = tpu.memref_slice %arg2[%dma_wait3A_391, %dma_wait3A_392] : memref<10000x128xf32, #tpu.memory_space<hbm>> -> memref<48x128xf32, #tpu.memory_space<hbm>>
    tpu.wait_dma2 semaphore(%arg10 : memref<!tpu.dma_semaphore, #tpu.memory_space<semaphore_mem>>) src(%dma_wait3A_393 : memref<48x128xf32, #tpu.memory_space<hbm>>) dst(%dma_wait3A_390 : memref<48x128xf32, #tpu.memory_space<vmem>>)
    %dma_wait3A_394 = arith.constant 0 : i32
    %dma_wait3A_395 = arith.constant 0 : i32
    %dma_wait3A_396 = arith.constant 0 : i32
    %dma_wait3A_397 = tpu.memref_slice %arg8[%dma_wait3A_394, %dma_wait3A_395, %dma_wait3A_396] : memref<4x48x128xf32, #tpu.memory_space<vmem>> -> memref<1x48x128xf32, #tpu.memory_space<vmem>>
    %dma_wait3A_398 = tpu.memref_squeeze %dma_wait3A_397 : memref<1x48x128xf32, #tpu.memory_space<vmem>> -> memref<48x128xf32, #tpu.memory_space<vmem>>
    %dma_wait3A_399 = arith.constant 0 : i32
    %dma_wait3A_400 = arith.constant 0 : i32
    %dma_wait3A_401 = tpu.memref_slice %arg2[%dma_wait3A_399, %dma_wait3A_400] : memref<10000x128xf32, #tpu.memory_space<hbm>> -> memref<48x128xf32, #tpu.memory_space<hbm>>
    %dma_wait3A_402 = arith.constant 0 : i32
    %dma_wait3A_403 = arith.constant 0 : i32
    %dma_wait3A_404 = tpu.memref_slice %arg8[%dma_wait3A_394, %dma_wait3A_402, %dma_wait3A_403] : memref<4x48x128xf32, #tpu.memory_space<vmem>> -> memref<1x48x128xf32, #tpu.memory_space<vmem>>
    %dma_wait3A_405 = tpu.memref_squeeze %dma_wait3A_404 : memref<1x48x128xf32, #tpu.memory_space<vmem>> -> memref<48x128xf32, #tpu.memory_space<vmem>>
    %dma_wait3A_406 = arith.constant 0 : i32
    %dma_wait3A_407 = arith.constant 0 : i32
    %dma_wait3A_408 = tpu.memref_slice %arg2[%dma_wait3A_406, %dma_wait3A_407] : memref<10000x128xf32, #tpu.memory_space<hbm>> -> memref<48x128xf32, #tpu.memory_space<hbm>>
    tpu.wait_dma2 semaphore(%arg14 : memref<!tpu.dma_semaphore, #tpu.memory_space<semaphore_mem>>) src(%dma_wait3A_408 : memref<48x128xf32, #tpu.memory_space<hbm>>) dst(%dma_wait3A_405 : memref<48x128xf32, #tpu.memory_space<vmem>>)
    %dma_start3A_409 = arith.constant 3 : i32
    %dma_start3A_410 = arith.constant 0 : i32
    %dma_start3A_411 = arith.constant 0 : i32
    %dma_start3A_412 = tpu.memref_slice %arg8[%dma_start3A_409, %dma_start3A_410, %dma_start3A_411] : memref<4x48x128xf32, #tpu.memory_space<vmem>> -> memref<1x48x128xf32, #tpu.memory_space<vmem>>
    %dma_start3A_413 = tpu.memref_squeeze %dma_start3A_412 : memref<1x48x128xf32, #tpu.memory_space<vmem>> -> memref<48x128xf32, #tpu.memory_space<vmem>>
    %dma_start3A_414 = arith.constant 9936 : i32
    %dma_start3A_415 = tpu.memref_slice %arg6[%dma_start3A_414] : memref<10000xi32, #tpu.memory_space<vmem>> -> memref<48xi32, #tpu.memory_space<vmem>>
    %dma_start3A_416 = arith.constant 0 : i32
    %dma_start3A_417 = arith.constant 0 : i32
    %dma_start3A_418 = tpu.memref_slice %arg2[%dma_start3A_416, %dma_start3A_417] : memref<10000x128xf32, #tpu.memory_space<hbm>> -> memref<10000x128xf32, #tpu.memory_space<hbm>>
    tpu.enqueue_indirect_dma source(%dma_start3A_418 : memref<10000x128xf32, #tpu.memory_space<hbm>>) target(%dma_start3A_413 : memref<48x128xf32, #tpu.memory_space<vmem>>) offsets(%dma_start3A_415 : memref<48xi32, #tpu.memory_space<vmem>>) semaphore(%arg13 : memref<!tpu.dma_semaphore, #tpu.memory_space<semaphore_mem>>)
    %get3A_419 = arith.constant 9792 : index
    %get3A_420 = tpu.vector_load %arg7[%get3A_419] {strides = array<i32>} : memref<10000xi32, #tpu.memory_space<vmem>>, vector<16xi32>,
    %get3A_421 = vector.shape_cast %get3A_420 : vector<16xi32> to vector<16xi32>
    %dma_start3A_422 = arith.constant 0 : i32
    %dma_start3A_423 = arith.constant 0 : i32
    %dma_start3A_424 = arith.constant 0 : i32
    %dma_start3A_425 = tpu.memref_slice %arg8[%dma_start3A_422, %dma_start3A_423, %dma_start3A_424] : memref<4x48x128xf32, #tpu.memory_space<vmem>> -> memref<1x16x128xf32, #tpu.memory_space<vmem>>
    %dma_start3A_426 = tpu.memref_squeeze %dma_start3A_425 : memref<1x16x128xf32, #tpu.memory_space<vmem>> -> memref<16x128xf32, #tpu.memory_space<vmem>>
    %dma_start3A_427 = arith.constant 0 : i32
    %dma_start3A_428 = arith.constant 0 : i32
    %dma_start3A_429 = tpu.memref_slice %arg9[%dma_start3A_427, %dma_start3A_428] : memref<10240x128xf32, #tpu.memory_space<vmem_shared>> -> memref<10240x128xf32, #tpu.memory_space<vmem_shared>>
    tpu.enqueue_indirect_dma source(%dma_start3A_426 : memref<16x128xf32, #tpu.memory_space<vmem>>) target(%dma_start3A_429 : memref<10240x128xf32, #tpu.memory_space<vmem_shared>>) offsets(%get3A_421 : vector<16xi32>) semaphore(%arg14 : memref<!tpu.dma_semaphore, #tpu.memory_space<semaphore_mem>>) {add = true}
    %get3A_430 = arith.constant 9808 : index
    %get3A_431 = tpu.vector_load %arg7[%get3A_430] {strides = array<i32>} : memref<10000xi32, #tpu.memory_space<vmem>>, vector<16xi32>,
    %get3A_432 = vector.shape_cast %get3A_431 : vector<16xi32> to vector<16xi32>
    %dma_start3A_433 = arith.constant 0 : i32
    %dma_start3A_434 = arith.constant 16 : i32
    %dma_start3A_435 = arith.constant 0 : i32
    %dma_start3A_436 = tpu.memref_slice %arg8[%dma_start3A_433, %dma_start3A_434, %dma_start3A_435] : memref<4x48x128xf32, #tpu.memory_space<vmem>> -> memref<1x16x128xf32, #tpu.memory_space<vmem>>
    %dma_start3A_437 = tpu.memref_squeeze %dma_start3A_436 : memref<1x16x128xf32, #tpu.memory_space<vmem>> -> memref<16x128xf32, #tpu.memory_space<vmem>>
    %dma_start3A_438 = arith.constant 0 : i32
    %dma_start3A_439 = arith.constant 0 : i32
    %dma_start3A_440 = tpu.memref_slice %arg9[%dma_start3A_438, %dma_start3A_439] : memref<10240x128xf32, #tpu.memory_space<vmem_shared>> -> memref<10240x128xf32, #tpu.memory_space<vmem_shared>>
    tpu.enqueue_indirect_dma source(%dma_start3A_437 : memref<16x128xf32, #tpu.memory_space<vmem>>) target(%dma_start3A_440 : memref<10240x128xf32, #tpu.memory_space<vmem_shared>>) offsets(%get3A_432 : vector<16xi32>) semaphore(%arg14 : memref<!tpu.dma_semaphore, #tpu.memory_space<semaphore_mem>>) {add = true}
    %get3A_441 = arith.constant 9824 : index
    %get3A_442 = tpu.vector_load %arg7[%get3A_441] {strides = array<i32>} : memref<10000xi32, #tpu.memory_space<vmem>>, vector<16xi32>,
    %get3A_443 = vector.shape_cast %get3A_442 : vector<16xi32> to vector<16xi32>
    %dma_start3A_444 = arith.constant 0 : i32
    %dma_start3A_445 = arith.constant 32 : i32
    %dma_start3A_446 = arith.constant 0 : i32
    %dma_start3A_447 = tpu.memref_slice %arg8[%dma_start3A_444, %dma_start3A_445, %dma_start3A_446] : memref<4x48x128xf32, #tpu.memory_space<vmem>> -> memref<1x16x128xf32, #tpu.memory_space<vmem>>
    %dma_start3A_448 = tpu.memref_squeeze %dma_start3A_447 : memref<1x16x128xf32, #tpu.memory_space<vmem>> -> memref<16x128xf32, #tpu.memory_space<vmem>>
    %dma_start3A_449 = arith.constant 0 : i32
    %dma_start3A_450 = arith.constant 0 : i32
    %dma_start3A_451 = tpu.memref_slice %arg9[%dma_start3A_449, %dma_start3A_450] : memref<10240x128xf32, #tpu.memory_space<vmem_shared>> -> memref<10240x128xf32, #tpu.memory_space<vmem_shared>>
    tpu.enqueue_indirect_dma source(%dma_start3A_448 : memref<16x128xf32, #tpu.memory_space<vmem>>) target(%dma_start3A_451 : memref<10240x128xf32, #tpu.memory_space<vmem_shared>>) offsets(%get3A_443 : vector<16xi32>) semaphore(%arg14 : memref<!tpu.dma_semaphore, #tpu.memory_space<semaphore_mem>>) {add = true}
    %dma_wait3A_452 = arith.constant 1 : i32
    %dma_wait3A_453 = arith.constant 0 : i32
    %dma_wait3A_454 = arith.constant 0 : i32
    %dma_wait3A_455 = tpu.memref_slice %arg8[%dma_wait3A_452, %dma_wait3A_453, %dma_wait3A_454] : memref<4x48x128xf32, #tpu.memory_space<vmem>> -> memref<1x48x128xf32, #tpu.memory_space<vmem>>
    %dma_wait3A_456 = tpu.memref_squeeze %dma_wait3A_455 : memref<1x48x128xf32, #tpu.memory_space<vmem>> -> memref<48x128xf32, #tpu.memory_space<vmem>>
    %dma_wait3A_457 = arith.constant 0 : i32
    %dma_wait3A_458 = arith.constant 0 : i32
    %dma_wait3A_459 = tpu.memref_slice %arg2[%dma_wait3A_457, %dma_wait3A_458] : memref<10000x128xf32, #tpu.memory_space<hbm>> -> memref<48x128xf32, #tpu.memory_space<hbm>>
    %dma_wait3A_460 = arith.constant 0 : i32
    %dma_wait3A_461 = arith.constant 0 : i32
    %dma_wait3A_462 = tpu.memref_slice %arg8[%dma_wait3A_452, %dma_wait3A_460, %dma_wait3A_461] : memref<4x48x128xf32, #tpu.memory_space<vmem>> -> memref<1x48x128xf32, #tpu.memory_space<vmem>>
    %dma_wait3A_463 = tpu.memref_squeeze %dma_wait3A_462 : memref<1x48x128xf32, #tpu.memory_space<vmem>> -> memref<48x128xf32, #tpu.memory_space<vmem>>
    %dma_wait3A_464 = arith.constant 0 : i32
    %dma_wait3A_465 = arith.constant 0 : i32
    %dma_wait3A_466 = tpu.memref_slice %arg2[%dma_wait3A_464, %dma_wait3A_465] : memref<10000x128xf32, #tpu.memory_space<hbm>> -> memref<48x128xf32, #tpu.memory_space<hbm>>
    tpu.wait_dma2 semaphore(%arg11 : memref<!tpu.dma_semaphore, #tpu.memory_space<semaphore_mem>>) src(%dma_wait3A_466 : memref<48x128xf32, #tpu.memory_space<hbm>>) dst(%dma_wait3A_463 : memref<48x128xf32, #tpu.memory_space<vmem>>)
    %dma_wait3A_467 = arith.constant 0 : i32
    %dma_wait3A_468 = arith.constant 0 : i32
    %dma_wait3A_469 = arith.constant 0 : i32
    %dma_wait3A_470 = tpu.memref_slice %arg8[%dma_wait3A_467, %dma_wait3A_468, %dma_wait3A_469] : memref<4x48x128xf32, #tpu.memory_space<vmem>> -> memref<1x48x128xf32, #tpu.memory_space<vmem>>
    %dma_wait3A_471 = tpu.memref_squeeze %dma_wait3A_470 : memref<1x48x128xf32, #tpu.memory_space<vmem>> -> memref<48x128xf32, #tpu.memory_space<vmem>>
    %dma_wait3A_472 = arith.constant 0 : i32
    %dma_wait3A_473 = arith.constant 0 : i32
    %dma_wait3A_474 = tpu.memref_slice %arg2[%dma_wait3A_472, %dma_wait3A_473] : memref<10000x128xf32, #tpu.memory_space<hbm>> -> memref<48x128xf32, #tpu.memory_space<hbm>>
    %dma_wait3A_475 = arith.constant 0 : i32
    %dma_wait3A_476 = arith.constant 0 : i32
    %dma_wait3A_477 = tpu.memref_slice %arg8[%dma_wait3A_467, %dma_wait3A_475, %dma_wait3A_476] : memref<4x48x128xf32, #tpu.memory_space<vmem>> -> memref<1x48x128xf32, #tpu.memory_space<vmem>>
    %dma_wait3A_478 = tpu.memref_squeeze %dma_wait3A_477 : memref<1x48x128xf32, #tpu.memory_space<vmem>> -> memref<48x128xf32, #tpu.memory_space<vmem>>
    %dma_wait3A_479 = arith.constant 0 : i32
    %dma_wait3A_480 = arith.constant 0 : i32
    %dma_wait3A_481 = tpu.memref_slice %arg2[%dma_wait3A_479, %dma_wait3A_480] : memref<10000x128xf32, #tpu.memory_space<hbm>> -> memref<48x128xf32, #tpu.memory_space<hbm>>
    tpu.wait_dma2 semaphore(%arg14 : memref<!tpu.dma_semaphore, #tpu.memory_space<semaphore_mem>>) src(%dma_wait3A_481 : memref<48x128xf32, #tpu.memory_space<hbm>>) dst(%dma_wait3A_478 : memref<48x128xf32, #tpu.memory_space<vmem>>)
    %dma_start3A_482 = arith.constant 0 : i32
    %dma_start3A_483 = arith.constant 0 : i32
    %dma_start3A_484 = arith.constant 0 : i32
    %dma_start3A_485 = tpu.memref_slice %arg8[%dma_start3A_482, %dma_start3A_483, %dma_start3A_484] : memref<4x48x128xf32, #tpu.memory_space<vmem>> -> memref<1x16x128xf32, #tpu.memory_space<vmem>>
    %dma_start3A_486 = tpu.memref_squeeze %dma_start3A_485 : memref<1x16x128xf32, #tpu.memory_space<vmem>> -> memref<16x128xf32, #tpu.memory_space<vmem>>
    %dma_start3A_487 = arith.constant 9984 : i32
    %dma_start3A_488 = tpu.memref_slice %arg6[%dma_start3A_487] : memref<10000xi32, #tpu.memory_space<vmem>> -> memref<16xi32, #tpu.memory_space<vmem>>
    %dma_start3A_489 = arith.constant 0 : i32
    %dma_start3A_490 = arith.constant 0 : i32
    %dma_start3A_491 = tpu.memref_slice %arg2[%dma_start3A_489, %dma_start3A_490] : memref<10000x128xf32, #tpu.memory_space<hbm>> -> memref<10000x128xf32, #tpu.memory_space<hbm>>
    tpu.enqueue_indirect_dma source(%dma_start3A_491 : memref<10000x128xf32, #tpu.memory_space<hbm>>) target(%dma_start3A_486 : memref<16x128xf32, #tpu.memory_space<vmem>>) offsets(%dma_start3A_488 : memref<16xi32, #tpu.memory_space<vmem>>) semaphore(%arg10 : memref<!tpu.dma_semaphore, #tpu.memory_space<semaphore_mem>>)
    %get3A_492 = arith.constant 9840 : index
    %get3A_493 = tpu.vector_load %arg7[%get3A_492] {strides = array<i32>} : memref<10000xi32, #tpu.memory_space<vmem>>, vector<16xi32>,
    %get3A_494 = vector.shape_cast %get3A_493 : vector<16xi32> to vector<16xi32>
    %dma_start3A_495 = arith.constant 1 : i32
    %dma_start3A_496 = arith.constant 0 : i32
    %dma_start3A_497 = arith.constant 0 : i32
    %dma_start3A_498 = tpu.memref_slice %arg8[%dma_start3A_495, %dma_start3A_496, %dma_start3A_497] : memref<4x48x128xf32, #tpu.memory_space<vmem>> -> memref<1x16x128xf32, #tpu.memory_space<vmem>>
    %dma_start3A_499 = tpu.memref_squeeze %dma_start3A_498 : memref<1x16x128xf32, #tpu.memory_space<vmem>> -> memref<16x128xf32, #tpu.memory_space<vmem>>
    %dma_start3A_500 = arith.constant 0 : i32
    %dma_start3A_501 = arith.constant 0 : i32
    %dma_start3A_502 = tpu.memref_slice %arg9[%dma_start3A_500, %dma_start3A_501] : memref<10240x128xf32, #tpu.memory_space<vmem_shared>> -> memref<10240x128xf32, #tpu.memory_space<vmem_shared>>
    tpu.enqueue_indirect_dma source(%dma_start3A_499 : memref<16x128xf32, #tpu.memory_space<vmem>>) target(%dma_start3A_502 : memref<10240x128xf32, #tpu.memory_space<vmem_shared>>) offsets(%get3A_494 : vector<16xi32>) semaphore(%arg14 : memref<!tpu.dma_semaphore, #tpu.memory_space<semaphore_mem>>) {add = true}
    %get3A_503 = arith.constant 9856 : index
    %get3A_504 = tpu.vector_load %arg7[%get3A_503] {strides = array<i32>} : memref<10000xi32, #tpu.memory_space<vmem>>, vector<16xi32>,
    %get3A_505 = vector.shape_cast %get3A_504 : vector<16xi32> to vector<16xi32>
    %dma_start3A_506 = arith.constant 1 : i32
    %dma_start3A_507 = arith.constant 16 : i32
    %dma_start3A_508 = arith.constant 0 : i32
    %dma_start3A_509 = tpu.memref_slice %arg8[%dma_start3A_506, %dma_start3A_507, %dma_start3A_508] : memref<4x48x128xf32, #tpu.memory_space<vmem>> -> memref<1x16x128xf32, #tpu.memory_space<vmem>>
    %dma_start3A_510 = tpu.memref_squeeze %dma_start3A_509 : memref<1x16x128xf32, #tpu.memory_space<vmem>> -> memref<16x128xf32, #tpu.memory_space<vmem>>
    %dma_start3A_511 = arith.constant 0 : i32
    %dma_start3A_512 = arith.constant 0 : i32
    %dma_start3A_513 = tpu.memref_slice %arg9[%dma_start3A_511, %dma_start3A_512] : memref<10240x128xf32, #tpu.memory_space<vmem_shared>> -> memref<10240x128xf32, #tpu.memory_space<vmem_shared>>
    tpu.enqueue_indirect_dma source(%dma_start3A_510 : memref<16x128xf32, #tpu.memory_space<vmem>>) target(%dma_start3A_513 : memref<10240x128xf32, #tpu.memory_space<vmem_shared>>) offsets(%get3A_505 : vector<16xi32>) semaphore(%arg14 : memref<!tpu.dma_semaphore, #tpu.memory_space<semaphore_mem>>) {add = true}
    %get3A_514 = arith.constant 9872 : index
    %get3A_515 = tpu.vector_load %arg7[%get3A_514] {strides = array<i32>} : memref<10000xi32, #tpu.memory_space<vmem>>, vector<16xi32>,
    %get3A_516 = vector.shape_cast %get3A_515 : vector<16xi32> to vector<16xi32>
    %dma_start3A_517 = arith.constant 1 : i32
    %dma_start3A_518 = arith.constant 32 : i32
    %dma_start3A_519 = arith.constant 0 : i32
    %dma_start3A_520 = tpu.memref_slice %arg8[%dma_start3A_517, %dma_start3A_518, %dma_start3A_519] : memref<4x48x128xf32, #tpu.memory_space<vmem>> -> memref<1x16x128xf32, #tpu.memory_space<vmem>>
    %dma_start3A_521 = tpu.memref_squeeze %dma_start3A_520 : memref<1x16x128xf32, #tpu.memory_space<vmem>> -> memref<16x128xf32, #tpu.memory_space<vmem>>
    %dma_start3A_522 = arith.constant 0 : i32
    %dma_start3A_523 = arith.constant 0 : i32
    %dma_start3A_524 = tpu.memref_slice %arg9[%dma_start3A_522, %dma_start3A_523] : memref<10240x128xf32, #tpu.memory_space<vmem_shared>> -> memref<10240x128xf32, #tpu.memory_space<vmem_shared>>
    tpu.enqueue_indirect_dma source(%dma_start3A_521 : memref<16x128xf32, #tpu.memory_space<vmem>>) target(%dma_start3A_524 : memref<10240x128xf32, #tpu.memory_space<vmem_shared>>) offsets(%get3A_516 : vector<16xi32>) semaphore(%arg14 : memref<!tpu.dma_semaphore, #tpu.memory_space<semaphore_mem>>) {add = true}
    %dma_wait3A_525 = arith.constant 2 : i32
    %dma_wait3A_526 = arith.constant 0 : i32
    %dma_wait3A_527 = arith.constant 0 : i32
    %dma_wait3A_528 = tpu.memref_slice %arg8[%dma_wait3A_525, %dma_wait3A_526, %dma_wait3A_527] : memref<4x48x128xf32, #tpu.memory_space<vmem>> -> memref<1x48x128xf32, #tpu.memory_space<vmem>>
    %dma_wait3A_529 = tpu.memref_squeeze %dma_wait3A_528 : memref<1x48x128xf32, #tpu.memory_space<vmem>> -> memref<48x128xf32, #tpu.memory_space<vmem>>
    %dma_wait3A_530 = arith.constant 0 : i32
    %dma_wait3A_531 = arith.constant 0 : i32
    %dma_wait3A_532 = tpu.memref_slice %arg2[%dma_wait3A_530, %dma_wait3A_531] : memref<10000x128xf32, #tpu.memory_space<hbm>> -> memref<48x128xf32, #tpu.memory_space<hbm>>
    %dma_wait3A_533 = arith.constant 0 : i32
    %dma_wait3A_534 = arith.constant 0 : i32
    %dma_wait3A_535 = tpu.memref_slice %arg8[%dma_wait3A_525, %dma_wait3A_533, %dma_wait3A_534] : memref<4x48x128xf32, #tpu.memory_space<vmem>> -> memref<1x48x128xf32, #tpu.memory_space<vmem>>
    %dma_wait3A_536 = tpu.memref_squeeze %dma_wait3A_535 : memref<1x48x128xf32, #tpu.memory_space<vmem>> -> memref<48x128xf32, #tpu.memory_space<vmem>>
    %dma_wait3A_537 = arith.constant 0 : i32
    %dma_wait3A_538 = arith.constant 0 : i32
    %dma_wait3A_539 = tpu.memref_slice %arg2[%dma_wait3A_537, %dma_wait3A_538] : memref<10000x128xf32, #tpu.memory_space<hbm>> -> memref<48x128xf32, #tpu.memory_space<hbm>>
    tpu.wait_dma2 semaphore(%arg12 : memref<!tpu.dma_semaphore, #tpu.memory_space<semaphore_mem>>) src(%dma_wait3A_539 : memref<48x128xf32, #tpu.memory_space<hbm>>) dst(%dma_wait3A_536 : memref<48x128xf32, #tpu.memory_space<vmem>>)
    %dma_wait3A_540 = arith.constant 0 : i32
    %dma_wait3A_541 = arith.constant 0 : i32
    %dma_wait3A_542 = arith.constant 0 : i32
    %dma_wait3A_543 = tpu.memref_slice %arg8[%dma_wait3A_540, %dma_wait3A_541, %dma_wait3A_542] : memref<4x48x128xf32, #tpu.memory_space<vmem>> -> memref<1x48x128xf32, #tpu.memory_space<vmem>>
    %dma_wait3A_544 = tpu.memref_squeeze %dma_wait3A_543 : memref<1x48x128xf32, #tpu.memory_space<vmem>> -> memref<48x128xf32, #tpu.memory_space<vmem>>
    %dma_wait3A_545 = arith.constant 0 : i32
    %dma_wait3A_546 = arith.constant 0 : i32
    %dma_wait3A_547 = tpu.memref_slice %arg2[%dma_wait3A_545, %dma_wait3A_546] : memref<10000x128xf32, #tpu.memory_space<hbm>> -> memref<48x128xf32, #tpu.memory_space<hbm>>
    %dma_wait3A_548 = arith.constant 0 : i32
    %dma_wait3A_549 = arith.constant 0 : i32
    %dma_wait3A_550 = tpu.memref_slice %arg8[%dma_wait3A_540, %dma_wait3A_548, %dma_wait3A_549] : memref<4x48x128xf32, #tpu.memory_space<vmem>> -> memref<1x48x128xf32, #tpu.memory_space<vmem>>
    %dma_wait3A_551 = tpu.memref_squeeze %dma_wait3A_550 : memref<1x48x128xf32, #tpu.memory_space<vmem>> -> memref<48x128xf32, #tpu.memory_space<vmem>>
    %dma_wait3A_552 = arith.constant 0 : i32
    %dma_wait3A_553 = arith.constant 0 : i32
    %dma_wait3A_554 = tpu.memref_slice %arg2[%dma_wait3A_552, %dma_wait3A_553] : memref<10000x128xf32, #tpu.memory_space<hbm>> -> memref<48x128xf32, #tpu.memory_space<hbm>>
    tpu.wait_dma2 semaphore(%arg14 : memref<!tpu.dma_semaphore, #tpu.memory_space<semaphore_mem>>) src(%dma_wait3A_554 : memref<48x128xf32, #tpu.memory_space<hbm>>) dst(%dma_wait3A_551 : memref<48x128xf32, #tpu.memory_space<vmem>>)
    %get3A_555 = arith.constant 9888 : index
    %get3A_556 = tpu.vector_load %arg7[%get3A_555] {strides = array<i32>} : memref<10000xi32, #tpu.memory_space<vmem>>, vector<16xi32>,
    %get3A_557 = vector.shape_cast %get3A_556 : vector<16xi32> to vector<16xi32>
    %dma_start3A_558 = arith.constant 2 : i32
    %dma_start3A_559 = arith.constant 0 : i32
    %dma_start3A_560 = arith.constant 0 : i32
    %dma_start3A_561 = tpu.memref_slice %arg8[%dma_start3A_558, %dma_start3A_559, %dma_start3A_560] : memref<4x48x128xf32, #tpu.memory_space<vmem>> -> memref<1x16x128xf32, #tpu.memory_space<vmem>>
    %dma_start3A_562 = tpu.memref_squeeze %dma_start3A_561 : memref<1x16x128xf32, #tpu.memory_space<vmem>> -> memref<16x128xf32, #tpu.memory_space<vmem>>
    %dma_start3A_563 = arith.constant 0 : i32
    %dma_start3A_564 = arith.constant 0 : i32
    %dma_start3A_565 = tpu.memref_slice %arg9[%dma_start3A_563, %dma_start3A_564] : memref<10240x128xf32, #tpu.memory_space<vmem_shared>> -> memref<10240x128xf32, #tpu.memory_space<vmem_shared>>
    tpu.enqueue_indirect_dma source(%dma_start3A_562 : memref<16x128xf32, #tpu.memory_space<vmem>>) target(%dma_start3A_565 : memref<10240x128xf32, #tpu.memory_space<vmem_shared>>) offsets(%get3A_557 : vector<16xi32>) semaphore(%arg14 : memref<!tpu.dma_semaphore, #tpu.memory_space<semaphore_mem>>) {add = true}
    %get3A_566 = arith.constant 9904 : index
    %get3A_567 = tpu.vector_load %arg7[%get3A_566] {strides = array<i32>} : memref<10000xi32, #tpu.memory_space<vmem>>, vector<16xi32>,
    %get3A_568 = vector.shape_cast %get3A_567 : vector<16xi32> to vector<16xi32>
    %dma_start3A_569 = arith.constant 2 : i32
    %dma_start3A_570 = arith.constant 16 : i32
    %dma_start3A_571 = arith.constant 0 : i32
    %dma_start3A_572 = tpu.memref_slice %arg8[%dma_start3A_569, %dma_start3A_570, %dma_start3A_571] : memref<4x48x128xf32, #tpu.memory_space<vmem>> -> memref<1x16x128xf32, #tpu.memory_space<vmem>>
    %dma_start3A_573 = tpu.memref_squeeze %dma_start3A_572 : memref<1x16x128xf32, #tpu.memory_space<vmem>> -> memref<16x128xf32, #tpu.memory_space<vmem>>
    %dma_start3A_574 = arith.constant 0 : i32
    %dma_start3A_575 = arith.constant 0 : i32
    %dma_start3A_576 = tpu.memref_slice %arg9[%dma_start3A_574, %dma_start3A_575] : memref<10240x128xf32, #tpu.memory_space<vmem_shared>> -> memref<10240x128xf32, #tpu.memory_space<vmem_shared>>
    tpu.enqueue_indirect_dma source(%dma_start3A_573 : memref<16x128xf32, #tpu.memory_space<vmem>>) target(%dma_start3A_576 : memref<10240x128xf32, #tpu.memory_space<vmem_shared>>) offsets(%get3A_568 : vector<16xi32>) semaphore(%arg14 : memref<!tpu.dma_semaphore, #tpu.memory_space<semaphore_mem>>) {add = true}
    %get3A_577 = arith.constant 9920 : index
    %get3A_578 = tpu.vector_load %arg7[%get3A_577] {strides = array<i32>} : memref<10000xi32, #tpu.memory_space<vmem>>, vector<16xi32>,
    %get3A_579 = vector.shape_cast %get3A_578 : vector<16xi32> to vector<16xi32>
    %dma_start3A_580 = arith.constant 2 : i32
    %dma_start3A_581 = arith.constant 32 : i32
    %dma_start3A_582 = arith.constant 0 : i32
    %dma_start3A_583 = tpu.memref_slice %arg8[%dma_start3A_580, %dma_start3A_581, %dma_start3A_582] : memref<4x48x128xf32, #tpu.memory_space<vmem>> -> memref<1x16x128xf32, #tpu.memory_space<vmem>>
    %dma_start3A_584 = tpu.memref_squeeze %dma_start3A_583 : memref<1x16x128xf32, #tpu.memory_space<vmem>> -> memref<16x128xf32, #tpu.memory_space<vmem>>
    %dma_start3A_585 = arith.constant 0 : i32
    %dma_start3A_586 = arith.constant 0 : i32
    %dma_start3A_587 = tpu.memref_slice %arg9[%dma_start3A_585, %dma_start3A_586] : memref<10240x128xf32, #tpu.memory_space<vmem_shared>> -> memref<10240x128xf32, #tpu.memory_space<vmem_shared>>
    tpu.enqueue_indirect_dma source(%dma_start3A_584 : memref<16x128xf32, #tpu.memory_space<vmem>>) target(%dma_start3A_587 : memref<10240x128xf32, #tpu.memory_space<vmem_shared>>) offsets(%get3A_579 : vector<16xi32>) semaphore(%arg14 : memref<!tpu.dma_semaphore, #tpu.memory_space<semaphore_mem>>) {add = true}
    %dma_wait3A_588 = arith.constant 3 : i32
    %dma_wait3A_589 = arith.constant 0 : i32
    %dma_wait3A_590 = arith.constant 0 : i32
    %dma_wait3A_591 = tpu.memref_slice %arg8[%dma_wait3A_588, %dma_wait3A_589, %dma_wait3A_590] : memref<4x48x128xf32, #tpu.memory_space<vmem>> -> memref<1x48x128xf32, #tpu.memory_space<vmem>>
    %dma_wait3A_592 = tpu.memref_squeeze %dma_wait3A_591 : memref<1x48x128xf32, #tpu.memory_space<vmem>> -> memref<48x128xf32, #tpu.memory_space<vmem>>
    %dma_wait3A_593 = arith.constant 0 : i32
    %dma_wait3A_594 = arith.constant 0 : i32
    %dma_wait3A_595 = tpu.memref_slice %arg2[%dma_wait3A_593, %dma_wait3A_594] : memref<10000x128xf32, #tpu.memory_space<hbm>> -> memref<48x128xf32, #tpu.memory_space<hbm>>
    %dma_wait3A_596 = arith.constant 0 : i32
    %dma_wait3A_597 = arith.constant 0 : i32
    %dma_wait3A_598 = tpu.memref_slice %arg8[%dma_wait3A_588, %dma_wait3A_596, %dma_wait3A_597] : memref<4x48x128xf32, #tpu.memory_space<vmem>> -> memref<1x48x128xf32, #tpu.memory_space<vmem>>
    %dma_wait3A_599 = tpu.memref_squeeze %dma_wait3A_598 : memref<1x48x128xf32, #tpu.memory_space<vmem>> -> memref<48x128xf32, #tpu.memory_space<vmem>>
    %dma_wait3A_600 = arith.constant 0 : i32
    %dma_wait3A_601 = arith.constant 0 : i32
    %dma_wait3A_602 = tpu.memref_slice %arg2[%dma_wait3A_600, %dma_wait3A_601] : memref<10000x128xf32, #tpu.memory_space<hbm>> -> memref<48x128xf32, #tpu.memory_space<hbm>>
    tpu.wait_dma2 semaphore(%arg13 : memref<!tpu.dma_semaphore, #tpu.memory_space<semaphore_mem>>) src(%dma_wait3A_602 : memref<48x128xf32, #tpu.memory_space<hbm>>) dst(%dma_wait3A_599 : memref<48x128xf32, #tpu.memory_space<vmem>>)
    %dma_wait3A_603 = arith.constant 0 : i32
    %dma_wait3A_604 = arith.constant 0 : i32
    %dma_wait3A_605 = arith.constant 0 : i32
    %dma_wait3A_606 = tpu.memref_slice %arg8[%dma_wait3A_603, %dma_wait3A_604, %dma_wait3A_605] : memref<4x48x128xf32, #tpu.memory_space<vmem>> -> memref<1x48x128xf32, #tpu.memory_space<vmem>>
    %dma_wait3A_607 = tpu.memref_squeeze %dma_wait3A_606 : memref<1x48x128xf32, #tpu.memory_space<vmem>> -> memref<48x128xf32, #tpu.memory_space<vmem>>
    %dma_wait3A_608 = arith.constant 0 : i32
    %dma_wait3A_609 = arith.constant 0 : i32
    %dma_wait3A_610 = tpu.memref_slice %arg2[%dma_wait3A_608, %dma_wait3A_609] : memref<10000x128xf32, #tpu.memory_space<hbm>> -> memref<48x128xf32, #tpu.memory_space<hbm>>
    %dma_wait3A_611 = arith.constant 0 : i32
    %dma_wait3A_612 = arith.constant 0 : i32
    %dma_wait3A_613 = tpu.memref_slice %arg8[%dma_wait3A_603, %dma_wait3A_611, %dma_wait3A_612] : memref<4x48x128xf32, #tpu.memory_space<vmem>> -> memref<1x48x128xf32, #tpu.memory_space<vmem>>
    %dma_wait3A_614 = tpu.memref_squeeze %dma_wait3A_613 : memref<1x48x128xf32, #tpu.memory_space<vmem>> -> memref<48x128xf32, #tpu.memory_space<vmem>>
    %dma_wait3A_615 = arith.constant 0 : i32
    %dma_wait3A_616 = arith.constant 0 : i32
    %dma_wait3A_617 = tpu.memref_slice %arg2[%dma_wait3A_615, %dma_wait3A_616] : memref<10000x128xf32, #tpu.memory_space<hbm>> -> memref<48x128xf32, #tpu.memory_space<hbm>>
    tpu.wait_dma2 semaphore(%arg14 : memref<!tpu.dma_semaphore, #tpu.memory_space<semaphore_mem>>) src(%dma_wait3A_617 : memref<48x128xf32, #tpu.memory_space<hbm>>) dst(%dma_wait3A_614 : memref<48x128xf32, #tpu.memory_space<vmem>>)
    %get3A_618 = arith.constant 9936 : index
    %get3A_619 = tpu.vector_load %arg7[%get3A_618] {strides = array<i32>} : memref<10000xi32, #tpu.memory_space<vmem>>, vector<16xi32>,
    %get3A_620 = vector.shape_cast %get3A_619 : vector<16xi32> to vector<16xi32>
    %dma_start3A_621 = arith.constant 3 : i32
    %dma_start3A_622 = arith.constant 0 : i32
    %dma_start3A_623 = arith.constant 0 : i32
    %dma_start3A_624 = tpu.memref_slice %arg8[%dma_start3A_621, %dma_start3A_622, %dma_start3A_623] : memref<4x48x128xf32, #tpu.memory_space<vmem>> -> memref<1x16x128xf32, #tpu.memory_space<vmem>>
    %dma_start3A_625 = tpu.memref_squeeze %dma_start3A_624 : memref<1x16x128xf32, #tpu.memory_space<vmem>> -> memref<16x128xf32, #tpu.memory_space<vmem>>
    %dma_start3A_626 = arith.constant 0 : i32
    %dma_start3A_627 = arith.constant 0 : i32
    %dma_start3A_628 = tpu.memref_slice %arg9[%dma_start3A_626, %dma_start3A_627] : memref<10240x128xf32, #tpu.memory_space<vmem_shared>> -> memref<10240x128xf32, #tpu.memory_space<vmem_shared>>
    tpu.enqueue_indirect_dma source(%dma_start3A_625 : memref<16x128xf32, #tpu.memory_space<vmem>>) target(%dma_start3A_628 : memref<10240x128xf32, #tpu.memory_space<vmem_shared>>) offsets(%get3A_620 : vector<16xi32>) semaphore(%arg14 : memref<!tpu.dma_semaphore, #tpu.memory_space<semaphore_mem>>) {add = true}
    %get3A_629 = arith.constant 9952 : index
    %get3A_630 = tpu.vector_load %arg7[%get3A_629] {strides = array<i32>} : memref<10000xi32, #tpu.memory_space<vmem>>, vector<16xi32>,
    %get3A_631 = vector.shape_cast %get3A_630 : vector<16xi32> to vector<16xi32>
    %dma_start3A_632 = arith.constant 3 : i32
    %dma_start3A_633 = arith.constant 16 : i32
    %dma_start3A_634 = arith.constant 0 : i32
    %dma_start3A_635 = tpu.memref_slice %arg8[%dma_start3A_632, %dma_start3A_633, %dma_start3A_634] : memref<4x48x128xf32, #tpu.memory_space<vmem>> -> memref<1x16x128xf32, #tpu.memory_space<vmem>>
    %dma_start3A_636 = tpu.memref_squeeze %dma_start3A_635 : memref<1x16x128xf32, #tpu.memory_space<vmem>> -> memref<16x128xf32, #tpu.memory_space<vmem>>
    %dma_start3A_637 = arith.constant 0 : i32
    %dma_start3A_638 = arith.constant 0 : i32
    %dma_start3A_639 = tpu.memref_slice %arg9[%dma_start3A_637, %dma_start3A_638] : memref<10240x128xf32, #tpu.memory_space<vmem_shared>> -> memref<10240x128xf32, #tpu.memory_space<vmem_shared>>
    tpu.enqueue_indirect_dma source(%dma_start3A_636 : memref<16x128xf32, #tpu.memory_space<vmem>>) target(%dma_start3A_639 : memref<10240x128xf32, #tpu.memory_space<vmem_shared>>) offsets(%get3A_631 : vector<16xi32>) semaphore(%arg14 : memref<!tpu.dma_semaphore, #tpu.memory_space<semaphore_mem>>) {add = true}
    %get3A_640 = arith.constant 9968 : index
    %get3A_641 = tpu.vector_load %arg7[%get3A_640] {strides = array<i32>} : memref<10000xi32, #tpu.memory_space<vmem>>, vector<16xi32>,
    %get3A_642 = vector.shape_cast %get3A_641 : vector<16xi32> to vector<16xi32>
    %dma_start3A_643 = arith.constant 3 : i32
    %dma_start3A_644 = arith.constant 32 : i32
    %dma_start3A_645 = arith.constant 0 : i32
    %dma_start3A_646 = tpu.memref_slice %arg8[%dma_start3A_643, %dma_start3A_644, %dma_start3A_645] : memref<4x48x128xf32, #tpu.memory_space<vmem>> -> memref<1x16x128xf32, #tpu.memory_space<vmem>>
    %dma_start3A_647 = tpu.memref_squeeze %dma_start3A_646 : memref<1x16x128xf32, #tpu.memory_space<vmem>> -> memref<16x128xf32, #tpu.memory_space<vmem>>
    %dma_start3A_648 = arith.constant 0 : i32
    %dma_start3A_649 = arith.constant 0 : i32
    %dma_start3A_650 = tpu.memref_slice %arg9[%dma_start3A_648, %dma_start3A_649] : memref<10240x128xf32, #tpu.memory_space<vmem_shared>> -> memref<10240x128xf32, #tpu.memory_space<vmem_shared>>
    tpu.enqueue_indirect_dma source(%dma_start3A_647 : memref<16x128xf32, #tpu.memory_space<vmem>>) target(%dma_start3A_650 : memref<10240x128xf32, #tpu.memory_space<vmem_shared>>) offsets(%get3A_642 : vector<16xi32>) semaphore(%arg14 : memref<!tpu.dma_semaphore, #tpu.memory_space<semaphore_mem>>) {add = true}
    %dma_wait3A_651 = arith.constant 0 : i32
    %dma_wait3A_652 = arith.constant 0 : i32
    %dma_wait3A_653 = arith.constant 0 : i32
    %dma_wait3A_654 = tpu.memref_slice %arg8[%dma_wait3A_651, %dma_wait3A_652, %dma_wait3A_653] : memref<4x48x128xf32, #tpu.memory_space<vmem>> -> memref<1x16x128xf32, #tpu.memory_space<vmem>>
    %dma_wait3A_655 = tpu.memref_squeeze %dma_wait3A_654 : memref<1x16x128xf32, #tpu.memory_space<vmem>> -> memref<16x128xf32, #tpu.memory_space<vmem>>
    %dma_wait3A_656 = arith.constant 0 : i32
    %dma_wait3A_657 = arith.constant 0 : i32
    %dma_wait3A_658 = tpu.memref_slice %arg2[%dma_wait3A_656, %dma_wait3A_657] : memref<10000x128xf32, #tpu.memory_space<hbm>> -> memref<16x128xf32, #tpu.memory_space<hbm>>
    %dma_wait3A_659 = arith.constant 0 : i32
    %dma_wait3A_660 = arith.constant 0 : i32
    %dma_wait3A_661 = tpu.memref_slice %arg8[%dma_wait3A_651, %dma_wait3A_659, %dma_wait3A_660] : memref<4x48x128xf32, #tpu.memory_space<vmem>> -> memref<1x16x128xf32, #tpu.memory_space<vmem>>
    %dma_wait3A_662 = tpu.memref_squeeze %dma_wait3A_661 : memref<1x16x128xf32, #tpu.memory_space<vmem>> -> memref<16x128xf32, #tpu.memory_space<vmem>>
    %dma_wait3A_663 = arith.constant 0 : i32
    %dma_wait3A_664 = arith.constant 0 : i32
    %dma_wait3A_665 = tpu.memref_slice %arg2[%dma_wait3A_663, %dma_wait3A_664] : memref<10000x128xf32, #tpu.memory_space<hbm>> -> memref<16x128xf32, #tpu.memory_space<hbm>>
    tpu.wait_dma2 semaphore(%arg10 : memref<!tpu.dma_semaphore, #tpu.memory_space<semaphore_mem>>) src(%dma_wait3A_665 : memref<16x128xf32, #tpu.memory_space<hbm>>) dst(%dma_wait3A_662 : memref<16x128xf32, #tpu.memory_space<vmem>>)
    %dma_wait3A_666 = arith.constant 0 : i32
    %dma_wait3A_667 = arith.constant 0 : i32
    %dma_wait3A_668 = arith.constant 0 : i32
    %dma_wait3A_669 = tpu.memref_slice %arg8[%dma_wait3A_666, %dma_wait3A_667, %dma_wait3A_668] : memref<4x48x128xf32, #tpu.memory_space<vmem>> -> memref<1x48x128xf32, #tpu.memory_space<vmem>>
    %dma_wait3A_670 = tpu.memref_squeeze %dma_wait3A_669 : memref<1x48x128xf32, #tpu.memory_space<vmem>> -> memref<48x128xf32, #tpu.memory_space<vmem>>
    %dma_wait3A_671 = arith.constant 0 : i32
    %dma_wait3A_672 = arith.constant 0 : i32
    %dma_wait3A_673 = tpu.memref_slice %arg2[%dma_wait3A_671, %dma_wait3A_672] : memref<10000x128xf32, #tpu.memory_space<hbm>> -> memref<48x128xf32, #tpu.memory_space<hbm>>
    %dma_wait3A_674 = arith.constant 0 : i32
    %dma_wait3A_675 = arith.constant 0 : i32
    %dma_wait3A_676 = tpu.memref_slice %arg8[%dma_wait3A_666, %dma_wait3A_674, %dma_wait3A_675] : memref<4x48x128xf32, #tpu.memory_space<vmem>> -> memref<1x48x128xf32, #tpu.memory_space<vmem>>
    %dma_wait3A_677 = tpu.memref_squeeze %dma_wait3A_676 : memref<1x48x128xf32, #tpu.memory_space<vmem>> -> memref<48x128xf32, #tpu.memory_space<vmem>>
    %dma_wait3A_678 = arith.constant 0 : i32
    %dma_wait3A_679 = arith.constant 0 : i32
    %dma_wait3A_680 = tpu.memref_slice %arg2[%dma_wait3A_678, %dma_wait3A_679] : memref<10000x128xf32, #tpu.memory_space<hbm>> -> memref<48x128xf32, #tpu.memory_space<hbm>>
    tpu.wait_dma2 semaphore(%arg14 : memref<!tpu.dma_semaphore, #tpu.memory_space<semaphore_mem>>) src(%dma_wait3A_680 : memref<48x128xf32, #tpu.memory_space<hbm>>) dst(%dma_wait3A_677 : memref<48x128xf32, #tpu.memory_space<vmem>>)
    %get3A_681 = arith.constant 9984 : index
    %get3A_682 = tpu.vector_load %arg7[%get3A_681] {strides = array<i32>} : memref<10000xi32, #tpu.memory_space<vmem>>, vector<16xi32>,
    %get3A_683 = vector.shape_cast %get3A_682 : vector<16xi32> to vector<16xi32>
    %dma_start3A_684 = arith.constant 0 : i32
    %dma_start3A_685 = arith.constant 0 : i32
    %dma_start3A_686 = arith.constant 0 : i32
    %dma_start3A_687 = tpu.memref_slice %arg8[%dma_start3A_684, %dma_start3A_685, %dma_start3A_686] : memref<4x48x128xf32, #tpu.memory_space<vmem>> -> memref<1x16x128xf32, #tpu.memory_space<vmem>>
    %dma_start3A_688 = tpu.memref_squeeze %dma_start3A_687 : memref<1x16x128xf32, #tpu.memory_space<vmem>> -> memref<16x128xf32, #tpu.memory_space<vmem>>
    %dma_start3A_689 = arith.constant 0 : i32
    %dma_start3A_690 = arith.constant 0 : i32
    %dma_start3A_691 = tpu.memref_slice %arg9[%dma_start3A_689, %dma_start3A_690] : memref<10240x128xf32, #tpu.memory_space<vmem_shared>> -> memref<10240x128xf32, #tpu.memory_space<vmem_shared>>
    tpu.enqueue_indirect_dma source(%dma_start3A_688 : memref<16x128xf32, #tpu.memory_space<vmem>>) target(%dma_start3A_691 : memref<10240x128xf32, #tpu.memory_space<vmem_shared>>) offsets(%get3A_683 : vector<16xi32>) semaphore(%arg14 : memref<!tpu.dma_semaphore, #tpu.memory_space<semaphore_mem>>) {add = true}
    %dma_wait3A_692 = arith.constant 0 : i32
    %dma_wait3A_693 = arith.constant 0 : i32
    %dma_wait3A_694 = arith.constant 0 : i32
    %dma_wait3A_695 = tpu.memref_slice %arg8[%dma_wait3A_692, %dma_wait3A_693, %dma_wait3A_694] : memref<4x48x128xf32, #tpu.memory_space<vmem>> -> memref<1x16x128xf32, #tpu.memory_space<vmem>>
    %dma_wait3A_696 = tpu.memref_squeeze %dma_wait3A_695 : memref<1x16x128xf32, #tpu.memory_space<vmem>> -> memref<16x128xf32, #tpu.memory_space<vmem>>
    %dma_wait3A_697 = arith.constant 0 : i32
    %dma_wait3A_698 = arith.constant 0 : i32
    %dma_wait3A_699 = tpu.memref_slice %arg2[%dma_wait3A_697, %dma_wait3A_698] : memref<10000x128xf32, #tpu.memory_space<hbm>> -> memref<16x128xf32, #tpu.memory_space<hbm>>
    %dma_wait3A_700 = arith.constant 0 : i32
    %dma_wait3A_701 = arith.constant 0 : i32
    %dma_wait3A_702 = tpu.memref_slice %arg8[%dma_wait3A_692, %dma_wait3A_700, %dma_wait3A_701] : memref<4x48x128xf32, #tpu.memory_space<vmem>> -> memref<1x16x128xf32, #tpu.memory_space<vmem>>
    %dma_wait3A_703 = tpu.memref_squeeze %dma_wait3A_702 : memref<1x16x128xf32, #tpu.memory_space<vmem>> -> memref<16x128xf32, #tpu.memory_space<vmem>>
    %dma_wait3A_704 = arith.constant 0 : i32
    %dma_wait3A_705 = arith.constant 0 : i32
    %dma_wait3A_706 = tpu.memref_slice %arg2[%dma_wait3A_704, %dma_wait3A_705] : memref<10000x128xf32, #tpu.memory_space<hbm>> -> memref<16x128xf32, #tpu.memory_space<hbm>>
    tpu.wait_dma2 semaphore(%arg14 : memref<!tpu.dma_semaphore, #tpu.memory_space<semaphore_mem>>) src(%dma_wait3A_706 : memref<16x128xf32, #tpu.memory_space<hbm>>) dst(%dma_wait3A_703 : memref<16x128xf32, #tpu.memory_space<vmem>>)
    %barrier3A_707 = arith.constant 0 : index
    tpu.barrier barrier_id(%barrier3A_707)
    "tpu.region"() ({
      %run_scoped3A_708 = tpu.sem_alloc : memref<!tpu.dma_semaphore, #tpu.memory_space<semaphore_mem>>
      %dma_start3A_709 = arith.constant 0 : i32
      %dma_start3A_710 = tpu.memref_slice %arg5[%arg0, %mul3A_2, %dma_start3A_709] : memref<2x10240x128xf32, #tpu.memory_space<hbm>> -> memref<1x640x128xf32, #tpu.memory_space<hbm>>
      %dma_start3A_711 = tpu.memref_squeeze %dma_start3A_710 : memref<1x640x128xf32, #tpu.memory_space<hbm>> -> memref<640x128xf32, #tpu.memory_space<hbm>>
      %dma_start3A_712 = arith.constant 0 : i32
      %dma_start3A_713 = tpu.memref_slice %arg9[%mul3A_2, %dma_start3A_712] : memref<10240x128xf32, #tpu.memory_space<vmem_shared>> -> memref<640x128xf32, #tpu.memory_space<vmem_shared>>
      tpu.enqueue_dma source(%dma_start3A_713 : memref<640x128xf32, #tpu.memory_space<vmem_shared>>) target(%dma_start3A_711 : memref<640x128xf32, #tpu.memory_space<hbm>>) target_semaphore(%run_scoped3A_708 : memref<!tpu.dma_semaphore, #tpu.memory_space<semaphore_mem>>)
      %dma_wait3A_714 = arith.constant 0 : i32
      %dma_wait3A_715 = tpu.memref_slice %arg5[%arg0, %mul3A_2, %dma_wait3A_714] : memref<2x10240x128xf32, #tpu.memory_space<hbm>> -> memref<1x640x128xf32, #tpu.memory_space<hbm>>
      %dma_wait3A_716 = tpu.memref_squeeze %dma_wait3A_715 : memref<1x640x128xf32, #tpu.memory_space<hbm>> -> memref<640x128xf32, #tpu.memory_space<hbm>>
      %dma_wait3A_717 = arith.constant 0 : i32
      %dma_wait3A_718 = tpu.memref_slice %arg9[%mul3A_2, %dma_wait3A_717] : memref<10240x128xf32, #tpu.memory_space<vmem_shared>> -> memref<640x128xf32, #tpu.memory_space<vmem_shared>>
      tpu.wait_dma2 semaphore(%run_scoped3A_708 : memref<!tpu.dma_semaphore, #tpu.memory_space<semaphore_mem>>) src(%dma_wait3A_718 : memref<640x128xf32, #tpu.memory_space<vmem_shared>>) dst(%dma_wait3A_716 : memref<640x128xf32, #tpu.memory_space<hbm>>)
      tpu.yield
    }) : () -> ()
    return
  }
}

module attributes {stable_mosaic.version = 14 : i64} {
  func.func @_y_body(%arg0: i32, %arg1: memref<2560x128xf32, #tpu.memory_space<vmem>>, %arg2: memref<2x2560xf32, #tpu.memory_space<vmem>>, %arg3: memref<128x128xf32, #tpu.memory_space<vmem>>, %arg4: memref<2560x128xf32, #tpu.memory_space<vmem>>) attributes {dimension_semantics = [#tpu.dimension_semantics<arbitrary>], iteration_bounds = array<i64: 4>, scalar_prefetch = 0 : i64, scratch_operands = 0 : i64, tpu.core_type = #tpu.core_type<tc>, window_params = [{transform_indices = @transform_0, window_bounds = array<i64: 2560, 128>}, {transform_indices = @transform_1, window_bounds = array<i64: 2, 2560>}, {pipeline_mode = #tpu.pipeline_mode<synchronous>, transform_indices = @transform_2, window_bounds = array<i64: 128, 128>}, {transform_indices = @transform_3, window_bounds = array<i64: 2560, 128>}]} {
    %get3A = arith.constant 0 : index
    %get3A_0 = arith.constant 0 : index
    %get3A_1 = vector.load %arg2[%get3A, %get3A_0] : memref<2x2560xf32, #tpu.memory_space<vmem>>, vector<1x2560xf32>
    %get3A_2 = vector.shape_cast %get3A_1 : vector<1x2560xf32> to vector<2560xf32>
    %get3A_3 = arith.constant 1 : index
    %get3A_4 = arith.constant 0 : index
    %get3A_5 = vector.load %arg2[%get3A_3, %get3A_4] : memref<2x2560xf32, #tpu.memory_space<vmem>>, vector<1x2560xf32>
    %get3A_6 = vector.shape_cast %get3A_5 : vector<1x2560xf32> to vector<2560xf32>
    %add3A = arith.addf %get3A_2, %get3A_6 : vector<2560xf32>
    %add3A_7 = arith.constant 1.000000e+00 : f32
    %add3A_8 = vector.broadcast %add3A_7 : f32 to vector<2560xf32>
    %add3A_9 = arith.addf %add3A, %add3A_8 : vector<2560xf32>
    %rsqrt3A = math.rsqrt %add3A_9 : vector<2560xf32>
    %broadcast_in_dim3A = vector.shape_cast %rsqrt3A : vector<2560xf32> to vector<2560x1xf32>
    %get3A_10 = arith.constant 0 : index
    %get3A_11 = arith.constant 0 : index
    %get3A_12 = vector.load %arg1[%get3A_10, %get3A_11] : memref<2560x128xf32, #tpu.memory_space<vmem>>, vector<2560x128xf32>
    %get3A_13 = arith.constant 0 : index
    %get3A_14 = arith.constant 0 : index
    %get3A_15 = vector.load %arg3[%get3A_13, %get3A_14] : memref<128x128xf32, #tpu.memory_space<vmem>>, vector<128x128xf32>
    %dot_general3A = arith.constant dense<0.000000e+00> : vector<2560x128xf32>
    %dot_general3A_16 = tpu.matmul %get3A_12, %get3A_15, %dot_general3A {dimension_numbers = #tpu.dot_dimension_numbers<[1], [0], [0], [1], [0, 0, 1, 1], [], []>, transpose_lhs_hint = false} : vector<2560x128xf32>, vector<128x128xf32>, vector<2560x128xf32> -> vector<2560x128xf32>
    %mul3A = vector.broadcast %broadcast_in_dim3A : vector<2560x1xf32> to vector<2560x128xf32>
    %mul3A_17 = arith.mulf %dot_general3A_16, %mul3A : vector<2560x128xf32>
    %swap3A = arith.constant 0 : index
    %swap3A_18 = arith.constant 0 : index
    %swap3A_19 = vector.load %arg4[%swap3A, %swap3A_18] : memref<2560x128xf32, #tpu.memory_space<vmem>>, vector<2560x128xf32>
    tpu.vector_store %arg4[%swap3A, %swap3A_18], %mul3A_17 {strides = array<i32>} : memref<2560x128xf32, #tpu.memory_space<vmem>>, vector<2560x128xf32>,
    return
  }
  func.func @transform_0(%arg0: i32) -> (i32, i32) {
    %c0_i32 = arith.constant 0 : i32
    %c0_i32_0 = arith.constant 0 : i32
    return %arg0, %c0_i32 : i32, i32
  }
  func.func @transform_1(%arg0: i32) -> (i32, i32) {
    %c0_i32 = arith.constant 0 : i32
    %c0_i32_0 = arith.constant 0 : i32
    return %c0_i32, %arg0 : i32, i32
  }
  func.func @transform_2(%arg0: i32) -> (i32, i32) {
    %c0_i32 = arith.constant 0 : i32
    %c0_i32_0 = arith.constant 0 : i32
    %c0_i32_1 = arith.constant 0 : i32
    return %c0_i32, %c0_i32_0 : i32, i32
  }
  func.func @transform_3(%arg0: i32) -> (i32, i32) {
    %c0_i32 = arith.constant 0 : i32
    %c0_i32_0 = arith.constant 0 : i32
    return %arg0, %c0_i32 : i32, i32
  }
}

module attributes {stable_mosaic.version = 14 : i64} {
  func.func @_mid_body(%arg0: i32, %arg1: memref<2x2560x128xf32, #tpu.memory_space<vmem>>, %arg2: memref<2560x128xf32, #tpu.memory_space<vmem>>, %arg3: memref<2x2560xf32, #tpu.memory_space<vmem>>, %arg4: memref<1x128xf32, #tpu.memory_space<vmem>>, %arg5: memref<128x128xf32, #tpu.memory_space<vmem>>, %arg6: memref<2560x128xf32, #tpu.memory_space<vmem>>) attributes {dimension_semantics = [#tpu.dimension_semantics<arbitrary>], iteration_bounds = array<i64: 4>, scalar_prefetch = 0 : i64, scratch_operands = 0 : i64, tpu.core_type = #tpu.core_type<tc>, window_params = [{transform_indices = @transform_0, window_bounds = array<i64: 2, 2560, 128>}, {transform_indices = @transform_1, window_bounds = array<i64: 2560, 128>}, {transform_indices = @transform_2, window_bounds = array<i64: 2, 2560>}, {pipeline_mode = #tpu.pipeline_mode<synchronous>, transform_indices = @transform_3, window_bounds = array<i64: 1, 128>}, {pipeline_mode = #tpu.pipeline_mode<synchronous>, transform_indices = @transform_4, window_bounds = array<i64: 128, 128>}, {transform_indices = @transform_5, window_bounds = array<i64: 2560, 128>}]} {
    %get3A = arith.constant 0 : index
    %get3A_0 = arith.constant 0 : index
    %get3A_1 = vector.load %arg3[%get3A, %get3A_0] : memref<2x2560xf32, #tpu.memory_space<vmem>>, vector<1x2560xf32>
    %get3A_2 = vector.shape_cast %get3A_1 : vector<1x2560xf32> to vector<2560xf32>
    %get3A_3 = arith.constant 1 : index
    %get3A_4 = arith.constant 0 : index
    %get3A_5 = vector.load %arg3[%get3A_3, %get3A_4] : memref<2x2560xf32, #tpu.memory_space<vmem>>, vector<1x2560xf32>
    %get3A_6 = vector.shape_cast %get3A_5 : vector<1x2560xf32> to vector<2560xf32>
    %add3A = arith.addf %get3A_2, %get3A_6 : vector<2560xf32>
    %add3A_7 = arith.constant 1.000000e+00 : f32
    %add3A_8 = vector.broadcast %add3A_7 : f32 to vector<2560xf32>
    %add3A_9 = arith.addf %add3A, %add3A_8 : vector<2560xf32>
    %rsqrt3A = math.rsqrt %add3A_9 : vector<2560xf32>
    %broadcast_in_dim3A = vector.shape_cast %rsqrt3A : vector<2560xf32> to vector<2560x1xf32>
    %get3A_10 = arith.constant 0 : index
    %get3A_11 = arith.constant 0 : index
    %get3A_12 = arith.constant 0 : index
    %get3A_13 = vector.load %arg1[%get3A_10, %get3A_11, %get3A_12] : memref<2x2560x128xf32, #tpu.memory_space<vmem>>, vector<1x2560x128xf32>
    %get3A_14 = vector.shape_cast %get3A_13 : vector<1x2560x128xf32> to vector<2560x128xf32>
    %get3A_15 = arith.constant 1 : index
    %get3A_16 = arith.constant 0 : index
    %get3A_17 = arith.constant 0 : index
    %get3A_18 = vector.load %arg1[%get3A_15, %get3A_16, %get3A_17] : memref<2x2560x128xf32, #tpu.memory_space<vmem>>, vector<1x2560x128xf32>
    %get3A_19 = vector.shape_cast %get3A_18 : vector<1x2560x128xf32> to vector<2560x128xf32>
    %add3A_20 = arith.addf %get3A_14, %get3A_19 : vector<2560x128xf32>
    %get3A_21 = arith.constant 0 : index
    %get3A_22 = arith.constant 0 : index
    %get3A_23 = vector.load %arg2[%get3A_21, %get3A_22] : memref<2560x128xf32, #tpu.memory_space<vmem>>, vector<2560x128xf32>
    %add3A_24 = arith.addf %add3A_20, %get3A_23 : vector<2560x128xf32>
    %mul3A = vector.broadcast %broadcast_in_dim3A : vector<2560x1xf32> to vector<2560x128xf32>
    %mul3A_25 = arith.mulf %add3A_24, %mul3A : vector<2560x128xf32>
    %get3A_26 = arith.constant 0 : index
    %get3A_27 = arith.constant 0 : index
    %get3A_28 = vector.load %arg4[%get3A_26, %get3A_27] : memref<1x128xf32, #tpu.memory_space<vmem>>, vector<1x128xf32>
    %add3A_29 = vector.broadcast %get3A_28 : vector<1x128xf32> to vector<2560x128xf32>
    %add3A_30 = arith.addf %mul3A_25, %add3A_29 : vector<2560x128xf32>
    %max3A = arith.constant 0.000000e+00 : f32
    %max3A_31 = vector.broadcast %max3A : f32 to vector<2560x128xf32>
    %max3A_32 = arith.maximumf %add3A_30, %max3A_31 : vector<2560x128xf32>
    %get3A_33 = arith.constant 0 : index
    %get3A_34 = arith.constant 0 : index
    %get3A_35 = vector.load %arg5[%get3A_33, %get3A_34] : memref<128x128xf32, #tpu.memory_space<vmem>>, vector<128x128xf32>
    %dot_general3A = arith.constant dense<0.000000e+00> : vector<2560x128xf32>
    %dot_general3A_36 = tpu.matmul %max3A_32, %get3A_35, %dot_general3A {dimension_numbers = #tpu.dot_dimension_numbers<[1], [0], [0], [1], [0, 0, 1, 1], [], []>, transpose_lhs_hint = false} : vector<2560x128xf32>, vector<128x128xf32>, vector<2560x128xf32> -> vector<2560x128xf32>
    %mul3A_37 = vector.broadcast %broadcast_in_dim3A : vector<2560x1xf32> to vector<2560x128xf32>
    %mul3A_38 = arith.mulf %dot_general3A_36, %mul3A_37 : vector<2560x128xf32>
    %swap3A = arith.constant 0 : index
    %swap3A_39 = arith.constant 0 : index
    %swap3A_40 = vector.load %arg6[%swap3A, %swap3A_39] : memref<2560x128xf32, #tpu.memory_space<vmem>>, vector<2560x128xf32>
    tpu.vector_store %arg6[%swap3A, %swap3A_39], %mul3A_38 {strides = array<i32>} : memref<2560x128xf32, #tpu.memory_space<vmem>>, vector<2560x128xf32>,
    return
  }
  func.func @transform_0(%arg0: i32) -> (i32, i32, i32) {
    %c0_i32 = arith.constant 0 : i32
    %c0_i32_0 = arith.constant 0 : i32
    %c0_i32_1 = arith.constant 0 : i32
    return %c0_i32, %arg0, %c0_i32_0 : i32, i32, i32
  }
  func.func @transform_1(%arg0: i32) -> (i32, i32) {
    %c0_i32 = arith.constant 0 : i32
    %c0_i32_0 = arith.constant 0 : i32
    return %arg0, %c0_i32 : i32, i32
  }
  func.func @transform_2(%arg0: i32) -> (i32, i32) {
    %c0_i32 = arith.constant 0 : i32
    %c0_i32_0 = arith.constant 0 : i32
    return %c0_i32, %arg0 : i32, i32
  }
  func.func @transform_3(%arg0: i32) -> (i32, i32) {
    %c0_i32 = arith.constant 0 : i32
    %c0_i32_0 = arith.constant 0 : i32
    %c0_i32_1 = arith.constant 0 : i32
    return %c0_i32, %c0_i32_0 : i32, i32
  }
  func.func @transform_4(%arg0: i32) -> (i32, i32) {
    %c0_i32 = arith.constant 0 : i32
    %c0_i32_0 = arith.constant 0 : i32
    %c0_i32_1 = arith.constant 0 : i32
    return %c0_i32, %c0_i32_0 : i32, i32
  }
  func.func @transform_5(%arg0: i32) -> (i32, i32) {
    %c0_i32 = arith.constant 0 : i32
    %c0_i32_0 = arith.constant 0 : i32
    return %arg0, %c0_i32 : i32, i32
  }
}

module attributes {stable_mosaic.version = 14 : i64} {
  func.func @_fin_body(%arg0: i32, %arg1: memref<2x2560x128xf32, #tpu.memory_space<vmem>>, %arg2: memref<2560x128xf32, #tpu.memory_space<vmem>>, %arg3: memref<2x2560xf32, #tpu.memory_space<vmem>>, %arg4: memref<1x128xf32, #tpu.memory_space<vmem>>, %arg5: memref<2560x128xf32, #tpu.memory_space<vmem>>) attributes {dimension_semantics = [#tpu.dimension_semantics<arbitrary>], iteration_bounds = array<i64: 4>, scalar_prefetch = 0 : i64, scratch_operands = 0 : i64, tpu.core_type = #tpu.core_type<tc>, window_params = [{transform_indices = @transform_0, window_bounds = array<i64: 2, 2560, 128>}, {transform_indices = @transform_1, window_bounds = array<i64: 2560, 128>}, {transform_indices = @transform_2, window_bounds = array<i64: 2, 2560>}, {pipeline_mode = #tpu.pipeline_mode<synchronous>, transform_indices = @transform_3, window_bounds = array<i64: 1, 128>}, {transform_indices = @transform_4, window_bounds = array<i64: 2560, 128>}]} {
    %get3A = arith.constant 0 : index
    %get3A_0 = arith.constant 0 : index
    %get3A_1 = vector.load %arg3[%get3A, %get3A_0] : memref<2x2560xf32, #tpu.memory_space<vmem>>, vector<1x2560xf32>
    %get3A_2 = vector.shape_cast %get3A_1 : vector<1x2560xf32> to vector<2560xf32>
    %get3A_3 = arith.constant 1 : index
    %get3A_4 = arith.constant 0 : index
    %get3A_5 = vector.load %arg3[%get3A_3, %get3A_4] : memref<2x2560xf32, #tpu.memory_space<vmem>>, vector<1x2560xf32>
    %get3A_6 = vector.shape_cast %get3A_5 : vector<1x2560xf32> to vector<2560xf32>
    %add3A = arith.addf %get3A_2, %get3A_6 : vector<2560xf32>
    %add3A_7 = arith.constant 1.000000e+00 : f32
    %add3A_8 = vector.broadcast %add3A_7 : f32 to vector<2560xf32>
    %add3A_9 = arith.addf %add3A, %add3A_8 : vector<2560xf32>
    %rsqrt3A = math.rsqrt %add3A_9 : vector<2560xf32>
    %broadcast_in_dim3A = vector.shape_cast %rsqrt3A : vector<2560xf32> to vector<2560x1xf32>
    %get3A_10 = arith.constant 0 : index
    %get3A_11 = arith.constant 0 : index
    %get3A_12 = arith.constant 0 : index
    %get3A_13 = vector.load %arg1[%get3A_10, %get3A_11, %get3A_12] : memref<2x2560x128xf32, #tpu.memory_space<vmem>>, vector<1x2560x128xf32>
    %get3A_14 = vector.shape_cast %get3A_13 : vector<1x2560x128xf32> to vector<2560x128xf32>
    %get3A_15 = arith.constant 1 : index
    %get3A_16 = arith.constant 0 : index
    %get3A_17 = arith.constant 0 : index
    %get3A_18 = vector.load %arg1[%get3A_15, %get3A_16, %get3A_17] : memref<2x2560x128xf32, #tpu.memory_space<vmem>>, vector<1x2560x128xf32>
    %get3A_19 = vector.shape_cast %get3A_18 : vector<1x2560x128xf32> to vector<2560x128xf32>
    %add3A_20 = arith.addf %get3A_14, %get3A_19 : vector<2560x128xf32>
    %get3A_21 = arith.constant 0 : index
    %get3A_22 = arith.constant 0 : index
    %get3A_23 = vector.load %arg2[%get3A_21, %get3A_22] : memref<2560x128xf32, #tpu.memory_space<vmem>>, vector<2560x128xf32>
    %add3A_24 = arith.addf %add3A_20, %get3A_23 : vector<2560x128xf32>
    %mul3A = vector.broadcast %broadcast_in_dim3A : vector<2560x1xf32> to vector<2560x128xf32>
    %mul3A_25 = arith.mulf %add3A_24, %mul3A : vector<2560x128xf32>
    %get3A_26 = arith.constant 0 : index
    %get3A_27 = arith.constant 0 : index
    %get3A_28 = vector.load %arg4[%get3A_26, %get3A_27] : memref<1x128xf32, #tpu.memory_space<vmem>>, vector<1x128xf32>
    %add3A_29 = vector.broadcast %get3A_28 : vector<1x128xf32> to vector<2560x128xf32>
    %add3A_30 = arith.addf %mul3A_25, %add3A_29 : vector<2560x128xf32>
    %swap3A = arith.constant 0 : index
    %swap3A_31 = arith.constant 0 : index
    %swap3A_32 = vector.load %arg5[%swap3A, %swap3A_31] : memref<2560x128xf32, #tpu.memory_space<vmem>>, vector<2560x128xf32>
    tpu.vector_store %arg5[%swap3A, %swap3A_31], %add3A_30 {strides = array<i32>} : memref<2560x128xf32, #tpu.memory_space<vmem>>, vector<2560x128xf32>,
    return
  }
  func.func @transform_0(%arg0: i32) -> (i32, i32, i32) {
    %c0_i32 = arith.constant 0 : i32
    %c0_i32_0 = arith.constant 0 : i32
    %c0_i32_1 = arith.constant 0 : i32
    return %c0_i32, %arg0, %c0_i32_0 : i32, i32, i32
  }
  func.func @transform_1(%arg0: i32) -> (i32, i32) {
    %c0_i32 = arith.constant 0 : i32
    %c0_i32_0 = arith.constant 0 : i32
    return %arg0, %c0_i32 : i32, i32
  }
  func.func @transform_2(%arg0: i32) -> (i32, i32) {
    %c0_i32 = arith.constant 0 : i32
    %c0_i32_0 = arith.constant 0 : i32
    return %c0_i32, %arg0 : i32, i32
  }
  func.func @transform_3(%arg0: i32) -> (i32, i32) {
    %c0_i32 = arith.constant 0 : i32
    %c0_i32_0 = arith.constant 0 : i32
    %c0_i32_1 = arith.constant 0 : i32
    return %c0_i32, %c0_i32_0 : i32, i32
  }
  func.func @transform_4(%arg0: i32) -> (i32, i32) {
    %c0_i32 = arith.constant 0 : i32
    %c0_i32_0 = arith.constant 0 : i32
    return %arg0, %c0_i32 : i32, i32
  }
}

</mosaic_0001>

<sc_bundles>
// kernel: kernel.11.cloned.1.call-start
scs
__scs_entry_jumppad:
0x0: {  	(pc) =	sbr.rel $0x88, $3  }
0x1: {  	(tag) =	ssettag $0x0;
	lr =	simm.s32 $0x1  }
0x2: {  	[smem:$0x3F9B] =	sst lr;
	_ =	strace $0xD0000000  }
0x3: {  	_ = 	snop  }
0x4: {  	_ = 	snop  }
0x5: {  	_ = 	snop  }
0x6: {  	_ = 	snop  }
0x7: {  	_ = 	snop  }
__scs_overlays_trampoline_lowered:
0x8: {  	[smem:$0x3FAA] =	sst s0  }
0x9: {  	[smem:$0x3FAB] =	sst s1  }
0xa: {  	[smem:$0x3FAC] =	sst s2  }
0xb: {  	[smem:$0x3FAD] =	sst s3  }
0xc: {  	[smem:$0x3FAE] =	sst s4  }
0xd: {  	[smem:$0x3FAF] =	sst s5  }
0xe: {  	[smem:$0x3FB0] =	sst s6  }
0xf: {  	[smem:$0x3FB1] =	sst s7  }
0x10: {  	[smem:$0x3FB2] =	sst s8  }
0x11: {  	[smem:$0x3FB3] =	sst s9;
	s0 =	simm.s32 @!p0 $0x0  }
0x12: {  	s1 =	sld [smem:$0x3F99];
	s0 =	simm.s32 @p0 $0x1  }
0x13: {  	[smem:$0x3FB4] =	sst s0;
	s0 =	simm.s32 @!p1 $0x0  }
0x14: {  	s2 =	sld [smem:$0x3F98];
	s0 =	simm.s32 @p1 $0x1  }
0x15: {  	[smem:$0x3FB5] =	sst s0;
	s0 =	simm.s32 @!p2 $0x0  }
0x16: {  	s3 =	sld [smem:$0x3FDB];
	s0 =	simm.s32 @p2 $0x1  }
0x17: {  	s4 =	simm.s32 $0x1BF5;
	[smem:$0x3FB7] =	sst s0  }
0x18: {  	s0 =	sld [smem:$0x3F9A];
	_ =	swait.ge [sflag:s4], $0x0  }
0x19: {  	s7 =	sld [smem:$0x3F9B]  }
0x1a: {  	s8 =	sadd.s32 $0xFFFFE003, lr  }
0x1b: {  	s9 =	sadd.s32 $0xFFFFFEF7, lr;
	s5 =	simm.s32 $0xFFFFFFFF;
	p2 =	slt.u32 s8, $0xFFFFF086  }
0x1c: {  	p1 =	slt.u32 s9, $0xF7A;
	s5 =	simm.s32 @!p2 $0x0  }
0x1d: {  	s5 =	simm.s32 @p1 $0x1;
	p0 =	seq.s32 s7, s2  }
0x1e: {  	s7 =	smul.u32 @!p0 $0xF7A, s2;
	p2 =	seq.s32 @!p0 s5, $0x0  }
0x1f: {  	s9 =	smul.u32 $0xF7A, s1;
	s8 =	simm.s32 @!p0 $0x1BF5;
	p2 =	por !p2, p0  }
0x20: {  	[sflag:s8] =	ssyncset.s32 @!p0 $0xFFFFF086;
	s6 =	sadd.s32 @!p0 s3, s7;
	s7 =	simm.s32 @!p0 $0x108  }
0x21: {  	s3 =	sadd.s32 s3, s9;
	s6 =	sadd.s32 @!p0 $0x88, s6;
	s7 =	simm.s32 @p2 $0x1082  }
0x22: {  	[simem:s7], [sflag:s8] =	dma.local @!p0 [hbm:s6], $0xF7A  }
0x23: {  	s9 =	sor.u32 $0xD0000000, s2;
	s6 =	simm.s32 $0x108;
	_ =	swait.ge @!p0 [sflag:s8], $0x0  }
0x24: {  	s3 =	sadd.s32 $0x88, s3;
	s6 =	simm.s32 @!p1 $0x1082;
	[sflag:s4] =	ssyncset.s32 $0xFFFFF086  }
0x25: {  	[simem:s6], [sflag:s4] =	dma.local [hbm:s3], $0xF7A  }
0x26: {  	[smem:$0x3F9B] =	sst s1;
	(tag) =	ssettag s2;
	_ =	strace s9  }
0x27: {  	s1 =	sld [smem:$0x3FAB]  }
0x28: {  	s2 =	sld [smem:$0x3FAC]  }
0x29: {  	s4 =	sld [smem:$0x3FAE]  }
0x2a: {  	p0 =	seq.s32 s5, $0x0;
	s5 =	sld [smem:$0x3FAF]  }
0x2b: {  	s6 =	sld [smem:$0x3FB0]  }
0x2c: {  	s7 =	sld [smem:$0x3FB1]  }
0x2d: {  	s3 =	simm.s32 $0x108;
	s8 =	sld [smem:$0x3FB2]  }
0x2e: {  	s3 =	simm.s32 @!p0 $0x1082;
	s9 =	sld [smem:$0x3FB3]  }
0x2f: {  	lr =	sadd.s32 s0, s3;
	s0 =	sld [smem:$0x3FAA]  }
0x30: {  	s3 =	sld [smem:$0x3FAD]  }
0x31: {  	[smem:$0x3FB6] =	sst s10  }
0x32: {  	s10 =	sld [smem:$0x3FB4];
	_ =	sdelay $0x3  }
0x33: {  	p0 =	seq.s32 s10, $0x1;
	s10 =	sld [smem:$0x3FB6];
	_ =	sdelay $0x3  }
0x34: {  	[smem:$0x3FB6] =	sst s10  }
0x35: {  	s10 =	sld [smem:$0x3FB5];
	_ =	sdelay $0x3  }
0x36: {  	p1 =	seq.s32 s10, $0x1;
	s10 =	sld [smem:$0x3FB6];
	_ =	sdelay $0x3  }
0x37: {  	[smem:$0x3FB6] =	sst s10  }
0x38: {  	s10 =	sld [smem:$0x3FB7]  }
0x39: {  	_ = 	snop;
	(pc) =	sbr.ind lr, $3  }
0x3a: {  	_ = 	snop  }
0x3b: {  	_ = 	snop  }
0x3c: {  	p2 =	seq.s32 s10, $0x1;
	s10 =	sld [smem:$0x3FB6]  }
0x3d: {  	_ =	shalt  }
0x3e: {  	_ =	shalt  }
0x3f: {  	_ =	shalt  }
0x40: {  	_ =	shalt  }
0x41: {  	_ =	shalt  }
0x42: {  	_ =	shalt  }
0x43: {  	_ =	shalt  }
0x44: {  	_ =	shalt  }
0x45: {  	_ =	shalt  }
0x46: {  	_ =	shalt  }
0x47: {  	_ =	shalt  }
0x48: {  	_ =	shalt  }
0x49: {  	_ =	shalt  }
0x4a: {  	_ =	shalt  }
0x4b: {  	_ =	shalt  }
0x4c: {  	_ =	shalt  }
0x4d: {  	_ =	shalt  }
0x4e: {  	_ =	shalt  }
0x4f: {  	_ =	shalt  }
0x50: {  	_ =	shalt  }
0x51: {  	_ =	shalt  }
0x52: {  	_ =	shalt  }
0x53: {  	_ =	shalt  }
0x54: {  	_ =	shalt  }
0x55: {  	_ =	shalt  }
0x56: {  	_ =	shalt  }
0x57: {  	_ =	shalt  }
0x58: {  	_ =	shalt  }
0x59: {  	_ =	shalt  }
0x5a: {  	_ =	shalt  }
0x5b: {  	_ =	shalt  }
0x5c: {  	_ =	shalt  }
0x5d: {  	_ =	shalt  }
0x5e: {  	_ =	shalt  }
0x5f: {  	_ =	shalt  }
0x60: {  	_ =	shalt  }
0x61: {  	_ =	shalt  }
0x62: {  	_ =	shalt  }
0x63: {  	_ =	shalt  }
0x64: {  	_ =	shalt  }
0x65: {  	_ =	shalt  }
0x66: {  	_ =	shalt  }
0x67: {  	_ =	shalt  }
0x68: {  	_ =	shalt  }
0x69: {  	_ =	shalt  }
0x6a: {  	_ =	shalt  }
0x6b: {  	_ =	shalt  }
0x6c: {  	_ =	shalt  }
0x6d: {  	_ =	shalt  }
0x6e: {  	_ =	shalt  }
0x6f: {  	_ =	shalt  }
0x70: {  	_ =	shalt  }
0x71: {  	_ =	shalt  }
0x72: {  	_ =	shalt  }
0x73: {  	_ =	shalt  }
0x74: {  	_ =	shalt  }
0x75: {  	_ =	shalt  }
0x76: {  	_ =	shalt  }
0x77: {  	_ =	shalt  }
0x78: {  	_ =	shalt  }
0x79: {  	_ =	shalt  }
0x7a: {  	_ =	shalt  }
0x7b: {  	_ =	shalt  }
0x7c: {  	_ =	shalt  }
0x7d: {  	_ =	shalt  }
0x7e: {  	_ =	shalt  }
0x7f: {  	_ =	shalt  }
0x80: {  	_ =	shalt  }
0x81: {  	_ =	shalt  }
0x82: {  	_ =	shalt  }
0x83: {  	_ =	shalt  }
0x84: {  	_ =	shalt  }
0x85: {  	_ =	shalt  }
0x86: {  	_ =	shalt  }
0x87: {  	_ =	shalt  }
.Lfunc_end0:
.L_simem_size_0:
called_computation.1_lowered:
.L_overlay_start_0:
0x88: {  	s2 =	sld [smem:$0x3FD9]  }
0x89: {  	s3 =	sld [smem:$0x3FFE];
	_ =	sdelay $0x1  }
0x8a: {  	s1 =	srdreg.scid  }
0x8b: {  	s0 =	sand.u32 $0x1, s1  }
0x8c: {  	s17 =	sshll.u32 s0, $0xA;
	s2 =	sadd.s32 s3, s2  }
0x8d: {  	s2 =	sadd.s32 s2, s17  }
0x8e: {  	[smem:$0x3FC2] =	sst s2  }
0x8f: {  	_ = 	snop  }
0x90: {  	s2 =	sld [smem:$0x3FD0];
	(tm) =	ssettm $0x1  }
0x91: {  	s18 =	sld [smem:$0x3FFB];
	_ =	sdelay $0x3  }
0x92: {  	_ =	strace s18  }
0x93: {  	s3 =	sld [smem:$0x3FFC];
	_ =	sdelay $0x3  }
0x94: {  	_ =	strace s3  }
0x95: {  	s3 =	sld [smem:$0x3FFD];
	_ =	sdelay $0x3  }
0x96: {  	_ =	strace s3  }
0x97: {  	_ =	strace $0x8FFFFFFF  }
0x98: {  	s19 =	sld [smem:$0x3FDB];
	_ =	sdelay $0x1  }
0x99: {  	s4 =	simm.s32 $_scs_section_size  }
0x9a: {  	s5 =	simm.s32 $_size__tile_overlayer_lowered;
	s6 =	simm.s32 $_tile_overlayer_lowered  }
0x9b: {  	s22 =	simm.s32 $0x1BFF;
	s21 =	sshll.u32 s6, $0x1;
	s3 =	sadd.s32 s4, s19  }
0x9c: {  	s7 =	simm.s32 $0x0;
	s20 =	sshll.u32 s5, $0x1;
	s5 =	sadd.s32 s21, s3  }
0x9d: {  	[timem:s7], [sflag:s22] =	dma.local [hbm:s5], s20  }
0x9e: {  	_ =	swait.ge [sflag:s22], s20  }
0x9f: {  	s4 =	ssub.s32 $0x0, s20;
	[sflag:s22] =	ssyncset.done $0x0  }
0xa0: {  	[sflag:s22] =	ssyncadd.s32 s4;
	_ =	sdelay $0x1  }
0xa1: {  	s23 =	simm.s32 $0x1B8B  }
0xa2: {  	_ =	swait.ge [sflag:s23], $0x1  }
0xa3: {  	[sflag:s23] =	ssyncset.done $0x0  }
0xa4: {  	s25 =	simm.s32 $0x1B8E;
	s24 =	sld [smem:$0x3FFE];
	[sflag:s23] =	ssyncadd.s32 $0xFFFFFFFF  }
0xa5: {  	s26 =	simm.s32 $execute0_lowered;
	[smem:$0x3FD2] =	sst s25  }
0xa6: {  	s5 =	sshll.u32 s26, $0x1;
	_ =	strace $0x80000049;
	[dreg:$0x1] =	wrdreg $0xFFFFFFFF  }
0xa7: {  	s28 =	simm.s32 $_size_execute0_lowered;
	s3 =	sadd.s32 s3, s5;
	[dreg:$0x0] =	wrdreg $0x0  }
0xa8: {  	s5 =	sshll.u32 s28, $0x1;
	[dreg:$0x2] =	wrdreg s3  }
0xa9: {  	[dreg:$0x3] =	wrdreg s5  }
0xaa: {  	[dreg:$0x4] =	wrdreg $0xC0  }
0xab: {  	_ =	task [dreg:s7], $0x5FFFF  }
0xac: {  	[dreg:$0x1] =	wrdreg $0xFFFFFFFF  }
0xad: {  	[dreg:$0x0] =	wrdreg $0x60  }
0xae: {  	[dreg:$0x2] =	wrdreg s2  }
0xaf: {  	[dreg:$0x3] =	wrdreg s24  }
0xb0: {  	[dreg:$0x4] =	wrdreg $0xAF000  }
0xb1: {  	[dreg:$0x5] =	wrdreg $0x9  }
0xb2: {  	_ =	task.clear_ibuf [dreg:s7], $0x6FFFF;
	_ =	strace $0x90000049  }
0xb3: {  	s29 =	simm.s32 $0x9;
	_ =	strace $0x8000004B  }
0xb4: {  	_ =	swait.ge [sflag:s29], $0x1  }
0xb5: {  	[sflag:s29] =	ssyncadd.s32 $0xFFFFFFFF  }
0xb6: {  	_ =	strace $0x9000004B  }
0xb7: {  	_ =	sfence  }
0xb8: {  	s30 =	sld [smem:$0x0];
	_ =	sdelay $0x2  }
0xb9: {  	s31 =	sshll.u32 s1, $0xD;
	s1 =	sshrl.u32 s1, $0x2  }
0xba: {  	s3 =	sand.u32 $0x4000, s31;
	s1 =	sadd.s32 s1, s30  }
0xbb: {  	s0 =	sor.u32 s3, s0;
	s1 =	sshll.u32 s1, $0x11  }
0xbc: {  	s0 =	sor.u32 s1, s0  }
0xbd: {  	s0 =	sadd.s32 $0x8F2B, s0  }
0xbe: {  	[sflag:s0] =	ssyncadd.remote.s32 $0x1  }
0xbf: {  	_ =	sfence.sel $0xFFFF  }
0xc0: {  	[dreg:$0x0] =	wrdreg $0xFFFFFFFF;
	(pc) =	sbr.abs _section_cstart, $3  }
0xc1: {  	[dreg:$0x1] =	wrdreg $0xFFFFFFFF  }
0xc2: {  	_ =	task.clear_ibuf [dreg:s7], $0x2FFFF;
	_ =	strace $0x9FFFFFFF  }
0xc3: {  	(tm) =	ssettm $0x7FFFFFFF  }
tec
execute0_lowered:
.L_overlay_start_1:
0x0: {  	(tag) =	ssettag $0x1  }
0x1: {  	s1 =	rddreg [dreg:$0x0]  }
0x2: {  	s0 =	rddreg [dreg:$0x1]  }
0x3: {  	s3 =	rddreg [dreg:$0x2]  }
0x4: {  	s2 =	srdreg.scid;
	s7 =	stileid.u32  }
0x5: {  	s8 =	simm.s32 $0x0;
	s28 =	simm.s32 $0x4F00;
	s29 =	simm.s32 $0x6700  }
0x6: {  	s31 =	simm.s32 $0x7F00;
	s30 =	simm.s32 $0x5700;
	s6 =	smul.u32 $0x14000, s7  }
0x7: {  	s9 =	simm.s32 $0x8700;
	s2 =	sand.u32 $0x1, s2;
	s13 =	smul.u32 $0x50000, s7  }
0x8: {  	s10 =	simm.s32 $0x8F00;
	s11 =	simm.s32 $0x4;
	s5 =	smul.u32 $0x140000, s2  }
0x9: {  	s12 =	simm.s32 $0x9F00;
	[smem:$0x7FF] =	sst s8;
	s8 =	simm.s32 $0x3  }
0xa: {  	s4 =	sshll.u32 s2, $0x4;
	s5 =	sadd.s32 s6, s5;
	s6 =	sshrl.u32 s13, $0x2  }
0xb: {  	_ =	strace $0x8000004A;
	s2 =	ssub.s32 $0x2, s2;
	s6 =	sadd.s32 s6, s3  }
0xc: {  	s4 =	sor.u32 s7, s4;
	s14 =	sshrl.u32 s2, $0x1;
	s16 =	sadd.s32 $0x1800, s6  }
0xd: {  	s7 =	simm.s32 $0x7700;
	s17 =	sadd.s32 $0x3000, s6;
	[dreg:$0x6] =	wrdreg s16  }
0xe: {  	s4 =	smul.u32 $0x4E2, s4;
	s18 =	sadd.s32 $0x4800, s6;
	[dreg:$0x7] =	wrdreg s17  }
0xf: {  	s2 =	ssub.s32 s2, s14;
	s19 =	sadd.s32 $0x6000, s6;
	[dreg:$0x8] =	wrdreg s18  }
0x10: {  	s13 =	simm.s32 $0xA700;
	s20 =	sadd.s32 $0x7800, s6;
	[dreg:$0x9] =	wrdreg s19  }
0x11: {  	s14 =	simm.s32 $0x0;
	s21 =	sadd.s32 $0x9000, s6;
	[dreg:$0xa] =	wrdreg s20  }
0x12: {  	s5 =	sshrl.u32 s5, $0x3;
	s22 =	sadd.s32 $0xA800, s6;
	[dreg:$0xb] =	wrdreg s21  }
0x13: {  	s4 =	sadd.s32 s4, s0;
	s23 =	sadd.s32 $0xC000, s6;
	[dreg:$0xc] =	wrdreg s22  }
0x14: {  	s0 =	sadd.s32 s5, s0;
	s24 =	sadd.s32 $0xD800, s6;
	[dreg:$0xd] =	wrdreg s23  }
0x15: {  	s25 =	sadd.s32 $0xF000, s6;
	s26 =	sadd.s32 $0x10800, s6;
	[dreg:$0xe] =	wrdreg s24  }
0x16: {  	s5 =	simm.s32 $0x6F00;
	s15 =	sadd.s32 $0x2A00, s4;
	[dreg:$0xf] =	wrdreg s25  }
0x17: {  	s4 =	sadd.s32 $0xC800, s4;
	[dreg:$0x10] =	wrdreg s26;
	s19 =	sadd.s32 $0x12000, s6  }
0x18: {  	s20 =	sadd.s32 $0x13800, s6;
	s21 =	sadd.s32 $0x16600, s0;
	s22 =	smax.u32 s2, $0x1  }
0x19: {  	s23 =	simm.s32 $0x6;
	s25 =	simm.s32 $0x9700;
	s26 =	simm.s32 $0x30  }
0x1a: {  	s0 =	simm.s32 $0x1;
	s2 =	simm.s32 $0x5F00;
	[dreg:$0x4] =	wrdreg s15  }
0x1b: {  	v0 =	vimm.f32 $0.0e+00;
	vm0 =	vmmov $0xffff;
	s24 =	simm.s32 $0x2;
	[dreg:$0x5] =	wrdreg s4;
	s4 =	simm.s32 $0x5  }
.LBB2_1:
0x1c: {  	s16 =	simm.s32 $0x0  }
0x1d: {  	s15 =	sand.u32 $0x7E00, s16  }
0x1e: {  	s16 =	sand.u32 $0x70, s16;
	s17 =	sshrl.u32 s15, $0x2  }
0x1f: {  	s15 =	simm.s32 $0x40;
	s17 =	sor.u32 s16, s17;
	s16 =	simm.s32 $0x0  }
.LBB2_2:
0x20: {  	p0 =	sne.s32 s15, $0x5FC0  }
0x21: {  	[tilespmem:s17+$0x9700] =	vst v0;
	s16 =	sadd.s32 $0x10, s16;
	s17 =	smov.u32 s15;
	s15 =	sadd.s32 $0x40, s15  }
.Ltmp0:
0x22: {  	(pc) =	sbr.rel @p0 .LBB2_2-.Ltmp0, $4  }
0x23: {  	_ = 	snop  }
0x24: {  	s17 =	sand.u32 $0x7E00, s17  }
0x25: {  	s18 =	sand.u32 $0x70, s16;
	s17 =	sshrl.u32 s17, $0x2  }
0x26: {  	s17 =	sor.u32 s18, s17  }
0x27: {  	[tilespmem:s17+$0x9700] =	vst v0;
	s15 =	simm.s32 $0x0;
	s16 =	rddreg [dreg:$0x4]  }
0x28: {  	[tilespmem:s15], [sflag:$0x6] =	stream.linear.gather [hbm4b:s16+s15], $0x2710, $0x38;
	[tilespmem:$0x1EF00] =	vst v63  }
0x29: {  	_ =	swait.ge [sflag:s23], $0x2710  }
0x2a: {  	[sflag:s23] =	ssyncset.done $0x0  }
0x2b: {  	s18 =	simm.s32 $0x2780;
	s17 =	rddreg [dreg:$0x5];
	[sflag:s23] =	ssyncadd.s32 $0xFFFFD8F0  }
0x2c: {  	[tilespmem:s18], [sflag:$0x6] =	stream.linear.gather [hbm4b:s17+s15], $0x2710, $0x38;
	[tilespmem:$0x1EF00] =	vst v63  }
0x2d: {  	_ =	swait.ge [sflag:s23], $0x2710  }
0x2e: {  	[sflag:s23] =	ssyncset.done $0x0  }
0x2f: {  	[sflag:s23] =	ssyncadd.s32 $0xFFFFD8F0  }
0x30: {  	[spmem:s6] =	stream.linear.scatter [tilespmem:s25], [sflag:$0x6], $0x1800, $0x38;
	[tilespmem:$0x1EF00] =	vst v63  }
0x31: {  	_ =	swait.ge [sflag:s23], $0x1800  }
0x32: {  	[sflag:s23] =	ssyncset.done $0x0  }
0x33: {  	s17 =	rddreg [dreg:$0x6];
	[sflag:s23] =	ssyncadd.s32 $0xFFFFE800  }
0x34: {  	[spmem:s17] =	stream.linear.scatter [tilespmem:s25], [sflag:$0x6], $0x1800, $0x38;
	[tilespmem:$0x1EF00] =	vst v63  }
0x35: {  	_ =	swait.ge [sflag:s23], $0x1800  }
0x36: {  	[sflag:s23] =	ssyncset.done $0x0  }
0x37: {  	s18 =	rddreg [dreg:$0x7];
	[sflag:s23] =	ssyncadd.s32 $0xFFFFE800  }
0x38: {  	[spmem:s18] =	stream.linear.scatter [tilespmem:s25], [sflag:$0x6], $0x1800, $0x38;
	[tilespmem:$0x1EF00] =	vst v63  }
0x39: {  	_ =	swait.ge [sflag:s23], $0x1800  }
0x3a: {  	[sflag:s23] =	ssyncset.done $0x0  }
0x3b: {  	s17 =	rddreg [dreg:$0x8];
	[sflag:s23] =	ssyncadd.s32 $0xFFFFE800  }
0x3c: {  	[spmem:s17] =	stream.linear.scatter [tilespmem:s25], [sflag:$0x6], $0x1800, $0x38;
	[tilespmem:$0x1EF00] =	vst v63  }
0x3d: {  	_ =	swait.ge [sflag:s23], $0x1800  }
0x3e: {  	[sflag:s23] =	ssyncset.done $0x0  }
0x3f: {  	s18 =	rddreg [dreg:$0x9];
	[sflag:s23] =	ssyncadd.s32 $0xFFFFE800  }
0x40: {  	[spmem:s18] =	stream.linear.scatter [tilespmem:s25], [sflag:$0x6], $0x1800, $0x38;
	[tilespmem:$0x1EF00] =	vst v63  }
0x41: {  	_ =	swait.ge [sflag:s23], $0x1800  }
0x42: {  	[sflag:s23] =	ssyncset.done $0x0  }
0x43: {  	s17 =	rddreg [dreg:$0xa];
	[sflag:s23] =	ssyncadd.s32 $0xFFFFE800  }
0x44: {  	[spmem:s17] =	stream.linear.scatter [tilespmem:s25], [sflag:$0x6], $0x1800, $0x38;
	[tilespmem:$0x1EF00] =	vst v63  }
0x45: {  	_ =	swait.ge [sflag:s23], $0x1800  }
0x46: {  	[sflag:s23] =	ssyncset.done $0x0  }
0x47: {  	s18 =	rddreg [dreg:$0xb];
	[sflag:s23] =	ssyncadd.s32 $0xFFFFE800  }
0x48: {  	[spmem:s18] =	stream.linear.scatter [tilespmem:s25], [sflag:$0x6], $0x1800, $0x38;
	[tilespmem:$0x1EF00] =	vst v63  }
0x49: {  	_ =	swait.ge [sflag:s23], $0x1800  }
0x4a: {  	[sflag:s23] =	ssyncset.done $0x0  }
0x4b: {  	s17 =	rddreg [dreg:$0xc];
	[sflag:s23] =	ssyncadd.s32 $0xFFFFE800  }
0x4c: {  	[spmem:s17] =	stream.linear.scatter [tilespmem:s25], [sflag:$0x6], $0x1800, $0x38;
	[tilespmem:$0x1EF00] =	vst v63  }
0x4d: {  	_ =	swait.ge [sflag:s23], $0x1800  }
0x4e: {  	[sflag:s23] =	ssyncset.done $0x0  }
0x4f: {  	s18 =	rddreg [dreg:$0xd];
	[sflag:s23] =	ssyncadd.s32 $0xFFFFE800  }
0x50: {  	[spmem:s18] =	stream.linear.scatter [tilespmem:s25], [sflag:$0x6], $0x1800, $0x38;
	[tilespmem:$0x1EF00] =	vst v63  }
0x51: {  	_ =	swait.ge [sflag:s23], $0x1800  }
0x52: {  	[sflag:s23] =	ssyncset.done $0x0  }
0x53: {  	s17 =	rddreg [dreg:$0xe];
	[sflag:s23] =	ssyncadd.s32 $0xFFFFE800  }
0x54: {  	[spmem:s17] =	stream.linear.scatter [tilespmem:s25], [sflag:$0x6], $0x1800, $0x38;
	[tilespmem:$0x1EF00] =	vst v63  }
0x55: {  	_ =	swait.ge [sflag:s23], $0x1800  }
0x56: {  	[sflag:s23] =	ssyncset.done $0x0  }
0x57: {  	s18 =	rddreg [dreg:$0xf];
	[sflag:s23] =	ssyncadd.s32 $0xFFFFE800  }
0x58: {  	[spmem:s18] =	stream.linear.scatter [tilespmem:s25], [sflag:$0x6], $0x1800, $0x38;
	[tilespmem:$0x1EF00] =	vst v63  }
0x59: {  	_ =	swait.ge [sflag:s23], $0x1800  }
0x5a: {  	[sflag:s23] =	ssyncset.done $0x0  }
0x5b: {  	s17 =	rddreg [dreg:$0x10];
	[sflag:s23] =	ssyncadd.s32 $0xFFFFE800  }
0x5c: {  	[spmem:s17] =	stream.linear.scatter [tilespmem:s25], [sflag:$0x6], $0x1800, $0x38;
	[tilespmem:$0x1EF00] =	vst v63  }
0x5d: {  	_ =	swait.ge [sflag:s23], $0x1800  }
0x5e: {  	[sflag:s23] =	ssyncset.done $0x0  }
0x5f: {  	[sflag:s23] =	ssyncadd.s32 $0xFFFFE800  }
0x60: {  	[spmem:s19] =	stream.linear.scatter [tilespmem:s25], [sflag:$0x6], $0x1800, $0x38;
	[tilespmem:$0x1EF00] =	vst v63  }
0x61: {  	_ =	swait.ge [sflag:s23], $0x1800  }
0x62: {  	[sflag:s23] =	ssyncset.done $0x0  }
0x63: {  	[sflag:s23] =	ssyncadd.s32 $0xFFFFE800  }
0x64: {  	[spmem:s20] =	stream.linear.scatter [tilespmem:s25], [sflag:$0x6], $0x800, $0x38;
	[tilespmem:$0x1EF00] =	vst v63  }
0x65: {  	_ =	swait.ge [sflag:s23], $0x800  }
0x66: {  	[sflag:s23] =	ssyncset.done $0x0  }
0x67: {  	[sflag:s23] =	ssyncadd.s32 $0xFFFFF800  }
0x68: {  	[bflag:$0x0] =	sbarrier.arrive $0xFFFF  }
0x69: {  	[tilespmem:s28], [sflag:$0x1] =	stream.indirect.gather [hbm4b:s1+s26], $0x80, s15, s26, $0xb8;
	[tilespmem:$0x1EF00] =	vst v63  }
0x6a: {  	_ = 	snop  }
0x6b: {  	[tilespmem:s29], [sflag:$0x2] =	stream.indirect.gather [hbm4b:s1+s26], $0x80, s26, s26, $0xb8;
	[tilespmem:$0x1EF00] =	vst v63  }
0x6c: {  	s18 =	simm.s32 $0x60  }
0x6d: {  	[tilespmem:s31], [sflag:$0x3] =	stream.indirect.gather [hbm4b:s1+s26], $0x80, s18, s26, $0xb8;
	[tilespmem:$0x1EF00] =	vst v63  }
0x6e: {  	_ =	swait.ge [sflag:s0], $0x1800  }
0x6f: {  	[sflag:s0] =	ssyncset.done $0x0  }
0x70: {  	s17 =	simm.s32 $0x90;
	[sflag:s0] =	ssyncadd.s32 $0xFFFFE800  }
0x71: {  	[tilespmem:s25], [sflag:$0x4] =	stream.indirect.gather [hbm4b:s1+s26], $0x80, s17, s26, $0xb8;
	[tilespmem:$0x1EF00] =	vst v63  }
0x72: {  	v1 =	vld [tilespmem:$0x2780];
	_ =	sdelay $0x7  }
0x73: {  	[spmem:s3] =	stream.indirect_vreg.scatter.add.f32 [tilespmem:s28], [sflag:$0x5], $0x80, v1, vm0, $0xb8;
	[tilespmem:$0x1EF00] =	vst v63  }
0x74: {  	v1 =	vld [tilespmem:$0x2790];
	_ =	sdelay $0x7  }
0x75: {  	[spmem:s3] =	stream.indirect_vreg.scatter.add.f32 [tilespmem:s30], [sflag:$0x5], $0x80, v1, vm0, $0xb8;
	[tilespmem:$0x1EF00] =	vst v63  }
0x76: {  	v1 =	vld [tilespmem:$0x27A0];
	_ =	sdelay $0x7  }
0x77: {  	[spmem:s3] =	stream.indirect_vreg.scatter.add.f32 [tilespmem:s2], [sflag:$0x5], $0x80, v1, vm0, $0xb8;
	[tilespmem:$0x1EF00] =	vst v63  }
0x78: {  	_ =	swait.ge [sflag:s24], $0x1800  }
0x79: {  	[sflag:s24] =	ssyncset.done $0x0  }
0x7a: {  	[sflag:s24] =	ssyncadd.s32 $0xFFFFE800  }
0x7b: {  	_ =	swait.ge [sflag:s4], $0x1800  }
0x7c: {  	[sflag:s4] =	ssyncset.done $0x0  }
0x7d: {  	s16 =	simm.s32 $0xC0;
	[sflag:s4] =	ssyncadd.s32 $0xFFFFE800  }
0x7e: {  	[tilespmem:s28], [sflag:$0x1] =	stream.indirect.gather [hbm4b:s1+s26], $0x80, s16, s26, $0xb8;
	[tilespmem:$0x1EF00] =	vst v63  }
0x7f: {  	v1 =	vld [tilespmem:$0x27B0];
	_ =	sdelay $0x7  }
0x80: {  	[spmem:s3] =	stream.indirect_vreg.scatter.add.f32 [tilespmem:s29], [sflag:$0x5], $0x80, v1, vm0, $0xb8;
	[tilespmem:$0x1EF00] =	vst v63  }
0x81: {  	v1 =	vld [tilespmem:$0x27C0];
	_ =	sdelay $0x7  }
0x82: {  	[spmem:s3] =	stream.indirect_vreg.scatter.add.f32 [tilespmem:s5], [sflag:$0x5], $0x80, v1, vm0, $0xb8;
	[tilespmem:$0x1EF00] =	vst v63  }
0x83: {  	v1 =	vld [tilespmem:$0x27D0];
	_ =	sdelay $0x7  }
0x84: {  	[spmem:s3] =	stream.indirect_vreg.scatter.add.f32 [tilespmem:s7], [sflag:$0x5], $0x80, v1, vm0, $0xb8;
	[tilespmem:$0x1EF00] =	vst v63  }
0x85: {  	_ =	swait.ge [sflag:s8], $0x1800  }
0x86: {  	[sflag:s8] =	ssyncset.done $0x0  }
0x87: {  	[sflag:s8] =	ssyncadd.s32 $0xFFFFE800  }
0x88: {  	_ =	swait.ge [sflag:s4], $0x1800  }
0x89: {  	[sflag:s4] =	ssyncset.done $0x0  }
0x8a: {  	s18 =	simm.s32 $0xF0;
	[sflag:s4] =	ssyncadd.s32 $0xFFFFE800  }
0x8b: {  	[tilespmem:s29], [sflag:$0x2] =	stream.indirect.gather [hbm4b:s1+s26], $0x80, s18, s26, $0xb8;
	[tilespmem:$0x1EF00] =	vst v63  }
0x8c: {  	v1 =	vld [tilespmem:$0x27E0];
	_ =	sdelay $0x7  }
0x8d: {  	[spmem:s3] =	stream.indirect_vreg.scatter.add.f32 [tilespmem:s31], [sflag:$0x5], $0x80, v1, vm0, $0xb8;
	[tilespmem:$0x1EF00] =	vst v63  }
0x8e: {  	v1 =	vld [tilespmem:$0x27F0];
	_ =	sdelay $0x7  }
0x8f: {  	[spmem:s3] =	stream.indirect_vreg.scatter.add.f32 [tilespmem:s9], [sflag:$0x5], $0x80, v1, vm0, $0xb8;
	[tilespmem:$0x1EF00] =	vst v63  }
0x90: {  	v1 =	vld [tilespmem:$0x2800];
	_ =	sdelay $0x7  }
0x91: {  	[spmem:s3] =	stream.indirect_vreg.scatter.add.f32 [tilespmem:s10], [sflag:$0x5], $0x80, v1, vm0, $0xb8;
	[tilespmem:$0x1EF00] =	vst v63  }
0x92: {  	_ =	swait.ge [sflag:s11], $0x1800  }
0x93: {  	[sflag:s11] =	ssyncset.done $0x0  }
0x94: {  	[sflag:s11] =	ssyncadd.s32 $0xFFFFE800  }
0x95: {  	_ =	swait.ge [sflag:s4], $0x1800  }
0x96: {  	[sflag:s4] =	ssyncset.done $0x0  }
0x97: {  	s18 =	simm.s32 $0x120;
	[sflag:s4] =	ssyncadd.s32 $0xFFFFE800  }
0x98: {  	[tilespmem:s31], [sflag:$0x3] =	stream.indirect.gather [hbm4b:s1+s26], $0x80, s18, s26, $0xb8;
	[tilespmem:$0x1EF00] =	vst v63  }
0x99: {  	v1 =	vld [tilespmem:$0x2810];
	_ =	sdelay $0x7  }
0x9a: {  	[spmem:s3] =	stream.indirect_vreg.scatter.add.f32 [tilespmem:s25], [sflag:$0x5], $0x80, v1, vm0, $0xb8;
	[tilespmem:$0x1EF00] =	vst v63  }
0x9b: {  	v1 =	vld [tilespmem:$0x2820];
	_ =	sdelay $0x7  }
0x9c: {  	[spmem:s3] =	stream.indirect_vreg.scatter.add.f32 [tilespmem:s12], [sflag:$0x5], $0x80, v1, vm0, $0xb8;
	[tilespmem:$0x1EF00] =	vst v63  }
0x9d: {  	v1 =	vld [tilespmem:$0x2830];
	_ =	sdelay $0x7  }
0x9e: {  	[spmem:s3] =	stream.indirect_vreg.scatter.add.f32 [tilespmem:s13], [sflag:$0x5], $0x80, v1, vm0, $0xb8;
	[tilespmem:$0x1EF00] =	vst v63  }
.LBB2_4:
0x9f: {  	_ =	swait.ge [sflag:s0], $0x1800  }
0xa0: {  	[sflag:s0] =	ssyncset.done $0x0  }
0xa1: {  	[sflag:s0] =	ssyncadd.s32 $0xFFFFE800  }
0xa2: {  	_ =	swait.ge [sflag:s4], $0x1800  }
0xa3: {  	s17 =	sshra.s32 s15, $0x2;
	[sflag:s4] =	ssyncset.done $0x0  }
0xa4: {  	s18 =	sadd.s32 $0x150, s17;
	[sflag:s4] =	ssyncadd.s32 $0xFFFFE800  }
0xa5: {  	[tilespmem:s25], [sflag:$0x4] =	stream.indirect.gather [hbm4b:s1+s26], $0x80, s18, s26, $0xb8;
	[tilespmem:$0x1EF00] =	vst v63  }
0xa6: {  	v1 =	vld [tilespmem:s17+$0x2840];
	_ =	sdelay $0x7  }
0xa7: {  	[spmem:s3] =	stream.indirect_vreg.scatter.add.f32 [tilespmem:s28], [sflag:$0x5], $0x80, v1, vm0, $0xb8;
	[tilespmem:$0x1EF00] =	vst v63  }
0xa8: {  	v1 =	vld [tilespmem:s17+$0x2850];
	_ =	sdelay $0x7  }
0xa9: {  	[spmem:s3] =	stream.indirect_vreg.scatter.add.f32 [tilespmem:s30], [sflag:$0x5], $0x80, v1, vm0, $0xb8;
	[tilespmem:$0x1EF00] =	vst v63  }
0xaa: {  	v1 =	vld [tilespmem:s17+$0x2860];
	_ =	sdelay $0x7  }
0xab: {  	[spmem:s3] =	stream.indirect_vreg.scatter.add.f32 [tilespmem:s2], [sflag:$0x5], $0x80, v1, vm0, $0xb8;
	[tilespmem:$0x1EF00] =	vst v63  }
0xac: {  	_ =	swait.ge [sflag:s24], $0x1800  }
0xad: {  	[sflag:s24] =	ssyncset.done $0x0  }
0xae: {  	[sflag:s24] =	ssyncadd.s32 $0xFFFFE800  }
0xaf: {  	_ =	swait.ge [sflag:s4], $0x1800  }
0xb0: {  	[sflag:s4] =	ssyncset.done $0x0  }
0xb1: {  	s18 =	sadd.s32 $0x180, s17;
	[sflag:s4] =	ssyncadd.s32 $0xFFFFE800  }
0xb2: {  	[tilespmem:s28], [sflag:$0x1] =	stream.indirect.gather [hbm4b:s1+s26], $0x80, s18, s26, $0xb8;
	[tilespmem:$0x1EF00] =	vst v63  }
0xb3: {  	v1 =	vld [tilespmem:s17+$0x2870];
	_ =	sdelay $0x7  }
0xb4: {  	[spmem:s3] =	stream.indirect_vreg.scatter.add.f32 [tilespmem:s29], [sflag:$0x5], $0x80, v1, vm0, $0xb8;
	[tilespmem:$0x1EF00] =	vst v63  }
0xb5: {  	v1 =	vld [tilespmem:s17+$0x2880];
	_ =	sdelay $0x7  }
0xb6: {  	[spmem:s3] =	stream.indirect_vreg.scatter.add.f32 [tilespmem:s5], [sflag:$0x5], $0x80, v1, vm0, $0xb8;
	[tilespmem:$0x1EF00] =	vst v63  }
0xb7: {  	v1 =	vld [tilespmem:s17+$0x2890];
	_ =	sdelay $0x7  }
0xb8: {  	[spmem:s3] =	stream.indirect_vreg.scatter.add.f32 [tilespmem:s7], [sflag:$0x5], $0x80, v1, vm0, $0xb8;
	[tilespmem:$0x1EF00] =	vst v63  }
0xb9: {  	_ =	swait.ge [sflag:s8], $0x1800  }
0xba: {  	[sflag:s8] =	ssyncset.done $0x0  }
0xbb: {  	[sflag:s8] =	ssyncadd.s32 $0xFFFFE800  }
0xbc: {  	_ =	swait.ge [sflag:s4], $0x1800  }
0xbd: {  	[sflag:s4] =	ssyncset.done $0x0  }
0xbe: {  	s18 =	sadd.s32 $0x1B0, s17;
	[sflag:s4] =	ssyncadd.s32 $0xFFFFE800  }
0xbf: {  	[tilespmem:s29], [sflag:$0x2] =	stream.indirect.gather [hbm4b:s1+s26], $0x80, s18, s26, $0xb8;
	[tilespmem:$0x1EF00] =	vst v63  }
0xc0: {  	v1 =	vld [tilespmem:s17+$0x28A0];
	_ =	sdelay $0x7  }
0xc1: {  	[spmem:s3] =	stream.indirect_vreg.scatter.add.f32 [tilespmem:s31], [sflag:$0x5], $0x80, v1, vm0, $0xb8;
	[tilespmem:$0x1EF00] =	vst v63  }
0xc2: {  	v1 =	vld [tilespmem:s17+$0x28B0];
	_ =	sdelay $0x6  }
0xc3: {  	s18 =	sand.u32 $0x3FC0, s16  }
0xc4: {  	[spmem:s3] =	stream.indirect_vreg.scatter.add.f32 [tilespmem:s9], [sflag:$0x5], $0x80, v1, vm0, $0xb8;
	[tilespmem:$0x1EF00] =	vst v63  }
0xc5: {  	v1 =	vld [tilespmem:s18+$0x2800];
	_ =	sdelay $0x7  }
0xc6: {  	[spmem:s3] =	stream.indirect_vreg.scatter.add.f32 [tilespmem:s10], [sflag:$0x5], $0x80, v1, vm0, $0xb8;
	[tilespmem:$0x1EF00] =	vst v63  }
0xc7: {  	_ =	swait.ge [sflag:s11], $0x1800  }
0xc8: {  	[sflag:s11] =	ssyncset.done $0x0  }
0xc9: {  	[sflag:s11] =	ssyncadd.s32 $0xFFFFE800  }
0xca: {  	_ =	swait.ge [sflag:s4], $0x1800  }
0xcb: {  	[sflag:s4] =	ssyncset.done $0x0  }
0xcc: {  	s18 =	sadd.s32 $0x1E0, s17;
	[sflag:s4] =	ssyncadd.s32 $0xFFFFE800  }
0xcd: {  	[tilespmem:s31], [sflag:$0x3] =	stream.indirect.gather [hbm4b:s1+s26], $0x80, s18, s26, $0xb8;
	[tilespmem:$0x1EF00] =	vst v63  }
0xce: {  	v1 =	vld [tilespmem:s17+$0x28D0];
	_ =	sdelay $0x7  }
0xcf: {  	[spmem:s3] =	stream.indirect_vreg.scatter.add.f32 [tilespmem:s25], [sflag:$0x5], $0x80, v1, vm0, $0xb8;
	[tilespmem:$0x1EF00] =	vst v63  }
0xd0: {  	v1 =	vld [tilespmem:s17+$0x28E0];
	_ =	sdelay $0x7  }
0xd1: {  	[spmem:s3] =	stream.indirect_vreg.scatter.add.f32 [tilespmem:s12], [sflag:$0x5], $0x80, v1, vm0, $0xb8;
	[tilespmem:$0x1EF00] =	vst v63  }
0xd2: {  	v1 =	vld [tilespmem:s17+$0x28F0];
	_ =	sdelay $0x2  }
0xd3: {  	p0 =	sne.s32 s15, $0x9000  }
.Ltmp1:
0xd4: {  	_ = 	snop;
	(pc) =	sbr.rel @p0 .LBB2_4-.Ltmp1, $3  }
0xd5: {  	_ =	sdelay $0x1  }
0xd6: {  	s15 =	sadd.s32 $0x300, s15;
	s16 =	sadd.s32 $0xC0, s16  }
0xd7: {  	[spmem:s3] =	stream.indirect_vreg.scatter.add.f32 [tilespmem:s13], [sflag:$0x5], $0x80, v1, vm0, $0xb8;
	[tilespmem:$0x1EF00] =	vst v63  }
0xd8: {  	_ =	swait.ge [sflag:s0], $0x1800  }
0xd9: {  	[sflag:s0] =	ssyncset.done $0x0  }
0xda: {  	[sflag:s0] =	ssyncadd.s32 $0xFFFFE800  }
0xdb: {  	_ =	swait.ge [sflag:s4], $0x1800  }
0xdc: {  	[sflag:s4] =	ssyncset.done $0x0  }
0xdd: {  	s15 =	simm.s32 $0x2610;
	[sflag:s4] =	ssyncadd.s32 $0xFFFFE800  }
0xde: {  	[tilespmem:s25], [sflag:$0x4] =	stream.indirect.gather [hbm4b:s1+s26], $0x80, s15, s26, $0xb8;
	[tilespmem:$0x1EF00] =	vst v63  }
0xdf: {  	v1 =	vld [tilespmem:$0x4D00];
	_ =	sdelay $0x7  }
0xe0: {  	[spmem:s3] =	stream.indirect_vreg.scatter.add.f32 [tilespmem:s28], [sflag:$0x5], $0x80, v1, vm0, $0xb8;
	[tilespmem:$0x1EF00] =	vst v63  }
0xe1: {  	v1 =	vld [tilespmem:$0x4D10];
	_ =	sdelay $0x7  }
0xe2: {  	[spmem:s3] =	stream.indirect_vreg.scatter.add.f32 [tilespmem:s30], [sflag:$0x5], $0x80, v1, vm0, $0xb8;
	[tilespmem:$0x1EF00] =	vst v63  }
0xe3: {  	v1 =	vld [tilespmem:$0x4D20];
	_ =	sdelay $0x7  }
0xe4: {  	[spmem:s3] =	stream.indirect_vreg.scatter.add.f32 [tilespmem:s2], [sflag:$0x5], $0x80, v1, vm0, $0xb8;
	[tilespmem:$0x1EF00] =	vst v63  }
0xe5: {  	_ =	swait.ge [sflag:s24], $0x1800  }
0xe6: {  	[sflag:s24] =	ssyncset.done $0x0  }
0xe7: {  	[sflag:s24] =	ssyncadd.s32 $0xFFFFE800  }
0xe8: {  	_ =	swait.ge [sflag:s4], $0x1800  }
0xe9: {  	[sflag:s4] =	ssyncset.done $0x0  }
0xea: {  	s17 =	simm.s32 $0x2640;
	[sflag:s4] =	ssyncadd.s32 $0xFFFFE800  }
0xeb: {  	[tilespmem:s28], [sflag:$0x1] =	stream.indirect.gather [hbm4b:s1+s26], $0x80, s17, s26, $0xb8;
	[tilespmem:$0x1EF00] =	vst v63  }
0xec: {  	v1 =	vld [tilespmem:$0x4D30];
	_ =	sdelay $0x7  }
0xed: {  	[spmem:s3] =	stream.indirect_vreg.scatter.add.f32 [tilespmem:s29], [sflag:$0x5], $0x80, v1, vm0, $0xb8;
	[tilespmem:$0x1EF00] =	vst v63  }
0xee: {  	v1 =	vld [tilespmem:$0x4D40];
	_ =	sdelay $0x7  }
0xef: {  	[spmem:s3] =	stream.indirect_vreg.scatter.add.f32 [tilespmem:s5], [sflag:$0x5], $0x80, v1, vm0, $0xb8;
	[tilespmem:$0x1EF00] =	vst v63  }
0xf0: {  	v1 =	vld [tilespmem:$0x4D50];
	_ =	sdelay $0x7  }
0xf1: {  	[spmem:s3] =	stream.indirect_vreg.scatter.add.f32 [tilespmem:s7], [sflag:$0x5], $0x80, v1, vm0, $0xb8;
	[tilespmem:$0x1EF00] =	vst v63  }
0xf2: {  	_ =	swait.ge [sflag:s8], $0x1800  }
0xf3: {  	[sflag:s8] =	ssyncset.done $0x0  }
0xf4: {  	[sflag:s8] =	ssyncadd.s32 $0xFFFFE800  }
0xf5: {  	_ =	swait.ge [sflag:s4], $0x1800  }
0xf6: {  	[sflag:s4] =	ssyncset.done $0x0  }
0xf7: {  	s18 =	simm.s32 $0x2670;
	[sflag:s4] =	ssyncadd.s32 $0xFFFFE800  }
0xf8: {  	[tilespmem:s29], [sflag:$0x2] =	stream.indirect.gather [hbm4b:s1+s26], $0x80, s18, s26, $0xb8;
	[tilespmem:$0x1EF00] =	vst v63  }
0xf9: {  	v1 =	vld [tilespmem:$0x4D60];
	_ =	sdelay $0x7  }
0xfa: {  	[spmem:s3] =	stream.indirect_vreg.scatter.add.f32 [tilespmem:s31], [sflag:$0x5], $0x80, v1, vm0, $0xb8;
	[tilespmem:$0x1EF00] =	vst v63  }
0xfb: {  	v1 =	vld [tilespmem:$0x4D70];
	_ =	sdelay $0x7  }
0xfc: {  	[spmem:s3] =	stream.indirect_vreg.scatter.add.f32 [tilespmem:s9], [sflag:$0x5], $0x80, v1, vm0, $0xb8;
	[tilespmem:$0x1EF00] =	vst v63  }
0xfd: {  	v1 =	vld [tilespmem:$0x4D80];
	_ =	sdelay $0x7  }
0xfe: {  	[spmem:s3] =	stream.indirect_vreg.scatter.add.f32 [tilespmem:s10], [sflag:$0x5], $0x80, v1, vm0, $0xb8;
	[tilespmem:$0x1EF00] =	vst v63  }
0xff: {  	_ =	swait.ge [sflag:s11], $0x1800  }
0x100: {  	[sflag:s11] =	ssyncset.done $0x0  }
0x101: {  	[sflag:s11] =	ssyncadd.s32 $0xFFFFE800  }
0x102: {  	_ =	swait.ge [sflag:s4], $0x1800  }
0x103: {  	[sflag:s4] =	ssyncset.done $0x0  }
0x104: {  	s16 =	simm.s32 $0x26A0;
	[sflag:s4] =	ssyncadd.s32 $0xFFFFE800  }
0x105: {  	[tilespmem:s31], [sflag:$0x3] =	stream.indirect.gather [hbm4b:s1+s26], $0x80, s16, s26, $0xb8;
	[tilespmem:$0x1EF00] =	vst v63  }
0x106: {  	v1 =	vld [tilespmem:$0x4D90];
	_ =	sdelay $0x7  }
0x107: {  	[spmem:s3] =	stream.indirect_vreg.scatter.add.f32 [tilespmem:s25], [sflag:$0x5], $0x80, v1, vm0, $0xb8;
	[tilespmem:$0x1EF00] =	vst v63  }
0x108: {  	v1 =	vld [tilespmem:$0x4DA0];
	_ =	sdelay $0x7  }
0x109: {  	[spmem:s3] =	stream.indirect_vreg.scatter.add.f32 [tilespmem:s12], [sflag:$0x5], $0x80, v1, vm0, $0xb8;
	[tilespmem:$0x1EF00] =	vst v63  }
0x10a: {  	v1 =	vld [tilespmem:$0x4DB0];
	_ =	sdelay $0x7  }
0x10b: {  	[spmem:s3] =	stream.indirect_vreg.scatter.add.f32 [tilespmem:s13], [sflag:$0x5], $0x80, v1, vm0, $0xb8;
	[tilespmem:$0x1EF00] =	vst v63  }
0x10c: {  	_ =	swait.ge [sflag:s0], $0x1800  }
0x10d: {  	[sflag:s0] =	ssyncset.done $0x0  }
0x10e: {  	[sflag:s0] =	ssyncadd.s32 $0xFFFFE800  }
0x10f: {  	_ =	swait.ge [sflag:s4], $0x1800  }
0x110: {  	[sflag:s4] =	ssyncset.done $0x0  }
0x111: {  	s17 =	simm.s32 $0x26D0;
	[sflag:s4] =	ssyncadd.s32 $0xFFFFE800  }
0x112: {  	[tilespmem:s25], [sflag:$0x4] =	stream.indirect.gather [hbm4b:s1+s26], $0x80, s17, s26, $0xb8;
	[tilespmem:$0x1EF00] =	vst v63  }
0x113: {  	v1 =	vld [tilespmem:$0x4DC0];
	_ =	sdelay $0x7  }
0x114: {  	[spmem:s3] =	stream.indirect_vreg.scatter.add.f32 [tilespmem:s28], [sflag:$0x5], $0x80, v1, vm0, $0xb8;
	[tilespmem:$0x1EF00] =	vst v63  }
0x115: {  	v1 =	vld [tilespmem:$0x4DD0];
	_ =	sdelay $0x7  }
0x116: {  	[spmem:s3] =	stream.indirect_vreg.scatter.add.f32 [tilespmem:s30], [sflag:$0x5], $0x80, v1, vm0, $0xb8;
	[tilespmem:$0x1EF00] =	vst v63  }
0x117: {  	v1 =	vld [tilespmem:$0x4DE0];
	_ =	sdelay $0x7  }
0x118: {  	[spmem:s3] =	stream.indirect_vreg.scatter.add.f32 [tilespmem:s2], [sflag:$0x5], $0x80, v1, vm0, $0xb8;
	[tilespmem:$0x1EF00] =	vst v63  }
0x119: {  	_ =	swait.ge [sflag:s24], $0x1800  }
0x11a: {  	[sflag:s24] =	ssyncset.done $0x0  }
0x11b: {  	[sflag:s24] =	ssyncadd.s32 $0xFFFFE800  }
0x11c: {  	_ =	swait.ge [sflag:s4], $0x1800  }
0x11d: {  	[sflag:s4] =	ssyncset.done $0x0  }
0x11e: {  	s18 =	simm.s32 $0x10;
	s16 =	simm.s32 $0x2700;
	[sflag:s4] =	ssyncadd.s32 $0xFFFFE800  }
0x11f: {  	[tilespmem:s28], [sflag:$0x1] =	stream.indirect.gather [hbm4b:s1+s18], $0x80, s16, s18, $0xb8;
	[tilespmem:$0x1EF00] =	vst v63  }
0x120: {  	v1 =	vld [tilespmem:$0x4DF0];
	_ =	sdelay $0x7  }
0x121: {  	[spmem:s3] =	stream.indirect_vreg.scatter.add.f32 [tilespmem:s29], [sflag:$0x5], $0x80, v1, vm0, $0xb8;
	[tilespmem:$0x1EF00] =	vst v63  }
0x122: {  	v1 =	vld [tilespmem:$0x4E00];
	_ =	sdelay $0x7  }
0x123: {  	[spmem:s3] =	stream.indirect_vreg.scatter.add.f32 [tilespmem:s5], [sflag:$0x5], $0x80, v1, vm0, $0xb8;
	[tilespmem:$0x1EF00] =	vst v63  }
0x124: {  	v1 =	vld [tilespmem:$0x4E10];
	_ =	sdelay $0x7  }
0x125: {  	[spmem:s3] =	stream.indirect_vreg.scatter.add.f32 [tilespmem:s7], [sflag:$0x5], $0x80, v1, vm0, $0xb8;
	[tilespmem:$0x1EF00] =	vst v63  }
0x126: {  	_ =	swait.ge [sflag:s8], $0x1800  }
0x127: {  	[sflag:s8] =	ssyncset.done $0x0  }
0x128: {  	[sflag:s8] =	ssyncadd.s32 $0xFFFFE800  }
0x129: {  	_ =	swait.ge [sflag:s4], $0x1800  }
0x12a: {  	[sflag:s4] =	ssyncset.done $0x0  }
0x12b: {  	[sflag:s4] =	ssyncadd.s32 $0xFFFFE800  }
0x12c: {  	v1 =	vld [tilespmem:$0x4E20];
	_ =	sdelay $0x7  }
0x12d: {  	[spmem:s3] =	stream.indirect_vreg.scatter.add.f32 [tilespmem:s31], [sflag:$0x5], $0x80, v1, vm0, $0xb8;
	[tilespmem:$0x1EF00] =	vst v63  }
0x12e: {  	v1 =	vld [tilespmem:$0x4E30];
	_ =	sdelay $0x7  }
0x12f: {  	[spmem:s3] =	stream.indirect_vreg.scatter.add.f32 [tilespmem:s9], [sflag:$0x5], $0x80, v1, vm0, $0xb8;
	[tilespmem:$0x1EF00] =	vst v63  }
0x130: {  	v1 =	vld [tilespmem:$0x4E40];
	_ =	sdelay $0x7  }
0x131: {  	[spmem:s3] =	stream.indirect_vreg.scatter.add.f32 [tilespmem:s10], [sflag:$0x5], $0x80, v1, vm0, $0xb8;
	[tilespmem:$0x1EF00] =	vst v63  }
0x132: {  	_ =	swait.ge [sflag:s11], $0x1800  }
0x133: {  	[sflag:s11] =	ssyncset.done $0x0  }
0x134: {  	[sflag:s11] =	ssyncadd.s32 $0xFFFFE800  }
0x135: {  	_ =	swait.ge [sflag:s4], $0x1800  }
0x136: {  	[sflag:s4] =	ssyncset.done $0x0  }
0x137: {  	[sflag:s4] =	ssyncadd.s32 $0xFFFFE800  }
0x138: {  	v1 =	vld [tilespmem:$0x4E50];
	_ =	sdelay $0x7  }
0x139: {  	[spmem:s3] =	stream.indirect_vreg.scatter.add.f32 [tilespmem:s25], [sflag:$0x5], $0x80, v1, vm0, $0xb8;
	[tilespmem:$0x1EF00] =	vst v63  }
0x13a: {  	v1 =	vld [tilespmem:$0x4E60];
	_ =	sdelay $0x7  }
0x13b: {  	[spmem:s3] =	stream.indirect_vreg.scatter.add.f32 [tilespmem:s12], [sflag:$0x5], $0x80, v1, vm0, $0xb8;
	[tilespmem:$0x1EF00] =	vst v63  }
0x13c: {  	v1 =	vld [tilespmem:$0x4E70];
	_ =	sdelay $0x7  }
0x13d: {  	[spmem:s3] =	stream.indirect_vreg.scatter.add.f32 [tilespmem:s13], [sflag:$0x5], $0x80, v1, vm0, $0xb8;
	[tilespmem:$0x1EF00] =	vst v63  }
0x13e: {  	_ =	swait.ge [sflag:s0], $0x800  }
0x13f: {  	[sflag:s0] =	ssyncset.done $0x0  }
0x140: {  	[sflag:s0] =	ssyncadd.s32 $0xFFFFF800  }
0x141: {  	_ =	swait.ge [sflag:s4], $0x1800  }
0x142: {  	[sflag:s4] =	ssyncset.done $0x0  }
0x143: {  	[sflag:s4] =	ssyncadd.s32 $0xFFFFE800  }
0x144: {  	v1 =	vld [tilespmem:$0x4E80];
	_ =	sdelay $0x7  }
0x145: {  	[spmem:s3] =	stream.indirect_vreg.scatter.add.f32 [tilespmem:s28], [sflag:$0x5], $0x80, v1, vm0, $0xb8;
	[tilespmem:$0x1EF00] =	vst v63  }
0x146: {  	s17 =	stileid.u32;
	_ =	swait.ge [sflag:s4], $0x800  }
0x147: {  	s14 =	sadd.s32 $0x1, s14;
	s15 =	sshll.u32 s17, $0x6;
	[sflag:s4] =	ssyncset.done $0x0  }
0x148: {  	p0 =	sne.s32 s14, s22;
	s15 =	sor.u32 $0x1C06, s15;
	[sflag:s4] =	ssyncadd.s32 $0xFFFFF800  }
.Ltmp2:
0x149: {  	s18 =	sshrl.u32 s6, $0x3;
	[bflag:$0x0] =	sbarrier.arrive $0xFFFF;
	(pc) =	sbr.rel @p0 .LBB2_1-.Ltmp2, $4  }
0x14a: {  	[hbm:s21], [sflag:s15] =	dma.local [spmem:s18], $0x2800  }
0x14b: {  	_ =	swait.ge [sflag:s23], $0x2800  }
0x14c: {  	[sflag:s23] =	ssyncset.done $0x0  }
0x14d: {  	[sflag:s23] =	ssyncadd.s32 $0xFFFFD800  }
0x14e: {  	_ =	sfence.sel $0x180000  }
0x14f: {  	[bflag:$0x0] =	sbarrier.arrive $0xFFFF  }
0x150: {  	_ =	strace $0x9000004A  }
0x151: {  	s0 =	stileid.u32;
	[bflag:$0x2] =	sbarrier.arrive $0xFFFF  }
0x152: {  	p0 =	sne.s32 s0, $0x0;
	s0 =	rddreg [dreg:$0x3]  }
0x153: {  	s0 =	sadd.s32 @!p0 $0x100000, s0  }
0x154: {  	[sflag:s0] =	ssyncadd.tile.s32 @!p0 $0x1;
	_ =	shalt  }
.Lfunc_end2:
_tile_overlayer_lowered:
.L_overlay_start_2:
0x155: {  	(tag) =	ssettag $0x2  }
0x156: {  	s0 =	rddreg [dreg:$0x0];
	s2 =	stileid.u32  }
0x157: {  	s1 =	rddreg [dreg:$0x1];
	p0 =	sne.s32 s2, $0x0  }
0x158: {  	s3 =	rddreg [dreg:$0x2];
	[bflag:$0x3] =	sbarrier.arrive $0xFFFF;
	s2 =	simm.s32 @!p0 $0x1C06  }
0x159: {  	[timem:s3], [sflag:s2] =	dma.local @!p0 [hbm:s0], s1  }
0x15a: {  	s0 =	simm.s32 @!p0 $0x6  }
0x15b: {  	_ =	swait.ge @!p0 [sflag:s0], s1  }
0x15c: {  	s1 =	ssub.s32 @!p0 $0x0, s1;
	[sflag:s0] =	ssyncset.done @!p0 $0x0  }
0x15d: {  	[sflag:s0] =	ssyncadd.s32 @!p0 s1  }
0x15e: {  	[bflag:$0x3] =	sbarrier.arrive $0xFFFF  }
0x15f: {  	_ =	shalt  }

// kernel: kernel.14.cloned.1.call-start
scs
__scs_entry_jumppad:
0x0: {  	(pc) =	sbr.rel $0x88, $3  }
0x1: {  	(tag) =	ssettag $0x0;
	lr =	simm.s32 $0x1  }
0x2: {  	[smem:$0x3F9B] =	sst lr;
	_ =	strace $0xD0000000  }
0x3: {  	_ = 	snop  }
0x4: {  	_ = 	snop  }
0x5: {  	_ = 	snop  }
0x6: {  	_ = 	snop  }
0x7: {  	_ = 	snop  }
__scs_overlays_trampoline_lowered:
0x8: {  	[smem:$0x3FAA] =	sst s0  }
0x9: {  	[smem:$0x3FAB] =	sst s1  }
0xa: {  	[smem:$0x3FAC] =	sst s2  }
0xb: {  	[smem:$0x3FAD] =	sst s3  }
0xc: {  	[smem:$0x3FAE] =	sst s4  }
0xd: {  	[smem:$0x3FAF] =	sst s5  }
0xe: {  	[smem:$0x3FB0] =	sst s6  }
0xf: {  	[smem:$0x3FB1] =	sst s7  }
0x10: {  	[smem:$0x3FB2] =	sst s8  }
0x11: {  	[smem:$0x3FB3] =	sst s9;
	s0 =	simm.s32 @!p0 $0x0  }
0x12: {  	s1 =	sld [smem:$0x3F99];
	s0 =	simm.s32 @p0 $0x1  }
0x13: {  	[smem:$0x3FB4] =	sst s0;
	s0 =	simm.s32 @!p1 $0x0  }
0x14: {  	s2 =	sld [smem:$0x3F98];
	s0 =	simm.s32 @p1 $0x1  }
0x15: {  	[smem:$0x3FB5] =	sst s0;
	s0 =	simm.s32 @!p2 $0x0  }
0x16: {  	s3 =	sld [smem:$0x3FDB];
	s0 =	simm.s32 @p2 $0x1  }
0x17: {  	s4 =	simm.s32 $0x1BF5;
	[smem:$0x3FB7] =	sst s0  }
0x18: {  	s0 =	sld [smem:$0x3F9A];
	_ =	swait.ge [sflag:s4], $0x0  }
0x19: {  	s7 =	sld [smem:$0x3F9B]  }
0x1a: {  	s8 =	sadd.s32 $0xFFFFE003, lr  }
0x1b: {  	s9 =	sadd.s32 $0xFFFFFEF7, lr;
	s5 =	simm.s32 $0xFFFFFFFF;
	p2 =	slt.u32 s8, $0xFFFFF086  }
0x1c: {  	p1 =	slt.u32 s9, $0xF7A;
	s5 =	simm.s32 @!p2 $0x0  }
0x1d: {  	s5 =	simm.s32 @p1 $0x1;
	p0 =	seq.s32 s7, s2  }
0x1e: {  	s7 =	smul.u32 @!p0 $0xF7A, s2;
	p2 =	seq.s32 @!p0 s5, $0x0  }
0x1f: {  	s9 =	smul.u32 $0xF7A, s1;
	s8 =	simm.s32 @!p0 $0x1BF5;
	p2 =	por !p2, p0  }
0x20: {  	[sflag:s8] =	ssyncset.s32 @!p0 $0xFFFFF086;
	s6 =	sadd.s32 @!p0 s3, s7;
	s7 =	simm.s32 @!p0 $0x108  }
0x21: {  	s3 =	sadd.s32 s3, s9;
	s6 =	sadd.s32 @!p0 $0x88, s6;
	s7 =	simm.s32 @p2 $0x1082  }
0x22: {  	[simem:s7], [sflag:s8] =	dma.local @!p0 [hbm:s6], $0xF7A  }
0x23: {  	s9 =	sor.u32 $0xD0000000, s2;
	s6 =	simm.s32 $0x108;
	_ =	swait.ge @!p0 [sflag:s8], $0x0  }
0x24: {  	s3 =	sadd.s32 $0x88, s3;
	s6 =	simm.s32 @!p1 $0x1082;
	[sflag:s4] =	ssyncset.s32 $0xFFFFF086  }
0x25: {  	[simem:s6], [sflag:s4] =	dma.local [hbm:s3], $0xF7A  }
0x26: {  	[smem:$0x3F9B] =	sst s1;
	(tag) =	ssettag s2;
	_ =	strace s9  }
0x27: {  	s1 =	sld [smem:$0x3FAB]  }
0x28: {  	s2 =	sld [smem:$0x3FAC]  }
0x29: {  	s4 =	sld [smem:$0x3FAE]  }
0x2a: {  	p0 =	seq.s32 s5, $0x0;
	s5 =	sld [smem:$0x3FAF]  }
0x2b: {  	s6 =	sld [smem:$0x3FB0]  }
0x2c: {  	s7 =	sld [smem:$0x3FB1]  }
0x2d: {  	s3 =	simm.s32 $0x108;
	s8 =	sld [smem:$0x3FB2]  }
0x2e: {  	s3 =	simm.s32 @!p0 $0x1082;
	s9 =	sld [smem:$0x3FB3]  }
0x2f: {  	lr =	sadd.s32 s0, s3;
	s0 =	sld [smem:$0x3FAA]  }
0x30: {  	s3 =	sld [smem:$0x3FAD]  }
0x31: {  	[smem:$0x3FB6] =	sst s10  }
0x32: {  	s10 =	sld [smem:$0x3FB4];
	_ =	sdelay $0x3  }
0x33: {  	p0 =	seq.s32 s10, $0x1;
	s10 =	sld [smem:$0x3FB6];
	_ =	sdelay $0x3  }
0x34: {  	[smem:$0x3FB6] =	sst s10  }
0x35: {  	s10 =	sld [smem:$0x3FB5];
	_ =	sdelay $0x3  }
0x36: {  	p1 =	seq.s32 s10, $0x1;
	s10 =	sld [smem:$0x3FB6];
	_ =	sdelay $0x3  }
0x37: {  	[smem:$0x3FB6] =	sst s10  }
0x38: {  	s10 =	sld [smem:$0x3FB7]  }
0x39: {  	_ = 	snop;
	(pc) =	sbr.ind lr, $3  }
0x3a: {  	_ = 	snop  }
0x3b: {  	_ = 	snop  }
0x3c: {  	p2 =	seq.s32 s10, $0x1;
	s10 =	sld [smem:$0x3FB6]  }
0x3d: {  	_ =	shalt  }
0x3e: {  	_ =	shalt  }
0x3f: {  	_ =	shalt  }
0x40: {  	_ =	shalt  }
0x41: {  	_ =	shalt  }
0x42: {  	_ =	shalt  }
0x43: {  	_ =	shalt  }
0x44: {  	_ =	shalt  }
0x45: {  	_ =	shalt  }
0x46: {  	_ =	shalt  }
0x47: {  	_ =	shalt  }
0x48: {  	_ =	shalt  }
0x49: {  	_ =	shalt  }
0x4a: {  	_ =	shalt  }
0x4b: {  	_ =	shalt  }
0x4c: {  	_ =	shalt  }
0x4d: {  	_ =	shalt  }
0x4e: {  	_ =	shalt  }
0x4f: {  	_ =	shalt  }
0x50: {  	_ =	shalt  }
0x51: {  	_ =	shalt  }
0x52: {  	_ =	shalt  }
0x53: {  	_ =	shalt  }
0x54: {  	_ =	shalt  }
0x55: {  	_ =	shalt  }
0x56: {  	_ =	shalt  }
0x57: {  	_ =	shalt  }
0x58: {  	_ =	shalt  }
0x59: {  	_ =	shalt  }
0x5a: {  	_ =	shalt  }
0x5b: {  	_ =	shalt  }
0x5c: {  	_ =	shalt  }
0x5d: {  	_ =	shalt  }
0x5e: {  	_ =	shalt  }
0x5f: {  	_ =	shalt  }
0x60: {  	_ =	shalt  }
0x61: {  	_ =	shalt  }
0x62: {  	_ =	shalt  }
0x63: {  	_ =	shalt  }
0x64: {  	_ =	shalt  }
0x65: {  	_ =	shalt  }
0x66: {  	_ =	shalt  }
0x67: {  	_ =	shalt  }
0x68: {  	_ =	shalt  }
0x69: {  	_ =	shalt  }
0x6a: {  	_ =	shalt  }
0x6b: {  	_ =	shalt  }
0x6c: {  	_ =	shalt  }
0x6d: {  	_ =	shalt  }
0x6e: {  	_ =	shalt  }
0x6f: {  	_ =	shalt  }
0x70: {  	_ =	shalt  }
0x71: {  	_ =	shalt  }
0x72: {  	_ =	shalt  }
0x73: {  	_ =	shalt  }
0x74: {  	_ =	shalt  }
0x75: {  	_ =	shalt  }
0x76: {  	_ =	shalt  }
0x77: {  	_ =	shalt  }
0x78: {  	_ =	shalt  }
0x79: {  	_ =	shalt  }
0x7a: {  	_ =	shalt  }
0x7b: {  	_ =	shalt  }
0x7c: {  	_ =	shalt  }
0x7d: {  	_ =	shalt  }
0x7e: {  	_ =	shalt  }
0x7f: {  	_ =	shalt  }
0x80: {  	_ =	shalt  }
0x81: {  	_ =	shalt  }
0x82: {  	_ =	shalt  }
0x83: {  	_ =	shalt  }
0x84: {  	_ =	shalt  }
0x85: {  	_ =	shalt  }
0x86: {  	_ =	shalt  }
0x87: {  	_ =	shalt  }
.Lfunc_end0:
.L_simem_size_0:
called_computation.2_lowered:
.L_overlay_start_0:
0x88: {  	s2 =	sld [smem:$0x3FD9]  }
0x89: {  	s3 =	sld [smem:$0x3FFE];
	_ =	sdelay $0x1  }
0x8a: {  	s1 =	srdreg.scid  }
0x8b: {  	s0 =	sand.u32 $0x1, s1  }
0x8c: {  	s17 =	sshll.u32 s0, $0xA;
	s2 =	sadd.s32 s3, s2  }
0x8d: {  	s2 =	sadd.s32 s2, s17  }
0x8e: {  	[smem:$0x3FC2] =	sst s2  }
0x8f: {  	_ = 	snop  }
0x90: {  	s2 =	sld [smem:$0x3FD0];
	(tm) =	ssettm $0x1  }
0x91: {  	s18 =	sld [smem:$0x3FFB];
	_ =	sdelay $0x3  }
0x92: {  	_ =	strace s18  }
0x93: {  	s3 =	sld [smem:$0x3FFC];
	_ =	sdelay $0x3  }
0x94: {  	_ =	strace s3  }
0x95: {  	s3 =	sld [smem:$0x3FFD];
	_ =	sdelay $0x3  }
0x96: {  	_ =	strace s3  }
0x97: {  	_ =	strace $0x8FFFFFFF  }
0x98: {  	s19 =	sld [smem:$0x3FDB];
	_ =	sdelay $0x1  }
0x99: {  	s4 =	simm.s32 $_scs_section_size  }
0x9a: {  	s5 =	simm.s32 $_size__tile_overlayer_lowered;
	s6 =	simm.s32 $_tile_overlayer_lowered  }
0x9b: {  	s22 =	simm.s32 $0x1BFF;
	s21 =	sshll.u32 s6, $0x1;
	s3 =	sadd.s32 s4, s19  }
0x9c: {  	s7 =	simm.s32 $0x0;
	s20 =	sshll.u32 s5, $0x1;
	s5 =	sadd.s32 s21, s3  }
0x9d: {  	[timem:s7], [sflag:s22] =	dma.local [hbm:s5], s20  }
0x9e: {  	_ =	swait.ge [sflag:s22], s20  }
0x9f: {  	s4 =	ssub.s32 $0x0, s20;
	[sflag:s22] =	ssyncset.done $0x0  }
0xa0: {  	[sflag:s22] =	ssyncadd.s32 s4;
	_ =	sdelay $0x1  }
0xa1: {  	s23 =	simm.s32 $0x1B8B  }
0xa2: {  	_ =	swait.ge [sflag:s23], $0x1  }
0xa3: {  	[sflag:s23] =	ssyncset.done $0x0  }
0xa4: {  	s25 =	simm.s32 $0x1B8E;
	s24 =	sld [smem:$0x3FFE];
	[sflag:s23] =	ssyncadd.s32 $0xFFFFFFFF  }
0xa5: {  	s26 =	simm.s32 $execute0_lowered;
	[smem:$0x3FD2] =	sst s25  }
0xa6: {  	s5 =	sshll.u32 s26, $0x1;
	_ =	strace $0x8000004C;
	[dreg:$0x1] =	wrdreg $0xFFFFFFFF  }
0xa7: {  	s28 =	simm.s32 $_size_execute0_lowered;
	s3 =	sadd.s32 s3, s5;
	[dreg:$0x0] =	wrdreg $0x0  }
0xa8: {  	s5 =	sshll.u32 s28, $0x1;
	[dreg:$0x2] =	wrdreg s3  }
0xa9: {  	[dreg:$0x3] =	wrdreg s5  }
0xaa: {  	[dreg:$0x4] =	wrdreg $0xC0  }
0xab: {  	_ =	task [dreg:s7], $0x5FFFF  }
0xac: {  	[dreg:$0x1] =	wrdreg $0xFFFFFFFF  }
0xad: {  	[dreg:$0x0] =	wrdreg $0x60  }
0xae: {  	[dreg:$0x2] =	wrdreg s2  }
0xaf: {  	[dreg:$0x3] =	wrdreg s24  }
0xb0: {  	[dreg:$0x4] =	wrdreg $0xAF000  }
0xb1: {  	[dreg:$0x5] =	wrdreg $0x9  }
0xb2: {  	_ =	task.clear_ibuf [dreg:s7], $0x6FFFF;
	_ =	strace $0x9000004C  }
0xb3: {  	s29 =	simm.s32 $0x9;
	_ =	strace $0x8000004E  }
0xb4: {  	_ =	swait.ge [sflag:s29], $0x1  }
0xb5: {  	[sflag:s29] =	ssyncadd.s32 $0xFFFFFFFF  }
0xb6: {  	_ =	strace $0x9000004E  }
0xb7: {  	_ =	sfence  }
0xb8: {  	s30 =	sld [smem:$0x0];
	_ =	sdelay $0x2  }
0xb9: {  	s31 =	sshll.u32 s1, $0xD;
	s1 =	sshrl.u32 s1, $0x2  }
0xba: {  	s3 =	sand.u32 $0x4000, s31;
	s1 =	sadd.s32 s1, s30  }
0xbb: {  	s0 =	sor.u32 s3, s0;
	s1 =	sshll.u32 s1, $0x11  }
0xbc: {  	s0 =	sor.u32 s1, s0  }
0xbd: {  	s0 =	sadd.s32 $0x8F2B, s0  }
0xbe: {  	[sflag:s0] =	ssyncadd.remote.s32 $0x1  }
0xbf: {  	_ =	sfence.sel $0xFFFF  }
0xc0: {  	[dreg:$0x0] =	wrdreg $0xFFFFFFFF;
	(pc) =	sbr.abs _section_cstart, $3  }
0xc1: {  	[dreg:$0x1] =	wrdreg $0xFFFFFFFF  }
0xc2: {  	_ =	task.clear_ibuf [dreg:s7], $0x2FFFF;
	_ =	strace $0x9FFFFFFF  }
0xc3: {  	(tm) =	ssettm $0x7FFFFFFF  }
tec
execute0_lowered:
.L_overlay_start_1:
0x0: {  	(tag) =	ssettag $0x1  }
0x1: {  	s1 =	rddreg [dreg:$0x0]  }
0x2: {  	s0 =	rddreg [dreg:$0x1]  }
0x3: {  	s3 =	rddreg [dreg:$0x2]  }
0x4: {  	s2 =	srdreg.scid;
	s7 =	stileid.u32  }
0x5: {  	s8 =	simm.s32 $0x0;
	s28 =	simm.s32 $0x4F00;
	s29 =	simm.s32 $0x6700  }
0x6: {  	s31 =	simm.s32 $0x7F00;
	s30 =	simm.s32 $0x5700;
	s6 =	smul.u32 $0x14000, s7  }
0x7: {  	s9 =	simm.s32 $0x8700;
	s2 =	sand.u32 $0x1, s2;
	s13 =	smul.u32 $0x50000, s7  }
0x8: {  	s10 =	simm.s32 $0x8F00;
	s11 =	simm.s32 $0x4;
	s5 =	smul.u32 $0x140000, s2  }
0x9: {  	s12 =	simm.s32 $0x9F00;
	[smem:$0x7FF] =	sst s8;
	s8 =	simm.s32 $0x3  }
0xa: {  	s4 =	sshll.u32 s2, $0x4;
	s5 =	sadd.s32 s6, s5;
	s6 =	sshrl.u32 s13, $0x2  }
0xb: {  	_ =	strace $0x8000004D;
	s2 =	ssub.s32 $0x2, s2;
	s6 =	sadd.s32 s6, s3  }
0xc: {  	s4 =	sor.u32 s7, s4;
	s14 =	sshrl.u32 s2, $0x1;
	s16 =	sadd.s32 $0x1800, s6  }
0xd: {  	s7 =	simm.s32 $0x7700;
	s17 =	sadd.s32 $0x3000, s6;
	[dreg:$0x6] =	wrdreg s16  }
0xe: {  	s4 =	smul.u32 $0x4E2, s4;
	s18 =	sadd.s32 $0x4800, s6;
	[dreg:$0x7] =	wrdreg s17  }
0xf: {  	s2 =	ssub.s32 s2, s14;
	s19 =	sadd.s32 $0x6000, s6;
	[dreg:$0x8] =	wrdreg s18  }
0x10: {  	s13 =	simm.s32 $0xA700;
	s20 =	sadd.s32 $0x7800, s6;
	[dreg:$0x9] =	wrdreg s19  }
0x11: {  	s14 =	simm.s32 $0x0;
	s21 =	sadd.s32 $0x9000, s6;
	[dreg:$0xa] =	wrdreg s20  }
0x12: {  	s5 =	sshrl.u32 s5, $0x3;
	s22 =	sadd.s32 $0xA800, s6;
	[dreg:$0xb] =	wrdreg s21  }
0x13: {  	s4 =	sadd.s32 s4, s0;
	s23 =	sadd.s32 $0xC000, s6;
	[dreg:$0xc] =	wrdreg s22  }
0x14: {  	s0 =	sadd.s32 s5, s0;
	s24 =	sadd.s32 $0xD800, s6;
	[dreg:$0xd] =	wrdreg s23  }
0x15: {  	s25 =	sadd.s32 $0xF000, s6;
	s26 =	sadd.s32 $0x10800, s6;
	[dreg:$0xe] =	wrdreg s24  }
0x16: {  	s5 =	simm.s32 $0x6F00;
	s15 =	sadd.s32 $0x2A00, s4;
	[dreg:$0xf] =	wrdreg s25  }
0x17: {  	s4 =	sadd.s32 $0xC800, s4;
	[dreg:$0x10] =	wrdreg s26;
	s19 =	sadd.s32 $0x12000, s6  }
0x18: {  	s20 =	sadd.s32 $0x13800, s6;
	s21 =	sadd.s32 $0x16600, s0;
	s22 =	smax.u32 s2, $0x1  }
0x19: {  	s23 =	simm.s32 $0x6;
	s25 =	simm.s32 $0x9700;
	s26 =	simm.s32 $0x30  }
0x1a: {  	s0 =	simm.s32 $0x1;
	s2 =	simm.s32 $0x5F00;
	[dreg:$0x4] =	wrdreg s15  }
0x1b: {  	v0 =	vimm.f32 $0.0e+00;
	vm0 =	vmmov $0xffff;
	s24 =	simm.s32 $0x2;
	[dreg:$0x5] =	wrdreg s4;
	s4 =	simm.s32 $0x5  }
.LBB2_1:
0x1c: {  	s16 =	simm.s32 $0x0  }
0x1d: {  	s15 =	sand.u32 $0x7E00, s16  }
0x1e: {  	s16 =	sand.u32 $0x70, s16;
	s17 =	sshrl.u32 s15, $0x2  }
0x1f: {  	s15 =	simm.s32 $0x40;
	s17 =	sor.u32 s16, s17;
	s16 =	simm.s32 $0x0  }
.LBB2_2:
0x20: {  	p0 =	sne.s32 s15, $0x5FC0  }
0x21: {  	[tilespmem:s17+$0x9700] =	vst v0;
	s16 =	sadd.s32 $0x10, s16;
	s17 =	smov.u32 s15;
	s15 =	sadd.s32 $0x40, s15  }
.Ltmp0:
0x22: {  	(pc) =	sbr.rel @p0 .LBB2_2-.Ltmp0, $4  }
0x23: {  	_ = 	snop  }
0x24: {  	s17 =	sand.u32 $0x7E00, s17  }
0x25: {  	s18 =	sand.u32 $0x70, s16;
	s17 =	sshrl.u32 s17, $0x2  }
0x26: {  	s17 =	sor.u32 s18, s17  }
0x27: {  	[tilespmem:s17+$0x9700] =	vst v0;
	s15 =	simm.s32 $0x0;
	s16 =	rddreg [dreg:$0x4]  }
0x28: {  	[tilespmem:s15], [sflag:$0x6] =	stream.linear.gather [hbm4b:s16+s15], $0x2710, $0x38;
	[tilespmem:$0x1EF00] =	vst v63  }
0x29: {  	_ =	swait.ge [sflag:s23], $0x2710  }
0x2a: {  	[sflag:s23] =	ssyncset.done $0x0  }
0x2b: {  	s18 =	simm.s32 $0x2780;
	s17 =	rddreg [dreg:$0x5];
	[sflag:s23] =	ssyncadd.s32 $0xFFFFD8F0  }
0x2c: {  	[tilespmem:s18], [sflag:$0x6] =	stream.linear.gather [hbm4b:s17+s15], $0x2710, $0x38;
	[tilespmem:$0x1EF00] =	vst v63  }
0x2d: {  	_ =	swait.ge [sflag:s23], $0x2710  }
0x2e: {  	[sflag:s23] =	ssyncset.done $0x0  }
0x2f: {  	[sflag:s23] =	ssyncadd.s32 $0xFFFFD8F0  }
0x30: {  	[spmem:s6] =	stream.linear.scatter [tilespmem:s25], [sflag:$0x6], $0x1800, $0x38;
	[tilespmem:$0x1EF00] =	vst v63  }
0x31: {  	_ =	swait.ge [sflag:s23], $0x1800  }
0x32: {  	[sflag:s23] =	ssyncset.done $0x0  }
0x33: {  	s17 =	rddreg [dreg:$0x6];
	[sflag:s23] =	ssyncadd.s32 $0xFFFFE800  }
0x34: {  	[spmem:s17] =	stream.linear.scatter [tilespmem:s25], [sflag:$0x6], $0x1800, $0x38;
	[tilespmem:$0x1EF00] =	vst v63  }
0x35: {  	_ =	swait.ge [sflag:s23], $0x1800  }
0x36: {  	[sflag:s23] =	ssyncset.done $0x0  }
0x37: {  	s18 =	rddreg [dreg:$0x7];
	[sflag:s23] =	ssyncadd.s32 $0xFFFFE800  }
0x38: {  	[spmem:s18] =	stream.linear.scatter [tilespmem:s25], [sflag:$0x6], $0x1800, $0x38;
	[tilespmem:$0x1EF00] =	vst v63  }
0x39: {  	_ =	swait.ge [sflag:s23], $0x1800  }
0x3a: {  	[sflag:s23] =	ssyncset.done $0x0  }
0x3b: {  	s17 =	rddreg [dreg:$0x8];
	[sflag:s23] =	ssyncadd.s32 $0xFFFFE800  }
0x3c: {  	[spmem:s17] =	stream.linear.scatter [tilespmem:s25], [sflag:$0x6], $0x1800, $0x38;
	[tilespmem:$0x1EF00] =	vst v63  }
0x3d: {  	_ =	swait.ge [sflag:s23], $0x1800  }
0x3e: {  	[sflag:s23] =	ssyncset.done $0x0  }
0x3f: {  	s18 =	rddreg [dreg:$0x9];
	[sflag:s23] =	ssyncadd.s32 $0xFFFFE800  }
0x40: {  	[spmem:s18] =	stream.linear.scatter [tilespmem:s25], [sflag:$0x6], $0x1800, $0x38;
	[tilespmem:$0x1EF00] =	vst v63  }
0x41: {  	_ =	swait.ge [sflag:s23], $0x1800  }
0x42: {  	[sflag:s23] =	ssyncset.done $0x0  }
0x43: {  	s17 =	rddreg [dreg:$0xa];
	[sflag:s23] =	ssyncadd.s32 $0xFFFFE800  }
0x44: {  	[spmem:s17] =	stream.linear.scatter [tilespmem:s25], [sflag:$0x6], $0x1800, $0x38;
	[tilespmem:$0x1EF00] =	vst v63  }
0x45: {  	_ =	swait.ge [sflag:s23], $0x1800  }
0x46: {  	[sflag:s23] =	ssyncset.done $0x0  }
0x47: {  	s18 =	rddreg [dreg:$0xb];
	[sflag:s23] =	ssyncadd.s32 $0xFFFFE800  }
0x48: {  	[spmem:s18] =	stream.linear.scatter [tilespmem:s25], [sflag:$0x6], $0x1800, $0x38;
	[tilespmem:$0x1EF00] =	vst v63  }
0x49: {  	_ =	swait.ge [sflag:s23], $0x1800  }
0x4a: {  	[sflag:s23] =	ssyncset.done $0x0  }
0x4b: {  	s17 =	rddreg [dreg:$0xc];
	[sflag:s23] =	ssyncadd.s32 $0xFFFFE800  }
0x4c: {  	[spmem:s17] =	stream.linear.scatter [tilespmem:s25], [sflag:$0x6], $0x1800, $0x38;
	[tilespmem:$0x1EF00] =	vst v63  }
0x4d: {  	_ =	swait.ge [sflag:s23], $0x1800  }
0x4e: {  	[sflag:s23] =	ssyncset.done $0x0  }
0x4f: {  	s18 =	rddreg [dreg:$0xd];
	[sflag:s23] =	ssyncadd.s32 $0xFFFFE800  }
0x50: {  	[spmem:s18] =	stream.linear.scatter [tilespmem:s25], [sflag:$0x6], $0x1800, $0x38;
	[tilespmem:$0x1EF00] =	vst v63  }
0x51: {  	_ =	swait.ge [sflag:s23], $0x1800  }
0x52: {  	[sflag:s23] =	ssyncset.done $0x0  }
0x53: {  	s17 =	rddreg [dreg:$0xe];
	[sflag:s23] =	ssyncadd.s32 $0xFFFFE800  }
0x54: {  	[spmem:s17] =	stream.linear.scatter [tilespmem:s25], [sflag:$0x6], $0x1800, $0x38;
	[tilespmem:$0x1EF00] =	vst v63  }
0x55: {  	_ =	swait.ge [sflag:s23], $0x1800  }
0x56: {  	[sflag:s23] =	ssyncset.done $0x0  }
0x57: {  	s18 =	rddreg [dreg:$0xf];
	[sflag:s23] =	ssyncadd.s32 $0xFFFFE800  }
0x58: {  	[spmem:s18] =	stream.linear.scatter [tilespmem:s25], [sflag:$0x6], $0x1800, $0x38;
	[tilespmem:$0x1EF00] =	vst v63  }
0x59: {  	_ =	swait.ge [sflag:s23], $0x1800  }
0x5a: {  	[sflag:s23] =	ssyncset.done $0x0  }
0x5b: {  	s17 =	rddreg [dreg:$0x10];
	[sflag:s23] =	ssyncadd.s32 $0xFFFFE800  }
0x5c: {  	[spmem:s17] =	stream.linear.scatter [tilespmem:s25], [sflag:$0x6], $0x1800, $0x38;
	[tilespmem:$0x1EF00] =	vst v63  }
0x5d: {  	_ =	swait.ge [sflag:s23], $0x1800  }
0x5e: {  	[sflag:s23] =	ssyncset.done $0x0  }
0x5f: {  	[sflag:s23] =	ssyncadd.s32 $0xFFFFE800  }
0x60: {  	[spmem:s19] =	stream.linear.scatter [tilespmem:s25], [sflag:$0x6], $0x1800, $0x38;
	[tilespmem:$0x1EF00] =	vst v63  }
0x61: {  	_ =	swait.ge [sflag:s23], $0x1800  }
0x62: {  	[sflag:s23] =	ssyncset.done $0x0  }
0x63: {  	[sflag:s23] =	ssyncadd.s32 $0xFFFFE800  }
0x64: {  	[spmem:s20] =	stream.linear.scatter [tilespmem:s25], [sflag:$0x6], $0x800, $0x38;
	[tilespmem:$0x1EF00] =	vst v63  }
0x65: {  	_ =	swait.ge [sflag:s23], $0x800  }
0x66: {  	[sflag:s23] =	ssyncset.done $0x0  }
0x67: {  	[sflag:s23] =	ssyncadd.s32 $0xFFFFF800  }
0x68: {  	[bflag:$0x0] =	sbarrier.arrive $0xFFFF  }
0x69: {  	[tilespmem:s28], [sflag:$0x1] =	stream.indirect.gather [hbm4b:s1+s26], $0x80, s15, s26, $0xb8;
	[tilespmem:$0x1EF00] =	vst v63  }
0x6a: {  	_ = 	snop  }
0x6b: {  	[tilespmem:s29], [sflag:$0x2] =	stream.indirect.gather [hbm4b:s1+s26], $0x80, s26, s26, $0xb8;
	[tilespmem:$0x1EF00] =	vst v63  }
0x6c: {  	s18 =	simm.s32 $0x60  }
0x6d: {  	[tilespmem:s31], [sflag:$0x3] =	stream.indirect.gather [hbm4b:s1+s26], $0x80, s18, s26, $0xb8;
	[tilespmem:$0x1EF00] =	vst v63  }
0x6e: {  	_ =	swait.ge [sflag:s0], $0x1800  }
0x6f: {  	[sflag:s0] =	ssyncset.done $0x0  }
0x70: {  	s17 =	simm.s32 $0x90;
	[sflag:s0] =	ssyncadd.s32 $0xFFFFE800  }
0x71: {  	[tilespmem:s25], [sflag:$0x4] =	stream.indirect.gather [hbm4b:s1+s26], $0x80, s17, s26, $0xb8;
	[tilespmem:$0x1EF00] =	vst v63  }
0x72: {  	v1 =	vld [tilespmem:$0x2780];
	_ =	sdelay $0x7  }
0x73: {  	[spmem:s3] =	stream.indirect_vreg.scatter.add.f32 [tilespmem:s28], [sflag:$0x5], $0x80, v1, vm0, $0xb8;
	[tilespmem:$0x1EF00] =	vst v63  }
0x74: {  	v1 =	vld [tilespmem:$0x2790];
	_ =	sdelay $0x7  }
0x75: {  	[spmem:s3] =	stream.indirect_vreg.scatter.add.f32 [tilespmem:s30], [sflag:$0x5], $0x80, v1, vm0, $0xb8;
	[tilespmem:$0x1EF00] =	vst v63  }
0x76: {  	v1 =	vld [tilespmem:$0x27A0];
	_ =	sdelay $0x7  }
0x77: {  	[spmem:s3] =	stream.indirect_vreg.scatter.add.f32 [tilespmem:s2], [sflag:$0x5], $0x80, v1, vm0, $0xb8;
	[tilespmem:$0x1EF00] =	vst v63  }
0x78: {  	_ =	swait.ge [sflag:s24], $0x1800  }
0x79: {  	[sflag:s24] =	ssyncset.done $0x0  }
0x7a: {  	[sflag:s24] =	ssyncadd.s32 $0xFFFFE800  }
0x7b: {  	_ =	swait.ge [sflag:s4], $0x1800  }
0x7c: {  	[sflag:s4] =	ssyncset.done $0x0  }
0x7d: {  	s16 =	simm.s32 $0xC0;
	[sflag:s4] =	ssyncadd.s32 $0xFFFFE800  }
0x7e: {  	[tilespmem:s28], [sflag:$0x1] =	stream.indirect.gather [hbm4b:s1+s26], $0x80, s16, s26, $0xb8;
	[tilespmem:$0x1EF00] =	vst v63  }
0x7f: {  	v1 =	vld [tilespmem:$0x27B0];
	_ =	sdelay $0x7  }
0x80: {  	[spmem:s3] =	stream.indirect_vreg.scatter.add.f32 [tilespmem:s29], [sflag:$0x5], $0x80, v1, vm0, $0xb8;
	[tilespmem:$0x1EF00] =	vst v63  }
0x81: {  	v1 =	vld [tilespmem:$0x27C0];
	_ =	sdelay $0x7  }
0x82: {  	[spmem:s3] =	stream.indirect_vreg.scatter.add.f32 [tilespmem:s5], [sflag:$0x5], $0x80, v1, vm0, $0xb8;
	[tilespmem:$0x1EF00] =	vst v63  }
0x83: {  	v1 =	vld [tilespmem:$0x27D0];
	_ =	sdelay $0x7  }
0x84: {  	[spmem:s3] =	stream.indirect_vreg.scatter.add.f32 [tilespmem:s7], [sflag:$0x5], $0x80, v1, vm0, $0xb8;
	[tilespmem:$0x1EF00] =	vst v63  }
0x85: {  	_ =	swait.ge [sflag:s8], $0x1800  }
0x86: {  	[sflag:s8] =	ssyncset.done $0x0  }
0x87: {  	[sflag:s8] =	ssyncadd.s32 $0xFFFFE800  }
0x88: {  	_ =	swait.ge [sflag:s4], $0x1800  }
0x89: {  	[sflag:s4] =	ssyncset.done $0x0  }
0x8a: {  	s18 =	simm.s32 $0xF0;
	[sflag:s4] =	ssyncadd.s32 $0xFFFFE800  }
0x8b: {  	[tilespmem:s29], [sflag:$0x2] =	stream.indirect.gather [hbm4b:s1+s26], $0x80, s18, s26, $0xb8;
	[tilespmem:$0x1EF00] =	vst v63  }
0x8c: {  	v1 =	vld [tilespmem:$0x27E0];
	_ =	sdelay $0x7  }
0x8d: {  	[spmem:s3] =	stream.indirect_vreg.scatter.add.f32 [tilespmem:s31], [sflag:$0x5], $0x80, v1, vm0, $0xb8;
	[tilespmem:$0x1EF00] =	vst v63  }
0x8e: {  	v1 =	vld [tilespmem:$0x27F0];
	_ =	sdelay $0x7  }
0x8f: {  	[spmem:s3] =	stream.indirect_vreg.scatter.add.f32 [tilespmem:s9], [sflag:$0x5], $0x80, v1, vm0, $0xb8;
	[tilespmem:$0x1EF00] =	vst v63  }
0x90: {  	v1 =	vld [tilespmem:$0x2800];
	_ =	sdelay $0x7  }
0x91: {  	[spmem:s3] =	stream.indirect_vreg.scatter.add.f32 [tilespmem:s10], [sflag:$0x5], $0x80, v1, vm0, $0xb8;
	[tilespmem:$0x1EF00] =	vst v63  }
0x92: {  	_ =	swait.ge [sflag:s11], $0x1800  }
0x93: {  	[sflag:s11] =	ssyncset.done $0x0  }
0x94: {  	[sflag:s11] =	ssyncadd.s32 $0xFFFFE800  }
0x95: {  	_ =	swait.ge [sflag:s4], $0x1800  }
0x96: {  	[sflag:s4] =	ssyncset.done $0x0  }
0x97: {  	s18 =	simm.s32 $0x120;
	[sflag:s4] =	ssyncadd.s32 $0xFFFFE800  }
0x98: {  	[tilespmem:s31], [sflag:$0x3] =	stream.indirect.gather [hbm4b:s1+s26], $0x80, s18, s26, $0xb8;
	[tilespmem:$0x1EF00] =	vst v63  }
0x99: {  	v1 =	vld [tilespmem:$0x2810];
	_ =	sdelay $0x7  }
0x9a: {  	[spmem:s3] =	stream.indirect_vreg.scatter.add.f32 [tilespmem:s25], [sflag:$0x5], $0x80, v1, vm0, $0xb8;
	[tilespmem:$0x1EF00] =	vst v63  }
0x9b: {  	v1 =	vld [tilespmem:$0x2820];
	_ =	sdelay $0x7  }
0x9c: {  	[spmem:s3] =	stream.indirect_vreg.scatter.add.f32 [tilespmem:s12], [sflag:$0x5], $0x80, v1, vm0, $0xb8;
	[tilespmem:$0x1EF00] =	vst v63  }
0x9d: {  	v1 =	vld [tilespmem:$0x2830];
	_ =	sdelay $0x7  }
0x9e: {  	[spmem:s3] =	stream.indirect_vreg.scatter.add.f32 [tilespmem:s13], [sflag:$0x5], $0x80, v1, vm0, $0xb8;
	[tilespmem:$0x1EF00] =	vst v63  }
.LBB2_4:
0x9f: {  	_ =	swait.ge [sflag:s0], $0x1800  }
0xa0: {  	[sflag:s0] =	ssyncset.done $0x0  }
0xa1: {  	[sflag:s0] =	ssyncadd.s32 $0xFFFFE800  }
0xa2: {  	_ =	swait.ge [sflag:s4], $0x1800  }
0xa3: {  	s17 =	sshra.s32 s15, $0x2;
	[sflag:s4] =	ssyncset.done $0x0  }
0xa4: {  	s18 =	sadd.s32 $0x150, s17;
	[sflag:s4] =	ssyncadd.s32 $0xFFFFE800  }
0xa5: {  	[tilespmem:s25], [sflag:$0x4] =	stream.indirect.gather [hbm4b:s1+s26], $0x80, s18, s26, $0xb8;
	[tilespmem:$0x1EF00] =	vst v63  }
0xa6: {  	v1 =	vld [tilespmem:s17+$0x2840];
	_ =	sdelay $0x7  }
0xa7: {  	[spmem:s3] =	stream.indirect_vreg.scatter.add.f32 [tilespmem:s28], [sflag:$0x5], $0x80, v1, vm0, $0xb8;
	[tilespmem:$0x1EF00] =	vst v63  }
0xa8: {  	v1 =	vld [tilespmem:s17+$0x2850];
	_ =	sdelay $0x7  }
0xa9: {  	[spmem:s3] =	stream.indirect_vreg.scatter.add.f32 [tilespmem:s30], [sflag:$0x5], $0x80, v1, vm0, $0xb8;
	[tilespmem:$0x1EF00] =	vst v63  }
0xaa: {  	v1 =	vld [tilespmem:s17+$0x2860];
	_ =	sdelay $0x7  }
0xab: {  	[spmem:s3] =	stream.indirect_vreg.scatter.add.f32 [tilespmem:s2], [sflag:$0x5], $0x80, v1, vm0, $0xb8;
	[tilespmem:$0x1EF00] =	vst v63  }
0xac: {  	_ =	swait.ge [sflag:s24], $0x1800  }
0xad: {  	[sflag:s24] =	ssyncset.done $0x0  }
0xae: {  	[sflag:s24] =	ssyncadd.s32 $0xFFFFE800  }
0xaf: {  	_ =	swait.ge [sflag:s4], $0x1800  }
0xb0: {  	[sflag:s4] =	ssyncset.done $0x0  }
0xb1: {  	s18 =	sadd.s32 $0x180, s17;
	[sflag:s4] =	ssyncadd.s32 $0xFFFFE800  }
0xb2: {  	[tilespmem:s28], [sflag:$0x1] =	stream.indirect.gather [hbm4b:s1+s26], $0x80, s18, s26, $0xb8;
	[tilespmem:$0x1EF00] =	vst v63  }
0xb3: {  	v1 =	vld [tilespmem:s17+$0x2870];
	_ =	sdelay $0x7  }
0xb4: {  	[spmem:s3] =	stream.indirect_vreg.scatter.add.f32 [tilespmem:s29], [sflag:$0x5], $0x80, v1, vm0, $0xb8;
	[tilespmem:$0x1EF00] =	vst v63  }
0xb5: {  	v1 =	vld [tilespmem:s17+$0x2880];
	_ =	sdelay $0x7  }
0xb6: {  	[spmem:s3] =	stream.indirect_vreg.scatter.add.f32 [tilespmem:s5], [sflag:$0x5], $0x80, v1, vm0, $0xb8;
	[tilespmem:$0x1EF00] =	vst v63  }
0xb7: {  	v1 =	vld [tilespmem:s17+$0x2890];
	_ =	sdelay $0x7  }
0xb8: {  	[spmem:s3] =	stream.indirect_vreg.scatter.add.f32 [tilespmem:s7], [sflag:$0x5], $0x80, v1, vm0, $0xb8;
	[tilespmem:$0x1EF00] =	vst v63  }
0xb9: {  	_ =	swait.ge [sflag:s8], $0x1800  }
0xba: {  	[sflag:s8] =	ssyncset.done $0x0  }
0xbb: {  	[sflag:s8] =	ssyncadd.s32 $0xFFFFE800  }
0xbc: {  	_ =	swait.ge [sflag:s4], $0x1800  }
0xbd: {  	[sflag:s4] =	ssyncset.done $0x0  }
0xbe: {  	s18 =	sadd.s32 $0x1B0, s17;
	[sflag:s4] =	ssyncadd.s32 $0xFFFFE800  }
0xbf: {  	[tilespmem:s29], [sflag:$0x2] =	stream.indirect.gather [hbm4b:s1+s26], $0x80, s18, s26, $0xb8;
	[tilespmem:$0x1EF00] =	vst v63  }
0xc0: {  	v1 =	vld [tilespmem:s17+$0x28A0];
	_ =	sdelay $0x7  }
0xc1: {  	[spmem:s3] =	stream.indirect_vreg.scatter.add.f32 [tilespmem:s31], [sflag:$0x5], $0x80, v1, vm0, $0xb8;
	[tilespmem:$0x1EF00] =	vst v63  }
0xc2: {  	v1 =	vld [tilespmem:s17+$0x28B0];
	_ =	sdelay $0x6  }
0xc3: {  	s18 =	sand.u32 $0x3FC0, s16  }
0xc4: {  	[spmem:s3] =	stream.indirect_vreg.scatter.add.f32 [tilespmem:s9], [sflag:$0x5], $0x80, v1, vm0, $0xb8;
	[tilespmem:$0x1EF00] =	vst v63  }
0xc5: {  	v1 =	vld [tilespmem:s18+$0x2800];
	_ =	sdelay $0x7  }
0xc6: {  	[spmem:s3] =	stream.indirect_vreg.scatter.add.f32 [tilespmem:s10], [sflag:$0x5], $0x80, v1, vm0, $0xb8;
	[tilespmem:$0x1EF00] =	vst v63  }
0xc7: {  	_ =	swait.ge [sflag:s11], $0x1800  }
0xc8: {  	[sflag:s11] =	ssyncset.done $0x0  }
0xc9: {  	[sflag:s11] =	ssyncadd.s32 $0xFFFFE800  }
0xca: {  	_ =	swait.ge [sflag:s4], $0x1800  }
0xcb: {  	[sflag:s4] =	ssyncset.done $0x0  }
0xcc: {  	s18 =	sadd.s32 $0x1E0, s17;
	[sflag:s4] =	ssyncadd.s32 $0xFFFFE800  }
0xcd: {  	[tilespmem:s31], [sflag:$0x3] =	stream.indirect.gather [hbm4b:s1+s26], $0x80, s18, s26, $0xb8;
	[tilespmem:$0x1EF00] =	vst v63  }
0xce: {  	v1 =	vld [tilespmem:s17+$0x28D0];
	_ =	sdelay $0x7  }
0xcf: {  	[spmem:s3] =	stream.indirect_vreg.scatter.add.f32 [tilespmem:s25], [sflag:$0x5], $0x80, v1, vm0, $0xb8;
	[tilespmem:$0x1EF00] =	vst v63  }
0xd0: {  	v1 =	vld [tilespmem:s17+$0x28E0];
	_ =	sdelay $0x7  }
0xd1: {  	[spmem:s3] =	stream.indirect_vreg.scatter.add.f32 [tilespmem:s12], [sflag:$0x5], $0x80, v1, vm0, $0xb8;
	[tilespmem:$0x1EF00] =	vst v63  }
0xd2: {  	v1 =	vld [tilespmem:s17+$0x28F0];
	_ =	sdelay $0x2  }
0xd3: {  	p0 =	sne.s32 s15, $0x9000  }
.Ltmp1:
0xd4: {  	_ = 	snop;
	(pc) =	sbr.rel @p0 .LBB2_4-.Ltmp1, $3  }
0xd5: {  	_ =	sdelay $0x1  }
0xd6: {  	s15 =	sadd.s32 $0x300, s15;
	s16 =	sadd.s32 $0xC0, s16  }
0xd7: {  	[spmem:s3] =	stream.indirect_vreg.scatter.add.f32 [tilespmem:s13], [sflag:$0x5], $0x80, v1, vm0, $0xb8;
	[tilespmem:$0x1EF00] =	vst v63  }
0xd8: {  	_ =	swait.ge [sflag:s0], $0x1800  }
0xd9: {  	[sflag:s0] =	ssyncset.done $0x0  }
0xda: {  	[sflag:s0] =	ssyncadd.s32 $0xFFFFE800  }
0xdb: {  	_ =	swait.ge [sflag:s4], $0x1800  }
0xdc: {  	[sflag:s4] =	ssyncset.done $0x0  }
0xdd: {  	s15 =	simm.s32 $0x2610;
	[sflag:s4] =	ssyncadd.s32 $0xFFFFE800  }
0xde: {  	[tilespmem:s25], [sflag:$0x4] =	stream.indirect.gather [hbm4b:s1+s26], $0x80, s15, s26, $0xb8;
	[tilespmem:$0x1EF00] =	vst v63  }
0xdf: {  	v1 =	vld [tilespmem:$0x4D00];
	_ =	sdelay $0x7  }
0xe0: {  	[spmem:s3] =	stream.indirect_vreg.scatter.add.f32 [tilespmem:s28], [sflag:$0x5], $0x80, v1, vm0, $0xb8;
	[tilespmem:$0x1EF00] =	vst v63  }
0xe1: {  	v1 =	vld [tilespmem:$0x4D10];
	_ =	sdelay $0x7  }
0xe2: {  	[spmem:s3] =	stream.indirect_vreg.scatter.add.f32 [tilespmem:s30], [sflag:$0x5], $0x80, v1, vm0, $0xb8;
	[tilespmem:$0x1EF00] =	vst v63  }
0xe3: {  	v1 =	vld [tilespmem:$0x4D20];
	_ =	sdelay $0x7  }
0xe4: {  	[spmem:s3] =	stream.indirect_vreg.scatter.add.f32 [tilespmem:s2], [sflag:$0x5], $0x80, v1, vm0, $0xb8;
	[tilespmem:$0x1EF00] =	vst v63  }
0xe5: {  	_ =	swait.ge [sflag:s24], $0x1800  }
0xe6: {  	[sflag:s24] =	ssyncset.done $0x0  }
0xe7: {  	[sflag:s24] =	ssyncadd.s32 $0xFFFFE800  }
0xe8: {  	_ =	swait.ge [sflag:s4], $0x1800  }
0xe9: {  	[sflag:s4] =	ssyncset.done $0x0  }
0xea: {  	s17 =	simm.s32 $0x2640;
	[sflag:s4] =	ssyncadd.s32 $0xFFFFE800  }
0xeb: {  	[tilespmem:s28], [sflag:$0x1] =	stream.indirect.gather [hbm4b:s1+s26], $0x80, s17, s26, $0xb8;
	[tilespmem:$0x1EF00] =	vst v63  }
0xec: {  	v1 =	vld [tilespmem:$0x4D30];
	_ =	sdelay $0x7  }
0xed: {  	[spmem:s3] =	stream.indirect_vreg.scatter.add.f32 [tilespmem:s29], [sflag:$0x5], $0x80, v1, vm0, $0xb8;
	[tilespmem:$0x1EF00] =	vst v63  }
0xee: {  	v1 =	vld [tilespmem:$0x4D40];
	_ =	sdelay $0x7  }
0xef: {  	[spmem:s3] =	stream.indirect_vreg.scatter.add.f32 [tilespmem:s5], [sflag:$0x5], $0x80, v1, vm0, $0xb8;
	[tilespmem:$0x1EF00] =	vst v63  }
0xf0: {  	v1 =	vld [tilespmem:$0x4D50];
	_ =	sdelay $0x7  }
0xf1: {  	[spmem:s3] =	stream.indirect_vreg.scatter.add.f32 [tilespmem:s7], [sflag:$0x5], $0x80, v1, vm0, $0xb8;
	[tilespmem:$0x1EF00] =	vst v63  }
0xf2: {  	_ =	swait.ge [sflag:s8], $0x1800  }
0xf3: {  	[sflag:s8] =	ssyncset.done $0x0  }
0xf4: {  	[sflag:s8] =	ssyncadd.s32 $0xFFFFE800  }
0xf5: {  	_ =	swait.ge [sflag:s4], $0x1800  }
0xf6: {  	[sflag:s4] =	ssyncset.done $0x0  }
0xf7: {  	s18 =	simm.s32 $0x2670;
	[sflag:s4] =	ssyncadd.s32 $0xFFFFE800  }
0xf8: {  	[tilespmem:s29], [sflag:$0x2] =	stream.indirect.gather [hbm4b:s1+s26], $0x80, s18, s26, $0xb8;
	[tilespmem:$0x1EF00] =	vst v63  }
0xf9: {  	v1 =	vld [tilespmem:$0x4D60];
	_ =	sdelay $0x7  }
0xfa: {  	[spmem:s3] =	stream.indirect_vreg.scatter.add.f32 [tilespmem:s31], [sflag:$0x5], $0x80, v1, vm0, $0xb8;
	[tilespmem:$0x1EF00] =	vst v63  }
0xfb: {  	v1 =	vld [tilespmem:$0x4D70];
	_ =	sdelay $0x7  }
0xfc: {  	[spmem:s3] =	stream.indirect_vreg.scatter.add.f32 [tilespmem:s9], [sflag:$0x5], $0x80, v1, vm0, $0xb8;
	[tilespmem:$0x1EF00] =	vst v63  }
0xfd: {  	v1 =	vld [tilespmem:$0x4D80];
	_ =	sdelay $0x7  }
0xfe: {  	[spmem:s3] =	stream.indirect_vreg.scatter.add.f32 [tilespmem:s10], [sflag:$0x5], $0x80, v1, vm0, $0xb8;
	[tilespmem:$0x1EF00] =	vst v63  }
0xff: {  	_ =	swait.ge [sflag:s11], $0x1800  }
0x100: {  	[sflag:s11] =	ssyncset.done $0x0  }
0x101: {  	[sflag:s11] =	ssyncadd.s32 $0xFFFFE800  }
0x102: {  	_ =	swait.ge [sflag:s4], $0x1800  }
0x103: {  	[sflag:s4] =	ssyncset.done $0x0  }
0x104: {  	s16 =	simm.s32 $0x26A0;
	[sflag:s4] =	ssyncadd.s32 $0xFFFFE800  }
0x105: {  	[tilespmem:s31], [sflag:$0x3] =	stream.indirect.gather [hbm4b:s1+s26], $0x80, s16, s26, $0xb8;
	[tilespmem:$0x1EF00] =	vst v63  }
0x106: {  	v1 =	vld [tilespmem:$0x4D90];
	_ =	sdelay $0x7  }
0x107: {  	[spmem:s3] =	stream.indirect_vreg.scatter.add.f32 [tilespmem:s25], [sflag:$0x5], $0x80, v1, vm0, $0xb8;
	[tilespmem:$0x1EF00] =	vst v63  }
0x108: {  	v1 =	vld [tilespmem:$0x4DA0];
	_ =	sdelay $0x7  }
0x109: {  	[spmem:s3] =	stream.indirect_vreg.scatter.add.f32 [tilespmem:s12], [sflag:$0x5], $0x80, v1, vm0, $0xb8;
	[tilespmem:$0x1EF00] =	vst v63  }
0x10a: {  	v1 =	vld [tilespmem:$0x4DB0];
	_ =	sdelay $0x7  }
0x10b: {  	[spmem:s3] =	stream.indirect_vreg.scatter.add.f32 [tilespmem:s13], [sflag:$0x5], $0x80, v1, vm0, $0xb8;
	[tilespmem:$0x1EF00] =	vst v63  }
0x10c: {  	_ =	swait.ge [sflag:s0], $0x1800  }
0x10d: {  	[sflag:s0] =	ssyncset.done $0x0  }
0x10e: {  	[sflag:s0] =	ssyncadd.s32 $0xFFFFE800  }
0x10f: {  	_ =	swait.ge [sflag:s4], $0x1800  }
0x110: {  	[sflag:s4] =	ssyncset.done $0x0  }
0x111: {  	s17 =	simm.s32 $0x26D0;
	[sflag:s4] =	ssyncadd.s32 $0xFFFFE800  }
0x112: {  	[tilespmem:s25], [sflag:$0x4] =	stream.indirect.gather [hbm4b:s1+s26], $0x80, s17, s26, $0xb8;
	[tilespmem:$0x1EF00] =	vst v63  }
0x113: {  	v1 =	vld [tilespmem:$0x4DC0];
	_ =	sdelay $0x7  }
0x114: {  	[spmem:s3] =	stream.indirect_vreg.scatter.add.f32 [tilespmem:s28], [sflag:$0x5], $0x80, v1, vm0, $0xb8;
	[tilespmem:$0x1EF00] =	vst v63  }
0x115: {  	v1 =	vld [tilespmem:$0x4DD0];
	_ =	sdelay $0x7  }
0x116: {  	[spmem:s3] =	stream.indirect_vreg.scatter.add.f32 [tilespmem:s30], [sflag:$0x5], $0x80, v1, vm0, $0xb8;
	[tilespmem:$0x1EF00] =	vst v63  }
0x117: {  	v1 =	vld [tilespmem:$0x4DE0];
	_ =	sdelay $0x7  }
0x118: {  	[spmem:s3] =	stream.indirect_vreg.scatter.add.f32 [tilespmem:s2], [sflag:$0x5], $0x80, v1, vm0, $0xb8;
	[tilespmem:$0x1EF00] =	vst v63  }
0x119: {  	_ =	swait.ge [sflag:s24], $0x1800  }
0x11a: {  	[sflag:s24] =	ssyncset.done $0x0  }
0x11b: {  	[sflag:s24] =	ssyncadd.s32 $0xFFFFE800  }
0x11c: {  	_ =	swait.ge [sflag:s4], $0x1800  }
0x11d: {  	[sflag:s4] =	ssyncset.done $0x0  }
0x11e: {  	s18 =	simm.s32 $0x10;
	s16 =	simm.s32 $0x2700;
	[sflag:s4] =	ssyncadd.s32 $0xFFFFE800  }
0x11f: {  	[tilespmem:s28], [sflag:$0x1] =	stream.indirect.gather [hbm4b:s1+s18], $0x80, s16, s18, $0xb8;
	[tilespmem:$0x1EF00] =	vst v63  }
0x120: {  	v1 =	vld [tilespmem:$0x4DF0];
	_ =	sdelay $0x7  }
0x121: {  	[spmem:s3] =	stream.indirect_vreg.scatter.add.f32 [tilespmem:s29], [sflag:$0x5], $0x80, v1, vm0, $0xb8;
	[tilespmem:$0x1EF00] =	vst v63  }
0x122: {  	v1 =	vld [tilespmem:$0x4E00];
	_ =	sdelay $0x7  }
0x123: {  	[spmem:s3] =	stream.indirect_vreg.scatter.add.f32 [tilespmem:s5], [sflag:$0x5], $0x80, v1, vm0, $0xb8;
	[tilespmem:$0x1EF00] =	vst v63  }
0x124: {  	v1 =	vld [tilespmem:$0x4E10];
	_ =	sdelay $0x7  }
0x125: {  	[spmem:s3] =	stream.indirect_vreg.scatter.add.f32 [tilespmem:s7], [sflag:$0x5], $0x80, v1, vm0, $0xb8;
	[tilespmem:$0x1EF00] =	vst v63  }
0x126: {  	_ =	swait.ge [sflag:s8], $0x1800  }
0x127: {  	[sflag:s8] =	ssyncset.done $0x0  }
0x128: {  	[sflag:s8] =	ssyncadd.s32 $0xFFFFE800  }
0x129: {  	_ =	swait.ge [sflag:s4], $0x1800  }
0x12a: {  	[sflag:s4] =	ssyncset.done $0x0  }
0x12b: {  	[sflag:s4] =	ssyncadd.s32 $0xFFFFE800  }
0x12c: {  	v1 =	vld [tilespmem:$0x4E20];
	_ =	sdelay $0x7  }
0x12d: {  	[spmem:s3] =	stream.indirect_vreg.scatter.add.f32 [tilespmem:s31], [sflag:$0x5], $0x80, v1, vm0, $0xb8;
	[tilespmem:$0x1EF00] =	vst v63  }
0x12e: {  	v1 =	vld [tilespmem:$0x4E30];
	_ =	sdelay $0x7  }
0x12f: {  	[spmem:s3] =	stream.indirect_vreg.scatter.add.f32 [tilespmem:s9], [sflag:$0x5], $0x80, v1, vm0, $0xb8;
	[tilespmem:$0x1EF00] =	vst v63  }
0x130: {  	v1 =	vld [tilespmem:$0x4E40];
	_ =	sdelay $0x7  }
0x131: {  	[spmem:s3] =	stream.indirect_vreg.scatter.add.f32 [tilespmem:s10], [sflag:$0x5], $0x80, v1, vm0, $0xb8;
	[tilespmem:$0x1EF00] =	vst v63  }
0x132: {  	_ =	swait.ge [sflag:s11], $0x1800  }
0x133: {  	[sflag:s11] =	ssyncset.done $0x0  }
0x134: {  	[sflag:s11] =	ssyncadd.s32 $0xFFFFE800  }
0x135: {  	_ =	swait.ge [sflag:s4], $0x1800  }
0x136: {  	[sflag:s4] =	ssyncset.done $0x0  }
0x137: {  	[sflag:s4] =	ssyncadd.s32 $0xFFFFE800  }
0x138: {  	v1 =	vld [tilespmem:$0x4E50];
	_ =	sdelay $0x7  }
0x139: {  	[spmem:s3] =	stream.indirect_vreg.scatter.add.f32 [tilespmem:s25], [sflag:$0x5], $0x80, v1, vm0, $0xb8;
	[tilespmem:$0x1EF00] =	vst v63  }
0x13a: {  	v1 =	vld [tilespmem:$0x4E60];
	_ =	sdelay $0x7  }
0x13b: {  	[spmem:s3] =	stream.indirect_vreg.scatter.add.f32 [tilespmem:s12], [sflag:$0x5], $0x80, v1, vm0, $0xb8;
	[tilespmem:$0x1EF00] =	vst v63  }
0x13c: {  	v1 =	vld [tilespmem:$0x4E70];
	_ =	sdelay $0x7  }
0x13d: {  	[spmem:s3] =	stream.indirect_vreg.scatter.add.f32 [tilespmem:s13], [sflag:$0x5], $0x80, v1, vm0, $0xb8;
	[tilespmem:$0x1EF00] =	vst v63  }
0x13e: {  	_ =	swait.ge [sflag:s0], $0x800  }
0x13f: {  	[sflag:s0] =	ssyncset.done $0x0  }
0x140: {  	[sflag:s0] =	ssyncadd.s32 $0xFFFFF800  }
0x141: {  	_ =	swait.ge [sflag:s4], $0x1800  }
0x142: {  	[sflag:s4] =	ssyncset.done $0x0  }
0x143: {  	[sflag:s4] =	ssyncadd.s32 $0xFFFFE800  }
0x144: {  	v1 =	vld [tilespmem:$0x4E80];
	_ =	sdelay $0x7  }
0x145: {  	[spmem:s3] =	stream.indirect_vreg.scatter.add.f32 [tilespmem:s28], [sflag:$0x5], $0x80, v1, vm0, $0xb8;
	[tilespmem:$0x1EF00] =	vst v63  }
0x146: {  	s17 =	stileid.u32;
	_ =	swait.ge [sflag:s4], $0x800  }
0x147: {  	s14 =	sadd.s32 $0x1, s14;
	s15 =	sshll.u32 s17, $0x6;
	[sflag:s4] =	ssyncset.done $0x0  }
0x148: {  	p0 =	sne.s32 s14, s22;
	s15 =	sor.u32 $0x1C06, s15;
	[sflag:s4] =	ssyncadd.s32 $0xFFFFF800  }
.Ltmp2:
0x149: {  	s18 =	sshrl.u32 s6, $0x3;
	[bflag:$0x0] =	sbarrier.arrive $0xFFFF;
	(pc) =	sbr.rel @p0 .LBB2_1-.Ltmp2, $4  }
0x14a: {  	[hbm:s21], [sflag:s15] =	dma.local [spmem:s18], $0x2800  }
0x14b: {  	_ =	swait.ge [sflag:s23], $0x2800  }
0x14c: {  	[sflag:s23] =	ssyncset.done $0x0  }
0x14d: {  	[sflag:s23] =	ssyncadd.s32 $0xFFFFD800  }
0x14e: {  	_ =	sfence.sel $0x180000  }
0x14f: {  	[bflag:$0x0] =	sbarrier.arrive $0xFFFF  }
0x150: {  	_ =	strace $0x9000004D  }
0x151: {  	s0 =	stileid.u32;
	[bflag:$0x2] =	sbarrier.arrive $0xFFFF  }
0x152: {  	p0 =	sne.s32 s0, $0x0;
	s0 =	rddreg [dreg:$0x3]  }
0x153: {  	s0 =	sadd.s32 @!p0 $0x100000, s0  }
0x154: {  	[sflag:s0] =	ssyncadd.tile.s32 @!p0 $0x1;
	_ =	shalt  }
.Lfunc_end2:
_tile_overlayer_lowered:
.L_overlay_start_2:
0x155: {  	(tag) =	ssettag $0x2  }
0x156: {  	s0 =	rddreg [dreg:$0x0];
	s2 =	stileid.u32  }
0x157: {  	s1 =	rddreg [dreg:$0x1];
	p0 =	sne.s32 s2, $0x0  }
0x158: {  	s3 =	rddreg [dreg:$0x2];
	[bflag:$0x3] =	sbarrier.arrive $0xFFFF;
	s2 =	simm.s32 @!p0 $0x1C06  }
0x159: {  	[timem:s3], [sflag:s2] =	dma.local @!p0 [hbm:s0], s1  }
0x15a: {  	s0 =	simm.s32 @!p0 $0x6  }
0x15b: {  	_ =	swait.ge @!p0 [sflag:s0], s1  }
0x15c: {  	s1 =	ssub.s32 @!p0 $0x0, s1;
	[sflag:s0] =	ssyncset.done @!p0 $0x0  }
0x15d: {  	[sflag:s0] =	ssyncadd.s32 @!p0 s1  }
0x15e: {  	[bflag:$0x3] =	sbarrier.arrive $0xFFFF  }
0x15f: {  	_ =	shalt  }

// kernel: kernel.8.cloned.1.call-start
scs
__scs_entry_jumppad:
0x0: {  	(pc) =	sbr.rel $0x88, $3  }
0x1: {  	(tag) =	ssettag $0x0;
	lr =	simm.s32 $0x1  }
0x2: {  	[smem:$0x3F9B] =	sst lr;
	_ =	strace $0xD0000000  }
0x3: {  	_ = 	snop  }
0x4: {  	_ = 	snop  }
0x5: {  	_ = 	snop  }
0x6: {  	_ = 	snop  }
0x7: {  	_ = 	snop  }
__scs_overlays_trampoline_lowered:
0x8: {  	[smem:$0x3FAA] =	sst s0  }
0x9: {  	[smem:$0x3FAB] =	sst s1  }
0xa: {  	[smem:$0x3FAC] =	sst s2  }
0xb: {  	[smem:$0x3FAD] =	sst s3  }
0xc: {  	[smem:$0x3FAE] =	sst s4  }
0xd: {  	[smem:$0x3FAF] =	sst s5  }
0xe: {  	[smem:$0x3FB0] =	sst s6  }
0xf: {  	[smem:$0x3FB1] =	sst s7  }
0x10: {  	[smem:$0x3FB2] =	sst s8  }
0x11: {  	[smem:$0x3FB3] =	sst s9;
	s0 =	simm.s32 @!p0 $0x0  }
0x12: {  	s1 =	sld [smem:$0x3F99];
	s0 =	simm.s32 @p0 $0x1  }
0x13: {  	[smem:$0x3FB4] =	sst s0;
	s0 =	simm.s32 @!p1 $0x0  }
0x14: {  	s2 =	sld [smem:$0x3F98];
	s0 =	simm.s32 @p1 $0x1  }
0x15: {  	[smem:$0x3FB5] =	sst s0;
	s0 =	simm.s32 @!p2 $0x0  }
0x16: {  	s3 =	sld [smem:$0x3FDB];
	s0 =	simm.s32 @p2 $0x1  }
0x17: {  	s4 =	simm.s32 $0x1BF5;
	[smem:$0x3FB7] =	sst s0  }
0x18: {  	s0 =	sld [smem:$0x3F9A];
	_ =	swait.ge [sflag:s4], $0x0  }
0x19: {  	s7 =	sld [smem:$0x3F9B]  }
0x1a: {  	s8 =	sadd.s32 $0xFFFFE003, lr  }
0x1b: {  	s9 =	sadd.s32 $0xFFFFFEF7, lr;
	s5 =	simm.s32 $0xFFFFFFFF;
	p2 =	slt.u32 s8, $0xFFFFF086  }
0x1c: {  	p1 =	slt.u32 s9, $0xF7A;
	s5 =	simm.s32 @!p2 $0x0  }
0x1d: {  	s5 =	simm.s32 @p1 $0x1;
	p0 =	seq.s32 s7, s2  }
0x1e: {  	s7 =	smul.u32 @!p0 $0xF7A, s2;
	p2 =	seq.s32 @!p0 s5, $0x0  }
0x1f: {  	s9 =	smul.u32 $0xF7A, s1;
	s8 =	simm.s32 @!p0 $0x1BF5;
	p2 =	por !p2, p0  }
0x20: {  	[sflag:s8] =	ssyncset.s32 @!p0 $0xFFFFF086;
	s6 =	sadd.s32 @!p0 s3, s7;
	s7 =	simm.s32 @!p0 $0x108  }
0x21: {  	s3 =	sadd.s32 s3, s9;
	s6 =	sadd.s32 @!p0 $0x88, s6;
	s7 =	simm.s32 @p2 $0x1082  }
0x22: {  	[simem:s7], [sflag:s8] =	dma.local @!p0 [hbm:s6], $0xF7A  }
0x23: {  	s9 =	sor.u32 $0xD0000000, s2;
	s6 =	simm.s32 $0x108;
	_ =	swait.ge @!p0 [sflag:s8], $0x0  }
0x24: {  	s3 =	sadd.s32 $0x88, s3;
	s6 =	simm.s32 @!p1 $0x1082;
	[sflag:s4] =	ssyncset.s32 $0xFFFFF086  }
0x25: {  	[simem:s6], [sflag:s4] =	dma.local [hbm:s3], $0xF7A  }
0x26: {  	[smem:$0x3F9B] =	sst s1;
	(tag) =	ssettag s2;
	_ =	strace s9  }
0x27: {  	s1 =	sld [smem:$0x3FAB]  }
0x28: {  	s2 =	sld [smem:$0x3FAC]  }
0x29: {  	s4 =	sld [smem:$0x3FAE]  }
0x2a: {  	p0 =	seq.s32 s5, $0x0;
	s5 =	sld [smem:$0x3FAF]  }
0x2b: {  	s6 =	sld [smem:$0x3FB0]  }
0x2c: {  	s7 =	sld [smem:$0x3FB1]  }
0x2d: {  	s3 =	simm.s32 $0x108;
	s8 =	sld [smem:$0x3FB2]  }
0x2e: {  	s3 =	simm.s32 @!p0 $0x1082;
	s9 =	sld [smem:$0x3FB3]  }
0x2f: {  	lr =	sadd.s32 s0, s3;
	s0 =	sld [smem:$0x3FAA]  }
0x30: {  	s3 =	sld [smem:$0x3FAD]  }
0x31: {  	[smem:$0x3FB6] =	sst s10  }
0x32: {  	s10 =	sld [smem:$0x3FB4];
	_ =	sdelay $0x3  }
0x33: {  	p0 =	seq.s32 s10, $0x1;
	s10 =	sld [smem:$0x3FB6];
	_ =	sdelay $0x3  }
0x34: {  	[smem:$0x3FB6] =	sst s10  }
0x35: {  	s10 =	sld [smem:$0x3FB5];
	_ =	sdelay $0x3  }
0x36: {  	p1 =	seq.s32 s10, $0x1;
	s10 =	sld [smem:$0x3FB6];
	_ =	sdelay $0x3  }
0x37: {  	[smem:$0x3FB6] =	sst s10  }
0x38: {  	s10 =	sld [smem:$0x3FB7]  }
0x39: {  	_ = 	snop;
	(pc) =	sbr.ind lr, $3  }
0x3a: {  	_ = 	snop  }
0x3b: {  	_ = 	snop  }
0x3c: {  	p2 =	seq.s32 s10, $0x1;
	s10 =	sld [smem:$0x3FB6]  }
0x3d: {  	_ =	shalt  }
0x3e: {  	_ =	shalt  }
0x3f: {  	_ =	shalt  }
0x40: {  	_ =	shalt  }
0x41: {  	_ =	shalt  }
0x42: {  	_ =	shalt  }
0x43: {  	_ =	shalt  }
0x44: {  	_ =	shalt  }
0x45: {  	_ =	shalt  }
0x46: {  	_ =	shalt  }
0x47: {  	_ =	shalt  }
0x48: {  	_ =	shalt  }
0x49: {  	_ =	shalt  }
0x4a: {  	_ =	shalt  }
0x4b: {  	_ =	shalt  }
0x4c: {  	_ =	shalt  }
0x4d: {  	_ =	shalt  }
0x4e: {  	_ =	shalt  }
0x4f: {  	_ =	shalt  }
0x50: {  	_ =	shalt  }
0x51: {  	_ =	shalt  }
0x52: {  	_ =	shalt  }
0x53: {  	_ =	shalt  }
0x54: {  	_ =	shalt  }
0x55: {  	_ =	shalt  }
0x56: {  	_ =	shalt  }
0x57: {  	_ =	shalt  }
0x58: {  	_ =	shalt  }
0x59: {  	_ =	shalt  }
0x5a: {  	_ =	shalt  }
0x5b: {  	_ =	shalt  }
0x5c: {  	_ =	shalt  }
0x5d: {  	_ =	shalt  }
0x5e: {  	_ =	shalt  }
0x5f: {  	_ =	shalt  }
0x60: {  	_ =	shalt  }
0x61: {  	_ =	shalt  }
0x62: {  	_ =	shalt  }
0x63: {  	_ =	shalt  }
0x64: {  	_ =	shalt  }
0x65: {  	_ =	shalt  }
0x66: {  	_ =	shalt  }
0x67: {  	_ =	shalt  }
0x68: {  	_ =	shalt  }
0x69: {  	_ =	shalt  }
0x6a: {  	_ =	shalt  }
0x6b: {  	_ =	shalt  }
0x6c: {  	_ =	shalt  }
0x6d: {  	_ =	shalt  }
0x6e: {  	_ =	shalt  }
0x6f: {  	_ =	shalt  }
0x70: {  	_ =	shalt  }
0x71: {  	_ =	shalt  }
0x72: {  	_ =	shalt  }
0x73: {  	_ =	shalt  }
0x74: {  	_ =	shalt  }
0x75: {  	_ =	shalt  }
0x76: {  	_ =	shalt  }
0x77: {  	_ =	shalt  }
0x78: {  	_ =	shalt  }
0x79: {  	_ =	shalt  }
0x7a: {  	_ =	shalt  }
0x7b: {  	_ =	shalt  }
0x7c: {  	_ =	shalt  }
0x7d: {  	_ =	shalt  }
0x7e: {  	_ =	shalt  }
0x7f: {  	_ =	shalt  }
0x80: {  	_ =	shalt  }
0x81: {  	_ =	shalt  }
0x82: {  	_ =	shalt  }
0x83: {  	_ =	shalt  }
0x84: {  	_ =	shalt  }
0x85: {  	_ =	shalt  }
0x86: {  	_ =	shalt  }
0x87: {  	_ =	shalt  }
.Lfunc_end0:
.L_simem_size_0:
called_computation_lowered:
.L_overlay_start_0:
0x88: {  	s2 =	sld [smem:$0x3FD9]  }
0x89: {  	s3 =	sld [smem:$0x3FFE];
	_ =	sdelay $0x1  }
0x8a: {  	s1 =	srdreg.scid  }
0x8b: {  	s0 =	sand.u32 $0x1, s1  }
0x8c: {  	s17 =	sshll.u32 s0, $0xA;
	s2 =	sadd.s32 s3, s2  }
0x8d: {  	s2 =	sadd.s32 s2, s17  }
0x8e: {  	[smem:$0x3FC2] =	sst s2  }
0x8f: {  	_ = 	snop  }
0x90: {  	s2 =	sld [smem:$0x3FD0];
	(tm) =	ssettm $0x1  }
0x91: {  	s18 =	sld [smem:$0x3FFB];
	_ =	sdelay $0x3  }
0x92: {  	_ =	strace s18  }
0x93: {  	s3 =	sld [smem:$0x3FFC];
	_ =	sdelay $0x3  }
0x94: {  	_ =	strace s3  }
0x95: {  	s3 =	sld [smem:$0x3FFD];
	_ =	sdelay $0x3  }
0x96: {  	_ =	strace s3  }
0x97: {  	_ =	strace $0x8FFFFFFF  }
0x98: {  	s19 =	sld [smem:$0x3FDB];
	_ =	sdelay $0x1  }
0x99: {  	s4 =	simm.s32 $_scs_section_size  }
0x9a: {  	s5 =	simm.s32 $_size__tile_overlayer_lowered;
	s6 =	simm.s32 $_tile_overlayer_lowered  }
0x9b: {  	s22 =	simm.s32 $0x1BFF;
	s21 =	sshll.u32 s6, $0x1;
	s3 =	sadd.s32 s4, s19  }
0x9c: {  	s7 =	simm.s32 $0x0;
	s20 =	sshll.u32 s5, $0x1;
	s5 =	sadd.s32 s21, s3  }
0x9d: {  	[timem:s7], [sflag:s22] =	dma.local [hbm:s5], s20  }
0x9e: {  	_ =	swait.ge [sflag:s22], s20  }
0x9f: {  	s4 =	ssub.s32 $0x0, s20;
	[sflag:s22] =	ssyncset.done $0x0  }
0xa0: {  	[sflag:s22] =	ssyncadd.s32 s4;
	_ =	sdelay $0x1  }
0xa1: {  	s23 =	simm.s32 $0x1B8B  }
0xa2: {  	_ =	swait.ge [sflag:s23], $0x1  }
0xa3: {  	[sflag:s23] =	ssyncset.done $0x0  }
0xa4: {  	s25 =	simm.s32 $0x1B8E;
	s24 =	sld [smem:$0x3FFE];
	[sflag:s23] =	ssyncadd.s32 $0xFFFFFFFF  }
0xa5: {  	s26 =	simm.s32 $execute0_lowered;
	[smem:$0x3FD2] =	sst s25  }
0xa6: {  	s5 =	sshll.u32 s26, $0x1;
	_ =	strace $0x80000046;
	[dreg:$0x1] =	wrdreg $0xFFFFFFFF  }
0xa7: {  	s28 =	simm.s32 $_size_execute0_lowered;
	s3 =	sadd.s32 s3, s5;
	[dreg:$0x0] =	wrdreg $0x0  }
0xa8: {  	s5 =	sshll.u32 s28, $0x1;
	[dreg:$0x2] =	wrdreg s3  }
0xa9: {  	[dreg:$0x3] =	wrdreg s5  }
0xaa: {  	[dreg:$0x4] =	wrdreg $0xC0  }
0xab: {  	_ =	task [dreg:s7], $0x5FFFF  }
0xac: {  	[dreg:$0x1] =	wrdreg $0xFFFFFFFF  }
0xad: {  	[dreg:$0x0] =	wrdreg $0x60  }
0xae: {  	[dreg:$0x2] =	wrdreg s2  }
0xaf: {  	[dreg:$0x3] =	wrdreg s24  }
0xb0: {  	[dreg:$0x4] =	wrdreg $0x43000  }
0xb1: {  	[dreg:$0x5] =	wrdreg $0x9  }
0xb2: {  	_ =	task.clear_ibuf [dreg:s7], $0x6FFFF;
	_ =	strace $0x90000046  }
0xb3: {  	s29 =	simm.s32 $0x9;
	_ =	strace $0x80000048  }
0xb4: {  	_ =	swait.ge [sflag:s29], $0x1  }
0xb5: {  	[sflag:s29] =	ssyncadd.s32 $0xFFFFFFFF  }
0xb6: {  	_ =	strace $0x90000048  }
0xb7: {  	_ =	sfence  }
0xb8: {  	s30 =	sld [smem:$0x0];
	_ =	sdelay $0x2  }
0xb9: {  	s31 =	sshll.u32 s1, $0xD;
	s1 =	sshrl.u32 s1, $0x2  }
0xba: {  	s3 =	sand.u32 $0x4000, s31;
	s1 =	sadd.s32 s1, s30  }
0xbb: {  	s0 =	sor.u32 s3, s0;
	s1 =	sshll.u32 s1, $0x11  }
0xbc: {  	s0 =	sor.u32 s1, s0  }
0xbd: {  	s0 =	sadd.s32 $0x8F2B, s0  }
0xbe: {  	[sflag:s0] =	ssyncadd.remote.s32 $0x1  }
0xbf: {  	_ =	sfence.sel $0xFFFF  }
0xc0: {  	[dreg:$0x0] =	wrdreg $0xFFFFFFFF;
	(pc) =	sbr.abs _section_cstart, $3  }
0xc1: {  	[dreg:$0x1] =	wrdreg $0xFFFFFFFF  }
0xc2: {  	_ =	task.clear_ibuf [dreg:s7], $0x2FFFF;
	_ =	strace $0x9FFFFFFF  }
0xc3: {  	(tm) =	ssettm $0x7FFFFFFF  }
tec
execute0_lowered:
.L_overlay_start_1:
0x0: {  	(tag) =	ssettag $0x1  }
0x1: {  	s4 =	rddreg [dreg:$0x0]  }
0x2: {  	s5 =	rddreg [dreg:$0x1]  }
0x3: {  	s2 =	rddreg [dreg:$0x2]  }
0x4: {  	s0 =	rddreg [dreg:$0x3];
	s6 =	srdreg.scid  }
0x5: {  	s1 =	stileid.u32;
	s3 =	simm.s32 $0x0;
	s11 =	simm.s32 $0x4000  }
0x6: {  	s12 =	simm.s32 $0x1;
	s15 =	simm.s32 $0x20;
	s16 =	simm.s32 $0x10  }
0x7: {  	s17 =	simm.s32 $0x0;
	s6 =	sand.u32 $0x1, s6;
	s7 =	smul.u32 $0x500, s1  }
0x8: {  	[smem:$0x7FF] =	sst s3;
	s10 =	smul.u32 $0xA00, s1;
	s30 =	sshll.u32 s1, $0xB  }
0x9: {  	s13 =	sshll.u32 s1, $0x6;
	s8 =	sshll.u32 s6, $0x7;
	_ =	strace $0x80000047  }
0xa: {  	s29 =	ssub.s32 $0x2, s6;
	s6 =	sshll.u32 s6, $0xF;
	s4 =	sadd.s32 s4, s30  }
0xb: {  	s13 =	sor.u32 $0x1C02, s13;
	s7 =	sor.u32 s8, s7;
	s9 =	sshrl.u32 s29, $0x1  }
0xc: {  	s31 =	sshrl.u32 s10, $0x2;
	s4 =	sadd.s32 s6, s4;
	s7 =	sshrl.u32 s7, $0x3  }
0xd: {  	s10 =	simm.s32 $0x50;
	s8 =	ssub.s32 s29, s9;
	s7 =	sadd.s32 s7, s5  }
0xe: {  	s9 =	simm.s32 $0x4080;
	s5 =	sadd.s32 s31, s2;
	s6 =	sadd.s32 $0x16600, s7  }
0xf: {  	v0 =	vimm.f32 $1.000000000e+00;
	v1 =	vimm.f32 $0.0e+00;
	s7 =	smax.u32 s8, $0x1;
	s8 =	simm.s32 $0x2;
	s14 =	sshrl.u32 s5, $0x3  }
.LBB2_1:
0x10: {  	[tilespmem:$0x4000] =	vst v0  }
0x11: {  	[tilespmem:$0x4010] =	vst v0  }
0x12: {  	[tilespmem:$0x4020] =	vst v0  }
0x13: {  	[tilespmem:$0x4030] =	vst v0  }
0x14: {  	[tilespmem:$0x4040] =	vst v0  }
0x15: {  	[tilespmem:$0x4080] =	vst v1  }
0x16: {  	[tilespmem:$0x4090] =	vst v1  }
0x17: {  	[tilespmem:$0x40A0] =	vst v1  }
0x18: {  	[tilespmem:$0x40B0] =	vst v1  }
0x19: {  	[tilespmem:$0x40C0] =	vst v1  }
0x1a: {  	[tilespmem:$0x40D0] =	vst v1  }
0x1b: {  	[tilespmem:$0x40E0] =	vst v1  }
0x1c: {  	[tilespmem:$0x40F0] =	vst v1  }
0x1d: {  	[tilespmem:$0x4100] =	vst v1  }
0x1e: {  	[tilespmem:$0x4110] =	vst v1  }
0x1f: {  	[tilespmem:$0x4120] =	vst v1  }
0x20: {  	[tilespmem:$0x4130] =	vst v1  }
0x21: {  	[tilespmem:$0x4140] =	vst v1  }
0x22: {  	[tilespmem:$0x4150] =	vst v1  }
0x23: {  	[tilespmem:$0x4160] =	vst v1  }
0x24: {  	[tilespmem:$0x4170] =	vst v1  }
0x25: {  	[tilespmem:$0x4180] =	vst v1  }
0x26: {  	[tilespmem:$0x4190] =	vst v1  }
0x27: {  	[tilespmem:$0x41A0] =	vst v1  }
0x28: {  	[tilespmem:$0x41B0] =	vst v1  }
0x29: {  	[tilespmem:$0x41C0] =	vst v1  }
0x2a: {  	[tilespmem:$0x41D0] =	vst v1  }
0x2b: {  	[tilespmem:$0x41E0] =	vst v1  }
0x2c: {  	[tilespmem:$0x41F0] =	vst v1  }
0x2d: {  	[tilespmem:$0x4200] =	vst v1  }
0x2e: {  	[tilespmem:$0x4210] =	vst v1  }
0x2f: {  	[tilespmem:$0x4220] =	vst v1  }
0x30: {  	[tilespmem:$0x4230] =	vst v1  }
0x31: {  	[tilespmem:$0x4240] =	vst v1  }
0x32: {  	[tilespmem:$0x4250] =	vst v1  }
0x33: {  	[tilespmem:$0x4260] =	vst v1  }
0x34: {  	[tilespmem:$0x4270] =	vst v1  }
0x35: {  	[tilespmem:$0x4280] =	vst v1  }
0x36: {  	[tilespmem:$0x4290] =	vst v1  }
0x37: {  	[tilespmem:$0x42A0] =	vst v1  }
0x38: {  	[tilespmem:$0x42B0] =	vst v1  }
0x39: {  	[tilespmem:$0x42C0] =	vst v1  }
0x3a: {  	[tilespmem:$0x42D0] =	vst v1  }
0x3b: {  	[tilespmem:$0x42E0] =	vst v1  }
0x3c: {  	[tilespmem:$0x42F0] =	vst v1  }
0x3d: {  	[tilespmem:s3], [sflag:$0x2] =	stream.linear.gather [hbm4b:s4+s3], $0x3E80, $0x38;
	[tilespmem:$0x4580] =	vst v63  }
0x3e: {  	_ =	swait.ge [sflag:s8], $0x3E80  }
0x3f: {  	[sflag:s8] =	ssyncset.done $0x0  }
0x40: {  	[sflag:s8] =	ssyncadd.s32 $0xFFFFC180  }
0x41: {  	[spmem:s5] =	stream.linear.scatter [tilespmem:s9], [sflag:$0x2], $0x280, $0x38;
	[tilespmem:$0x4580] =	vst v63  }
0x42: {  	_ =	swait.ge [sflag:s8], $0x280  }
0x43: {  	[sflag:s8] =	ssyncset.done $0x0  }
0x44: {  	p0 =	por $0x1, $0x1;
	[sflag:s8] =	ssyncadd.s32 $0xFFFFFD80  }
0x45: {  	s20 =	simm.s32 @!p0 $0x1;
	[bflag:$0x0] =	sbarrier.arrive $0xFFFF  }
0x46: {  	[spmem:s2] =	stream.indirect.scatter.add.f32 [tilespmem:s11], [sflag:$0x1], $0x1, s3, s10, $0xb8;
	[tilespmem:$0x4580] =	vst v63  }
0x47: {  	_ =	swait.ge @!p0 [sflag:s20], $0x50  }
0x48: {  	s18 =	simm.s32 $0x1;
	s19 =	simm.s32 $0x0;
	[sflag:s20] =	ssyncset.done @!p0 $0x0  }
.LBB2_2:
0x49: {  	[sflag:s20] =	ssyncadd.s32 @!p0 $0xFFFFFFB0  }
0x4a: {  	s19 =	sadd.s32 $0x80, s19;
	s20 =	smov.u32 s18;
	s18 =	sadd.s32 $0x1, s18  }
0x4b: {  	p1 =	sne.s32 s18, $0x7D  }
0x4c: {  	[spmem:s2] =	stream.indirect.scatter.add.f32 [tilespmem:s11], [sflag:$0x1], $0x1, s19, s10, $0xb8;
	[tilespmem:$0x4580] =	vst v63  }
.Ltmp0:
0x4d: {  	_ = 	snop;
	(pc) =	sbr.rel @p1 .LBB2_2-.Ltmp0, $4  }
0x4e: {  	p0 =	slt.u32 s20, $0x8  }
0x4f: {  	s20 =	simm.s32 @!p0 $0x1  }
0x50: {  	_ =	swait.ge @!p0 [sflag:s20], $0x50  }
0x51: {  	[sflag:s20] =	ssyncset.done @!p0 $0x0  }
0x52: {  	[sflag:s20] =	ssyncadd.s32 @!p0 $0xFFFFFFB0  }
0x53: {  	_ =	swait.ge [sflag:s12], $0x50  }
0x54: {  	[sflag:s12] =	ssyncset.done $0x0  }
0x55: {  	[sflag:s12] =	ssyncadd.s32 $0xFFFFFFB0  }
0x56: {  	_ =	swait.ge [sflag:s12], $0x50  }
0x57: {  	[sflag:s12] =	ssyncset.done $0x0  }
0x58: {  	[sflag:s12] =	ssyncadd.s32 $0xFFFFFFB0  }
0x59: {  	_ =	swait.ge [sflag:s12], $0x50  }
0x5a: {  	[sflag:s12] =	ssyncset.done $0x0  }
0x5b: {  	[sflag:s12] =	ssyncadd.s32 $0xFFFFFFB0  }
0x5c: {  	_ =	swait.ge [sflag:s12], $0x50  }
0x5d: {  	[sflag:s12] =	ssyncset.done $0x0  }
0x5e: {  	[sflag:s12] =	ssyncadd.s32 $0xFFFFFFB0  }
0x5f: {  	_ =	swait.ge [sflag:s12], $0x50  }
0x60: {  	[sflag:s12] =	ssyncset.done $0x0  }
0x61: {  	[sflag:s12] =	ssyncadd.s32 $0xFFFFFFB0  }
0x62: {  	_ =	swait.ge [sflag:s12], $0x50  }
0x63: {  	[sflag:s12] =	ssyncset.done $0x0  }
0x64: {  	[sflag:s12] =	ssyncadd.s32 $0xFFFFFFB0  }
0x65: {  	_ =	swait.ge [sflag:s12], $0x50  }
0x66: {  	[sflag:s12] =	ssyncset.done $0x0  }
0x67: {  	[sflag:s12] =	ssyncadd.s32 $0xFFFFFFB0  }
0x68: {  	_ =	swait.ge [sflag:s12], $0x50  }
0x69: {  	s17 =	sadd.s32 $0x1, s17;
	[sflag:s12] =	ssyncset.done $0x0  }
0x6a: {  	p0 =	sne.s32 s17, s7;
	[sflag:s12] =	ssyncadd.s32 $0xFFFFFFB0  }
.Ltmp1:
0x6b: {  	[bflag:$0x0] =	sbarrier.arrive $0xFFFF;
	(pc) =	sbr.rel @p0 .LBB2_1-.Ltmp1, $4  }
0x6c: {  	[hbm:s6@s15], [sflag:s13] =	dma.strided [spmem:s14@s16], $0x50, s12, $0x10   }
0x6d: {  	_ =	swait.ge [sflag:s8], $0x50  }
0x6e: {  	[sflag:s8] =	ssyncset.done $0x0  }
0x6f: {  	[sflag:s8] =	ssyncadd.s32 $0xFFFFFFB0  }
0x70: {  	_ =	sfence.sel $0x180000  }
0x71: {  	[bflag:$0x0] =	sbarrier.arrive $0xFFFF  }
0x72: {  	p0 =	sne.s32 s1, $0x0;
	_ =	strace $0x90000047  }
0x73: {  	s0 =	sadd.s32 @!p0 $0x100000, s0;
	[bflag:$0x2] =	sbarrier.arrive $0xFFFF  }
0x74: {  	[sflag:s0] =	ssyncadd.tile.s32 @!p0 $0x1;
	_ =	shalt  }
.Lfunc_end2:
_tile_overlayer_lowered:
.L_overlay_start_2:
0x75: {  	(tag) =	ssettag $0x2  }
0x76: {  	s0 =	rddreg [dreg:$0x0];
	s2 =	stileid.u32  }
0x77: {  	s1 =	rddreg [dreg:$0x1];
	p0 =	sne.s32 s2, $0x0  }
0x78: {  	s3 =	rddreg [dreg:$0x2];
	[bflag:$0x3] =	sbarrier.arrive $0xFFFF;
	s2 =	simm.s32 @!p0 $0x1C02  }
0x79: {  	[timem:s3], [sflag:s2] =	dma.local @!p0 [hbm:s0], s1  }
0x7a: {  	s0 =	simm.s32 @!p0 $0x2  }
0x7b: {  	_ =	swait.ge @!p0 [sflag:s0], s1  }
0x7c: {  	s1 =	ssub.s32 @!p0 $0x0, s1;
	[sflag:s0] =	ssyncset.done @!p0 $0x0  }
0x7d: {  	[sflag:s0] =	ssyncadd.s32 @!p0 s1  }
0x7e: {  	[bflag:$0x3] =	sbarrier.arrive $0xFFFF  }
0x7f: {  	_ =	shalt  }

</sc_bundles>
